<compile_context>
chip_gen: v7x
topology: tpu7x:2x2x1
jax: 0.10.2.dev20260603
libtpu: 0.0.44.dev20260713+nightly
codegen_flags: <defaults>
</compile_context>

<pallas_src>
import functools

import jax
import jax.numpy as jnp
from jax import lax
from jax.experimental import pallas as pl
from jax.experimental.pallas import tpu as pltpu
from jax.experimental.pallas import tpu_sc as plsc

_MERGED = 100
_TL = 128
_W = 512
_NB = 2


def _tc_body(m_ref, e_ref, lt_ref, x_ref, xt_ref, tok_ref, gidx_ref):
    for i in range(_NB):
        _one_batch(i, m_ref, e_ref, lt_ref, x_ref, xt_ref, tok_ref, gidx_ref)


def _one_batch(i, m_ref, e_ref, lt_ref, x_ref, xt_ref, tok_ref, gidx_ref):
    x = x_ref[i]
    C, HW = x.shape
    FW = 32
    G = HW // 4
    L = HW - 3 * _MERGED
    LP = 768

    f32 = jnp.float32
    t_row = lax.broadcasted_iota(jnp.int32, (1, HW), 1)
    col = t_row % FW
    row = t_row // FW
    col_even = (col & 1) == 0
    row_even = (row & 1) == 0

    x1 = jnp.roll(x, 1, axis=1)
    a = jnp.where(col_even, x, x1)
    refv = jnp.where(row_even, a, jnp.roll(a, FW, axis=1))
    d = jnp.abs(x - refv)
    tsum = jnp.sum(d, axis=0, keepdims=True)

    u = tsum + jnp.roll(tsum, -1, axis=1)
    v = u + jnp.roll(u, -FW, axis=1)
    bf16 = jnp.bfloat16
    v_hi = v.astype(bf16)
    vr = v - v_hi.astype(f32)
    v_mid = vr.astype(bf16)
    v_lo = (vr - v_mid.astype(f32)).astype(bf16)
    E = e_ref[...]
    sdims = (((1,), (0,)), ((), ()))
    s = (lax.dot_general(v_hi, E, sdims, preferred_element_type=f32)
         + lax.dot_general(v_mid, E, sdims, preferred_element_type=f32)
         + lax.dot_general(v_lo, E, sdims, preferred_element_type=f32))

    S_g = jnp.broadcast_to(s, (G, G))
    S_j = jnp.transpose(S_g)
    j_i = lax.broadcasted_iota(jnp.int32, (G, G), 0)
    g_i = lax.broadcasted_iota(jnp.int32, (G, G), 1)
    cmp = (S_j < S_g) | ((S_j == S_g) & (j_i < g_i))
    rank = jnp.sum(cmp.astype(jnp.int32), axis=0, keepdims=True)
    keep_group = (rank >= _MERGED).astype(bf16)

    kgt = lax.dot_general(keep_group, m_ref[...], (((1,), (1,)), ((), ())),
                          preferred_element_type=f32)
    keep = (row_even & col_even) | (kgt > 0.5)
    keep_f = keep.astype(f32)

    pos = lax.dot_general(keep_f.astype(bf16), lt_ref[...],
                          (((1,), (0,)), ((), ())),
                          preferred_element_type=f32)

    ta = (t_row // 256).astype(bf16)
    tb = (t_row % 256).astype(bf16)
    dims = (((1,), (1,)), ((), ()))
    for k in range(LP // _TL):
        l0 = k * _TL
        t0 = min(l0, HW - _W)
        sl = slice(t0, t0 + _W)
        l_i = (l0 + lax.broadcasted_iota(jnp.int32, (_TL, _W), 0)).astype(f32)
        Pb = ((jnp.broadcast_to(pos[:, sl], (_TL, _W)) == l_i)
              & jnp.broadcast_to(keep[:, sl], (_TL, _W))).astype(bf16)
        tok_k = (256.0 * lax.dot_general(ta[:, sl], Pb, dims, preferred_element_type=f32)
                 + lax.dot_general(tb[:, sl], Pb, dims, preferred_element_type=f32))
        n = min(_TL, L - l0)
        tok_i = tok_k[:, :n].astype(jnp.int32)
        tok_ref[i, :, l0:l0 + n] = tok_i
        b = pl.program_id(0) * _NB + i
        gidx_ref[i, :, l0:l0 + n] = tok_i + b * HW

    xt_ref[i * HW:(i + 1) * HW, :] = jnp.transpose(x)


def _tc_phase(x):
    B, C, FH, FW = x.shape
    HW = FH * FW
    G = HW // 4
    L = HW - 3 * _MERGED
    xf = x.reshape(B, C, HW)

    t = jnp.arange(HW, dtype=jnp.int32)
    g_of_t = (t // FW // 2) * (FW // 2) + (t % FW) // 2
    gi = jnp.arange(G, dtype=jnp.int32)[None, :]
    m_const = (g_of_t[:, None] == gi).astype(jnp.bfloat16)
    topleft_t = (t // FW // 2) * 2 * FW + ((t % FW) // 2) * 2
    e_const = ((t[:, None] == topleft_t[:, None])
               & (g_of_t[:, None] == gi)).astype(jnp.bfloat16)
    lt_const = (t[:, None] < t[None, :]).astype(jnp.bfloat16)

    xt, tok, gidx = pl.pallas_call(
        _tc_body,
        grid=(B // _NB,),
        in_specs=[
            pl.BlockSpec((HW, G), lambda b: (0, 0)),
            pl.BlockSpec((HW, G), lambda b: (0, 0)),
            pl.BlockSpec((HW, HW), lambda b: (0, 0)),
            pl.BlockSpec((_NB, C, HW), lambda b: (b, 0, 0)),
        ],
        out_specs=[
            pl.BlockSpec((_NB * HW, C), lambda b: (b, 0)),
            pl.BlockSpec((_NB, 1, L), lambda b: (b, 0, 0)),
            pl.BlockSpec((_NB, 1, L), lambda b: (b, 0, 0)),
        ],
        out_shape=[
            jax.ShapeDtypeStruct((B * HW, C), jnp.float32),
            jax.ShapeDtypeStruct((B, 1, L), jnp.int32),
            jax.ShapeDtypeStruct((B, 1, L), jnp.int32),
        ],
    )(m_const, e_const, lt_const, xf)
    return xt, tok.reshape(B, L), gidx.reshape(B * L)


def _sc_gather(table, gidx, n_rows, d):
    info = plsc.get_sparse_core_info()
    nc, ns = info.num_cores, info.num_subcores
    nw = nc * ns
    per_w = n_rows // nw
    chunk = 64
    nfull = per_w // chunk
    tail = per_w - nfull * chunk
    sizes = [chunk] * nfull + ([tail] if tail else [])
    offs = [j * chunk for j in range(len(sizes))]
    mesh = plsc.VectorSubcoreMesh(core_axis_name="c", subcore_axis_name="s")

    @functools.partial(
        pl.kernel, mesh=mesh,
        out_type=jax.ShapeDtypeStruct((n_rows, d), jnp.float32),
        scratch_types=[
            pltpu.VMEM((per_w,), jnp.int32),
            pltpu.VMEM((chunk, d), jnp.float32),
            pltpu.VMEM((chunk, d), jnp.float32),
            pltpu.SemaphoreType.DMA,
            pltpu.SemaphoreType.DMA,
        ],
    )
    def k(table_hbm, idx_hbm, out_hbm, idx_v, buf0, buf1, sem0, sem1):
        wid = lax.axis_index("s") * nc + lax.axis_index("c")
        base = wid * per_w
        pltpu.sync_copy(idx_hbm.at[pl.ds(base, per_w)], idx_v)
        bufs = (buf0, buf1)
        sems = (sem0, sem1)
        cops = [None] * len(sizes)
        cops[0] = pltpu.async_copy(
            table_hbm.at[idx_v.at[pl.ds(0, sizes[0])]],
            buf0.at[pl.ds(0, sizes[0])], sem0)
        for j in range(len(sizes)):
            if j + 1 < len(sizes):
                cops[j + 1] = pltpu.async_copy(
                    table_hbm.at[idx_v.at[pl.ds(offs[j + 1], sizes[j + 1])]],
                    bufs[(j + 1) % 2].at[pl.ds(0, sizes[j + 1])],
                    sems[(j + 1) % 2])
            cops[j].wait()
            pltpu.sync_copy(bufs[j % 2].at[pl.ds(0, sizes[j])],
                            out_hbm.at[pl.ds(base + offs[j], sizes[j])])

    return k(table, gidx)


def kernel(x):
    B, C, FH, FW = x.shape
    HW = FH * FW
    L = HW - 3 * _MERGED
    xt, tok, gidx = _tc_phase(x)
    out = _sc_gather(xt, gidx, B * L, C)
    return (out.reshape(B, L, C), tok)

# --- scband reference (transcript-rebuilt; emitter-appended) ---
"""Pipeline reference for scband-nepam-24283745091988 (READ-ONLY COPY).

The authoritative reference and input builder live on the scoring server;
editing this copy changes nothing except your own understanding.
"""

import jax, jax.numpy as jnp
import numpy as np

PATCH = (16, 16)
GROUP = (2, 2)
IMG = (512, 512)
MERGED = 100
FH, FW = IMG[0] // PATCH[0], IMG[1] // PATCH[1]  # 32, 32
C = 3 * PATCH[0] * PATCH[1]  # 768
BATCH = 64


def _token_idx2():
    h, hp = FH // GROUP[0], GROUP[0]
    w, wp = FW // GROUP[1], GROUP[1]
    idx = jnp.arange(FH * FW, dtype=jnp.int32).reshape(h, hp, w, wp)
    # rearrange '(h hp w wp)->(hp wp) (h w)'
    return idx.transpose(1, 3, 0, 2).reshape(hp * wp, h * w)


def setup_inputs(seed: int = 0) -> dict:
    key = jax.random.key(seed)
    x = jax.random.normal(key, (BATCH, C, FH, FW), dtype=jnp.float32)
    return {"x": x}


def reference(x):
    B = x.shape[0]
    g0, g1 = GROUP
    h, w = FH // g0, FW // g1
    token_idx2 = _token_idx2()

    # SelectRef: strided subsample then upsample back to group layout
    x_ref = x[:, :, ::g0, ::g1]  # [B, C, h, w]
    x_ref = jnp.broadcast_to(x_ref[:, :, :, None, :, None], (B, C, h, g0, w, g1))
    # rearrange 'b c h hp w wp -> b (c hp wp) (h w)'
    x_ref = x_ref.transpose(0, 1, 3, 5, 2, 4).reshape(B, C * g0 * g1, h * w)

    # rearrange 'b c (h hp) (w wp) -> b (c hp wp) (h w)'
    x_group = x.reshape(B, C, h, g0, w, g1).transpose(0, 1, 3, 5, 2, 4).reshape(B, C * g0 * g1, h * w)

    group_score = jnp.mean(jnp.abs(x_group - x_ref), axis=1)  # [B, h*w]

    # SortAndSelect (stable argsort is jnp default)
    order = jnp.argsort(group_score, axis=1)
    idx_merge_src = order[:, :MERGED]
    idx_keep_src = order[:, MERGED:]
    token_idx_merge = token_idx2[0][idx_merge_src]  # [B, MERGED]
    # gather token_idx2 [4, hw] along dim 2 with keep indices per batch
    token_idx_keep = token_idx2[:, idx_keep_src]  # [4, B, hw-MERGED]
    token_idx_keep = token_idx_keep.transpose(1, 0, 2).reshape(B, -1)
    token_idx = jnp.sort(jnp.concatenate([token_idx_merge, token_idx_keep], axis=1), axis=1)

    x_flat = x.reshape(B, C, FH * FW)
    out = jnp.take_along_axis(x_flat, token_idx[:, None, :], axis=2)
    out = out.transpose(0, 2, 1)  # [B, L, C]
    return (out, token_idx)

if __name__ == "__main__":
    import jax
    _d = setup_inputs()
    print(jax.jit(kernel)(*tuple(_d.values())))

</pallas_src>

<mosaic_0001>
#map = affine_map<(d0, d1) -> (0, 0)>
#map1 = affine_map<(d0, d1) -> (0)>
module attributes {stable_mosaic.version = 14 : i64} {
  func.func @k(%arg0: i32, %arg1: i32, %arg2: memref<65536x768xf32, #tpu.memory_space<hbm>>, %arg3: memref<46336xi32, #tpu.memory_space<hbm>>, %arg4: memref<46336x768xf32, #tpu.memory_space<hbm>>, %arg5: memref<1448xi32, #tpu.memory_space<vmem>>, %arg6: memref<64x768xf32, #tpu.memory_space<vmem>>, %arg7: memref<64x768xf32, #tpu.memory_space<vmem>>, %arg8: memref<!tpu.dma_semaphore, #tpu.memory_space<semaphore_mem>>, %arg9: memref<!tpu.dma_semaphore, #tpu.memory_space<semaphore_mem>>) attributes {dimension_semantics = [#tpu.dimension_semantics<core_parallel>, #tpu.dimension_semantics<subcore_parallel>], iteration_bounds = array<i64: 2, 16>, scalar_prefetch = 0 : i64, scratch_operands = 5 : i64, tpu.core_type = #tpu.core_type<sc_vector_subcore>, window_params = [{transform_indices = #map}, {transform_indices = #map1}, {transform_indices = #map}]} {
    %mul3A = arith.constant 2 : i32
    %mul3A_0 = arith.muli %arg1, %mul3A : i32
    %add3A = arith.addi %mul3A_0, %arg0 : i32
    %mul3A_1 = arith.constant 1448 : i32
    %mul3A_2 = arith.muli %add3A, %mul3A_1 : i32
    "tpu.region"() ({
      %run_scoped3A = tpu.sem_alloc : memref<!tpu.dma_semaphore, #tpu.memory_space<semaphore_mem>>
      %dma_start3A_415 = tpu.memref_slice %arg3[%mul3A_2] : memref<46336xi32, #tpu.memory_space<hbm>> -> memref<1448xi32, #tpu.memory_space<hbm>>
      %dma_start3A_416 = tpu.memref_slice %arg3[%mul3A_2] : memref<46336xi32, #tpu.memory_space<hbm>> -> memref<1448xi32, #tpu.memory_space<hbm>>
      tpu.enqueue_dma source(%dma_start3A_416 : memref<1448xi32, #tpu.memory_space<hbm>>) target(%arg5 : memref<1448xi32, #tpu.memory_space<vmem>>) target_semaphore(%run_scoped3A : memref<!tpu.dma_semaphore, #tpu.memory_space<semaphore_mem>>)
      %dma_wait3A_417 = tpu.memref_slice %arg3[%mul3A_2] : memref<46336xi32, #tpu.memory_space<hbm>> -> memref<1448xi32, #tpu.memory_space<hbm>>
      %dma_wait3A_418 = tpu.memref_slice %arg3[%mul3A_2] : memref<46336xi32, #tpu.memory_space<hbm>> -> memref<1448xi32, #tpu.memory_space<hbm>>
      tpu.wait_dma2 semaphore(%run_scoped3A : memref<!tpu.dma_semaphore, #tpu.memory_space<semaphore_mem>>) src(%dma_wait3A_418 : memref<1448xi32, #tpu.memory_space<hbm>>) dst(%arg5 : memref<1448xi32, #tpu.memory_space<vmem>>)
      tpu.yield
    }) : () -> ()
    %dma_start3A = arith.constant 0 : i32
    %dma_start3A_3 = arith.constant 0 : i32
    %dma_start3A_4 = tpu.memref_slice %arg6[%dma_start3A, %dma_start3A_3] : memref<64x768xf32, #tpu.memory_space<vmem>> -> memref<64x768xf32, #tpu.memory_space<vmem>>
    %dma_start3A_5 = arith.constant 0 : i32
    %dma_start3A_6 = tpu.memref_slice %arg5[%dma_start3A_5] : memref<1448xi32, #tpu.memory_space<vmem>> -> memref<64xi32, #tpu.memory_space<vmem>>
    %dma_start3A_7 = arith.constant 0 : i32
    %dma_start3A_8 = arith.constant 0 : i32
    %dma_start3A_9 = tpu.memref_slice %arg2[%dma_start3A_7, %dma_start3A_8] : memref<65536x768xf32, #tpu.memory_space<hbm>> -> memref<65536x768xf32, #tpu.memory_space<hbm>>
    tpu.enqueue_indirect_dma source(%dma_start3A_9 : memref<65536x768xf32, #tpu.memory_space<hbm>>) target(%dma_start3A_4 : memref<64x768xf32, #tpu.memory_space<vmem>>) offsets(%dma_start3A_6 : memref<64xi32, #tpu.memory_space<vmem>>) semaphore(%arg8 : memref<!tpu.dma_semaphore, #tpu.memory_space<semaphore_mem>>)
    %dma_start3A_10 = arith.constant 0 : i32
    %dma_start3A_11 = arith.constant 0 : i32
    %dma_start3A_12 = tpu.memref_slice %arg7[%dma_start3A_10, %dma_start3A_11] : memref<64x768xf32, #tpu.memory_space<vmem>> -> memref<64x768xf32, #tpu.memory_space<vmem>>
    %dma_start3A_13 = arith.constant 64 : i32
    %dma_start3A_14 = tpu.memref_slice %arg5[%dma_start3A_13] : memref<1448xi32, #tpu.memory_space<vmem>> -> memref<64xi32, #tpu.memory_space<vmem>>
    %dma_start3A_15 = arith.constant 0 : i32
    %dma_start3A_16 = arith.constant 0 : i32
    %dma_start3A_17 = tpu.memref_slice %arg2[%dma_start3A_15, %dma_start3A_16] : memref<65536x768xf32, #tpu.memory_space<hbm>> -> memref<65536x768xf32, #tpu.memory_space<hbm>>
    tpu.enqueue_indirect_dma source(%dma_start3A_17 : memref<65536x768xf32, #tpu.memory_space<hbm>>) target(%dma_start3A_12 : memref<64x768xf32, #tpu.memory_space<vmem>>) offsets(%dma_start3A_14 : memref<64xi32, #tpu.memory_space<vmem>>) semaphore(%arg9 : memref<!tpu.dma_semaphore, #tpu.memory_space<semaphore_mem>>)
    %dma_wait3A = arith.constant 0 : i32
    %dma_wait3A_18 = arith.constant 0 : i32
    %dma_wait3A_19 = tpu.memref_slice %arg6[%dma_wait3A, %dma_wait3A_18] : memref<64x768xf32, #tpu.memory_space<vmem>> -> memref<64x768xf32, #tpu.memory_space<vmem>>
    %dma_wait3A_20 = arith.constant 0 : i32
    %dma_wait3A_21 = tpu.memref_slice %arg5[%dma_wait3A_20] : memref<1448xi32, #tpu.memory_space<vmem>> -> memref<64xi32, #tpu.memory_space<vmem>>
    %dma_wait3A_22 = arith.constant 0 : i32
    %dma_wait3A_23 = arith.constant 0 : i32
    %dma_wait3A_24 = tpu.memref_slice %arg2[%dma_wait3A_22, %dma_wait3A_23] : memref<65536x768xf32, #tpu.memory_space<hbm>> -> memref<65536x768xf32, #tpu.memory_space<hbm>>
    tpu.wait_indirect_dma semaphore(%arg8 : memref<!tpu.dma_semaphore, #tpu.memory_space<semaphore_mem>>) src(%dma_wait3A_24 : memref<65536x768xf32, #tpu.memory_space<hbm>>) dst(%dma_wait3A_19 : memref<64x768xf32, #tpu.memory_space<vmem>>)
    %add3A_25 = arith.constant 0 : i32
    %add3A_26 = arith.addi %mul3A_2, %add3A_25 : i32
    "tpu.region"() ({
      %run_scoped3A = tpu.sem_alloc : memref<!tpu.dma_semaphore, #tpu.memory_space<semaphore_mem>>
      %dma_start3A_415 = arith.constant 0 : i32
      %dma_start3A_416 = arith.constant 0 : i32
      %dma_start3A_417 = tpu.memref_slice %arg6[%dma_start3A_415, %dma_start3A_416] : memref<64x768xf32, #tpu.memory_space<vmem>> -> memref<64x768xf32, #tpu.memory_space<vmem>>
      %dma_start3A_418 = arith.constant 0 : i32
      %dma_start3A_419 = tpu.memref_slice %arg4[%add3A_26, %dma_start3A_418] : memref<46336x768xf32, #tpu.memory_space<hbm>> -> memref<64x768xf32, #tpu.memory_space<hbm>>
      %dma_start3A_420 = arith.constant 0 : i32
      %dma_start3A_421 = tpu.memref_slice %arg4[%add3A_26, %dma_start3A_420] : memref<46336x768xf32, #tpu.memory_space<hbm>> -> memref<64x768xf32, #tpu.memory_space<hbm>>
      %dma_start3A_422 = arith.constant 0 : i32
      %dma_start3A_423 = arith.constant 0 : i32
      %dma_start3A_424 = tpu.memref_slice %arg6[%dma_start3A_422, %dma_start3A_423] : memref<64x768xf32, #tpu.memory_space<vmem>> -> memref<64x768xf32, #tpu.memory_space<vmem>>
      tpu.enqueue_dma source(%dma_start3A_424 : memref<64x768xf32, #tpu.memory_space<vmem>>) target(%dma_start3A_421 : memref<64x768xf32, #tpu.memory_space<hbm>>) target_semaphore(%run_scoped3A : memref<!tpu.dma_semaphore, #tpu.memory_space<semaphore_mem>>)
      %dma_wait3A_425 = arith.constant 0 : i32
      %dma_wait3A_426 = arith.constant 0 : i32
      %dma_wait3A_427 = tpu.memref_slice %arg6[%dma_wait3A_425, %dma_wait3A_426] : memref<64x768xf32, #tpu.memory_space<vmem>> -> memref<64x768xf32, #tpu.memory_space<vmem>>
      %dma_wait3A_428 = arith.constant 0 : i32
      %dma_wait3A_429 = tpu.memref_slice %arg4[%add3A_26, %dma_wait3A_428] : memref<46336x768xf32, #tpu.memory_space<hbm>> -> memref<64x768xf32, #tpu.memory_space<hbm>>
      %dma_wait3A_430 = arith.constant 0 : i32
      %dma_wait3A_431 = tpu.memref_slice %arg4[%add3A_26, %dma_wait3A_430] : memref<46336x768xf32, #tpu.memory_space<hbm>> -> memref<64x768xf32, #tpu.memory_space<hbm>>
      %dma_wait3A_432 = arith.constant 0 : i32
      %dma_wait3A_433 = arith.constant 0 : i32
      %dma_wait3A_434 = tpu.memref_slice %arg6[%dma_wait3A_432, %dma_wait3A_433] : memref<64x768xf32, #tpu.memory_space<vmem>> -> memref<64x768xf32, #tpu.memory_space<vmem>>
      tpu.wait_dma2 semaphore(%run_scoped3A : memref<!tpu.dma_semaphore, #tpu.memory_space<semaphore_mem>>) src(%dma_wait3A_434 : memref<64x768xf32, #tpu.memory_space<vmem>>) dst(%dma_wait3A_431 : memref<64x768xf32, #tpu.memory_space<hbm>>)
      tpu.yield
    }) : () -> ()
    %dma_start3A_27 = arith.constant 0 : i32
    %dma_start3A_28 = arith.constant 0 : i32
    %dma_start3A_29 = tpu.memref_slice %arg6[%dma_start3A_27, %dma_start3A_28] : memref<64x768xf32, #tpu.memory_space<vmem>> -> memref<64x768xf32, #tpu.memory_space<vmem>>
    %dma_start3A_30 = arith.constant 128 : i32
    %dma_start3A_31 = tpu.memref_slice %arg5[%dma_start3A_30] : memref<1448xi32, #tpu.memory_space<vmem>> -> memref<64xi32, #tpu.memory_space<vmem>>
    %dma_start3A_32 = arith.constant 0 : i32
    %dma_start3A_33 = arith.constant 0 : i32
    %dma_start3A_34 = tpu.memref_slice %arg2[%dma_start3A_32, %dma_start3A_33] : memref<65536x768xf32, #tpu.memory_space<hbm>> -> memref<65536x768xf32, #tpu.memory_space<hbm>>
    tpu.enqueue_indirect_dma source(%dma_start3A_34 : memref<65536x768xf32, #tpu.memory_space<hbm>>) target(%dma_start3A_29 : memref<64x768xf32, #tpu.memory_space<vmem>>) offsets(%dma_start3A_31 : memref<64xi32, #tpu.memory_space<vmem>>) semaphore(%arg8 : memref<!tpu.dma_semaphore, #tpu.memory_space<semaphore_mem>>)
    %dma_wait3A_35 = arith.constant 0 : i32
    %dma_wait3A_36 = arith.constant 0 : i32
    %dma_wait3A_37 = tpu.memref_slice %arg7[%dma_wait3A_35, %dma_wait3A_36] : memref<64x768xf32, #tpu.memory_space<vmem>> -> memref<64x768xf32, #tpu.memory_space<vmem>>
    %dma_wait3A_38 = arith.constant 64 : i32
    %dma_wait3A_39 = tpu.memref_slice %arg5[%dma_wait3A_38] : memref<1448xi32, #tpu.memory_space<vmem>> -> memref<64xi32, #tpu.memory_space<vmem>>
    %dma_wait3A_40 = arith.constant 0 : i32
    %dma_wait3A_41 = arith.constant 0 : i32
    %dma_wait3A_42 = tpu.memref_slice %arg2[%dma_wait3A_40, %dma_wait3A_41] : memref<65536x768xf32, #tpu.memory_space<hbm>> -> memref<65536x768xf32, #tpu.memory_space<hbm>>
    tpu.wait_indirect_dma semaphore(%arg9 : memref<!tpu.dma_semaphore, #tpu.memory_space<semaphore_mem>>) src(%dma_wait3A_42 : memref<65536x768xf32, #tpu.memory_space<hbm>>) dst(%dma_wait3A_37 : memref<64x768xf32, #tpu.memory_space<vmem>>)
    %add3A_43 = arith.constant 64 : i32
    %add3A_44 = arith.addi %mul3A_2, %add3A_43 : i32
    "tpu.region"() ({
      %run_scoped3A = tpu.sem_alloc : memref<!tpu.dma_semaphore, #tpu.memory_space<semaphore_mem>>
      %dma_start3A_415 = arith.constant 0 : i32
      %dma_start3A_416 = arith.constant 0 : i32
      %dma_start3A_417 = tpu.memref_slice %arg7[%dma_start3A_415, %dma_start3A_416] : memref<64x768xf32, #tpu.memory_space<vmem>> -> memref<64x768xf32, #tpu.memory_space<vmem>>
      %dma_start3A_418 = arith.constant 0 : i32
      %dma_start3A_419 = tpu.memref_slice %arg4[%add3A_44, %dma_start3A_418] : memref<46336x768xf32, #tpu.memory_space<hbm>> -> memref<64x768xf32, #tpu.memory_space<hbm>>
      %dma_start3A_420 = arith.constant 0 : i32
      %dma_start3A_421 = tpu.memref_slice %arg4[%add3A_44, %dma_start3A_420] : memref<46336x768xf32, #tpu.memory_space<hbm>> -> memref<64x768xf32, #tpu.memory_space<hbm>>
      %dma_start3A_422 = arith.constant 0 : i32
      %dma_start3A_423 = arith.constant 0 : i32
      %dma_start3A_424 = tpu.memref_slice %arg7[%dma_start3A_422, %dma_start3A_423] : memref<64x768xf32, #tpu.memory_space<vmem>> -> memref<64x768xf32, #tpu.memory_space<vmem>>
      tpu.enqueue_dma source(%dma_start3A_424 : memref<64x768xf32, #tpu.memory_space<vmem>>) target(%dma_start3A_421 : memref<64x768xf32, #tpu.memory_space<hbm>>) target_semaphore(%run_scoped3A : memref<!tpu.dma_semaphore, #tpu.memory_space<semaphore_mem>>)
      %dma_wait3A_425 = arith.constant 0 : i32
      %dma_wait3A_426 = arith.constant 0 : i32
      %dma_wait3A_427 = tpu.memref_slice %arg7[%dma_wait3A_425, %dma_wait3A_426] : memref<64x768xf32, #tpu.memory_space<vmem>> -> memref<64x768xf32, #tpu.memory_space<vmem>>
      %dma_wait3A_428 = arith.constant 0 : i32
      %dma_wait3A_429 = tpu.memref_slice %arg4[%add3A_44, %dma_wait3A_428] : memref<46336x768xf32, #tpu.memory_space<hbm>> -> memref<64x768xf32, #tpu.memory_space<hbm>>
      %dma_wait3A_430 = arith.constant 0 : i32
      %dma_wait3A_431 = tpu.memref_slice %arg4[%add3A_44, %dma_wait3A_430] : memref<46336x768xf32, #tpu.memory_space<hbm>> -> memref<64x768xf32, #tpu.memory_space<hbm>>
      %dma_wait3A_432 = arith.constant 0 : i32
      %dma_wait3A_433 = arith.constant 0 : i32
      %dma_wait3A_434 = tpu.memref_slice %arg7[%dma_wait3A_432, %dma_wait3A_433] : memref<64x768xf32, #tpu.memory_space<vmem>> -> memref<64x768xf32, #tpu.memory_space<vmem>>
      tpu.wait_dma2 semaphore(%run_scoped3A : memref<!tpu.dma_semaphore, #tpu.memory_space<semaphore_mem>>) src(%dma_wait3A_434 : memref<64x768xf32, #tpu.memory_space<vmem>>) dst(%dma_wait3A_431 : memref<64x768xf32, #tpu.memory_space<hbm>>)
      tpu.yield
    }) : () -> ()
    %dma_start3A_45 = arith.constant 0 : i32
    %dma_start3A_46 = arith.constant 0 : i32
    %dma_start3A_47 = tpu.memref_slice %arg7[%dma_start3A_45, %dma_start3A_46] : memref<64x768xf32, #tpu.memory_space<vmem>> -> memref<64x768xf32, #tpu.memory_space<vmem>>
    %dma_start3A_48 = arith.constant 192 : i32
    %dma_start3A_49 = tpu.memref_slice %arg5[%dma_start3A_48] : memref<1448xi32, #tpu.memory_space<vmem>> -> memref<64xi32, #tpu.memory_space<vmem>>
    %dma_start3A_50 = arith.constant 0 : i32
    %dma_start3A_51 = arith.constant 0 : i32
    %dma_start3A_52 = tpu.memref_slice %arg2[%dma_start3A_50, %dma_start3A_51] : memref<65536x768xf32, #tpu.memory_space<hbm>> -> memref<65536x768xf32, #tpu.memory_space<hbm>>
    tpu.enqueue_indirect_dma source(%dma_start3A_52 : memref<65536x768xf32, #tpu.memory_space<hbm>>) target(%dma_start3A_47 : memref<64x768xf32, #tpu.memory_space<vmem>>) offsets(%dma_start3A_49 : memref<64xi32, #tpu.memory_space<vmem>>) semaphore(%arg9 : memref<!tpu.dma_semaphore, #tpu.memory_space<semaphore_mem>>)
    %dma_wait3A_53 = arith.constant 0 : i32
    %dma_wait3A_54 = arith.constant 0 : i32
    %dma_wait3A_55 = tpu.memref_slice %arg6[%dma_wait3A_53, %dma_wait3A_54] : memref<64x768xf32, #tpu.memory_space<vmem>> -> memref<64x768xf32, #tpu.memory_space<vmem>>
    %dma_wait3A_56 = arith.constant 128 : i32
    %dma_wait3A_57 = tpu.memref_slice %arg5[%dma_wait3A_56] : memref<1448xi32, #tpu.memory_space<vmem>> -> memref<64xi32, #tpu.memory_space<vmem>>
    %dma_wait3A_58 = arith.constant 0 : i32
    %dma_wait3A_59 = arith.constant 0 : i32
    %dma_wait3A_60 = tpu.memref_slice %arg2[%dma_wait3A_58, %dma_wait3A_59] : memref<65536x768xf32, #tpu.memory_space<hbm>> -> memref<65536x768xf32, #tpu.memory_space<hbm>>
    tpu.wait_indirect_dma semaphore(%arg8 : memref<!tpu.dma_semaphore, #tpu.memory_space<semaphore_mem>>) src(%dma_wait3A_60 : memref<65536x768xf32, #tpu.memory_space<hbm>>) dst(%dma_wait3A_55 : memref<64x768xf32, #tpu.memory_space<vmem>>)
    %add3A_61 = arith.constant 128 : i32
    %add3A_62 = arith.addi %mul3A_2, %add3A_61 : i32
    "tpu.region"() ({
      %run_scoped3A = tpu.sem_alloc : memref<!tpu.dma_semaphore, #tpu.memory_space<semaphore_mem>>
      %dma_start3A_415 = arith.constant 0 : i32
      %dma_start3A_416 = arith.constant 0 : i32
      %dma_start3A_417 = tpu.memref_slice %arg6[%dma_start3A_415, %dma_start3A_416] : memref<64x768xf32, #tpu.memory_space<vmem>> -> memref<64x768xf32, #tpu.memory_space<vmem>>
      %dma_start3A_418 = arith.constant 0 : i32
      %dma_start3A_419 = tpu.memref_slice %arg4[%add3A_62, %dma_start3A_418] : memref<46336x768xf32, #tpu.memory_space<hbm>> -> memref<64x768xf32, #tpu.memory_space<hbm>>
      %dma_start3A_420 = arith.constant 0 : i32
      %dma_start3A_421 = tpu.memref_slice %arg4[%add3A_62, %dma_start3A_420] : memref<46336x768xf32, #tpu.memory_space<hbm>> -> memref<64x768xf32, #tpu.memory_space<hbm>>
      %dma_start3A_422 = arith.constant 0 : i32
      %dma_start3A_423 = arith.constant 0 : i32
      %dma_start3A_424 = tpu.memref_slice %arg6[%dma_start3A_422, %dma_start3A_423] : memref<64x768xf32, #tpu.memory_space<vmem>> -> memref<64x768xf32, #tpu.memory_space<vmem>>
      tpu.enqueue_dma source(%dma_start3A_424 : memref<64x768xf32, #tpu.memory_space<vmem>>) target(%dma_start3A_421 : memref<64x768xf32, #tpu.memory_space<hbm>>) target_semaphore(%run_scoped3A : memref<!tpu.dma_semaphore, #tpu.memory_space<semaphore_mem>>)
      %dma_wait3A_425 = arith.constant 0 : i32
      %dma_wait3A_426 = arith.constant 0 : i32
      %dma_wait3A_427 = tpu.memref_slice %arg6[%dma_wait3A_425, %dma_wait3A_426] : memref<64x768xf32, #tpu.memory_space<vmem>> -> memref<64x768xf32, #tpu.memory_space<vmem>>
      %dma_wait3A_428 = arith.constant 0 : i32
      %dma_wait3A_429 = tpu.memref_slice %arg4[%add3A_62, %dma_wait3A_428] : memref<46336x768xf32, #tpu.memory_space<hbm>> -> memref<64x768xf32, #tpu.memory_space<hbm>>
      %dma_wait3A_430 = arith.constant 0 : i32
      %dma_wait3A_431 = tpu.memref_slice %arg4[%add3A_62, %dma_wait3A_430] : memref<46336x768xf32, #tpu.memory_space<hbm>> -> memref<64x768xf32, #tpu.memory_space<hbm>>
      %dma_wait3A_432 = arith.constant 0 : i32
      %dma_wait3A_433 = arith.constant 0 : i32
      %dma_wait3A_434 = tpu.memref_slice %arg6[%dma_wait3A_432, %dma_wait3A_433] : memref<64x768xf32, #tpu.memory_space<vmem>> -> memref<64x768xf32, #tpu.memory_space<vmem>>
      tpu.wait_dma2 semaphore(%run_scoped3A : memref<!tpu.dma_semaphore, #tpu.memory_space<semaphore_mem>>) src(%dma_wait3A_434 : memref<64x768xf32, #tpu.memory_space<vmem>>) dst(%dma_wait3A_431 : memref<64x768xf32, #tpu.memory_space<hbm>>)
      tpu.yield
    }) : () -> ()
    %dma_start3A_63 = arith.constant 0 : i32
    %dma_start3A_64 = arith.constant 0 : i32
    %dma_start3A_65 = tpu.memref_slice %arg6[%dma_start3A_63, %dma_start3A_64] : memref<64x768xf32, #tpu.memory_space<vmem>> -> memref<64x768xf32, #tpu.memory_space<vmem>>
    %dma_start3A_66 = arith.constant 256 : i32
    %dma_start3A_67 = tpu.memref_slice %arg5[%dma_start3A_66] : memref<1448xi32, #tpu.memory_space<vmem>> -> memref<64xi32, #tpu.memory_space<vmem>>
    %dma_start3A_68 = arith.constant 0 : i32
    %dma_start3A_69 = arith.constant 0 : i32
    %dma_start3A_70 = tpu.memref_slice %arg2[%dma_start3A_68, %dma_start3A_69] : memref<65536x768xf32, #tpu.memory_space<hbm>> -> memref<65536x768xf32, #tpu.memory_space<hbm>>
    tpu.enqueue_indirect_dma source(%dma_start3A_70 : memref<65536x768xf32, #tpu.memory_space<hbm>>) target(%dma_start3A_65 : memref<64x768xf32, #tpu.memory_space<vmem>>) offsets(%dma_start3A_67 : memref<64xi32, #tpu.memory_space<vmem>>) semaphore(%arg8 : memref<!tpu.dma_semaphore, #tpu.memory_space<semaphore_mem>>)
    %dma_wait3A_71 = arith.constant 0 : i32
    %dma_wait3A_72 = arith.constant 0 : i32
    %dma_wait3A_73 = tpu.memref_slice %arg7[%dma_wait3A_71, %dma_wait3A_72] : memref<64x768xf32, #tpu.memory_space<vmem>> -> memref<64x768xf32, #tpu.memory_space<vmem>>
    %dma_wait3A_74 = arith.constant 192 : i32
    %dma_wait3A_75 = tpu.memref_slice %arg5[%dma_wait3A_74] : memref<1448xi32, #tpu.memory_space<vmem>> -> memref<64xi32, #tpu.memory_space<vmem>>
    %dma_wait3A_76 = arith.constant 0 : i32
    %dma_wait3A_77 = arith.constant 0 : i32
    %dma_wait3A_78 = tpu.memref_slice %arg2[%dma_wait3A_76, %dma_wait3A_77] : memref<65536x768xf32, #tpu.memory_space<hbm>> -> memref<65536x768xf32, #tpu.memory_space<hbm>>
    tpu.wait_indirect_dma semaphore(%arg9 : memref<!tpu.dma_semaphore, #tpu.memory_space<semaphore_mem>>) src(%dma_wait3A_78 : memref<65536x768xf32, #tpu.memory_space<hbm>>) dst(%dma_wait3A_73 : memref<64x768xf32, #tpu.memory_space<vmem>>)
    %add3A_79 = arith.constant 192 : i32
    %add3A_80 = arith.addi %mul3A_2, %add3A_79 : i32
    "tpu.region"() ({
      %run_scoped3A = tpu.sem_alloc : memref<!tpu.dma_semaphore, #tpu.memory_space<semaphore_mem>>
      %dma_start3A_415 = arith.constant 0 : i32
      %dma_start3A_416 = arith.constant 0 : i32
      %dma_start3A_417 = tpu.memref_slice %arg7[%dma_start3A_415, %dma_start3A_416] : memref<64x768xf32, #tpu.memory_space<vmem>> -> memref<64x768xf32, #tpu.memory_space<vmem>>
      %dma_start3A_418 = arith.constant 0 : i32
      %dma_start3A_419 = tpu.memref_slice %arg4[%add3A_80, %dma_start3A_418] : memref<46336x768xf32, #tpu.memory_space<hbm>> -> memref<64x768xf32, #tpu.memory_space<hbm>>
      %dma_start3A_420 = arith.constant 0 : i32
      %dma_start3A_421 = tpu.memref_slice %arg4[%add3A_80, %dma_start3A_420] : memref<46336x768xf32, #tpu.memory_space<hbm>> -> memref<64x768xf32, #tpu.memory_space<hbm>>
      %dma_start3A_422 = arith.constant 0 : i32
      %dma_start3A_423 = arith.constant 0 : i32
      %dma_start3A_424 = tpu.memref_slice %arg7[%dma_start3A_422, %dma_start3A_423] : memref<64x768xf32, #tpu.memory_space<vmem>> -> memref<64x768xf32, #tpu.memory_space<vmem>>
      tpu.enqueue_dma source(%dma_start3A_424 : memref<64x768xf32, #tpu.memory_space<vmem>>) target(%dma_start3A_421 : memref<64x768xf32, #tpu.memory_space<hbm>>) target_semaphore(%run_scoped3A : memref<!tpu.dma_semaphore, #tpu.memory_space<semaphore_mem>>)
      %dma_wait3A_425 = arith.constant 0 : i32
      %dma_wait3A_426 = arith.constant 0 : i32
      %dma_wait3A_427 = tpu.memref_slice %arg7[%dma_wait3A_425, %dma_wait3A_426] : memref<64x768xf32, #tpu.memory_space<vmem>> -> memref<64x768xf32, #tpu.memory_space<vmem>>
      %dma_wait3A_428 = arith.constant 0 : i32
      %dma_wait3A_429 = tpu.memref_slice %arg4[%add3A_80, %dma_wait3A_428] : memref<46336x768xf32, #tpu.memory_space<hbm>> -> memref<64x768xf32, #tpu.memory_space<hbm>>
      %dma_wait3A_430 = arith.constant 0 : i32
      %dma_wait3A_431 = tpu.memref_slice %arg4[%add3A_80, %dma_wait3A_430] : memref<46336x768xf32, #tpu.memory_space<hbm>> -> memref<64x768xf32, #tpu.memory_space<hbm>>
      %dma_wait3A_432 = arith.constant 0 : i32
      %dma_wait3A_433 = arith.constant 0 : i32
      %dma_wait3A_434 = tpu.memref_slice %arg7[%dma_wait3A_432, %dma_wait3A_433] : memref<64x768xf32, #tpu.memory_space<vmem>> -> memref<64x768xf32, #tpu.memory_space<vmem>>
      tpu.wait_dma2 semaphore(%run_scoped3A : memref<!tpu.dma_semaphore, #tpu.memory_space<semaphore_mem>>) src(%dma_wait3A_434 : memref<64x768xf32, #tpu.memory_space<vmem>>) dst(%dma_wait3A_431 : memref<64x768xf32, #tpu.memory_space<hbm>>)
      tpu.yield
    }) : () -> ()
    %dma_start3A_81 = arith.constant 0 : i32
    %dma_start3A_82 = arith.constant 0 : i32
    %dma_start3A_83 = tpu.memref_slice %arg7[%dma_start3A_81, %dma_start3A_82] : memref<64x768xf32, #tpu.memory_space<vmem>> -> memref<64x768xf32, #tpu.memory_space<vmem>>
    %dma_start3A_84 = arith.constant 320 : i32
    %dma_start3A_85 = tpu.memref_slice %arg5[%dma_start3A_84] : memref<1448xi32, #tpu.memory_space<vmem>> -> memref<64xi32, #tpu.memory_space<vmem>>
    %dma_start3A_86 = arith.constant 0 : i32
    %dma_start3A_87 = arith.constant 0 : i32
    %dma_start3A_88 = tpu.memref_slice %arg2[%dma_start3A_86, %dma_start3A_87] : memref<65536x768xf32, #tpu.memory_space<hbm>> -> memref<65536x768xf32, #tpu.memory_space<hbm>>
    tpu.enqueue_indirect_dma source(%dma_start3A_88 : memref<65536x768xf32, #tpu.memory_space<hbm>>) target(%dma_start3A_83 : memref<64x768xf32, #tpu.memory_space<vmem>>) offsets(%dma_start3A_85 : memref<64xi32, #tpu.memory_space<vmem>>) semaphore(%arg9 : memref<!tpu.dma_semaphore, #tpu.memory_space<semaphore_mem>>)
    %dma_wait3A_89 = arith.constant 0 : i32
    %dma_wait3A_90 = arith.constant 0 : i32
    %dma_wait3A_91 = tpu.memref_slice %arg6[%dma_wait3A_89, %dma_wait3A_90] : memref<64x768xf32, #tpu.memory_space<vmem>> -> memref<64x768xf32, #tpu.memory_space<vmem>>
    %dma_wait3A_92 = arith.constant 256 : i32
    %dma_wait3A_93 = tpu.memref_slice %arg5[%dma_wait3A_92] : memref<1448xi32, #tpu.memory_space<vmem>> -> memref<64xi32, #tpu.memory_space<vmem>>
    %dma_wait3A_94 = arith.constant 0 : i32
    %dma_wait3A_95 = arith.constant 0 : i32
    %dma_wait3A_96 = tpu.memref_slice %arg2[%dma_wait3A_94, %dma_wait3A_95] : memref<65536x768xf32, #tpu.memory_space<hbm>> -> memref<65536x768xf32, #tpu.memory_space<hbm>>
    tpu.wait_indirect_dma semaphore(%arg8 : memref<!tpu.dma_semaphore, #tpu.memory_space<semaphore_mem>>) src(%dma_wait3A_96 : memref<65536x768xf32, #tpu.memory_space<hbm>>) dst(%dma_wait3A_91 : memref<64x768xf32, #tpu.memory_space<vmem>>)
    %add3A_97 = arith.constant 256 : i32
    %add3A_98 = arith.addi %mul3A_2, %add3A_97 : i32
    "tpu.region"() ({
      %run_scoped3A = tpu.sem_alloc : memref<!tpu.dma_semaphore, #tpu.memory_space<semaphore_mem>>
      %dma_start3A_415 = arith.constant 0 : i32
      %dma_start3A_416 = arith.constant 0 : i32
      %dma_start3A_417 = tpu.memref_slice %arg6[%dma_start3A_415, %dma_start3A_416] : memref<64x768xf32, #tpu.memory_space<vmem>> -> memref<64x768xf32, #tpu.memory_space<vmem>>
      %dma_start3A_418 = arith.constant 0 : i32
      %dma_start3A_419 = tpu.memref_slice %arg4[%add3A_98, %dma_start3A_418] : memref<46336x768xf32, #tpu.memory_space<hbm>> -> memref<64x768xf32, #tpu.memory_space<hbm>>
      %dma_start3A_420 = arith.constant 0 : i32
      %dma_start3A_421 = tpu.memref_slice %arg4[%add3A_98, %dma_start3A_420] : memref<46336x768xf32, #tpu.memory_space<hbm>> -> memref<64x768xf32, #tpu.memory_space<hbm>>
      %dma_start3A_422 = arith.constant 0 : i32
      %dma_start3A_423 = arith.constant 0 : i32
      %dma_start3A_424 = tpu.memref_slice %arg6[%dma_start3A_422, %dma_start3A_423] : memref<64x768xf32, #tpu.memory_space<vmem>> -> memref<64x768xf32, #tpu.memory_space<vmem>>
      tpu.enqueue_dma source(%dma_start3A_424 : memref<64x768xf32, #tpu.memory_space<vmem>>) target(%dma_start3A_421 : memref<64x768xf32, #tpu.memory_space<hbm>>) target_semaphore(%run_scoped3A : memref<!tpu.dma_semaphore, #tpu.memory_space<semaphore_mem>>)
      %dma_wait3A_425 = arith.constant 0 : i32
      %dma_wait3A_426 = arith.constant 0 : i32
      %dma_wait3A_427 = tpu.memref_slice %arg6[%dma_wait3A_425, %dma_wait3A_426] : memref<64x768xf32, #tpu.memory_space<vmem>> -> memref<64x768xf32, #tpu.memory_space<vmem>>
      %dma_wait3A_428 = arith.constant 0 : i32
      %dma_wait3A_429 = tpu.memref_slice %arg4[%add3A_98, %dma_wait3A_428] : memref<46336x768xf32, #tpu.memory_space<hbm>> -> memref<64x768xf32, #tpu.memory_space<hbm>>
      %dma_wait3A_430 = arith.constant 0 : i32
      %dma_wait3A_431 = tpu.memref_slice %arg4[%add3A_98, %dma_wait3A_430] : memref<46336x768xf32, #tpu.memory_space<hbm>> -> memref<64x768xf32, #tpu.memory_space<hbm>>
      %dma_wait3A_432 = arith.constant 0 : i32
      %dma_wait3A_433 = arith.constant 0 : i32
      %dma_wait3A_434 = tpu.memref_slice %arg6[%dma_wait3A_432, %dma_wait3A_433] : memref<64x768xf32, #tpu.memory_space<vmem>> -> memref<64x768xf32, #tpu.memory_space<vmem>>
      tpu.wait_dma2 semaphore(%run_scoped3A : memref<!tpu.dma_semaphore, #tpu.memory_space<semaphore_mem>>) src(%dma_wait3A_434 : memref<64x768xf32, #tpu.memory_space<vmem>>) dst(%dma_wait3A_431 : memref<64x768xf32, #tpu.memory_space<hbm>>)
      tpu.yield
    }) : () -> ()
    %dma_start3A_99 = arith.constant 0 : i32
    %dma_start3A_100 = arith.constant 0 : i32
    %dma_start3A_101 = tpu.memref_slice %arg6[%dma_start3A_99, %dma_start3A_100] : memref<64x768xf32, #tpu.memory_space<vmem>> -> memref<64x768xf32, #tpu.memory_space<vmem>>
    %dma_start3A_102 = arith.constant 384 : i32
    %dma_start3A_103 = tpu.memref_slice %arg5[%dma_start3A_102] : memref<1448xi32, #tpu.memory_space<vmem>> -> memref<64xi32, #tpu.memory_space<vmem>>
    %dma_start3A_104 = arith.constant 0 : i32
    %dma_start3A_105 = arith.constant 0 : i32
    %dma_start3A_106 = tpu.memref_slice %arg2[%dma_start3A_104, %dma_start3A_105] : memref<65536x768xf32, #tpu.memory_space<hbm>> -> memref<65536x768xf32, #tpu.memory_space<hbm>>
    tpu.enqueue_indirect_dma source(%dma_start3A_106 : memref<65536x768xf32, #tpu.memory_space<hbm>>) target(%dma_start3A_101 : memref<64x768xf32, #tpu.memory_space<vmem>>) offsets(%dma_start3A_103 : memref<64xi32, #tpu.memory_space<vmem>>) semaphore(%arg8 : memref<!tpu.dma_semaphore, #tpu.memory_space<semaphore_mem>>)
    %dma_wait3A_107 = arith.constant 0 : i32
    %dma_wait3A_108 = arith.constant 0 : i32
    %dma_wait3A_109 = tpu.memref_slice %arg7[%dma_wait3A_107, %dma_wait3A_108] : memref<64x768xf32, #tpu.memory_space<vmem>> -> memref<64x768xf32, #tpu.memory_space<vmem>>
    %dma_wait3A_110 = arith.constant 320 : i32
    %dma_wait3A_111 = tpu.memref_slice %arg5[%dma_wait3A_110] : memref<1448xi32, #tpu.memory_space<vmem>> -> memref<64xi32, #tpu.memory_space<vmem>>
    %dma_wait3A_112 = arith.constant 0 : i32
    %dma_wait3A_113 = arith.constant 0 : i32
    %dma_wait3A_114 = tpu.memref_slice %arg2[%dma_wait3A_112, %dma_wait3A_113] : memref<65536x768xf32, #tpu.memory_space<hbm>> -> memref<65536x768xf32, #tpu.memory_space<hbm>>
    tpu.wait_indirect_dma semaphore(%arg9 : memref<!tpu.dma_semaphore, #tpu.memory_space<semaphore_mem>>) src(%dma_wait3A_114 : memref<65536x768xf32, #tpu.memory_space<hbm>>) dst(%dma_wait3A_109 : memref<64x768xf32, #tpu.memory_space<vmem>>)
    %add3A_115 = arith.constant 320 : i32
    %add3A_116 = arith.addi %mul3A_2, %add3A_115 : i32
    "tpu.region"() ({
      %run_scoped3A = tpu.sem_alloc : memref<!tpu.dma_semaphore, #tpu.memory_space<semaphore_mem>>
      %dma_start3A_415 = arith.constant 0 : i32
      %dma_start3A_416 = arith.constant 0 : i32
      %dma_start3A_417 = tpu.memref_slice %arg7[%dma_start3A_415, %dma_start3A_416] : memref<64x768xf32, #tpu.memory_space<vmem>> -> memref<64x768xf32, #tpu.memory_space<vmem>>
      %dma_start3A_418 = arith.constant 0 : i32
      %dma_start3A_419 = tpu.memref_slice %arg4[%add3A_116, %dma_start3A_418] : memref<46336x768xf32, #tpu.memory_space<hbm>> -> memref<64x768xf32, #tpu.memory_space<hbm>>
      %dma_start3A_420 = arith.constant 0 : i32
      %dma_start3A_421 = tpu.memref_slice %arg4[%add3A_116, %dma_start3A_420] : memref<46336x768xf32, #tpu.memory_space<hbm>> -> memref<64x768xf32, #tpu.memory_space<hbm>>
      %dma_start3A_422 = arith.constant 0 : i32
      %dma_start3A_423 = arith.constant 0 : i32
      %dma_start3A_424 = tpu.memref_slice %arg7[%dma_start3A_422, %dma_start3A_423] : memref<64x768xf32, #tpu.memory_space<vmem>> -> memref<64x768xf32, #tpu.memory_space<vmem>>
      tpu.enqueue_dma source(%dma_start3A_424 : memref<64x768xf32, #tpu.memory_space<vmem>>) target(%dma_start3A_421 : memref<64x768xf32, #tpu.memory_space<hbm>>) target_semaphore(%run_scoped3A : memref<!tpu.dma_semaphore, #tpu.memory_space<semaphore_mem>>)
      %dma_wait3A_425 = arith.constant 0 : i32
      %dma_wait3A_426 = arith.constant 0 : i32
      %dma_wait3A_427 = tpu.memref_slice %arg7[%dma_wait3A_425, %dma_wait3A_426] : memref<64x768xf32, #tpu.memory_space<vmem>> -> memref<64x768xf32, #tpu.memory_space<vmem>>
      %dma_wait3A_428 = arith.constant 0 : i32
      %dma_wait3A_429 = tpu.memref_slice %arg4[%add3A_116, %dma_wait3A_428] : memref<46336x768xf32, #tpu.memory_space<hbm>> -> memref<64x768xf32, #tpu.memory_space<hbm>>
      %dma_wait3A_430 = arith.constant 0 : i32
      %dma_wait3A_431 = tpu.memref_slice %arg4[%add3A_116, %dma_wait3A_430] : memref<46336x768xf32, #tpu.memory_space<hbm>> -> memref<64x768xf32, #tpu.memory_space<hbm>>
      %dma_wait3A_432 = arith.constant 0 : i32
      %dma_wait3A_433 = arith.constant 0 : i32
      %dma_wait3A_434 = tpu.memref_slice %arg7[%dma_wait3A_432, %dma_wait3A_433] : memref<64x768xf32, #tpu.memory_space<vmem>> -> memref<64x768xf32, #tpu.memory_space<vmem>>
      tpu.wait_dma2 semaphore(%run_scoped3A : memref<!tpu.dma_semaphore, #tpu.memory_space<semaphore_mem>>) src(%dma_wait3A_434 : memref<64x768xf32, #tpu.memory_space<vmem>>) dst(%dma_wait3A_431 : memref<64x768xf32, #tpu.memory_space<hbm>>)
      tpu.yield
    }) : () -> ()
    %dma_start3A_117 = arith.constant 0 : i32
    %dma_start3A_118 = arith.constant 0 : i32
    %dma_start3A_119 = tpu.memref_slice %arg7[%dma_start3A_117, %dma_start3A_118] : memref<64x768xf32, #tpu.memory_space<vmem>> -> memref<64x768xf32, #tpu.memory_space<vmem>>
    %dma_start3A_120 = arith.constant 448 : i32
    %dma_start3A_121 = tpu.memref_slice %arg5[%dma_start3A_120] : memref<1448xi32, #tpu.memory_space<vmem>> -> memref<64xi32, #tpu.memory_space<vmem>>
    %dma_start3A_122 = arith.constant 0 : i32
    %dma_start3A_123 = arith.constant 0 : i32
    %dma_start3A_124 = tpu.memref_slice %arg2[%dma_start3A_122, %dma_start3A_123] : memref<65536x768xf32, #tpu.memory_space<hbm>> -> memref<65536x768xf32, #tpu.memory_space<hbm>>
    tpu.enqueue_indirect_dma source(%dma_start3A_124 : memref<65536x768xf32, #tpu.memory_space<hbm>>) target(%dma_start3A_119 : memref<64x768xf32, #tpu.memory_space<vmem>>) offsets(%dma_start3A_121 : memref<64xi32, #tpu.memory_space<vmem>>) semaphore(%arg9 : memref<!tpu.dma_semaphore, #tpu.memory_space<semaphore_mem>>)
    %dma_wait3A_125 = arith.constant 0 : i32
    %dma_wait3A_126 = arith.constant 0 : i32
    %dma_wait3A_127 = tpu.memref_slice %arg6[%dma_wait3A_125, %dma_wait3A_126] : memref<64x768xf32, #tpu.memory_space<vmem>> -> memref<64x768xf32, #tpu.memory_space<vmem>>
    %dma_wait3A_128 = arith.constant 384 : i32
    %dma_wait3A_129 = tpu.memref_slice %arg5[%dma_wait3A_128] : memref<1448xi32, #tpu.memory_space<vmem>> -> memref<64xi32, #tpu.memory_space<vmem>>
    %dma_wait3A_130 = arith.constant 0 : i32
    %dma_wait3A_131 = arith.constant 0 : i32
    %dma_wait3A_132 = tpu.memref_slice %arg2[%dma_wait3A_130, %dma_wait3A_131] : memref<65536x768xf32, #tpu.memory_space<hbm>> -> memref<65536x768xf32, #tpu.memory_space<hbm>>
    tpu.wait_indirect_dma semaphore(%arg8 : memref<!tpu.dma_semaphore, #tpu.memory_space<semaphore_mem>>) src(%dma_wait3A_132 : memref<65536x768xf32, #tpu.memory_space<hbm>>) dst(%dma_wait3A_127 : memref<64x768xf32, #tpu.memory_space<vmem>>)
    %add3A_133 = arith.constant 384 : i32
    %add3A_134 = arith.addi %mul3A_2, %add3A_133 : i32
    "tpu.region"() ({
      %run_scoped3A = tpu.sem_alloc : memref<!tpu.dma_semaphore, #tpu.memory_space<semaphore_mem>>
      %dma_start3A_415 = arith.constant 0 : i32
      %dma_start3A_416 = arith.constant 0 : i32
      %dma_start3A_417 = tpu.memref_slice %arg6[%dma_start3A_415, %dma_start3A_416] : memref<64x768xf32, #tpu.memory_space<vmem>> -> memref<64x768xf32, #tpu.memory_space<vmem>>
      %dma_start3A_418 = arith.constant 0 : i32
      %dma_start3A_419 = tpu.memref_slice %arg4[%add3A_134, %dma_start3A_418] : memref<46336x768xf32, #tpu.memory_space<hbm>> -> memref<64x768xf32, #tpu.memory_space<hbm>>
      %dma_start3A_420 = arith.constant 0 : i32
      %dma_start3A_421 = tpu.memref_slice %arg4[%add3A_134, %dma_start3A_420] : memref<46336x768xf32, #tpu.memory_space<hbm>> -> memref<64x768xf32, #tpu.memory_space<hbm>>
      %dma_start3A_422 = arith.constant 0 : i32
      %dma_start3A_423 = arith.constant 0 : i32
      %dma_start3A_424 = tpu.memref_slice %arg6[%dma_start3A_422, %dma_start3A_423] : memref<64x768xf32, #tpu.memory_space<vmem>> -> memref<64x768xf32, #tpu.memory_space<vmem>>
      tpu.enqueue_dma source(%dma_start3A_424 : memref<64x768xf32, #tpu.memory_space<vmem>>) target(%dma_start3A_421 : memref<64x768xf32, #tpu.memory_space<hbm>>) target_semaphore(%run_scoped3A : memref<!tpu.dma_semaphore, #tpu.memory_space<semaphore_mem>>)
      %dma_wait3A_425 = arith.constant 0 : i32
      %dma_wait3A_426 = arith.constant 0 : i32
      %dma_wait3A_427 = tpu.memref_slice %arg6[%dma_wait3A_425, %dma_wait3A_426] : memref<64x768xf32, #tpu.memory_space<vmem>> -> memref<64x768xf32, #tpu.memory_space<vmem>>
      %dma_wait3A_428 = arith.constant 0 : i32
      %dma_wait3A_429 = tpu.memref_slice %arg4[%add3A_134, %dma_wait3A_428] : memref<46336x768xf32, #tpu.memory_space<hbm>> -> memref<64x768xf32, #tpu.memory_space<hbm>>
      %dma_wait3A_430 = arith.constant 0 : i32
      %dma_wait3A_431 = tpu.memref_slice %arg4[%add3A_134, %dma_wait3A_430] : memref<46336x768xf32, #tpu.memory_space<hbm>> -> memref<64x768xf32, #tpu.memory_space<hbm>>
      %dma_wait3A_432 = arith.constant 0 : i32
      %dma_wait3A_433 = arith.constant 0 : i32
      %dma_wait3A_434 = tpu.memref_slice %arg6[%dma_wait3A_432, %dma_wait3A_433] : memref<64x768xf32, #tpu.memory_space<vmem>> -> memref<64x768xf32, #tpu.memory_space<vmem>>
      tpu.wait_dma2 semaphore(%run_scoped3A : memref<!tpu.dma_semaphore, #tpu.memory_space<semaphore_mem>>) src(%dma_wait3A_434 : memref<64x768xf32, #tpu.memory_space<vmem>>) dst(%dma_wait3A_431 : memref<64x768xf32, #tpu.memory_space<hbm>>)
      tpu.yield
    }) : () -> ()
    %dma_start3A_135 = arith.constant 0 : i32
    %dma_start3A_136 = arith.constant 0 : i32
    %dma_start3A_137 = tpu.memref_slice %arg6[%dma_start3A_135, %dma_start3A_136] : memref<64x768xf32, #tpu.memory_space<vmem>> -> memref<64x768xf32, #tpu.memory_space<vmem>>
    %dma_start3A_138 = arith.constant 512 : i32
    %dma_start3A_139 = tpu.memref_slice %arg5[%dma_start3A_138] : memref<1448xi32, #tpu.memory_space<vmem>> -> memref<64xi32, #tpu.memory_space<vmem>>
    %dma_start3A_140 = arith.constant 0 : i32
    %dma_start3A_141 = arith.constant 0 : i32
    %dma_start3A_142 = tpu.memref_slice %arg2[%dma_start3A_140, %dma_start3A_141] : memref<65536x768xf32, #tpu.memory_space<hbm>> -> memref<65536x768xf32, #tpu.memory_space<hbm>>
    tpu.enqueue_indirect_dma source(%dma_start3A_142 : memref<65536x768xf32, #tpu.memory_space<hbm>>) target(%dma_start3A_137 : memref<64x768xf32, #tpu.memory_space<vmem>>) offsets(%dma_start3A_139 : memref<64xi32, #tpu.memory_space<vmem>>) semaphore(%arg8 : memref<!tpu.dma_semaphore, #tpu.memory_space<semaphore_mem>>)
    %dma_wait3A_143 = arith.constant 0 : i32
    %dma_wait3A_144 = arith.constant 0 : i32
    %dma_wait3A_145 = tpu.memref_slice %arg7[%dma_wait3A_143, %dma_wait3A_144] : memref<64x768xf32, #tpu.memory_space<vmem>> -> memref<64x768xf32, #tpu.memory_space<vmem>>
    %dma_wait3A_146 = arith.constant 448 : i32
    %dma_wait3A_147 = tpu.memref_slice %arg5[%dma_wait3A_146] : memref<1448xi32, #tpu.memory_space<vmem>> -> memref<64xi32, #tpu.memory_space<vmem>>
    %dma_wait3A_148 = arith.constant 0 : i32
    %dma_wait3A_149 = arith.constant 0 : i32
    %dma_wait3A_150 = tpu.memref_slice %arg2[%dma_wait3A_148, %dma_wait3A_149] : memref<65536x768xf32, #tpu.memory_space<hbm>> -> memref<65536x768xf32, #tpu.memory_space<hbm>>
    tpu.wait_indirect_dma semaphore(%arg9 : memref<!tpu.dma_semaphore, #tpu.memory_space<semaphore_mem>>) src(%dma_wait3A_150 : memref<65536x768xf32, #tpu.memory_space<hbm>>) dst(%dma_wait3A_145 : memref<64x768xf32, #tpu.memory_space<vmem>>)
    %add3A_151 = arith.constant 448 : i32
    %add3A_152 = arith.addi %mul3A_2, %add3A_151 : i32
    "tpu.region"() ({
      %run_scoped3A = tpu.sem_alloc : memref<!tpu.dma_semaphore, #tpu.memory_space<semaphore_mem>>
      %dma_start3A_415 = arith.constant 0 : i32
      %dma_start3A_416 = arith.constant 0 : i32
      %dma_start3A_417 = tpu.memref_slice %arg7[%dma_start3A_415, %dma_start3A_416] : memref<64x768xf32, #tpu.memory_space<vmem>> -> memref<64x768xf32, #tpu.memory_space<vmem>>
      %dma_start3A_418 = arith.constant 0 : i32
      %dma_start3A_419 = tpu.memref_slice %arg4[%add3A_152, %dma_start3A_418] : memref<46336x768xf32, #tpu.memory_space<hbm>> -> memref<64x768xf32, #tpu.memory_space<hbm>>
      %dma_start3A_420 = arith.constant 0 : i32
      %dma_start3A_421 = tpu.memref_slice %arg4[%add3A_152, %dma_start3A_420] : memref<46336x768xf32, #tpu.memory_space<hbm>> -> memref<64x768xf32, #tpu.memory_space<hbm>>
      %dma_start3A_422 = arith.constant 0 : i32
      %dma_start3A_423 = arith.constant 0 : i32
      %dma_start3A_424 = tpu.memref_slice %arg7[%dma_start3A_422, %dma_start3A_423] : memref<64x768xf32, #tpu.memory_space<vmem>> -> memref<64x768xf32, #tpu.memory_space<vmem>>
      tpu.enqueue_dma source(%dma_start3A_424 : memref<64x768xf32, #tpu.memory_space<vmem>>) target(%dma_start3A_421 : memref<64x768xf32, #tpu.memory_space<hbm>>) target_semaphore(%run_scoped3A : memref<!tpu.dma_semaphore, #tpu.memory_space<semaphore_mem>>)
      %dma_wait3A_425 = arith.constant 0 : i32
      %dma_wait3A_426 = arith.constant 0 : i32
      %dma_wait3A_427 = tpu.memref_slice %arg7[%dma_wait3A_425, %dma_wait3A_426] : memref<64x768xf32, #tpu.memory_space<vmem>> -> memref<64x768xf32, #tpu.memory_space<vmem>>
      %dma_wait3A_428 = arith.constant 0 : i32
      %dma_wait3A_429 = tpu.memref_slice %arg4[%add3A_152, %dma_wait3A_428] : memref<46336x768xf32, #tpu.memory_space<hbm>> -> memref<64x768xf32, #tpu.memory_space<hbm>>
      %dma_wait3A_430 = arith.constant 0 : i32
      %dma_wait3A_431 = tpu.memref_slice %arg4[%add3A_152, %dma_wait3A_430] : memref<46336x768xf32, #tpu.memory_space<hbm>> -> memref<64x768xf32, #tpu.memory_space<hbm>>
      %dma_wait3A_432 = arith.constant 0 : i32
      %dma_wait3A_433 = arith.constant 0 : i32
      %dma_wait3A_434 = tpu.memref_slice %arg7[%dma_wait3A_432, %dma_wait3A_433] : memref<64x768xf32, #tpu.memory_space<vmem>> -> memref<64x768xf32, #tpu.memory_space<vmem>>
      tpu.wait_dma2 semaphore(%run_scoped3A : memref<!tpu.dma_semaphore, #tpu.memory_space<semaphore_mem>>) src(%dma_wait3A_434 : memref<64x768xf32, #tpu.memory_space<vmem>>) dst(%dma_wait3A_431 : memref<64x768xf32, #tpu.memory_space<hbm>>)
      tpu.yield
    }) : () -> ()
    %dma_start3A_153 = arith.constant 0 : i32
    %dma_start3A_154 = arith.constant 0 : i32
    %dma_start3A_155 = tpu.memref_slice %arg7[%dma_start3A_153, %dma_start3A_154] : memref<64x768xf32, #tpu.memory_space<vmem>> -> memref<64x768xf32, #tpu.memory_space<vmem>>
    %dma_start3A_156 = arith.constant 576 : i32
    %dma_start3A_157 = tpu.memref_slice %arg5[%dma_start3A_156] : memref<1448xi32, #tpu.memory_space<vmem>> -> memref<64xi32, #tpu.memory_space<vmem>>
    %dma_start3A_158 = arith.constant 0 : i32
    %dma_start3A_159 = arith.constant 0 : i32
    %dma_start3A_160 = tpu.memref_slice %arg2[%dma_start3A_158, %dma_start3A_159] : memref<65536x768xf32, #tpu.memory_space<hbm>> -> memref<65536x768xf32, #tpu.memory_space<hbm>>
    tpu.enqueue_indirect_dma source(%dma_start3A_160 : memref<65536x768xf32, #tpu.memory_space<hbm>>) target(%dma_start3A_155 : memref<64x768xf32, #tpu.memory_space<vmem>>) offsets(%dma_start3A_157 : memref<64xi32, #tpu.memory_space<vmem>>) semaphore(%arg9 : memref<!tpu.dma_semaphore, #tpu.memory_space<semaphore_mem>>)
    %dma_wait3A_161 = arith.constant 0 : i32
    %dma_wait3A_162 = arith.constant 0 : i32
    %dma_wait3A_163 = tpu.memref_slice %arg6[%dma_wait3A_161, %dma_wait3A_162] : memref<64x768xf32, #tpu.memory_space<vmem>> -> memref<64x768xf32, #tpu.memory_space<vmem>>
    %dma_wait3A_164 = arith.constant 512 : i32
    %dma_wait3A_165 = tpu.memref_slice %arg5[%dma_wait3A_164] : memref<1448xi32, #tpu.memory_space<vmem>> -> memref<64xi32, #tpu.memory_space<vmem>>
    %dma_wait3A_166 = arith.constant 0 : i32
    %dma_wait3A_167 = arith.constant 0 : i32
    %dma_wait3A_168 = tpu.memref_slice %arg2[%dma_wait3A_166, %dma_wait3A_167] : memref<65536x768xf32, #tpu.memory_space<hbm>> -> memref<65536x768xf32, #tpu.memory_space<hbm>>
    tpu.wait_indirect_dma semaphore(%arg8 : memref<!tpu.dma_semaphore, #tpu.memory_space<semaphore_mem>>) src(%dma_wait3A_168 : memref<65536x768xf32, #tpu.memory_space<hbm>>) dst(%dma_wait3A_163 : memref<64x768xf32, #tpu.memory_space<vmem>>)
    %add3A_169 = arith.constant 512 : i32
    %add3A_170 = arith.addi %mul3A_2, %add3A_169 : i32
    "tpu.region"() ({
      %run_scoped3A = tpu.sem_alloc : memref<!tpu.dma_semaphore, #tpu.memory_space<semaphore_mem>>
      %dma_start3A_415 = arith.constant 0 : i32
      %dma_start3A_416 = arith.constant 0 : i32
      %dma_start3A_417 = tpu.memref_slice %arg6[%dma_start3A_415, %dma_start3A_416] : memref<64x768xf32, #tpu.memory_space<vmem>> -> memref<64x768xf32, #tpu.memory_space<vmem>>
      %dma_start3A_418 = arith.constant 0 : i32
      %dma_start3A_419 = tpu.memref_slice %arg4[%add3A_170, %dma_start3A_418] : memref<46336x768xf32, #tpu.memory_space<hbm>> -> memref<64x768xf32, #tpu.memory_space<hbm>>
      %dma_start3A_420 = arith.constant 0 : i32
      %dma_start3A_421 = tpu.memref_slice %arg4[%add3A_170, %dma_start3A_420] : memref<46336x768xf32, #tpu.memory_space<hbm>> -> memref<64x768xf32, #tpu.memory_space<hbm>>
      %dma_start3A_422 = arith.constant 0 : i32
      %dma_start3A_423 = arith.constant 0 : i32
      %dma_start3A_424 = tpu.memref_slice %arg6[%dma_start3A_422, %dma_start3A_423] : memref<64x768xf32, #tpu.memory_space<vmem>> -> memref<64x768xf32, #tpu.memory_space<vmem>>
      tpu.enqueue_dma source(%dma_start3A_424 : memref<64x768xf32, #tpu.memory_space<vmem>>) target(%dma_start3A_421 : memref<64x768xf32, #tpu.memory_space<hbm>>) target_semaphore(%run_scoped3A : memref<!tpu.dma_semaphore, #tpu.memory_space<semaphore_mem>>)
      %dma_wait3A_425 = arith.constant 0 : i32
      %dma_wait3A_426 = arith.constant 0 : i32
      %dma_wait3A_427 = tpu.memref_slice %arg6[%dma_wait3A_425, %dma_wait3A_426] : memref<64x768xf32, #tpu.memory_space<vmem>> -> memref<64x768xf32, #tpu.memory_space<vmem>>
      %dma_wait3A_428 = arith.constant 0 : i32
      %dma_wait3A_429 = tpu.memref_slice %arg4[%add3A_170, %dma_wait3A_428] : memref<46336x768xf32, #tpu.memory_space<hbm>> -> memref<64x768xf32, #tpu.memory_space<hbm>>
      %dma_wait3A_430 = arith.constant 0 : i32
      %dma_wait3A_431 = tpu.memref_slice %arg4[%add3A_170, %dma_wait3A_430] : memref<46336x768xf32, #tpu.memory_space<hbm>> -> memref<64x768xf32, #tpu.memory_space<hbm>>
      %dma_wait3A_432 = arith.constant 0 : i32
      %dma_wait3A_433 = arith.constant 0 : i32
      %dma_wait3A_434 = tpu.memref_slice %arg6[%dma_wait3A_432, %dma_wait3A_433] : memref<64x768xf32, #tpu.memory_space<vmem>> -> memref<64x768xf32, #tpu.memory_space<vmem>>
      tpu.wait_dma2 semaphore(%run_scoped3A : memref<!tpu.dma_semaphore, #tpu.memory_space<semaphore_mem>>) src(%dma_wait3A_434 : memref<64x768xf32, #tpu.memory_space<vmem>>) dst(%dma_wait3A_431 : memref<64x768xf32, #tpu.memory_space<hbm>>)
      tpu.yield
    }) : () -> ()
    %dma_start3A_171 = arith.constant 0 : i32
    %dma_start3A_172 = arith.constant 0 : i32
    %dma_start3A_173 = tpu.memref_slice %arg6[%dma_start3A_171, %dma_start3A_172] : memref<64x768xf32, #tpu.memory_space<vmem>> -> memref<64x768xf32, #tpu.memory_space<vmem>>
    %dma_start3A_174 = arith.constant 640 : i32
    %dma_start3A_175 = tpu.memref_slice %arg5[%dma_start3A_174] : memref<1448xi32, #tpu.memory_space<vmem>> -> memref<64xi32, #tpu.memory_space<vmem>>
    %dma_start3A_176 = arith.constant 0 : i32
    %dma_start3A_177 = arith.constant 0 : i32
    %dma_start3A_178 = tpu.memref_slice %arg2[%dma_start3A_176, %dma_start3A_177] : memref<65536x768xf32, #tpu.memory_space<hbm>> -> memref<65536x768xf32, #tpu.memory_space<hbm>>
    tpu.enqueue_indirect_dma source(%dma_start3A_178 : memref<65536x768xf32, #tpu.memory_space<hbm>>) target(%dma_start3A_173 : memref<64x768xf32, #tpu.memory_space<vmem>>) offsets(%dma_start3A_175 : memref<64xi32, #tpu.memory_space<vmem>>) semaphore(%arg8 : memref<!tpu.dma_semaphore, #tpu.memory_space<semaphore_mem>>)
    %dma_wait3A_179 = arith.constant 0 : i32
    %dma_wait3A_180 = arith.constant 0 : i32
    %dma_wait3A_181 = tpu.memref_slice %arg7[%dma_wait3A_179, %dma_wait3A_180] : memref<64x768xf32, #tpu.memory_space<vmem>> -> memref<64x768xf32, #tpu.memory_space<vmem>>
    %dma_wait3A_182 = arith.constant 576 : i32
    %dma_wait3A_183 = tpu.memref_slice %arg5[%dma_wait3A_182] : memref<1448xi32, #tpu.memory_space<vmem>> -> memref<64xi32, #tpu.memory_space<vmem>>
    %dma_wait3A_184 = arith.constant 0 : i32
    %dma_wait3A_185 = arith.constant 0 : i32
    %dma_wait3A_186 = tpu.memref_slice %arg2[%dma_wait3A_184, %dma_wait3A_185] : memref<65536x768xf32, #tpu.memory_space<hbm>> -> memref<65536x768xf32, #tpu.memory_space<hbm>>
    tpu.wait_indirect_dma semaphore(%arg9 : memref<!tpu.dma_semaphore, #tpu.memory_space<semaphore_mem>>) src(%dma_wait3A_186 : memref<65536x768xf32, #tpu.memory_space<hbm>>) dst(%dma_wait3A_181 : memref<64x768xf32, #tpu.memory_space<vmem>>)
    %add3A_187 = arith.constant 576 : i32
    %add3A_188 = arith.addi %mul3A_2, %add3A_187 : i32
    "tpu.region"() ({
      %run_scoped3A = tpu.sem_alloc : memref<!tpu.dma_semaphore, #tpu.memory_space<semaphore_mem>>
      %dma_start3A_415 = arith.constant 0 : i32
      %dma_start3A_416 = arith.constant 0 : i32
      %dma_start3A_417 = tpu.memref_slice %arg7[%dma_start3A_415, %dma_start3A_416] : memref<64x768xf32, #tpu.memory_space<vmem>> -> memref<64x768xf32, #tpu.memory_space<vmem>>
      %dma_start3A_418 = arith.constant 0 : i32
      %dma_start3A_419 = tpu.memref_slice %arg4[%add3A_188, %dma_start3A_418] : memref<46336x768xf32, #tpu.memory_space<hbm>> -> memref<64x768xf32, #tpu.memory_space<hbm>>
      %dma_start3A_420 = arith.constant 0 : i32
      %dma_start3A_421 = tpu.memref_slice %arg4[%add3A_188, %dma_start3A_420] : memref<46336x768xf32, #tpu.memory_space<hbm>> -> memref<64x768xf32, #tpu.memory_space<hbm>>
      %dma_start3A_422 = arith.constant 0 : i32
      %dma_start3A_423 = arith.constant 0 : i32
      %dma_start3A_424 = tpu.memref_slice %arg7[%dma_start3A_422, %dma_start3A_423] : memref<64x768xf32, #tpu.memory_space<vmem>> -> memref<64x768xf32, #tpu.memory_space<vmem>>
      tpu.enqueue_dma source(%dma_start3A_424 : memref<64x768xf32, #tpu.memory_space<vmem>>) target(%dma_start3A_421 : memref<64x768xf32, #tpu.memory_space<hbm>>) target_semaphore(%run_scoped3A : memref<!tpu.dma_semaphore, #tpu.memory_space<semaphore_mem>>)
      %dma_wait3A_425 = arith.constant 0 : i32
      %dma_wait3A_426 = arith.constant 0 : i32
      %dma_wait3A_427 = tpu.memref_slice %arg7[%dma_wait3A_425, %dma_wait3A_426] : memref<64x768xf32, #tpu.memory_space<vmem>> -> memref<64x768xf32, #tpu.memory_space<vmem>>
      %dma_wait3A_428 = arith.constant 0 : i32
      %dma_wait3A_429 = tpu.memref_slice %arg4[%add3A_188, %dma_wait3A_428] : memref<46336x768xf32, #tpu.memory_space<hbm>> -> memref<64x768xf32, #tpu.memory_space<hbm>>
      %dma_wait3A_430 = arith.constant 0 : i32
      %dma_wait3A_431 = tpu.memref_slice %arg4[%add3A_188, %dma_wait3A_430] : memref<46336x768xf32, #tpu.memory_space<hbm>> -> memref<64x768xf32, #tpu.memory_space<hbm>>
      %dma_wait3A_432 = arith.constant 0 : i32
      %dma_wait3A_433 = arith.constant 0 : i32
      %dma_wait3A_434 = tpu.memref_slice %arg7[%dma_wait3A_432, %dma_wait3A_433] : memref<64x768xf32, #tpu.memory_space<vmem>> -> memref<64x768xf32, #tpu.memory_space<vmem>>
      tpu.wait_dma2 semaphore(%run_scoped3A : memref<!tpu.dma_semaphore, #tpu.memory_space<semaphore_mem>>) src(%dma_wait3A_434 : memref<64x768xf32, #tpu.memory_space<vmem>>) dst(%dma_wait3A_431 : memref<64x768xf32, #tpu.memory_space<hbm>>)
      tpu.yield
    }) : () -> ()
    %dma_start3A_189 = arith.constant 0 : i32
    %dma_start3A_190 = arith.constant 0 : i32
    %dma_start3A_191 = tpu.memref_slice %arg7[%dma_start3A_189, %dma_start3A_190] : memref<64x768xf32, #tpu.memory_space<vmem>> -> memref<64x768xf32, #tpu.memory_space<vmem>>
    %dma_start3A_192 = arith.constant 704 : i32
    %dma_start3A_193 = tpu.memref_slice %arg5[%dma_start3A_192] : memref<1448xi32, #tpu.memory_space<vmem>> -> memref<64xi32, #tpu.memory_space<vmem>>
    %dma_start3A_194 = arith.constant 0 : i32
    %dma_start3A_195 = arith.constant 0 : i32
    %dma_start3A_196 = tpu.memref_slice %arg2[%dma_start3A_194, %dma_start3A_195] : memref<65536x768xf32, #tpu.memory_space<hbm>> -> memref<65536x768xf32, #tpu.memory_space<hbm>>
    tpu.enqueue_indirect_dma source(%dma_start3A_196 : memref<65536x768xf32, #tpu.memory_space<hbm>>) target(%dma_start3A_191 : memref<64x768xf32, #tpu.memory_space<vmem>>) offsets(%dma_start3A_193 : memref<64xi32, #tpu.memory_space<vmem>>) semaphore(%arg9 : memref<!tpu.dma_semaphore, #tpu.memory_space<semaphore_mem>>)
    %dma_wait3A_197 = arith.constant 0 : i32
    %dma_wait3A_198 = arith.constant 0 : i32
    %dma_wait3A_199 = tpu.memref_slice %arg6[%dma_wait3A_197, %dma_wait3A_198] : memref<64x768xf32, #tpu.memory_space<vmem>> -> memref<64x768xf32, #tpu.memory_space<vmem>>
    %dma_wait3A_200 = arith.constant 640 : i32
    %dma_wait3A_201 = tpu.memref_slice %arg5[%dma_wait3A_200] : memref<1448xi32, #tpu.memory_space<vmem>> -> memref<64xi32, #tpu.memory_space<vmem>>
    %dma_wait3A_202 = arith.constant 0 : i32
    %dma_wait3A_203 = arith.constant 0 : i32
    %dma_wait3A_204 = tpu.memref_slice %arg2[%dma_wait3A_202, %dma_wait3A_203] : memref<65536x768xf32, #tpu.memory_space<hbm>> -> memref<65536x768xf32, #tpu.memory_space<hbm>>
    tpu.wait_indirect_dma semaphore(%arg8 : memref<!tpu.dma_semaphore, #tpu.memory_space<semaphore_mem>>) src(%dma_wait3A_204 : memref<65536x768xf32, #tpu.memory_space<hbm>>) dst(%dma_wait3A_199 : memref<64x768xf32, #tpu.memory_space<vmem>>)
    %add3A_205 = arith.constant 640 : i32
    %add3A_206 = arith.addi %mul3A_2, %add3A_205 : i32
    "tpu.region"() ({
      %run_scoped3A = tpu.sem_alloc : memref<!tpu.dma_semaphore, #tpu.memory_space<semaphore_mem>>
      %dma_start3A_415 = arith.constant 0 : i32
      %dma_start3A_416 = arith.constant 0 : i32
      %dma_start3A_417 = tpu.memref_slice %arg6[%dma_start3A_415, %dma_start3A_416] : memref<64x768xf32, #tpu.memory_space<vmem>> -> memref<64x768xf32, #tpu.memory_space<vmem>>
      %dma_start3A_418 = arith.constant 0 : i32
      %dma_start3A_419 = tpu.memref_slice %arg4[%add3A_206, %dma_start3A_418] : memref<46336x768xf32, #tpu.memory_space<hbm>> -> memref<64x768xf32, #tpu.memory_space<hbm>>
      %dma_start3A_420 = arith.constant 0 : i32
      %dma_start3A_421 = tpu.memref_slice %arg4[%add3A_206, %dma_start3A_420] : memref<46336x768xf32, #tpu.memory_space<hbm>> -> memref<64x768xf32, #tpu.memory_space<hbm>>
      %dma_start3A_422 = arith.constant 0 : i32
      %dma_start3A_423 = arith.constant 0 : i32
      %dma_start3A_424 = tpu.memref_slice %arg6[%dma_start3A_422, %dma_start3A_423] : memref<64x768xf32, #tpu.memory_space<vmem>> -> memref<64x768xf32, #tpu.memory_space<vmem>>
      tpu.enqueue_dma source(%dma_start3A_424 : memref<64x768xf32, #tpu.memory_space<vmem>>) target(%dma_start3A_421 : memref<64x768xf32, #tpu.memory_space<hbm>>) target_semaphore(%run_scoped3A : memref<!tpu.dma_semaphore, #tpu.memory_space<semaphore_mem>>)
      %dma_wait3A_425 = arith.constant 0 : i32
      %dma_wait3A_426 = arith.constant 0 : i32
      %dma_wait3A_427 = tpu.memref_slice %arg6[%dma_wait3A_425, %dma_wait3A_426] : memref<64x768xf32, #tpu.memory_space<vmem>> -> memref<64x768xf32, #tpu.memory_space<vmem>>
      %dma_wait3A_428 = arith.constant 0 : i32
      %dma_wait3A_429 = tpu.memref_slice %arg4[%add3A_206, %dma_wait3A_428] : memref<46336x768xf32, #tpu.memory_space<hbm>> -> memref<64x768xf32, #tpu.memory_space<hbm>>
      %dma_wait3A_430 = arith.constant 0 : i32
      %dma_wait3A_431 = tpu.memref_slice %arg4[%add3A_206, %dma_wait3A_430] : memref<46336x768xf32, #tpu.memory_space<hbm>> -> memref<64x768xf32, #tpu.memory_space<hbm>>
      %dma_wait3A_432 = arith.constant 0 : i32
      %dma_wait3A_433 = arith.constant 0 : i32
      %dma_wait3A_434 = tpu.memref_slice %arg6[%dma_wait3A_432, %dma_wait3A_433] : memref<64x768xf32, #tpu.memory_space<vmem>> -> memref<64x768xf32, #tpu.memory_space<vmem>>
      tpu.wait_dma2 semaphore(%run_scoped3A : memref<!tpu.dma_semaphore, #tpu.memory_space<semaphore_mem>>) src(%dma_wait3A_434 : memref<64x768xf32, #tpu.memory_space<vmem>>) dst(%dma_wait3A_431 : memref<64x768xf32, #tpu.memory_space<hbm>>)
      tpu.yield
    }) : () -> ()
    %dma_start3A_207 = arith.constant 0 : i32
    %dma_start3A_208 = arith.constant 0 : i32
    %dma_start3A_209 = tpu.memref_slice %arg6[%dma_start3A_207, %dma_start3A_208] : memref<64x768xf32, #tpu.memory_space<vmem>> -> memref<64x768xf32, #tpu.memory_space<vmem>>
    %dma_start3A_210 = arith.constant 768 : i32
    %dma_start3A_211 = tpu.memref_slice %arg5[%dma_start3A_210] : memref<1448xi32, #tpu.memory_space<vmem>> -> memref<64xi32, #tpu.memory_space<vmem>>
    %dma_start3A_212 = arith.constant 0 : i32
    %dma_start3A_213 = arith.constant 0 : i32
    %dma_start3A_214 = tpu.memref_slice %arg2[%dma_start3A_212, %dma_start3A_213] : memref<65536x768xf32, #tpu.memory_space<hbm>> -> memref<65536x768xf32, #tpu.memory_space<hbm>>
    tpu.enqueue_indirect_dma source(%dma_start3A_214 : memref<65536x768xf32, #tpu.memory_space<hbm>>) target(%dma_start3A_209 : memref<64x768xf32, #tpu.memory_space<vmem>>) offsets(%dma_start3A_211 : memref<64xi32, #tpu.memory_space<vmem>>) semaphore(%arg8 : memref<!tpu.dma_semaphore, #tpu.memory_space<semaphore_mem>>)
    %dma_wait3A_215 = arith.constant 0 : i32
    %dma_wait3A_216 = arith.constant 0 : i32
    %dma_wait3A_217 = tpu.memref_slice %arg7[%dma_wait3A_215, %dma_wait3A_216] : memref<64x768xf32, #tpu.memory_space<vmem>> -> memref<64x768xf32, #tpu.memory_space<vmem>>
    %dma_wait3A_218 = arith.constant 704 : i32
    %dma_wait3A_219 = tpu.memref_slice %arg5[%dma_wait3A_218] : memref<1448xi32, #tpu.memory_space<vmem>> -> memref<64xi32, #tpu.memory_space<vmem>>
    %dma_wait3A_220 = arith.constant 0 : i32
    %dma_wait3A_221 = arith.constant 0 : i32
    %dma_wait3A_222 = tpu.memref_slice %arg2[%dma_wait3A_220, %dma_wait3A_221] : memref<65536x768xf32, #tpu.memory_space<hbm>> -> memref<65536x768xf32, #tpu.memory_space<hbm>>
    tpu.wait_indirect_dma semaphore(%arg9 : memref<!tpu.dma_semaphore, #tpu.memory_space<semaphore_mem>>) src(%dma_wait3A_222 : memref<65536x768xf32, #tpu.memory_space<hbm>>) dst(%dma_wait3A_217 : memref<64x768xf32, #tpu.memory_space<vmem>>)
    %add3A_223 = arith.constant 704 : i32
    %add3A_224 = arith.addi %mul3A_2, %add3A_223 : i32
    "tpu.region"() ({
      %run_scoped3A = tpu.sem_alloc : memref<!tpu.dma_semaphore, #tpu.memory_space<semaphore_mem>>
      %dma_start3A_415 = arith.constant 0 : i32
      %dma_start3A_416 = arith.constant 0 : i32
      %dma_start3A_417 = tpu.memref_slice %arg7[%dma_start3A_415, %dma_start3A_416] : memref<64x768xf32, #tpu.memory_space<vmem>> -> memref<64x768xf32, #tpu.memory_space<vmem>>
      %dma_start3A_418 = arith.constant 0 : i32
      %dma_start3A_419 = tpu.memref_slice %arg4[%add3A_224, %dma_start3A_418] : memref<46336x768xf32, #tpu.memory_space<hbm>> -> memref<64x768xf32, #tpu.memory_space<hbm>>
      %dma_start3A_420 = arith.constant 0 : i32
      %dma_start3A_421 = tpu.memref_slice %arg4[%add3A_224, %dma_start3A_420] : memref<46336x768xf32, #tpu.memory_space<hbm>> -> memref<64x768xf32, #tpu.memory_space<hbm>>
      %dma_start3A_422 = arith.constant 0 : i32
      %dma_start3A_423 = arith.constant 0 : i32
      %dma_start3A_424 = tpu.memref_slice %arg7[%dma_start3A_422, %dma_start3A_423] : memref<64x768xf32, #tpu.memory_space<vmem>> -> memref<64x768xf32, #tpu.memory_space<vmem>>
      tpu.enqueue_dma source(%dma_start3A_424 : memref<64x768xf32, #tpu.memory_space<vmem>>) target(%dma_start3A_421 : memref<64x768xf32, #tpu.memory_space<hbm>>) target_semaphore(%run_scoped3A : memref<!tpu.dma_semaphore, #tpu.memory_space<semaphore_mem>>)
      %dma_wait3A_425 = arith.constant 0 : i32
      %dma_wait3A_426 = arith.constant 0 : i32
      %dma_wait3A_427 = tpu.memref_slice %arg7[%dma_wait3A_425, %dma_wait3A_426] : memref<64x768xf32, #tpu.memory_space<vmem>> -> memref<64x768xf32, #tpu.memory_space<vmem>>
      %dma_wait3A_428 = arith.constant 0 : i32
      %dma_wait3A_429 = tpu.memref_slice %arg4[%add3A_224, %dma_wait3A_428] : memref<46336x768xf32, #tpu.memory_space<hbm>> -> memref<64x768xf32, #tpu.memory_space<hbm>>
      %dma_wait3A_430 = arith.constant 0 : i32
      %dma_wait3A_431 = tpu.memref_slice %arg4[%add3A_224, %dma_wait3A_430] : memref<46336x768xf32, #tpu.memory_space<hbm>> -> memref<64x768xf32, #tpu.memory_space<hbm>>
      %dma_wait3A_432 = arith.constant 0 : i32
      %dma_wait3A_433 = arith.constant 0 : i32
      %dma_wait3A_434 = tpu.memref_slice %arg7[%dma_wait3A_432, %dma_wait3A_433] : memref<64x768xf32, #tpu.memory_space<vmem>> -> memref<64x768xf32, #tpu.memory_space<vmem>>
      tpu.wait_dma2 semaphore(%run_scoped3A : memref<!tpu.dma_semaphore, #tpu.memory_space<semaphore_mem>>) src(%dma_wait3A_434 : memref<64x768xf32, #tpu.memory_space<vmem>>) dst(%dma_wait3A_431 : memref<64x768xf32, #tpu.memory_space<hbm>>)
      tpu.yield
    }) : () -> ()
    %dma_start3A_225 = arith.constant 0 : i32
    %dma_start3A_226 = arith.constant 0 : i32
    %dma_start3A_227 = tpu.memref_slice %arg7[%dma_start3A_225, %dma_start3A_226] : memref<64x768xf32, #tpu.memory_space<vmem>> -> memref<64x768xf32, #tpu.memory_space<vmem>>
    %dma_start3A_228 = arith.constant 832 : i32
    %dma_start3A_229 = tpu.memref_slice %arg5[%dma_start3A_228] : memref<1448xi32, #tpu.memory_space<vmem>> -> memref<64xi32, #tpu.memory_space<vmem>>
    %dma_start3A_230 = arith.constant 0 : i32
    %dma_start3A_231 = arith.constant 0 : i32
    %dma_start3A_232 = tpu.memref_slice %arg2[%dma_start3A_230, %dma_start3A_231] : memref<65536x768xf32, #tpu.memory_space<hbm>> -> memref<65536x768xf32, #tpu.memory_space<hbm>>
    tpu.enqueue_indirect_dma source(%dma_start3A_232 : memref<65536x768xf32, #tpu.memory_space<hbm>>) target(%dma_start3A_227 : memref<64x768xf32, #tpu.memory_space<vmem>>) offsets(%dma_start3A_229 : memref<64xi32, #tpu.memory_space<vmem>>) semaphore(%arg9 : memref<!tpu.dma_semaphore, #tpu.memory_space<semaphore_mem>>)
    %dma_wait3A_233 = arith.constant 0 : i32
    %dma_wait3A_234 = arith.constant 0 : i32
    %dma_wait3A_235 = tpu.memref_slice %arg6[%dma_wait3A_233, %dma_wait3A_234] : memref<64x768xf32, #tpu.memory_space<vmem>> -> memref<64x768xf32, #tpu.memory_space<vmem>>
    %dma_wait3A_236 = arith.constant 768 : i32
    %dma_wait3A_237 = tpu.memref_slice %arg5[%dma_wait3A_236] : memref<1448xi32, #tpu.memory_space<vmem>> -> memref<64xi32, #tpu.memory_space<vmem>>
    %dma_wait3A_238 = arith.constant 0 : i32
    %dma_wait3A_239 = arith.constant 0 : i32
    %dma_wait3A_240 = tpu.memref_slice %arg2[%dma_wait3A_238, %dma_wait3A_239] : memref<65536x768xf32, #tpu.memory_space<hbm>> -> memref<65536x768xf32, #tpu.memory_space<hbm>>
    tpu.wait_indirect_dma semaphore(%arg8 : memref<!tpu.dma_semaphore, #tpu.memory_space<semaphore_mem>>) src(%dma_wait3A_240 : memref<65536x768xf32, #tpu.memory_space<hbm>>) dst(%dma_wait3A_235 : memref<64x768xf32, #tpu.memory_space<vmem>>)
    %add3A_241 = arith.constant 768 : i32
    %add3A_242 = arith.addi %mul3A_2, %add3A_241 : i32
    "tpu.region"() ({
      %run_scoped3A = tpu.sem_alloc : memref<!tpu.dma_semaphore, #tpu.memory_space<semaphore_mem>>
      %dma_start3A_415 = arith.constant 0 : i32
      %dma_start3A_416 = arith.constant 0 : i32
      %dma_start3A_417 = tpu.memref_slice %arg6[%dma_start3A_415, %dma_start3A_416] : memref<64x768xf32, #tpu.memory_space<vmem>> -> memref<64x768xf32, #tpu.memory_space<vmem>>
      %dma_start3A_418 = arith.constant 0 : i32
      %dma_start3A_419 = tpu.memref_slice %arg4[%add3A_242, %dma_start3A_418] : memref<46336x768xf32, #tpu.memory_space<hbm>> -> memref<64x768xf32, #tpu.memory_space<hbm>>
      %dma_start3A_420 = arith.constant 0 : i32
      %dma_start3A_421 = tpu.memref_slice %arg4[%add3A_242, %dma_start3A_420] : memref<46336x768xf32, #tpu.memory_space<hbm>> -> memref<64x768xf32, #tpu.memory_space<hbm>>
      %dma_start3A_422 = arith.constant 0 : i32
      %dma_start3A_423 = arith.constant 0 : i32
      %dma_start3A_424 = tpu.memref_slice %arg6[%dma_start3A_422, %dma_start3A_423] : memref<64x768xf32, #tpu.memory_space<vmem>> -> memref<64x768xf32, #tpu.memory_space<vmem>>
      tpu.enqueue_dma source(%dma_start3A_424 : memref<64x768xf32, #tpu.memory_space<vmem>>) target(%dma_start3A_421 : memref<64x768xf32, #tpu.memory_space<hbm>>) target_semaphore(%run_scoped3A : memref<!tpu.dma_semaphore, #tpu.memory_space<semaphore_mem>>)
      %dma_wait3A_425 = arith.constant 0 : i32
      %dma_wait3A_426 = arith.constant 0 : i32
      %dma_wait3A_427 = tpu.memref_slice %arg6[%dma_wait3A_425, %dma_wait3A_426] : memref<64x768xf32, #tpu.memory_space<vmem>> -> memref<64x768xf32, #tpu.memory_space<vmem>>
      %dma_wait3A_428 = arith.constant 0 : i32
      %dma_wait3A_429 = tpu.memref_slice %arg4[%add3A_242, %dma_wait3A_428] : memref<46336x768xf32, #tpu.memory_space<hbm>> -> memref<64x768xf32, #tpu.memory_space<hbm>>
      %dma_wait3A_430 = arith.constant 0 : i32
      %dma_wait3A_431 = tpu.memref_slice %arg4[%add3A_242, %dma_wait3A_430] : memref<46336x768xf32, #tpu.memory_space<hbm>> -> memref<64x768xf32, #tpu.memory_space<hbm>>
      %dma_wait3A_432 = arith.constant 0 : i32
      %dma_wait3A_433 = arith.constant 0 : i32
      %dma_wait3A_434 = tpu.memref_slice %arg6[%dma_wait3A_432, %dma_wait3A_433] : memref<64x768xf32, #tpu.memory_space<vmem>> -> memref<64x768xf32, #tpu.memory_space<vmem>>
      tpu.wait_dma2 semaphore(%run_scoped3A : memref<!tpu.dma_semaphore, #tpu.memory_space<semaphore_mem>>) src(%dma_wait3A_434 : memref<64x768xf32, #tpu.memory_space<vmem>>) dst(%dma_wait3A_431 : memref<64x768xf32, #tpu.memory_space<hbm>>)
      tpu.yield
    }) : () -> ()
    %dma_start3A_243 = arith.constant 0 : i32
    %dma_start3A_244 = arith.constant 0 : i32
    %dma_start3A_245 = tpu.memref_slice %arg6[%dma_start3A_243, %dma_start3A_244] : memref<64x768xf32, #tpu.memory_space<vmem>> -> memref<64x768xf32, #tpu.memory_space<vmem>>
    %dma_start3A_246 = arith.constant 896 : i32
    %dma_start3A_247 = tpu.memref_slice %arg5[%dma_start3A_246] : memref<1448xi32, #tpu.memory_space<vmem>> -> memref<64xi32, #tpu.memory_space<vmem>>
    %dma_start3A_248 = arith.constant 0 : i32
    %dma_start3A_249 = arith.constant 0 : i32
    %dma_start3A_250 = tpu.memref_slice %arg2[%dma_start3A_248, %dma_start3A_249] : memref<65536x768xf32, #tpu.memory_space<hbm>> -> memref<65536x768xf32, #tpu.memory_space<hbm>>
    tpu.enqueue_indirect_dma source(%dma_start3A_250 : memref<65536x768xf32, #tpu.memory_space<hbm>>) target(%dma_start3A_245 : memref<64x768xf32, #tpu.memory_space<vmem>>) offsets(%dma_start3A_247 : memref<64xi32, #tpu.memory_space<vmem>>) semaphore(%arg8 : memref<!tpu.dma_semaphore, #tpu.memory_space<semaphore_mem>>)
    %dma_wait3A_251 = arith.constant 0 : i32
    %dma_wait3A_252 = arith.constant 0 : i32
    %dma_wait3A_253 = tpu.memref_slice %arg7[%dma_wait3A_251, %dma_wait3A_252] : memref<64x768xf32, #tpu.memory_space<vmem>> -> memref<64x768xf32, #tpu.memory_space<vmem>>
    %dma_wait3A_254 = arith.constant 832 : i32
    %dma_wait3A_255 = tpu.memref_slice %arg5[%dma_wait3A_254] : memref<1448xi32, #tpu.memory_space<vmem>> -> memref<64xi32, #tpu.memory_space<vmem>>
    %dma_wait3A_256 = arith.constant 0 : i32
    %dma_wait3A_257 = arith.constant 0 : i32
    %dma_wait3A_258 = tpu.memref_slice %arg2[%dma_wait3A_256, %dma_wait3A_257] : memref<65536x768xf32, #tpu.memory_space<hbm>> -> memref<65536x768xf32, #tpu.memory_space<hbm>>
    tpu.wait_indirect_dma semaphore(%arg9 : memref<!tpu.dma_semaphore, #tpu.memory_space<semaphore_mem>>) src(%dma_wait3A_258 : memref<65536x768xf32, #tpu.memory_space<hbm>>) dst(%dma_wait3A_253 : memref<64x768xf32, #tpu.memory_space<vmem>>)
    %add3A_259 = arith.constant 832 : i32
    %add3A_260 = arith.addi %mul3A_2, %add3A_259 : i32
    "tpu.region"() ({
      %run_scoped3A = tpu.sem_alloc : memref<!tpu.dma_semaphore, #tpu.memory_space<semaphore_mem>>
      %dma_start3A_415 = arith.constant 0 : i32
      %dma_start3A_416 = arith.constant 0 : i32
      %dma_start3A_417 = tpu.memref_slice %arg7[%dma_start3A_415, %dma_start3A_416] : memref<64x768xf32, #tpu.memory_space<vmem>> -> memref<64x768xf32, #tpu.memory_space<vmem>>
      %dma_start3A_418 = arith.constant 0 : i32
      %dma_start3A_419 = tpu.memref_slice %arg4[%add3A_260, %dma_start3A_418] : memref<46336x768xf32, #tpu.memory_space<hbm>> -> memref<64x768xf32, #tpu.memory_space<hbm>>
      %dma_start3A_420 = arith.constant 0 : i32
      %dma_start3A_421 = tpu.memref_slice %arg4[%add3A_260, %dma_start3A_420] : memref<46336x768xf32, #tpu.memory_space<hbm>> -> memref<64x768xf32, #tpu.memory_space<hbm>>
      %dma_start3A_422 = arith.constant 0 : i32
      %dma_start3A_423 = arith.constant 0 : i32
      %dma_start3A_424 = tpu.memref_slice %arg7[%dma_start3A_422, %dma_start3A_423] : memref<64x768xf32, #tpu.memory_space<vmem>> -> memref<64x768xf32, #tpu.memory_space<vmem>>
      tpu.enqueue_dma source(%dma_start3A_424 : memref<64x768xf32, #tpu.memory_space<vmem>>) target(%dma_start3A_421 : memref<64x768xf32, #tpu.memory_space<hbm>>) target_semaphore(%run_scoped3A : memref<!tpu.dma_semaphore, #tpu.memory_space<semaphore_mem>>)
      %dma_wait3A_425 = arith.constant 0 : i32
      %dma_wait3A_426 = arith.constant 0 : i32
      %dma_wait3A_427 = tpu.memref_slice %arg7[%dma_wait3A_425, %dma_wait3A_426] : memref<64x768xf32, #tpu.memory_space<vmem>> -> memref<64x768xf32, #tpu.memory_space<vmem>>
      %dma_wait3A_428 = arith.constant 0 : i32
      %dma_wait3A_429 = tpu.memref_slice %arg4[%add3A_260, %dma_wait3A_428] : memref<46336x768xf32, #tpu.memory_space<hbm>> -> memref<64x768xf32, #tpu.memory_space<hbm>>
      %dma_wait3A_430 = arith.constant 0 : i32
      %dma_wait3A_431 = tpu.memref_slice %arg4[%add3A_260, %dma_wait3A_430] : memref<46336x768xf32, #tpu.memory_space<hbm>> -> memref<64x768xf32, #tpu.memory_space<hbm>>
      %dma_wait3A_432 = arith.constant 0 : i32
      %dma_wait3A_433 = arith.constant 0 : i32
      %dma_wait3A_434 = tpu.memref_slice %arg7[%dma_wait3A_432, %dma_wait3A_433] : memref<64x768xf32, #tpu.memory_space<vmem>> -> memref<64x768xf32, #tpu.memory_space<vmem>>
      tpu.wait_dma2 semaphore(%run_scoped3A : memref<!tpu.dma_semaphore, #tpu.memory_space<semaphore_mem>>) src(%dma_wait3A_434 : memref<64x768xf32, #tpu.memory_space<vmem>>) dst(%dma_wait3A_431 : memref<64x768xf32, #tpu.memory_space<hbm>>)
      tpu.yield
    }) : () -> ()
    %dma_start3A_261 = arith.constant 0 : i32
    %dma_start3A_262 = arith.constant 0 : i32
    %dma_start3A_263 = tpu.memref_slice %arg7[%dma_start3A_261, %dma_start3A_262] : memref<64x768xf32, #tpu.memory_space<vmem>> -> memref<64x768xf32, #tpu.memory_space<vmem>>
    %dma_start3A_264 = arith.constant 960 : i32
    %dma_start3A_265 = tpu.memref_slice %arg5[%dma_start3A_264] : memref<1448xi32, #tpu.memory_space<vmem>> -> memref<64xi32, #tpu.memory_space<vmem>>
    %dma_start3A_266 = arith.constant 0 : i32
    %dma_start3A_267 = arith.constant 0 : i32
    %dma_start3A_268 = tpu.memref_slice %arg2[%dma_start3A_266, %dma_start3A_267] : memref<65536x768xf32, #tpu.memory_space<hbm>> -> memref<65536x768xf32, #tpu.memory_space<hbm>>
    tpu.enqueue_indirect_dma source(%dma_start3A_268 : memref<65536x768xf32, #tpu.memory_space<hbm>>) target(%dma_start3A_263 : memref<64x768xf32, #tpu.memory_space<vmem>>) offsets(%dma_start3A_265 : memref<64xi32, #tpu.memory_space<vmem>>) semaphore(%arg9 : memref<!tpu.dma_semaphore, #tpu.memory_space<semaphore_mem>>)
    %dma_wait3A_269 = arith.constant 0 : i32
    %dma_wait3A_270 = arith.constant 0 : i32
    %dma_wait3A_271 = tpu.memref_slice %arg6[%dma_wait3A_269, %dma_wait3A_270] : memref<64x768xf32, #tpu.memory_space<vmem>> -> memref<64x768xf32, #tpu.memory_space<vmem>>
    %dma_wait3A_272 = arith.constant 896 : i32
    %dma_wait3A_273 = tpu.memref_slice %arg5[%dma_wait3A_272] : memref<1448xi32, #tpu.memory_space<vmem>> -> memref<64xi32, #tpu.memory_space<vmem>>
    %dma_wait3A_274 = arith.constant 0 : i32
    %dma_wait3A_275 = arith.constant 0 : i32
    %dma_wait3A_276 = tpu.memref_slice %arg2[%dma_wait3A_274, %dma_wait3A_275] : memref<65536x768xf32, #tpu.memory_space<hbm>> -> memref<65536x768xf32, #tpu.memory_space<hbm>>
    tpu.wait_indirect_dma semaphore(%arg8 : memref<!tpu.dma_semaphore, #tpu.memory_space<semaphore_mem>>) src(%dma_wait3A_276 : memref<65536x768xf32, #tpu.memory_space<hbm>>) dst(%dma_wait3A_271 : memref<64x768xf32, #tpu.memory_space<vmem>>)
    %add3A_277 = arith.constant 896 : i32
    %add3A_278 = arith.addi %mul3A_2, %add3A_277 : i32
    "tpu.region"() ({
      %run_scoped3A = tpu.sem_alloc : memref<!tpu.dma_semaphore, #tpu.memory_space<semaphore_mem>>
      %dma_start3A_415 = arith.constant 0 : i32
      %dma_start3A_416 = arith.constant 0 : i32
      %dma_start3A_417 = tpu.memref_slice %arg6[%dma_start3A_415, %dma_start3A_416] : memref<64x768xf32, #tpu.memory_space<vmem>> -> memref<64x768xf32, #tpu.memory_space<vmem>>
      %dma_start3A_418 = arith.constant 0 : i32
      %dma_start3A_419 = tpu.memref_slice %arg4[%add3A_278, %dma_start3A_418] : memref<46336x768xf32, #tpu.memory_space<hbm>> -> memref<64x768xf32, #tpu.memory_space<hbm>>
      %dma_start3A_420 = arith.constant 0 : i32
      %dma_start3A_421 = tpu.memref_slice %arg4[%add3A_278, %dma_start3A_420] : memref<46336x768xf32, #tpu.memory_space<hbm>> -> memref<64x768xf32, #tpu.memory_space<hbm>>
      %dma_start3A_422 = arith.constant 0 : i32
      %dma_start3A_423 = arith.constant 0 : i32
      %dma_start3A_424 = tpu.memref_slice %arg6[%dma_start3A_422, %dma_start3A_423] : memref<64x768xf32, #tpu.memory_space<vmem>> -> memref<64x768xf32, #tpu.memory_space<vmem>>
      tpu.enqueue_dma source(%dma_start3A_424 : memref<64x768xf32, #tpu.memory_space<vmem>>) target(%dma_start3A_421 : memref<64x768xf32, #tpu.memory_space<hbm>>) target_semaphore(%run_scoped3A : memref<!tpu.dma_semaphore, #tpu.memory_space<semaphore_mem>>)
      %dma_wait3A_425 = arith.constant 0 : i32
      %dma_wait3A_426 = arith.constant 0 : i32
      %dma_wait3A_427 = tpu.memref_slice %arg6[%dma_wait3A_425, %dma_wait3A_426] : memref<64x768xf32, #tpu.memory_space<vmem>> -> memref<64x768xf32, #tpu.memory_space<vmem>>
      %dma_wait3A_428 = arith.constant 0 : i32
      %dma_wait3A_429 = tpu.memref_slice %arg4[%add3A_278, %dma_wait3A_428] : memref<46336x768xf32, #tpu.memory_space<hbm>> -> memref<64x768xf32, #tpu.memory_space<hbm>>
      %dma_wait3A_430 = arith.constant 0 : i32
      %dma_wait3A_431 = tpu.memref_slice %arg4[%add3A_278, %dma_wait3A_430] : memref<46336x768xf32, #tpu.memory_space<hbm>> -> memref<64x768xf32, #tpu.memory_space<hbm>>
      %dma_wait3A_432 = arith.constant 0 : i32
      %dma_wait3A_433 = arith.constant 0 : i32
      %dma_wait3A_434 = tpu.memref_slice %arg6[%dma_wait3A_432, %dma_wait3A_433] : memref<64x768xf32, #tpu.memory_space<vmem>> -> memref<64x768xf32, #tpu.memory_space<vmem>>
      tpu.wait_dma2 semaphore(%run_scoped3A : memref<!tpu.dma_semaphore, #tpu.memory_space<semaphore_mem>>) src(%dma_wait3A_434 : memref<64x768xf32, #tpu.memory_space<vmem>>) dst(%dma_wait3A_431 : memref<64x768xf32, #tpu.memory_space<hbm>>)
      tpu.yield
    }) : () -> ()
    %dma_start3A_279 = arith.constant 0 : i32
    %dma_start3A_280 = arith.constant 0 : i32
    %dma_start3A_281 = tpu.memref_slice %arg6[%dma_start3A_279, %dma_start3A_280] : memref<64x768xf32, #tpu.memory_space<vmem>> -> memref<64x768xf32, #tpu.memory_space<vmem>>
    %dma_start3A_282 = arith.constant 1024 : i32
    %dma_start3A_283 = tpu.memref_slice %arg5[%dma_start3A_282] : memref<1448xi32, #tpu.memory_space<vmem>> -> memref<64xi32, #tpu.memory_space<vmem>>
    %dma_start3A_284 = arith.constant 0 : i32
    %dma_start3A_285 = arith.constant 0 : i32
    %dma_start3A_286 = tpu.memref_slice %arg2[%dma_start3A_284, %dma_start3A_285] : memref<65536x768xf32, #tpu.memory_space<hbm>> -> memref<65536x768xf32, #tpu.memory_space<hbm>>
    tpu.enqueue_indirect_dma source(%dma_start3A_286 : memref<65536x768xf32, #tpu.memory_space<hbm>>) target(%dma_start3A_281 : memref<64x768xf32, #tpu.memory_space<vmem>>) offsets(%dma_start3A_283 : memref<64xi32, #tpu.memory_space<vmem>>) semaphore(%arg8 : memref<!tpu.dma_semaphore, #tpu.memory_space<semaphore_mem>>)
    %dma_wait3A_287 = arith.constant 0 : i32
    %dma_wait3A_288 = arith.constant 0 : i32
    %dma_wait3A_289 = tpu.memref_slice %arg7[%dma_wait3A_287, %dma_wait3A_288] : memref<64x768xf32, #tpu.memory_space<vmem>> -> memref<64x768xf32, #tpu.memory_space<vmem>>
    %dma_wait3A_290 = arith.constant 960 : i32
    %dma_wait3A_291 = tpu.memref_slice %arg5[%dma_wait3A_290] : memref<1448xi32, #tpu.memory_space<vmem>> -> memref<64xi32, #tpu.memory_space<vmem>>
    %dma_wait3A_292 = arith.constant 0 : i32
    %dma_wait3A_293 = arith.constant 0 : i32
    %dma_wait3A_294 = tpu.memref_slice %arg2[%dma_wait3A_292, %dma_wait3A_293] : memref<65536x768xf32, #tpu.memory_space<hbm>> -> memref<65536x768xf32, #tpu.memory_space<hbm>>
    tpu.wait_indirect_dma semaphore(%arg9 : memref<!tpu.dma_semaphore, #tpu.memory_space<semaphore_mem>>) src(%dma_wait3A_294 : memref<65536x768xf32, #tpu.memory_space<hbm>>) dst(%dma_wait3A_289 : memref<64x768xf32, #tpu.memory_space<vmem>>)
    %add3A_295 = arith.constant 960 : i32
    %add3A_296 = arith.addi %mul3A_2, %add3A_295 : i32
    "tpu.region"() ({
      %run_scoped3A = tpu.sem_alloc : memref<!tpu.dma_semaphore, #tpu.memory_space<semaphore_mem>>
      %dma_start3A_415 = arith.constant 0 : i32
      %dma_start3A_416 = arith.constant 0 : i32
      %dma_start3A_417 = tpu.memref_slice %arg7[%dma_start3A_415, %dma_start3A_416] : memref<64x768xf32, #tpu.memory_space<vmem>> -> memref<64x768xf32, #tpu.memory_space<vmem>>
      %dma_start3A_418 = arith.constant 0 : i32
      %dma_start3A_419 = tpu.memref_slice %arg4[%add3A_296, %dma_start3A_418] : memref<46336x768xf32, #tpu.memory_space<hbm>> -> memref<64x768xf32, #tpu.memory_space<hbm>>
      %dma_start3A_420 = arith.constant 0 : i32
      %dma_start3A_421 = tpu.memref_slice %arg4[%add3A_296, %dma_start3A_420] : memref<46336x768xf32, #tpu.memory_space<hbm>> -> memref<64x768xf32, #tpu.memory_space<hbm>>
      %dma_start3A_422 = arith.constant 0 : i32
      %dma_start3A_423 = arith.constant 0 : i32
      %dma_start3A_424 = tpu.memref_slice %arg7[%dma_start3A_422, %dma_start3A_423] : memref<64x768xf32, #tpu.memory_space<vmem>> -> memref<64x768xf32, #tpu.memory_space<vmem>>
      tpu.enqueue_dma source(%dma_start3A_424 : memref<64x768xf32, #tpu.memory_space<vmem>>) target(%dma_start3A_421 : memref<64x768xf32, #tpu.memory_space<hbm>>) target_semaphore(%run_scoped3A : memref<!tpu.dma_semaphore, #tpu.memory_space<semaphore_mem>>)
      %dma_wait3A_425 = arith.constant 0 : i32
      %dma_wait3A_426 = arith.constant 0 : i32
      %dma_wait3A_427 = tpu.memref_slice %arg7[%dma_wait3A_425, %dma_wait3A_426] : memref<64x768xf32, #tpu.memory_space<vmem>> -> memref<64x768xf32, #tpu.memory_space<vmem>>
      %dma_wait3A_428 = arith.constant 0 : i32
      %dma_wait3A_429 = tpu.memref_slice %arg4[%add3A_296, %dma_wait3A_428] : memref<46336x768xf32, #tpu.memory_space<hbm>> -> memref<64x768xf32, #tpu.memory_space<hbm>>
      %dma_wait3A_430 = arith.constant 0 : i32
      %dma_wait3A_431 = tpu.memref_slice %arg4[%add3A_296, %dma_wait3A_430] : memref<46336x768xf32, #tpu.memory_space<hbm>> -> memref<64x768xf32, #tpu.memory_space<hbm>>
      %dma_wait3A_432 = arith.constant 0 : i32
      %dma_wait3A_433 = arith.constant 0 : i32
      %dma_wait3A_434 = tpu.memref_slice %arg7[%dma_wait3A_432, %dma_wait3A_433] : memref<64x768xf32, #tpu.memory_space<vmem>> -> memref<64x768xf32, #tpu.memory_space<vmem>>
      tpu.wait_dma2 semaphore(%run_scoped3A : memref<!tpu.dma_semaphore, #tpu.memory_space<semaphore_mem>>) src(%dma_wait3A_434 : memref<64x768xf32, #tpu.memory_space<vmem>>) dst(%dma_wait3A_431 : memref<64x768xf32, #tpu.memory_space<hbm>>)
      tpu.yield
    }) : () -> ()
    %dma_start3A_297 = arith.constant 0 : i32
    %dma_start3A_298 = arith.constant 0 : i32
    %dma_start3A_299 = tpu.memref_slice %arg7[%dma_start3A_297, %dma_start3A_298] : memref<64x768xf32, #tpu.memory_space<vmem>> -> memref<64x768xf32, #tpu.memory_space<vmem>>
    %dma_start3A_300 = arith.constant 1088 : i32
    %dma_start3A_301 = tpu.memref_slice %arg5[%dma_start3A_300] : memref<1448xi32, #tpu.memory_space<vmem>> -> memref<64xi32, #tpu.memory_space<vmem>>
    %dma_start3A_302 = arith.constant 0 : i32
    %dma_start3A_303 = arith.constant 0 : i32
    %dma_start3A_304 = tpu.memref_slice %arg2[%dma_start3A_302, %dma_start3A_303] : memref<65536x768xf32, #tpu.memory_space<hbm>> -> memref<65536x768xf32, #tpu.memory_space<hbm>>
    tpu.enqueue_indirect_dma source(%dma_start3A_304 : memref<65536x768xf32, #tpu.memory_space<hbm>>) target(%dma_start3A_299 : memref<64x768xf32, #tpu.memory_space<vmem>>) offsets(%dma_start3A_301 : memref<64xi32, #tpu.memory_space<vmem>>) semaphore(%arg9 : memref<!tpu.dma_semaphore, #tpu.memory_space<semaphore_mem>>)
    %dma_wait3A_305 = arith.constant 0 : i32
    %dma_wait3A_306 = arith.constant 0 : i32
    %dma_wait3A_307 = tpu.memref_slice %arg6[%dma_wait3A_305, %dma_wait3A_306] : memref<64x768xf32, #tpu.memory_space<vmem>> -> memref<64x768xf32, #tpu.memory_space<vmem>>
    %dma_wait3A_308 = arith.constant 1024 : i32
    %dma_wait3A_309 = tpu.memref_slice %arg5[%dma_wait3A_308] : memref<1448xi32, #tpu.memory_space<vmem>> -> memref<64xi32, #tpu.memory_space<vmem>>
    %dma_wait3A_310 = arith.constant 0 : i32
    %dma_wait3A_311 = arith.constant 0 : i32
    %dma_wait3A_312 = tpu.memref_slice %arg2[%dma_wait3A_310, %dma_wait3A_311] : memref<65536x768xf32, #tpu.memory_space<hbm>> -> memref<65536x768xf32, #tpu.memory_space<hbm>>
    tpu.wait_indirect_dma semaphore(%arg8 : memref<!tpu.dma_semaphore, #tpu.memory_space<semaphore_mem>>) src(%dma_wait3A_312 : memref<65536x768xf32, #tpu.memory_space<hbm>>) dst(%dma_wait3A_307 : memref<64x768xf32, #tpu.memory_space<vmem>>)
    %add3A_313 = arith.constant 1024 : i32
    %add3A_314 = arith.addi %mul3A_2, %add3A_313 : i32
    "tpu.region"() ({
      %run_scoped3A = tpu.sem_alloc : memref<!tpu.dma_semaphore, #tpu.memory_space<semaphore_mem>>
      %dma_start3A_415 = arith.constant 0 : i32
      %dma_start3A_416 = arith.constant 0 : i32
      %dma_start3A_417 = tpu.memref_slice %arg6[%dma_start3A_415, %dma_start3A_416] : memref<64x768xf32, #tpu.memory_space<vmem>> -> memref<64x768xf32, #tpu.memory_space<vmem>>
      %dma_start3A_418 = arith.constant 0 : i32
      %dma_start3A_419 = tpu.memref_slice %arg4[%add3A_314, %dma_start3A_418] : memref<46336x768xf32, #tpu.memory_space<hbm>> -> memref<64x768xf32, #tpu.memory_space<hbm>>
      %dma_start3A_420 = arith.constant 0 : i32
      %dma_start3A_421 = tpu.memref_slice %arg4[%add3A_314, %dma_start3A_420] : memref<46336x768xf32, #tpu.memory_space<hbm>> -> memref<64x768xf32, #tpu.memory_space<hbm>>
      %dma_start3A_422 = arith.constant 0 : i32
      %dma_start3A_423 = arith.constant 0 : i32
      %dma_start3A_424 = tpu.memref_slice %arg6[%dma_start3A_422, %dma_start3A_423] : memref<64x768xf32, #tpu.memory_space<vmem>> -> memref<64x768xf32, #tpu.memory_space<vmem>>
      tpu.enqueue_dma source(%dma_start3A_424 : memref<64x768xf32, #tpu.memory_space<vmem>>) target(%dma_start3A_421 : memref<64x768xf32, #tpu.memory_space<hbm>>) target_semaphore(%run_scoped3A : memref<!tpu.dma_semaphore, #tpu.memory_space<semaphore_mem>>)
      %dma_wait3A_425 = arith.constant 0 : i32
      %dma_wait3A_426 = arith.constant 0 : i32
      %dma_wait3A_427 = tpu.memref_slice %arg6[%dma_wait3A_425, %dma_wait3A_426] : memref<64x768xf32, #tpu.memory_space<vmem>> -> memref<64x768xf32, #tpu.memory_space<vmem>>
      %dma_wait3A_428 = arith.constant 0 : i32
      %dma_wait3A_429 = tpu.memref_slice %arg4[%add3A_314, %dma_wait3A_428] : memref<46336x768xf32, #tpu.memory_space<hbm>> -> memref<64x768xf32, #tpu.memory_space<hbm>>
      %dma_wait3A_430 = arith.constant 0 : i32
      %dma_wait3A_431 = tpu.memref_slice %arg4[%add3A_314, %dma_wait3A_430] : memref<46336x768xf32, #tpu.memory_space<hbm>> -> memref<64x768xf32, #tpu.memory_space<hbm>>
      %dma_wait3A_432 = arith.constant 0 : i32
      %dma_wait3A_433 = arith.constant 0 : i32
      %dma_wait3A_434 = tpu.memref_slice %arg6[%dma_wait3A_432, %dma_wait3A_433] : memref<64x768xf32, #tpu.memory_space<vmem>> -> memref<64x768xf32, #tpu.memory_space<vmem>>
      tpu.wait_dma2 semaphore(%run_scoped3A : memref<!tpu.dma_semaphore, #tpu.memory_space<semaphore_mem>>) src(%dma_wait3A_434 : memref<64x768xf32, #tpu.memory_space<vmem>>) dst(%dma_wait3A_431 : memref<64x768xf32, #tpu.memory_space<hbm>>)
      tpu.yield
    }) : () -> ()
    %dma_start3A_315 = arith.constant 0 : i32
    %dma_start3A_316 = arith.constant 0 : i32
    %dma_start3A_317 = tpu.memref_slice %arg6[%dma_start3A_315, %dma_start3A_316] : memref<64x768xf32, #tpu.memory_space<vmem>> -> memref<64x768xf32, #tpu.memory_space<vmem>>
    %dma_start3A_318 = arith.constant 1152 : i32
    %dma_start3A_319 = tpu.memref_slice %arg5[%dma_start3A_318] : memref<1448xi32, #tpu.memory_space<vmem>> -> memref<64xi32, #tpu.memory_space<vmem>>
    %dma_start3A_320 = arith.constant 0 : i32
    %dma_start3A_321 = arith.constant 0 : i32
    %dma_start3A_322 = tpu.memref_slice %arg2[%dma_start3A_320, %dma_start3A_321] : memref<65536x768xf32, #tpu.memory_space<hbm>> -> memref<65536x768xf32, #tpu.memory_space<hbm>>
    tpu.enqueue_indirect_dma source(%dma_start3A_322 : memref<65536x768xf32, #tpu.memory_space<hbm>>) target(%dma_start3A_317 : memref<64x768xf32, #tpu.memory_space<vmem>>) offsets(%dma_start3A_319 : memref<64xi32, #tpu.memory_space<vmem>>) semaphore(%arg8 : memref<!tpu.dma_semaphore, #tpu.memory_space<semaphore_mem>>)
    %dma_wait3A_323 = arith.constant 0 : i32
    %dma_wait3A_324 = arith.constant 0 : i32
    %dma_wait3A_325 = tpu.memref_slice %arg7[%dma_wait3A_323, %dma_wait3A_324] : memref<64x768xf32, #tpu.memory_space<vmem>> -> memref<64x768xf32, #tpu.memory_space<vmem>>
    %dma_wait3A_326 = arith.constant 1088 : i32
    %dma_wait3A_327 = tpu.memref_slice %arg5[%dma_wait3A_326] : memref<1448xi32, #tpu.memory_space<vmem>> -> memref<64xi32, #tpu.memory_space<vmem>>
    %dma_wait3A_328 = arith.constant 0 : i32
    %dma_wait3A_329 = arith.constant 0 : i32
    %dma_wait3A_330 = tpu.memref_slice %arg2[%dma_wait3A_328, %dma_wait3A_329] : memref<65536x768xf32, #tpu.memory_space<hbm>> -> memref<65536x768xf32, #tpu.memory_space<hbm>>
    tpu.wait_indirect_dma semaphore(%arg9 : memref<!tpu.dma_semaphore, #tpu.memory_space<semaphore_mem>>) src(%dma_wait3A_330 : memref<65536x768xf32, #tpu.memory_space<hbm>>) dst(%dma_wait3A_325 : memref<64x768xf32, #tpu.memory_space<vmem>>)
    %add3A_331 = arith.constant 1088 : i32
    %add3A_332 = arith.addi %mul3A_2, %add3A_331 : i32
    "tpu.region"() ({
      %run_scoped3A = tpu.sem_alloc : memref<!tpu.dma_semaphore, #tpu.memory_space<semaphore_mem>>
      %dma_start3A_415 = arith.constant 0 : i32
      %dma_start3A_416 = arith.constant 0 : i32
      %dma_start3A_417 = tpu.memref_slice %arg7[%dma_start3A_415, %dma_start3A_416] : memref<64x768xf32, #tpu.memory_space<vmem>> -> memref<64x768xf32, #tpu.memory_space<vmem>>
      %dma_start3A_418 = arith.constant 0 : i32
      %dma_start3A_419 = tpu.memref_slice %arg4[%add3A_332, %dma_start3A_418] : memref<46336x768xf32, #tpu.memory_space<hbm>> -> memref<64x768xf32, #tpu.memory_space<hbm>>
      %dma_start3A_420 = arith.constant 0 : i32
      %dma_start3A_421 = tpu.memref_slice %arg4[%add3A_332, %dma_start3A_420] : memref<46336x768xf32, #tpu.memory_space<hbm>> -> memref<64x768xf32, #tpu.memory_space<hbm>>
      %dma_start3A_422 = arith.constant 0 : i32
      %dma_start3A_423 = arith.constant 0 : i32
      %dma_start3A_424 = tpu.memref_slice %arg7[%dma_start3A_422, %dma_start3A_423] : memref<64x768xf32, #tpu.memory_space<vmem>> -> memref<64x768xf32, #tpu.memory_space<vmem>>
      tpu.enqueue_dma source(%dma_start3A_424 : memref<64x768xf32, #tpu.memory_space<vmem>>) target(%dma_start3A_421 : memref<64x768xf32, #tpu.memory_space<hbm>>) target_semaphore(%run_scoped3A : memref<!tpu.dma_semaphore, #tpu.memory_space<semaphore_mem>>)
      %dma_wait3A_425 = arith.constant 0 : i32
      %dma_wait3A_426 = arith.constant 0 : i32
      %dma_wait3A_427 = tpu.memref_slice %arg7[%dma_wait3A_425, %dma_wait3A_426] : memref<64x768xf32, #tpu.memory_space<vmem>> -> memref<64x768xf32, #tpu.memory_space<vmem>>
      %dma_wait3A_428 = arith.constant 0 : i32
      %dma_wait3A_429 = tpu.memref_slice %arg4[%add3A_332, %dma_wait3A_428] : memref<46336x768xf32, #tpu.memory_space<hbm>> -> memref<64x768xf32, #tpu.memory_space<hbm>>
      %dma_wait3A_430 = arith.constant 0 : i32
      %dma_wait3A_431 = tpu.memref_slice %arg4[%add3A_332, %dma_wait3A_430] : memref<46336x768xf32, #tpu.memory_space<hbm>> -> memref<64x768xf32, #tpu.memory_space<hbm>>
      %dma_wait3A_432 = arith.constant 0 : i32
      %dma_wait3A_433 = arith.constant 0 : i32
      %dma_wait3A_434 = tpu.memref_slice %arg7[%dma_wait3A_432, %dma_wait3A_433] : memref<64x768xf32, #tpu.memory_space<vmem>> -> memref<64x768xf32, #tpu.memory_space<vmem>>
      tpu.wait_dma2 semaphore(%run_scoped3A : memref<!tpu.dma_semaphore, #tpu.memory_space<semaphore_mem>>) src(%dma_wait3A_434 : memref<64x768xf32, #tpu.memory_space<vmem>>) dst(%dma_wait3A_431 : memref<64x768xf32, #tpu.memory_space<hbm>>)
      tpu.yield
    }) : () -> ()
    %dma_start3A_333 = arith.constant 0 : i32
    %dma_start3A_334 = arith.constant 0 : i32
    %dma_start3A_335 = tpu.memref_slice %arg7[%dma_start3A_333, %dma_start3A_334] : memref<64x768xf32, #tpu.memory_space<vmem>> -> memref<64x768xf32, #tpu.memory_space<vmem>>
    %dma_start3A_336 = arith.constant 1216 : i32
    %dma_start3A_337 = tpu.memref_slice %arg5[%dma_start3A_336] : memref<1448xi32, #tpu.memory_space<vmem>> -> memref<64xi32, #tpu.memory_space<vmem>>
    %dma_start3A_338 = arith.constant 0 : i32
    %dma_start3A_339 = arith.constant 0 : i32
    %dma_start3A_340 = tpu.memref_slice %arg2[%dma_start3A_338, %dma_start3A_339] : memref<65536x768xf32, #tpu.memory_space<hbm>> -> memref<65536x768xf32, #tpu.memory_space<hbm>>
    tpu.enqueue_indirect_dma source(%dma_start3A_340 : memref<65536x768xf32, #tpu.memory_space<hbm>>) target(%dma_start3A_335 : memref<64x768xf32, #tpu.memory_space<vmem>>) offsets(%dma_start3A_337 : memref<64xi32, #tpu.memory_space<vmem>>) semaphore(%arg9 : memref<!tpu.dma_semaphore, #tpu.memory_space<semaphore_mem>>)
    %dma_wait3A_341 = arith.constant 0 : i32
    %dma_wait3A_342 = arith.constant 0 : i32
    %dma_wait3A_343 = tpu.memref_slice %arg6[%dma_wait3A_341, %dma_wait3A_342] : memref<64x768xf32, #tpu.memory_space<vmem>> -> memref<64x768xf32, #tpu.memory_space<vmem>>
    %dma_wait3A_344 = arith.constant 1152 : i32
    %dma_wait3A_345 = tpu.memref_slice %arg5[%dma_wait3A_344] : memref<1448xi32, #tpu.memory_space<vmem>> -> memref<64xi32, #tpu.memory_space<vmem>>
    %dma_wait3A_346 = arith.constant 0 : i32
    %dma_wait3A_347 = arith.constant 0 : i32
    %dma_wait3A_348 = tpu.memref_slice %arg2[%dma_wait3A_346, %dma_wait3A_347] : memref<65536x768xf32, #tpu.memory_space<hbm>> -> memref<65536x768xf32, #tpu.memory_space<hbm>>
    tpu.wait_indirect_dma semaphore(%arg8 : memref<!tpu.dma_semaphore, #tpu.memory_space<semaphore_mem>>) src(%dma_wait3A_348 : memref<65536x768xf32, #tpu.memory_space<hbm>>) dst(%dma_wait3A_343 : memref<64x768xf32, #tpu.memory_space<vmem>>)
    %add3A_349 = arith.constant 1152 : i32
    %add3A_350 = arith.addi %mul3A_2, %add3A_349 : i32
    "tpu.region"() ({
      %run_scoped3A = tpu.sem_alloc : memref<!tpu.dma_semaphore, #tpu.memory_space<semaphore_mem>>
      %dma_start3A_415 = arith.constant 0 : i32
      %dma_start3A_416 = arith.constant 0 : i32
      %dma_start3A_417 = tpu.memref_slice %arg6[%dma_start3A_415, %dma_start3A_416] : memref<64x768xf32, #tpu.memory_space<vmem>> -> memref<64x768xf32, #tpu.memory_space<vmem>>
      %dma_start3A_418 = arith.constant 0 : i32
      %dma_start3A_419 = tpu.memref_slice %arg4[%add3A_350, %dma_start3A_418] : memref<46336x768xf32, #tpu.memory_space<hbm>> -> memref<64x768xf32, #tpu.memory_space<hbm>>
      %dma_start3A_420 = arith.constant 0 : i32
      %dma_start3A_421 = tpu.memref_slice %arg4[%add3A_350, %dma_start3A_420] : memref<46336x768xf32, #tpu.memory_space<hbm>> -> memref<64x768xf32, #tpu.memory_space<hbm>>
      %dma_start3A_422 = arith.constant 0 : i32
      %dma_start3A_423 = arith.constant 0 : i32
      %dma_start3A_424 = tpu.memref_slice %arg6[%dma_start3A_422, %dma_start3A_423] : memref<64x768xf32, #tpu.memory_space<vmem>> -> memref<64x768xf32, #tpu.memory_space<vmem>>
      tpu.enqueue_dma source(%dma_start3A_424 : memref<64x768xf32, #tpu.memory_space<vmem>>) target(%dma_start3A_421 : memref<64x768xf32, #tpu.memory_space<hbm>>) target_semaphore(%run_scoped3A : memref<!tpu.dma_semaphore, #tpu.memory_space<semaphore_mem>>)
      %dma_wait3A_425 = arith.constant 0 : i32
      %dma_wait3A_426 = arith.constant 0 : i32
      %dma_wait3A_427 = tpu.memref_slice %arg6[%dma_wait3A_425, %dma_wait3A_426] : memref<64x768xf32, #tpu.memory_space<vmem>> -> memref<64x768xf32, #tpu.memory_space<vmem>>
      %dma_wait3A_428 = arith.constant 0 : i32
      %dma_wait3A_429 = tpu.memref_slice %arg4[%add3A_350, %dma_wait3A_428] : memref<46336x768xf32, #tpu.memory_space<hbm>> -> memref<64x768xf32, #tpu.memory_space<hbm>>
      %dma_wait3A_430 = arith.constant 0 : i32
      %dma_wait3A_431 = tpu.memref_slice %arg4[%add3A_350, %dma_wait3A_430] : memref<46336x768xf32, #tpu.memory_space<hbm>> -> memref<64x768xf32, #tpu.memory_space<hbm>>
      %dma_wait3A_432 = arith.constant 0 : i32
      %dma_wait3A_433 = arith.constant 0 : i32
      %dma_wait3A_434 = tpu.memref_slice %arg6[%dma_wait3A_432, %dma_wait3A_433] : memref<64x768xf32, #tpu.memory_space<vmem>> -> memref<64x768xf32, #tpu.memory_space<vmem>>
      tpu.wait_dma2 semaphore(%run_scoped3A : memref<!tpu.dma_semaphore, #tpu.memory_space<semaphore_mem>>) src(%dma_wait3A_434 : memref<64x768xf32, #tpu.memory_space<vmem>>) dst(%dma_wait3A_431 : memref<64x768xf32, #tpu.memory_space<hbm>>)
      tpu.yield
    }) : () -> ()
    %dma_start3A_351 = arith.constant 0 : i32
    %dma_start3A_352 = arith.constant 0 : i32
    %dma_start3A_353 = tpu.memref_slice %arg6[%dma_start3A_351, %dma_start3A_352] : memref<64x768xf32, #tpu.memory_space<vmem>> -> memref<64x768xf32, #tpu.memory_space<vmem>>
    %dma_start3A_354 = arith.constant 1280 : i32
    %dma_start3A_355 = tpu.memref_slice %arg5[%dma_start3A_354] : memref<1448xi32, #tpu.memory_space<vmem>> -> memref<64xi32, #tpu.memory_space<vmem>>
    %dma_start3A_356 = arith.constant 0 : i32
    %dma_start3A_357 = arith.constant 0 : i32
    %dma_start3A_358 = tpu.memref_slice %arg2[%dma_start3A_356, %dma_start3A_357] : memref<65536x768xf32, #tpu.memory_space<hbm>> -> memref<65536x768xf32, #tpu.memory_space<hbm>>
    tpu.enqueue_indirect_dma source(%dma_start3A_358 : memref<65536x768xf32, #tpu.memory_space<hbm>>) target(%dma_start3A_353 : memref<64x768xf32, #tpu.memory_space<vmem>>) offsets(%dma_start3A_355 : memref<64xi32, #tpu.memory_space<vmem>>) semaphore(%arg8 : memref<!tpu.dma_semaphore, #tpu.memory_space<semaphore_mem>>)
    %dma_wait3A_359 = arith.constant 0 : i32
    %dma_wait3A_360 = arith.constant 0 : i32
    %dma_wait3A_361 = tpu.memref_slice %arg7[%dma_wait3A_359, %dma_wait3A_360] : memref<64x768xf32, #tpu.memory_space<vmem>> -> memref<64x768xf32, #tpu.memory_space<vmem>>
    %dma_wait3A_362 = arith.constant 1216 : i32
    %dma_wait3A_363 = tpu.memref_slice %arg5[%dma_wait3A_362] : memref<1448xi32, #tpu.memory_space<vmem>> -> memref<64xi32, #tpu.memory_space<vmem>>
    %dma_wait3A_364 = arith.constant 0 : i32
    %dma_wait3A_365 = arith.constant 0 : i32
    %dma_wait3A_366 = tpu.memref_slice %arg2[%dma_wait3A_364, %dma_wait3A_365] : memref<65536x768xf32, #tpu.memory_space<hbm>> -> memref<65536x768xf32, #tpu.memory_space<hbm>>
    tpu.wait_indirect_dma semaphore(%arg9 : memref<!tpu.dma_semaphore, #tpu.memory_space<semaphore_mem>>) src(%dma_wait3A_366 : memref<65536x768xf32, #tpu.memory_space<hbm>>) dst(%dma_wait3A_361 : memref<64x768xf32, #tpu.memory_space<vmem>>)
    %add3A_367 = arith.constant 1216 : i32
    %add3A_368 = arith.addi %mul3A_2, %add3A_367 : i32
    "tpu.region"() ({
      %run_scoped3A = tpu.sem_alloc : memref<!tpu.dma_semaphore, #tpu.memory_space<semaphore_mem>>
      %dma_start3A_415 = arith.constant 0 : i32
      %dma_start3A_416 = arith.constant 0 : i32
      %dma_start3A_417 = tpu.memref_slice %arg7[%dma_start3A_415, %dma_start3A_416] : memref<64x768xf32, #tpu.memory_space<vmem>> -> memref<64x768xf32, #tpu.memory_space<vmem>>
      %dma_start3A_418 = arith.constant 0 : i32
      %dma_start3A_419 = tpu.memref_slice %arg4[%add3A_368, %dma_start3A_418] : memref<46336x768xf32, #tpu.memory_space<hbm>> -> memref<64x768xf32, #tpu.memory_space<hbm>>
      %dma_start3A_420 = arith.constant 0 : i32
      %dma_start3A_421 = tpu.memref_slice %arg4[%add3A_368, %dma_start3A_420] : memref<46336x768xf32, #tpu.memory_space<hbm>> -> memref<64x768xf32, #tpu.memory_space<hbm>>
      %dma_start3A_422 = arith.constant 0 : i32
      %dma_start3A_423 = arith.constant 0 : i32
      %dma_start3A_424 = tpu.memref_slice %arg7[%dma_start3A_422, %dma_start3A_423] : memref<64x768xf32, #tpu.memory_space<vmem>> -> memref<64x768xf32, #tpu.memory_space<vmem>>
      tpu.enqueue_dma source(%dma_start3A_424 : memref<64x768xf32, #tpu.memory_space<vmem>>) target(%dma_start3A_421 : memref<64x768xf32, #tpu.memory_space<hbm>>) target_semaphore(%run_scoped3A : memref<!tpu.dma_semaphore, #tpu.memory_space<semaphore_mem>>)
      %dma_wait3A_425 = arith.constant 0 : i32
      %dma_wait3A_426 = arith.constant 0 : i32
      %dma_wait3A_427 = tpu.memref_slice %arg7[%dma_wait3A_425, %dma_wait3A_426] : memref<64x768xf32, #tpu.memory_space<vmem>> -> memref<64x768xf32, #tpu.memory_space<vmem>>
      %dma_wait3A_428 = arith.constant 0 : i32
      %dma_wait3A_429 = tpu.memref_slice %arg4[%add3A_368, %dma_wait3A_428] : memref<46336x768xf32, #tpu.memory_space<hbm>> -> memref<64x768xf32, #tpu.memory_space<hbm>>
      %dma_wait3A_430 = arith.constant 0 : i32
      %dma_wait3A_431 = tpu.memref_slice %arg4[%add3A_368, %dma_wait3A_430] : memref<46336x768xf32, #tpu.memory_space<hbm>> -> memref<64x768xf32, #tpu.memory_space<hbm>>
      %dma_wait3A_432 = arith.constant 0 : i32
      %dma_wait3A_433 = arith.constant 0 : i32
      %dma_wait3A_434 = tpu.memref_slice %arg7[%dma_wait3A_432, %dma_wait3A_433] : memref<64x768xf32, #tpu.memory_space<vmem>> -> memref<64x768xf32, #tpu.memory_space<vmem>>
      tpu.wait_dma2 semaphore(%run_scoped3A : memref<!tpu.dma_semaphore, #tpu.memory_space<semaphore_mem>>) src(%dma_wait3A_434 : memref<64x768xf32, #tpu.memory_space<vmem>>) dst(%dma_wait3A_431 : memref<64x768xf32, #tpu.memory_space<hbm>>)
      tpu.yield
    }) : () -> ()
    %dma_start3A_369 = arith.constant 0 : i32
    %dma_start3A_370 = arith.constant 0 : i32
    %dma_start3A_371 = tpu.memref_slice %arg7[%dma_start3A_369, %dma_start3A_370] : memref<64x768xf32, #tpu.memory_space<vmem>> -> memref<64x768xf32, #tpu.memory_space<vmem>>
    %dma_start3A_372 = arith.constant 1344 : i32
    %dma_start3A_373 = tpu.memref_slice %arg5[%dma_start3A_372] : memref<1448xi32, #tpu.memory_space<vmem>> -> memref<64xi32, #tpu.memory_space<vmem>>
    %dma_start3A_374 = arith.constant 0 : i32
    %dma_start3A_375 = arith.constant 0 : i32
    %dma_start3A_376 = tpu.memref_slice %arg2[%dma_start3A_374, %dma_start3A_375] : memref<65536x768xf32, #tpu.memory_space<hbm>> -> memref<65536x768xf32, #tpu.memory_space<hbm>>
    tpu.enqueue_indirect_dma source(%dma_start3A_376 : memref<65536x768xf32, #tpu.memory_space<hbm>>) target(%dma_start3A_371 : memref<64x768xf32, #tpu.memory_space<vmem>>) offsets(%dma_start3A_373 : memref<64xi32, #tpu.memory_space<vmem>>) semaphore(%arg9 : memref<!tpu.dma_semaphore, #tpu.memory_space<semaphore_mem>>)
    %dma_wait3A_377 = arith.constant 0 : i32
    %dma_wait3A_378 = arith.constant 0 : i32
    %dma_wait3A_379 = tpu.memref_slice %arg6[%dma_wait3A_377, %dma_wait3A_378] : memref<64x768xf32, #tpu.memory_space<vmem>> -> memref<64x768xf32, #tpu.memory_space<vmem>>
    %dma_wait3A_380 = arith.constant 1280 : i32
    %dma_wait3A_381 = tpu.memref_slice %arg5[%dma_wait3A_380] : memref<1448xi32, #tpu.memory_space<vmem>> -> memref<64xi32, #tpu.memory_space<vmem>>
    %dma_wait3A_382 = arith.constant 0 : i32
    %dma_wait3A_383 = arith.constant 0 : i32
    %dma_wait3A_384 = tpu.memref_slice %arg2[%dma_wait3A_382, %dma_wait3A_383] : memref<65536x768xf32, #tpu.memory_space<hbm>> -> memref<65536x768xf32, #tpu.memory_space<hbm>>
    tpu.wait_indirect_dma semaphore(%arg8 : memref<!tpu.dma_semaphore, #tpu.memory_space<semaphore_mem>>) src(%dma_wait3A_384 : memref<65536x768xf32, #tpu.memory_space<hbm>>) dst(%dma_wait3A_379 : memref<64x768xf32, #tpu.memory_space<vmem>>)
    %add3A_385 = arith.constant 1280 : i32
    %add3A_386 = arith.addi %mul3A_2, %add3A_385 : i32
    "tpu.region"() ({
      %run_scoped3A = tpu.sem_alloc : memref<!tpu.dma_semaphore, #tpu.memory_space<semaphore_mem>>
      %dma_start3A_415 = arith.constant 0 : i32
      %dma_start3A_416 = arith.constant 0 : i32
      %dma_start3A_417 = tpu.memref_slice %arg6[%dma_start3A_415, %dma_start3A_416] : memref<64x768xf32, #tpu.memory_space<vmem>> -> memref<64x768xf32, #tpu.memory_space<vmem>>
      %dma_start3A_418 = arith.constant 0 : i32
      %dma_start3A_419 = tpu.memref_slice %arg4[%add3A_386, %dma_start3A_418] : memref<46336x768xf32, #tpu.memory_space<hbm>> -> memref<64x768xf32, #tpu.memory_space<hbm>>
      %dma_start3A_420 = arith.constant 0 : i32
      %dma_start3A_421 = tpu.memref_slice %arg4[%add3A_386, %dma_start3A_420] : memref<46336x768xf32, #tpu.memory_space<hbm>> -> memref<64x768xf32, #tpu.memory_space<hbm>>
      %dma_start3A_422 = arith.constant 0 : i32
      %dma_start3A_423 = arith.constant 0 : i32
      %dma_start3A_424 = tpu.memref_slice %arg6[%dma_start3A_422, %dma_start3A_423] : memref<64x768xf32, #tpu.memory_space<vmem>> -> memref<64x768xf32, #tpu.memory_space<vmem>>
      tpu.enqueue_dma source(%dma_start3A_424 : memref<64x768xf32, #tpu.memory_space<vmem>>) target(%dma_start3A_421 : memref<64x768xf32, #tpu.memory_space<hbm>>) target_semaphore(%run_scoped3A : memref<!tpu.dma_semaphore, #tpu.memory_space<semaphore_mem>>)
      %dma_wait3A_425 = arith.constant 0 : i32
      %dma_wait3A_426 = arith.constant 0 : i32
      %dma_wait3A_427 = tpu.memref_slice %arg6[%dma_wait3A_425, %dma_wait3A_426] : memref<64x768xf32, #tpu.memory_space<vmem>> -> memref<64x768xf32, #tpu.memory_space<vmem>>
      %dma_wait3A_428 = arith.constant 0 : i32
      %dma_wait3A_429 = tpu.memref_slice %arg4[%add3A_386, %dma_wait3A_428] : memref<46336x768xf32, #tpu.memory_space<hbm>> -> memref<64x768xf32, #tpu.memory_space<hbm>>
      %dma_wait3A_430 = arith.constant 0 : i32
      %dma_wait3A_431 = tpu.memref_slice %arg4[%add3A_386, %dma_wait3A_430] : memref<46336x768xf32, #tpu.memory_space<hbm>> -> memref<64x768xf32, #tpu.memory_space<hbm>>
      %dma_wait3A_432 = arith.constant 0 : i32
      %dma_wait3A_433 = arith.constant 0 : i32
      %dma_wait3A_434 = tpu.memref_slice %arg6[%dma_wait3A_432, %dma_wait3A_433] : memref<64x768xf32, #tpu.memory_space<vmem>> -> memref<64x768xf32, #tpu.memory_space<vmem>>
      tpu.wait_dma2 semaphore(%run_scoped3A : memref<!tpu.dma_semaphore, #tpu.memory_space<semaphore_mem>>) src(%dma_wait3A_434 : memref<64x768xf32, #tpu.memory_space<vmem>>) dst(%dma_wait3A_431 : memref<64x768xf32, #tpu.memory_space<hbm>>)
      tpu.yield
    }) : () -> ()
    %dma_start3A_387 = arith.constant 0 : i32
    %dma_start3A_388 = arith.constant 0 : i32
    %dma_start3A_389 = tpu.memref_slice %arg6[%dma_start3A_387, %dma_start3A_388] : memref<64x768xf32, #tpu.memory_space<vmem>> -> memref<40x768xf32, #tpu.memory_space<vmem>>
    %dma_start3A_390 = arith.constant 1408 : i32
    %dma_start3A_391 = tpu.memref_slice %arg5[%dma_start3A_390] : memref<1448xi32, #tpu.memory_space<vmem>> -> memref<40xi32, #tpu.memory_space<vmem>>
    %dma_start3A_392 = arith.constant 0 : i32
    %dma_start3A_393 = arith.constant 0 : i32
    %dma_start3A_394 = tpu.memref_slice %arg2[%dma_start3A_392, %dma_start3A_393] : memref<65536x768xf32, #tpu.memory_space<hbm>> -> memref<65536x768xf32, #tpu.memory_space<hbm>>
    tpu.enqueue_indirect_dma source(%dma_start3A_394 : memref<65536x768xf32, #tpu.memory_space<hbm>>) target(%dma_start3A_389 : memref<40x768xf32, #tpu.memory_space<vmem>>) offsets(%dma_start3A_391 : memref<40xi32, #tpu.memory_space<vmem>>) semaphore(%arg8 : memref<!tpu.dma_semaphore, #tpu.memory_space<semaphore_mem>>)
    %dma_wait3A_395 = arith.constant 0 : i32
    %dma_wait3A_396 = arith.constant 0 : i32
    %dma_wait3A_397 = tpu.memref_slice %arg7[%dma_wait3A_395, %dma_wait3A_396] : memref<64x768xf32, #tpu.memory_space<vmem>> -> memref<64x768xf32, #tpu.memory_space<vmem>>
    %dma_wait3A_398 = arith.constant 1344 : i32
    %dma_wait3A_399 = tpu.memref_slice %arg5[%dma_wait3A_398] : memref<1448xi32, #tpu.memory_space<vmem>> -> memref<64xi32, #tpu.memory_space<vmem>>
    %dma_wait3A_400 = arith.constant 0 : i32
    %dma_wait3A_401 = arith.constant 0 : i32
    %dma_wait3A_402 = tpu.memref_slice %arg2[%dma_wait3A_400, %dma_wait3A_401] : memref<65536x768xf32, #tpu.memory_space<hbm>> -> memref<65536x768xf32, #tpu.memory_space<hbm>>
    tpu.wait_indirect_dma semaphore(%arg9 : memref<!tpu.dma_semaphore, #tpu.memory_space<semaphore_mem>>) src(%dma_wait3A_402 : memref<65536x768xf32, #tpu.memory_space<hbm>>) dst(%dma_wait3A_397 : memref<64x768xf32, #tpu.memory_space<vmem>>)
    %add3A_403 = arith.constant 1344 : i32
    %add3A_404 = arith.addi %mul3A_2, %add3A_403 : i32
    "tpu.region"() ({
      %run_scoped3A = tpu.sem_alloc : memref<!tpu.dma_semaphore, #tpu.memory_space<semaphore_mem>>
      %dma_start3A_415 = arith.constant 0 : i32
      %dma_start3A_416 = arith.constant 0 : i32
      %dma_start3A_417 = tpu.memref_slice %arg7[%dma_start3A_415, %dma_start3A_416] : memref<64x768xf32, #tpu.memory_space<vmem>> -> memref<64x768xf32, #tpu.memory_space<vmem>>
      %dma_start3A_418 = arith.constant 0 : i32
      %dma_start3A_419 = tpu.memref_slice %arg4[%add3A_404, %dma_start3A_418] : memref<46336x768xf32, #tpu.memory_space<hbm>> -> memref<64x768xf32, #tpu.memory_space<hbm>>
      %dma_start3A_420 = arith.constant 0 : i32
      %dma_start3A_421 = tpu.memref_slice %arg4[%add3A_404, %dma_start3A_420] : memref<46336x768xf32, #tpu.memory_space<hbm>> -> memref<64x768xf32, #tpu.memory_space<hbm>>
      %dma_start3A_422 = arith.constant 0 : i32
      %dma_start3A_423 = arith.constant 0 : i32
      %dma_start3A_424 = tpu.memref_slice %arg7[%dma_start3A_422, %dma_start3A_423] : memref<64x768xf32, #tpu.memory_space<vmem>> -> memref<64x768xf32, #tpu.memory_space<vmem>>
      tpu.enqueue_dma source(%dma_start3A_424 : memref<64x768xf32, #tpu.memory_space<vmem>>) target(%dma_start3A_421 : memref<64x768xf32, #tpu.memory_space<hbm>>) target_semaphore(%run_scoped3A : memref<!tpu.dma_semaphore, #tpu.memory_space<semaphore_mem>>)
      %dma_wait3A_425 = arith.constant 0 : i32
      %dma_wait3A_426 = arith.constant 0 : i32
      %dma_wait3A_427 = tpu.memref_slice %arg7[%dma_wait3A_425, %dma_wait3A_426] : memref<64x768xf32, #tpu.memory_space<vmem>> -> memref<64x768xf32, #tpu.memory_space<vmem>>
      %dma_wait3A_428 = arith.constant 0 : i32
      %dma_wait3A_429 = tpu.memref_slice %arg4[%add3A_404, %dma_wait3A_428] : memref<46336x768xf32, #tpu.memory_space<hbm>> -> memref<64x768xf32, #tpu.memory_space<hbm>>
      %dma_wait3A_430 = arith.constant 0 : i32
      %dma_wait3A_431 = tpu.memref_slice %arg4[%add3A_404, %dma_wait3A_430] : memref<46336x768xf32, #tpu.memory_space<hbm>> -> memref<64x768xf32, #tpu.memory_space<hbm>>
      %dma_wait3A_432 = arith.constant 0 : i32
      %dma_wait3A_433 = arith.constant 0 : i32
      %dma_wait3A_434 = tpu.memref_slice %arg7[%dma_wait3A_432, %dma_wait3A_433] : memref<64x768xf32, #tpu.memory_space<vmem>> -> memref<64x768xf32, #tpu.memory_space<vmem>>
      tpu.wait_dma2 semaphore(%run_scoped3A : memref<!tpu.dma_semaphore, #tpu.memory_space<semaphore_mem>>) src(%dma_wait3A_434 : memref<64x768xf32, #tpu.memory_space<vmem>>) dst(%dma_wait3A_431 : memref<64x768xf32, #tpu.memory_space<hbm>>)
      tpu.yield
    }) : () -> ()
    %dma_wait3A_405 = arith.constant 0 : i32
    %dma_wait3A_406 = arith.constant 0 : i32
    %dma_wait3A_407 = tpu.memref_slice %arg6[%dma_wait3A_405, %dma_wait3A_406] : memref<64x768xf32, #tpu.memory_space<vmem>> -> memref<40x768xf32, #tpu.memory_space<vmem>>
    %dma_wait3A_408 = arith.constant 1408 : i32
    %dma_wait3A_409 = tpu.memref_slice %arg5[%dma_wait3A_408] : memref<1448xi32, #tpu.memory_space<vmem>> -> memref<40xi32, #tpu.memory_space<vmem>>
    %dma_wait3A_410 = arith.constant 0 : i32
    %dma_wait3A_411 = arith.constant 0 : i32
    %dma_wait3A_412 = tpu.memref_slice %arg2[%dma_wait3A_410, %dma_wait3A_411] : memref<65536x768xf32, #tpu.memory_space<hbm>> -> memref<65536x768xf32, #tpu.memory_space<hbm>>
    tpu.wait_indirect_dma semaphore(%arg8 : memref<!tpu.dma_semaphore, #tpu.memory_space<semaphore_mem>>) src(%dma_wait3A_412 : memref<65536x768xf32, #tpu.memory_space<hbm>>) dst(%dma_wait3A_407 : memref<40x768xf32, #tpu.memory_space<vmem>>)
    %add3A_413 = arith.constant 1408 : i32
    %add3A_414 = arith.addi %mul3A_2, %add3A_413 : i32
    "tpu.region"() ({
      %run_scoped3A = tpu.sem_alloc : memref<!tpu.dma_semaphore, #tpu.memory_space<semaphore_mem>>
      %dma_start3A_415 = arith.constant 0 : i32
      %dma_start3A_416 = arith.constant 0 : i32
      %dma_start3A_417 = tpu.memref_slice %arg6[%dma_start3A_415, %dma_start3A_416] : memref<64x768xf32, #tpu.memory_space<vmem>> -> memref<40x768xf32, #tpu.memory_space<vmem>>
      %dma_start3A_418 = arith.constant 0 : i32
      %dma_start3A_419 = tpu.memref_slice %arg4[%add3A_414, %dma_start3A_418] : memref<46336x768xf32, #tpu.memory_space<hbm>> -> memref<40x768xf32, #tpu.memory_space<hbm>>
      %dma_start3A_420 = arith.constant 0 : i32
      %dma_start3A_421 = tpu.memref_slice %arg4[%add3A_414, %dma_start3A_420] : memref<46336x768xf32, #tpu.memory_space<hbm>> -> memref<40x768xf32, #tpu.memory_space<hbm>>
      %dma_start3A_422 = arith.constant 0 : i32
      %dma_start3A_423 = arith.constant 0 : i32
      %dma_start3A_424 = tpu.memref_slice %arg6[%dma_start3A_422, %dma_start3A_423] : memref<64x768xf32, #tpu.memory_space<vmem>> -> memref<40x768xf32, #tpu.memory_space<vmem>>
      tpu.enqueue_dma source(%dma_start3A_424 : memref<40x768xf32, #tpu.memory_space<vmem>>) target(%dma_start3A_421 : memref<40x768xf32, #tpu.memory_space<hbm>>) target_semaphore(%run_scoped3A : memref<!tpu.dma_semaphore, #tpu.memory_space<semaphore_mem>>)
      %dma_wait3A_425 = arith.constant 0 : i32
      %dma_wait3A_426 = arith.constant 0 : i32
      %dma_wait3A_427 = tpu.memref_slice %arg6[%dma_wait3A_425, %dma_wait3A_426] : memref<64x768xf32, #tpu.memory_space<vmem>> -> memref<40x768xf32, #tpu.memory_space<vmem>>
      %dma_wait3A_428 = arith.constant 0 : i32
      %dma_wait3A_429 = tpu.memref_slice %arg4[%add3A_414, %dma_wait3A_428] : memref<46336x768xf32, #tpu.memory_space<hbm>> -> memref<40x768xf32, #tpu.memory_space<hbm>>
      %dma_wait3A_430 = arith.constant 0 : i32
      %dma_wait3A_431 = tpu.memref_slice %arg4[%add3A_414, %dma_wait3A_430] : memref<46336x768xf32, #tpu.memory_space<hbm>> -> memref<40x768xf32, #tpu.memory_space<hbm>>
      %dma_wait3A_432 = arith.constant 0 : i32
      %dma_wait3A_433 = arith.constant 0 : i32
      %dma_wait3A_434 = tpu.memref_slice %arg6[%dma_wait3A_432, %dma_wait3A_433] : memref<64x768xf32, #tpu.memory_space<vmem>> -> memref<40x768xf32, #tpu.memory_space<vmem>>
      tpu.wait_dma2 semaphore(%run_scoped3A : memref<!tpu.dma_semaphore, #tpu.memory_space<semaphore_mem>>) src(%dma_wait3A_434 : memref<40x768xf32, #tpu.memory_space<vmem>>) dst(%dma_wait3A_431 : memref<40x768xf32, #tpu.memory_space<hbm>>)
      tpu.yield
    }) : () -> ()
    return
  }
}

module attributes {stable_mosaic.version = 14 : i64} {
  func.func @_tc_body(%arg0: i32, %arg1: memref<1024x256xbf16, #tpu.memory_space<vmem>>, %arg2: memref<1024x256xbf16, #tpu.memory_space<vmem>>, %arg3: memref<1024x1024xbf16, #tpu.memory_space<vmem>>, %arg4: memref<2x768x1024xf32, #tpu.memory_space<vmem>>, %arg5: memref<2048x768xf32, #tpu.memory_space<vmem>>, %arg6: memref<2x1x724xi32, #tpu.memory_space<vmem>>, %arg7: memref<2x1x724xi32, #tpu.memory_space<vmem>>) attributes {dimension_semantics = [#tpu.dimension_semantics<arbitrary>], iteration_bounds = array<i64: 32>, scalar_prefetch = 0 : i64, scratch_operands = 0 : i64, tpu.core_type = #tpu.core_type<tc>, window_params = [{pipeline_mode = #tpu.pipeline_mode<synchronous>, transform_indices = @transform_0, window_bounds = array<i64: 1024, 256>}, {pipeline_mode = #tpu.pipeline_mode<synchronous>, transform_indices = @transform_1, window_bounds = array<i64: 1024, 256>}, {pipeline_mode = #tpu.pipeline_mode<synchronous>, transform_indices = @transform_2, window_bounds = array<i64: 1024, 1024>}, {transform_indices = @transform_3, window_bounds = array<i64: 2, 768, 1024>}, {transform_indices = @transform_4, window_bounds = array<i64: 2048, 768>}, {transform_indices = @transform_5, window_bounds = array<i64: 2, 1, 724>}, {transform_indices = @transform_6, window_bounds = array<i64: 2, 1, 724>}]} {
    %get3A = arith.constant 0 : index
    %get3A_0 = arith.constant 0 : index
    %get3A_1 = arith.constant 0 : index
    %get3A_2 = vector.load %arg4[%get3A, %get3A_0, %get3A_1] : memref<2x768x1024xf32, #tpu.memory_space<vmem>>, vector<1x768x1024xf32>
    %get3A_3 = vector.shape_cast %get3A_2 : vector<1x768x1024xf32> to vector<768x1024xf32>
    %iota3A = tpu.iota {dimensions = array<i32: 1>} : vector<1x1024xi32>
    %jit3A = arith.constant 32 : i32
    %eq3A = arith.constant 0 : i32
    %eq3A_4 = arith.cmpi eq, %jit3A, %eq3A : i32
    %jit3A_5 = arith.constant 1 : i32
    %select_n3A = arith.select %eq3A_4, %jit3A_5, %jit3A : i32
    %rem3A = vector.broadcast %select_n3A : i32 to vector<1x1024xi32>
    %rem3A_6 = arith.remsi %iota3A, %rem3A : vector<1x1024xi32>
    %ne3A = arith.constant 0 : i32
    %ne3A_7 = vector.broadcast %ne3A : i32 to vector<1x1024xi32>
    %ne3A_8 = arith.cmpi ne, %rem3A_6, %ne3A_7 : vector<1x1024xi32>
    %lt3A = arith.constant 0 : i32
    %lt3A_9 = vector.broadcast %lt3A : i32 to vector<1x1024xi32>
    %lt3A_10 = arith.cmpi slt, %rem3A_6, %lt3A_9 : vector<1x1024xi32>
    %lt3A_11 = arith.constant 0 : i32
    %lt3A_12 = arith.cmpi slt, %select_n3A, %lt3A_11 : i32
    %ne3A_13 = vector.broadcast %lt3A_12 : i1 to vector<1x1024xi1>
    %ne3A_14 = vector.broadcast %ne3A_13 : vector<1x1024xi1> to vector<1x1024xi1>
    %ne3A_15 = arith.xori %lt3A_10, %ne3A_14 : vector<1x1024xi1>
    %and3A = arith.andi %ne3A_15, %ne3A_8 : vector<1x1024xi1>
    %add3A = vector.broadcast %select_n3A : i32 to vector<1x1024xi32>
    %add3A_16 = arith.addi %rem3A_6, %add3A : vector<1x1024xi32>
    %select_n3A_17 = arith.select %and3A, %add3A_16, %rem3A_6 : vector<1x1024xi1>, vector<1x1024xi32>
    %jit3A_18 = arith.constant 32 : i32
    %div3A = vector.broadcast %jit3A_18 : i32 to vector<1x1024xi32>
    %div3A_19 = arith.divsi %iota3A, %div3A : vector<1x1024xi32>
    %sign3A = arith.constant 0 : i32
    %sign3A_20 = vector.broadcast %sign3A : i32 to vector<1x1024xi32>
    %sign3A_21 = arith.cmpi sgt, %iota3A, %sign3A_20 : vector<1x1024xi32>
    %sign3A_22 = arith.extui %sign3A_21 : vector<1x1024xi1> to vector<1x1024xi32>
    %sign3A_23 = arith.constant 0 : i32
    %sign3A_24 = vector.broadcast %sign3A_23 : i32 to vector<1x1024xi32>
    %sign3A_25 = arith.cmpi slt, %iota3A, %sign3A_24 : vector<1x1024xi32>
    %sign3A_26 = arith.extui %sign3A_25 : vector<1x1024xi1> to vector<1x1024xi32>
    %sign3A_27 = arith.subi %sign3A_22, %sign3A_26 : vector<1x1024xi32>
    %sign3A_28 = arith.constant 0 : i32
    %sign3A_29 = arith.cmpi sgt, %jit3A_18, %sign3A_28 : i32
    %sign3A_30 = arith.extui %sign3A_29 : i1 to i32
    %sign3A_31 = arith.constant 0 : i32
    %sign3A_32 = arith.cmpi slt, %jit3A_18, %sign3A_31 : i32
    %sign3A_33 = arith.extui %sign3A_32 : i1 to i32
    %sign3A_34 = arith.subi %sign3A_30, %sign3A_33 : i32
    %ne3A_35 = vector.broadcast %sign3A_34 : i32 to vector<1x1024xi32>
    %ne3A_36 = arith.cmpi ne, %sign3A_27, %ne3A_35 : vector<1x1024xi32>
    %rem3A_37 = vector.broadcast %jit3A_18 : i32 to vector<1x1024xi32>
    %rem3A_38 = arith.remsi %iota3A, %rem3A_37 : vector<1x1024xi32>
    %ne3A_39 = arith.constant 0 : i32
    %ne3A_40 = vector.broadcast %ne3A_39 : i32 to vector<1x1024xi32>
    %ne3A_41 = arith.cmpi ne, %rem3A_38, %ne3A_40 : vector<1x1024xi32>
    %and3A_42 = arith.andi %ne3A_36, %ne3A_41 : vector<1x1024xi1>
    %sub3A = arith.constant 1 : i32
    %sub3A_43 = vector.broadcast %sub3A : i32 to vector<1x1024xi32>
    %sub3A_44 = arith.subi %div3A_19, %sub3A_43 : vector<1x1024xi32>
    %select_n3A_45 = arith.select %and3A_42, %sub3A_44, %div3A_19 : vector<1x1024xi1>, vector<1x1024xi32>
    %and3A_46 = arith.constant 1 : i32
    %and3A_47 = vector.broadcast %and3A_46 : i32 to vector<1x1024xi32>
    %and3A_48 = arith.andi %select_n3A_17, %and3A_47 : vector<1x1024xi32>
    %eq3A_49 = arith.constant 0 : i32
    %eq3A_50 = vector.broadcast %eq3A_49 : i32 to vector<1x1024xi32>
    %eq3A_51 = arith.cmpi eq, %and3A_48, %eq3A_50 : vector<1x1024xi32>
    %and3A_52 = arith.constant 1 : i32
    %and3A_53 = vector.broadcast %and3A_52 : i32 to vector<1x1024xi32>
    %and3A_54 = arith.andi %select_n3A_45, %and3A_53 : vector<1x1024xi32>
    %eq3A_55 = arith.constant 0 : i32
    %eq3A_56 = vector.broadcast %eq3A_55 : i32 to vector<1x1024xi32>
    %eq3A_57 = arith.cmpi eq, %and3A_54, %eq3A_56 : vector<1x1024xi32>
    %slice3A = vector.extract_strided_slice %get3A_3 {offsets = [0, 1023], sizes = [768, 1], strides = [1, 1]} : vector<768x1024xf32> to vector<768x1xf32>
    %slice3A_58 = vector.extract_strided_slice %get3A_3 {offsets = [0, 0], sizes = [768, 1023], strides = [1, 1]} : vector<768x1024xf32> to vector<768x1023xf32>
    %concatenate3A = tpu.concatenate %slice3A, %slice3A_58 in 1 : vector<768x1xf32>, vector<768x1023xf32> -> vector<768x1024xf32>
    %broadcast_in_dim3A = vector.shape_cast %eq3A_51 : vector<1x1024xi1> to vector<1x1024xi1>
    %broadcast_in_dim3A_59 = vector.broadcast %broadcast_in_dim3A : vector<1x1024xi1> to vector<768x1024xi1>
    %select_n3A_60 = arith.select %broadcast_in_dim3A_59, %get3A_3, %concatenate3A : vector<768x1024xi1>, vector<768x1024xf32>
    %slice3A_61 = vector.extract_strided_slice %select_n3A_60 {offsets = [0, 992], sizes = [768, 32], strides = [1, 1]} : vector<768x1024xf32> to vector<768x32xf32>
    %slice3A_62 = vector.extract_strided_slice %select_n3A_60 {offsets = [0, 0], sizes = [768, 992], strides = [1, 1]} : vector<768x1024xf32> to vector<768x992xf32>
    %concatenate3A_63 = tpu.concatenate %slice3A_61, %slice3A_62 in 1 : vector<768x32xf32>, vector<768x992xf32> -> vector<768x1024xf32>
    %broadcast_in_dim3A_64 = vector.shape_cast %eq3A_57 : vector<1x1024xi1> to vector<1x1024xi1>
    %broadcast_in_dim3A_65 = vector.broadcast %broadcast_in_dim3A_64 : vector<1x1024xi1> to vector<768x1024xi1>
    %select_n3A_66 = arith.select %broadcast_in_dim3A_65, %select_n3A_60, %concatenate3A_63 : vector<768x1024xi1>, vector<768x1024xf32>
    %sub3A_67 = arith.subf %get3A_3, %select_n3A_66 : vector<768x1024xf32>
    %abs3A = math.absf %sub3A_67 : vector<768x1024xf32>
    %reduce_sum3A = arith.constant dense<0.000000e+00> : vector<1024xf32>
    %reduce_sum3A_68 = vector.multi_reduction <add>, %abs3A, %reduce_sum3A [0] : vector<768x1024xf32> to vector<1024xf32>
    %broadcast_in_dim3A_69 = vector.shape_cast %reduce_sum3A_68 : vector<1024xf32> to vector<1x1024xf32>
    %slice3A_70 = vector.extract_strided_slice %broadcast_in_dim3A_69 {offsets = [0, 1], sizes = [1, 1023], strides = [1, 1]} : vector<1x1024xf32> to vector<1x1023xf32>
    %slice3A_71 = vector.extract_strided_slice %broadcast_in_dim3A_69 {offsets = [0, 0], sizes = [1, 1], strides = [1, 1]} : vector<1x1024xf32> to vector<1x1xf32>
    %concatenate3A_72 = tpu.concatenate %slice3A_70, %slice3A_71 in 1 : vector<1x1023xf32>, vector<1x1xf32> -> vector<1x1024xf32>
    %add3A_73 = arith.addf %broadcast_in_dim3A_69, %concatenate3A_72 : vector<1x1024xf32>
    %slice3A_74 = vector.extract_strided_slice %add3A_73 {offsets = [0, 32], sizes = [1, 992], strides = [1, 1]} : vector<1x1024xf32> to vector<1x992xf32>
    %slice3A_75 = vector.extract_strided_slice %add3A_73 {offsets = [0, 0], sizes = [1, 32], strides = [1, 1]} : vector<1x1024xf32> to vector<1x32xf32>
    %concatenate3A_76 = tpu.concatenate %slice3A_74, %slice3A_75 in 1 : vector<1x992xf32>, vector<1x32xf32> -> vector<1x1024xf32>
    %add3A_77 = arith.addf %add3A_73, %concatenate3A_76 : vector<1x1024xf32>
    %convert_element_type3A = arith.truncf %add3A_77 : vector<1x1024xf32> to vector<1x1024xbf16>
    %convert_element_type3A_78 = arith.extf %convert_element_type3A : vector<1x1024xbf16> to vector<1x1024xf32>
    %sub3A_79 = arith.subf %add3A_77, %convert_element_type3A_78 : vector<1x1024xf32>
    %convert_element_type3A_80 = arith.truncf %sub3A_79 : vector<1x1024xf32> to vector<1x1024xbf16>
    %convert_element_type3A_81 = arith.extf %convert_element_type3A_80 : vector<1x1024xbf16> to vector<1x1024xf32>
    %sub3A_82 = arith.subf %sub3A_79, %convert_element_type3A_81 : vector<1x1024xf32>
    %convert_element_type3A_83 = arith.truncf %sub3A_82 : vector<1x1024xf32> to vector<1x1024xbf16>
    %get3A_84 = arith.constant 0 : index
    %get3A_85 = arith.constant 0 : index
    %get3A_86 = vector.load %arg2[%get3A_84, %get3A_85] : memref<1024x256xbf16, #tpu.memory_space<vmem>>, vector<1024x256xbf16>
    %dot_general3A = arith.constant dense<0.000000e+00> : vector<1x256xf32>
    %dot_general3A_87 = tpu.matmul %convert_element_type3A, %get3A_86, %dot_general3A {dimension_numbers = #tpu.dot_dimension_numbers<[1], [0], [0], [1], [0, 0, 1, 1], [], []>, transpose_lhs_hint = false} : vector<1x1024xbf16>, vector<1024x256xbf16>, vector<1x256xf32> -> vector<1x256xf32>
    %dot_general3A_88 = arith.constant dense<0.000000e+00> : vector<1x256xf32>
    %dot_general3A_89 = tpu.matmul %convert_element_type3A_80, %get3A_86, %dot_general3A_88 {dimension_numbers = #tpu.dot_dimension_numbers<[1], [0], [0], [1], [0, 0, 1, 1], [], []>, transpose_lhs_hint = false} : vector<1x1024xbf16>, vector<1024x256xbf16>, vector<1x256xf32> -> vector<1x256xf32>
    %add3A_90 = arith.addf %dot_general3A_87, %dot_general3A_89 : vector<1x256xf32>
    %dot_general3A_91 = arith.constant dense<0.000000e+00> : vector<1x256xf32>
    %dot_general3A_92 = tpu.matmul %convert_element_type3A_83, %get3A_86, %dot_general3A_91 {dimension_numbers = #tpu.dot_dimension_numbers<[1], [0], [0], [1], [0, 0, 1, 1], [], []>, transpose_lhs_hint = false} : vector<1x1024xbf16>, vector<1024x256xbf16>, vector<1x256xf32> -> vector<1x256xf32>
    %add3A_93 = arith.addf %add3A_90, %dot_general3A_92 : vector<1x256xf32>
    %broadcast_in_dim3A_94 = vector.shape_cast %add3A_93 : vector<1x256xf32> to vector<1x256xf32>
    %broadcast_in_dim3A_95 = vector.broadcast %broadcast_in_dim3A_94 : vector<1x256xf32> to vector<256x256xf32>
    %transpose3A = tpu.transpose %broadcast_in_dim3A_95, [1, 0] : vector<256x256xf32> -> vector<256x256xf32>
    %iota3A_96 = tpu.iota {dimensions = array<i32: 0>} : vector<256x256xi32>
    %iota3A_97 = tpu.iota {dimensions = array<i32: 1>} : vector<256x256xi32>
    %lt3A_98 = arith.cmpf olt, %transpose3A, %broadcast_in_dim3A_95 : vector<256x256xf32>
    %eq3A_99 = arith.cmpf oeq, %transpose3A, %broadcast_in_dim3A_95 : vector<256x256xf32>
    %lt3A_100 = arith.cmpi slt, %iota3A_96, %iota3A_97 : vector<256x256xi32>
    %and3A_101 = arith.andi %eq3A_99, %lt3A_100 : vector<256x256xi1>
    %or3A = arith.ori %lt3A_98, %and3A_101 : vector<256x256xi1>
    %convert_element_type3A_102 = arith.extui %or3A : vector<256x256xi1> to vector<256x256xi32>
    %reduce_sum3A_103 = arith.constant dense<0> : vector<256xi32>
    %reduce_sum3A_104 = vector.multi_reduction <add>, %convert_element_type3A_102, %reduce_sum3A_103 [0] : vector<256x256xi32> to vector<256xi32>
    %broadcast_in_dim3A_105 = vector.shape_cast %reduce_sum3A_104 : vector<256xi32> to vector<1x256xi32>
    %ge3A = arith.constant 100 : i32
    %ge3A_106 = vector.broadcast %ge3A : i32 to vector<1x256xi32>
    %ge3A_107 = arith.cmpi sge, %broadcast_in_dim3A_105, %ge3A_106 : vector<1x256xi32>
    %convert_element_type3A_108 = arith.extui %ge3A_107 : vector<1x256xi1> to vector<1x256xi32>
    %convert_element_type3A_109 = arith.sitofp %convert_element_type3A_108 : vector<1x256xi32> to vector<1x256xf32>
    %convert_element_type3A_110 = arith.truncf %convert_element_type3A_109 : vector<1x256xf32> to vector<1x256xbf16>
    %get3A_111 = arith.constant 0 : index
    %get3A_112 = arith.constant 0 : index
    %get3A_113 = vector.load %arg1[%get3A_111, %get3A_112] : memref<1024x256xbf16, #tpu.memory_space<vmem>>, vector<1024x256xbf16>
    %dot_general3A_114 = arith.constant dense<0.000000e+00> : vector<1x1024xf32>
    %dot_general3A_115 = tpu.matmul %convert_element_type3A_110, %get3A_113, %dot_general3A_114 {dimension_numbers = #tpu.dot_dimension_numbers<[1], [1], [0], [0], [0, 0, 1, 0], [], []>, transpose_lhs_hint = false} : vector<1x256xbf16>, vector<1024x256xbf16>, vector<1x1024xf32> -> vector<1x1024xf32>
    %and3A_116 = arith.andi %eq3A_57, %eq3A_51 : vector<1x1024xi1>
    %gt3A = arith.constant 5.000000e-01 : f32
    %gt3A_117 = vector.broadcast %gt3A : f32 to vector<1x1024xf32>
    %gt3A_118 = arith.cmpf ogt, %dot_general3A_115, %gt3A_117 : vector<1x1024xf32>
    %or3A_119 = arith.ori %and3A_116, %gt3A_118 : vector<1x1024xi1>
    %convert_element_type3A_120 = arith.extui %or3A_119 : vector<1x1024xi1> to vector<1x1024xi32>
    %convert_element_type3A_121 = arith.sitofp %convert_element_type3A_120 : vector<1x1024xi32> to vector<1x1024xf32>
    %convert_element_type3A_122 = arith.truncf %convert_element_type3A_121 : vector<1x1024xf32> to vector<1x1024xbf16>
    %get3A_123 = arith.constant 0 : index
    %get3A_124 = arith.constant 0 : index
    %get3A_125 = vector.load %arg3[%get3A_123, %get3A_124] : memref<1024x1024xbf16, #tpu.memory_space<vmem>>, vector<1024x1024xbf16>
    %dot_general3A_126 = arith.constant dense<0.000000e+00> : vector<1x1024xf32>
    %dot_general3A_127 = tpu.matmul %convert_element_type3A_122, %get3A_125, %dot_general3A_126 {dimension_numbers = #tpu.dot_dimension_numbers<[1], [0], [0], [1], [0, 0, 1, 1], [], []>, transpose_lhs_hint = false} : vector<1x1024xbf16>, vector<1024x1024xbf16>, vector<1x1024xf32> -> vector<1x1024xf32>
    %jit3A_128 = arith.constant 256 : i32
    %div3A_129 = vector.broadcast %jit3A_128 : i32 to vector<1x1024xi32>
    %div3A_130 = arith.divsi %iota3A, %div3A_129 : vector<1x1024xi32>
    %sign3A_131 = arith.constant 0 : i32
    %sign3A_132 = vector.broadcast %sign3A_131 : i32 to vector<1x1024xi32>
    %sign3A_133 = arith.cmpi sgt, %iota3A, %sign3A_132 : vector<1x1024xi32>
    %sign3A_134 = arith.extui %sign3A_133 : vector<1x1024xi1> to vector<1x1024xi32>
    %sign3A_135 = arith.constant 0 : i32
    %sign3A_136 = vector.broadcast %sign3A_135 : i32 to vector<1x1024xi32>
    %sign3A_137 = arith.cmpi slt, %iota3A, %sign3A_136 : vector<1x1024xi32>
    %sign3A_138 = arith.extui %sign3A_137 : vector<1x1024xi1> to vector<1x1024xi32>
    %sign3A_139 = arith.subi %sign3A_134, %sign3A_138 : vector<1x1024xi32>
    %sign3A_140 = arith.constant 0 : i32
    %sign3A_141 = arith.cmpi sgt, %jit3A_128, %sign3A_140 : i32
    %sign3A_142 = arith.extui %sign3A_141 : i1 to i32
    %sign3A_143 = arith.constant 0 : i32
    %sign3A_144 = arith.cmpi slt, %jit3A_128, %sign3A_143 : i32
    %sign3A_145 = arith.extui %sign3A_144 : i1 to i32
    %sign3A_146 = arith.subi %sign3A_142, %sign3A_145 : i32
    %ne3A_147 = vector.broadcast %sign3A_146 : i32 to vector<1x1024xi32>
    %ne3A_148 = arith.cmpi ne, %sign3A_139, %ne3A_147 : vector<1x1024xi32>
    %rem3A_149 = vector.broadcast %jit3A_128 : i32 to vector<1x1024xi32>
    %rem3A_150 = arith.remsi %iota3A, %rem3A_149 : vector<1x1024xi32>
    %ne3A_151 = arith.constant 0 : i32
    %ne3A_152 = vector.broadcast %ne3A_151 : i32 to vector<1x1024xi32>
    %ne3A_153 = arith.cmpi ne, %rem3A_150, %ne3A_152 : vector<1x1024xi32>
    %and3A_154 = arith.andi %ne3A_148, %ne3A_153 : vector<1x1024xi1>
    %sub3A_155 = arith.constant 1 : i32
    %sub3A_156 = vector.broadcast %sub3A_155 : i32 to vector<1x1024xi32>
    %sub3A_157 = arith.subi %div3A_130, %sub3A_156 : vector<1x1024xi32>
    %select_n3A_158 = arith.select %and3A_154, %sub3A_157, %div3A_130 : vector<1x1024xi1>, vector<1x1024xi32>
    %convert_element_type3A_159 = arith.sitofp %select_n3A_158 : vector<1x1024xi32> to vector<1x1024xbf16>
    %jit3A_160 = arith.constant 256 : i32
    %eq3A_161 = arith.constant 0 : i32
    %eq3A_162 = arith.cmpi eq, %jit3A_160, %eq3A_161 : i32
    %jit3A_163 = arith.constant 1 : i32
    %select_n3A_164 = arith.select %eq3A_162, %jit3A_163, %jit3A_160 : i32
    %rem3A_165 = vector.broadcast %select_n3A_164 : i32 to vector<1x1024xi32>
    %rem3A_166 = arith.remsi %iota3A, %rem3A_165 : vector<1x1024xi32>
    %ne3A_167 = arith.constant 0 : i32
    %ne3A_168 = vector.broadcast %ne3A_167 : i32 to vector<1x1024xi32>
    %ne3A_169 = arith.cmpi ne, %rem3A_166, %ne3A_168 : vector<1x1024xi32>
    %lt3A_170 = arith.constant 0 : i32
    %lt3A_171 = vector.broadcast %lt3A_170 : i32 to vector<1x1024xi32>
    %lt3A_172 = arith.cmpi slt, %rem3A_166, %lt3A_171 : vector<1x1024xi32>
    %lt3A_173 = arith.constant 0 : i32
    %lt3A_174 = arith.cmpi slt, %select_n3A_164, %lt3A_173 : i32
    %ne3A_175 = vector.broadcast %lt3A_174 : i1 to vector<1x1024xi1>
    %ne3A_176 = vector.broadcast %ne3A_175 : vector<1x1024xi1> to vector<1x1024xi1>
    %ne3A_177 = arith.xori %lt3A_172, %ne3A_176 : vector<1x1024xi1>
    %and3A_178 = arith.andi %ne3A_177, %ne3A_169 : vector<1x1024xi1>
    %add3A_179 = vector.broadcast %select_n3A_164 : i32 to vector<1x1024xi32>
    %add3A_180 = arith.addi %rem3A_166, %add3A_179 : vector<1x1024xi32>
    %select_n3A_181 = arith.select %and3A_178, %add3A_180, %rem3A_166 : vector<1x1024xi1>, vector<1x1024xi32>
    %convert_element_type3A_182 = arith.sitofp %select_n3A_181 : vector<1x1024xi32> to vector<1x1024xbf16>
    %iota3A_183 = tpu.iota {dimensions = array<i32: 0>} : vector<128x512xi32>
    %add3A_184 = arith.constant 0 : i32
    %add3A_185 = vector.broadcast %add3A_184 : i32 to vector<128x512xi32>
    %add3A_186 = arith.addi %add3A_185, %iota3A_183 : vector<128x512xi32>
    %convert_element_type3A_187 = arith.sitofp %add3A_186 : vector<128x512xi32> to vector<128x512xf32>
    %slice3A_188 = vector.extract_strided_slice %dot_general3A_127 {offsets = [0, 0], sizes = [1, 512], strides = [1, 1]} : vector<1x1024xf32> to vector<1x512xf32>
    %broadcast_in_dim3A_189 = vector.shape_cast %slice3A_188 : vector<1x512xf32> to vector<1x512xf32>
    %broadcast_in_dim3A_190 = vector.broadcast %broadcast_in_dim3A_189 : vector<1x512xf32> to vector<128x512xf32>
    %eq3A_191 = arith.cmpf oeq, %broadcast_in_dim3A_190, %convert_element_type3A_187 : vector<128x512xf32>
    %slice3A_192 = vector.extract_strided_slice %or3A_119 {offsets = [0, 0], sizes = [1, 512], strides = [1, 1]} : vector<1x1024xi1> to vector<1x512xi1>
    %broadcast_in_dim3A_193 = vector.shape_cast %slice3A_192 : vector<1x512xi1> to vector<1x512xi1>
    %broadcast_in_dim3A_194 = vector.broadcast %broadcast_in_dim3A_193 : vector<1x512xi1> to vector<128x512xi1>
    %and3A_195 = arith.andi %eq3A_191, %broadcast_in_dim3A_194 : vector<128x512xi1>
    %convert_element_type3A_196 = arith.extui %and3A_195 : vector<128x512xi1> to vector<128x512xi32>
    %convert_element_type3A_197 = arith.sitofp %convert_element_type3A_196 : vector<128x512xi32> to vector<128x512xf32>
    %convert_element_type3A_198 = arith.truncf %convert_element_type3A_197 : vector<128x512xf32> to vector<128x512xbf16>
    %slice3A_199 = vector.extract_strided_slice %convert_element_type3A_159 {offsets = [0, 0], sizes = [1, 512], strides = [1, 1]} : vector<1x1024xbf16> to vector<1x512xbf16>
    %dot_general3A_200 = arith.constant dense<0.000000e+00> : vector<1x128xf32>
    %dot_general3A_201 = tpu.matmul %slice3A_199, %convert_element_type3A_198, %dot_general3A_200 {dimension_numbers = #tpu.dot_dimension_numbers<[1], [1], [0], [0], [0, 0, 1, 0], [], []>, transpose_lhs_hint = false} : vector<1x512xbf16>, vector<128x512xbf16>, vector<1x128xf32> -> vector<1x128xf32>
    %mul3A = arith.constant 2.560000e+02 : f32
    %mul3A_202 = vector.broadcast %mul3A : f32 to vector<1x128xf32>
    %mul3A_203 = arith.mulf %mul3A_202, %dot_general3A_201 : vector<1x128xf32>
    %slice3A_204 = vector.extract_strided_slice %convert_element_type3A_182 {offsets = [0, 0], sizes = [1, 512], strides = [1, 1]} : vector<1x1024xbf16> to vector<1x512xbf16>
    %dot_general3A_205 = arith.constant dense<0.000000e+00> : vector<1x128xf32>
    %dot_general3A_206 = tpu.matmul %slice3A_204, %convert_element_type3A_198, %dot_general3A_205 {dimension_numbers = #tpu.dot_dimension_numbers<[1], [1], [0], [0], [0, 0, 1, 0], [], []>, transpose_lhs_hint = false} : vector<1x512xbf16>, vector<128x512xbf16>, vector<1x128xf32> -> vector<1x128xf32>
    %add3A_207 = arith.addf %mul3A_203, %dot_general3A_206 : vector<1x128xf32>
    %convert_element_type3A_208 = arith.fptosi %add3A_207 : vector<1x128xf32> to vector<1x128xi32>
    %swap3A = arith.constant 0 : index
    %swap3A_209 = arith.constant 0 : index
    %swap3A_210 = arith.constant 0 : index
    %swap3A_211 = vector.load %arg6[%swap3A, %swap3A_209, %swap3A_210] : memref<2x1x724xi32, #tpu.memory_space<vmem>>, vector<1x1x128xi32>
    %swap3A_212 = vector.shape_cast %swap3A_211 : vector<1x1x128xi32> to vector<1x128xi32>
    %swap3A_213 = vector.shape_cast %convert_element_type3A_208 : vector<1x128xi32> to vector<1x1x128xi32>
    tpu.vector_store %arg6[%swap3A, %swap3A_209, %swap3A_210], %swap3A_213 {strides = array<i32>} : memref<2x1x724xi32, #tpu.memory_space<vmem>>, vector<1x1x128xi32>,
    %mul3A_214 = arith.constant 2 : i32
    %mul3A_215 = arith.muli %arg0, %mul3A_214 : i32
    %add3A_216 = arith.constant 0 : i32
    %add3A_217 = arith.addi %mul3A_215, %add3A_216 : i32
    %mul3A_218 = arith.constant 1024 : i32
    %mul3A_219 = arith.muli %add3A_217, %mul3A_218 : i32
    %add3A_220 = vector.broadcast %mul3A_219 : i32 to vector<1x128xi32>
    %add3A_221 = arith.addi %convert_element_type3A_208, %add3A_220 : vector<1x128xi32>
    %swap3A_222 = arith.constant 0 : index
    %swap3A_223 = arith.constant 0 : index
    %swap3A_224 = arith.constant 0 : index
    %swap3A_225 = vector.load %arg7[%swap3A_222, %swap3A_223, %swap3A_224] : memref<2x1x724xi32, #tpu.memory_space<vmem>>, vector<1x1x128xi32>
    %swap3A_226 = vector.shape_cast %swap3A_225 : vector<1x1x128xi32> to vector<1x128xi32>
    %swap3A_227 = vector.shape_cast %add3A_221 : vector<1x128xi32> to vector<1x1x128xi32>
    tpu.vector_store %arg7[%swap3A_222, %swap3A_223, %swap3A_224], %swap3A_227 {strides = array<i32>} : memref<2x1x724xi32, #tpu.memory_space<vmem>>, vector<1x1x128xi32>,
    %iota3A_228 = tpu.iota {dimensions = array<i32: 0>} : vector<128x512xi32>
    %add3A_229 = arith.constant 128 : i32
    %add3A_230 = vector.broadcast %add3A_229 : i32 to vector<128x512xi32>
    %add3A_231 = arith.addi %add3A_230, %iota3A_228 : vector<128x512xi32>
    %convert_element_type3A_232 = arith.sitofp %add3A_231 : vector<128x512xi32> to vector<128x512xf32>
    %slice3A_233 = vector.extract_strided_slice %dot_general3A_127 {offsets = [0, 128], sizes = [1, 512], strides = [1, 1]} : vector<1x1024xf32> to vector<1x512xf32>
    %broadcast_in_dim3A_234 = vector.shape_cast %slice3A_233 : vector<1x512xf32> to vector<1x512xf32>
    %broadcast_in_dim3A_235 = vector.broadcast %broadcast_in_dim3A_234 : vector<1x512xf32> to vector<128x512xf32>
    %eq3A_236 = arith.cmpf oeq, %broadcast_in_dim3A_235, %convert_element_type3A_232 : vector<128x512xf32>
    %slice3A_237 = vector.extract_strided_slice %or3A_119 {offsets = [0, 128], sizes = [1, 512], strides = [1, 1]} : vector<1x1024xi1> to vector<1x512xi1>
    %broadcast_in_dim3A_238 = vector.shape_cast %slice3A_237 : vector<1x512xi1> to vector<1x512xi1>
    %broadcast_in_dim3A_239 = vector.broadcast %broadcast_in_dim3A_238 : vector<1x512xi1> to vector<128x512xi1>
    %and3A_240 = arith.andi %eq3A_236, %broadcast_in_dim3A_239 : vector<128x512xi1>
    %convert_element_type3A_241 = arith.extui %and3A_240 : vector<128x512xi1> to vector<128x512xi32>
    %convert_element_type3A_242 = arith.sitofp %convert_element_type3A_241 : vector<128x512xi32> to vector<128x512xf32>
    %convert_element_type3A_243 = arith.truncf %convert_element_type3A_242 : vector<128x512xf32> to vector<128x512xbf16>
    %slice3A_244 = vector.extract_strided_slice %convert_element_type3A_159 {offsets = [0, 128], sizes = [1, 512], strides = [1, 1]} : vector<1x1024xbf16> to vector<1x512xbf16>
    %dot_general3A_245 = arith.constant dense<0.000000e+00> : vector<1x128xf32>
    %dot_general3A_246 = tpu.matmul %slice3A_244, %convert_element_type3A_243, %dot_general3A_245 {dimension_numbers = #tpu.dot_dimension_numbers<[1], [1], [0], [0], [0, 0, 1, 0], [], []>, transpose_lhs_hint = false} : vector<1x512xbf16>, vector<128x512xbf16>, vector<1x128xf32> -> vector<1x128xf32>
    %mul3A_247 = arith.constant 2.560000e+02 : f32
    %mul3A_248 = vector.broadcast %mul3A_247 : f32 to vector<1x128xf32>
    %mul3A_249 = arith.mulf %mul3A_248, %dot_general3A_246 : vector<1x128xf32>
    %slice3A_250 = vector.extract_strided_slice %convert_element_type3A_182 {offsets = [0, 128], sizes = [1, 512], strides = [1, 1]} : vector<1x1024xbf16> to vector<1x512xbf16>
    %dot_general3A_251 = arith.constant dense<0.000000e+00> : vector<1x128xf32>
    %dot_general3A_252 = tpu.matmul %slice3A_250, %convert_element_type3A_243, %dot_general3A_251 {dimension_numbers = #tpu.dot_dimension_numbers<[1], [1], [0], [0], [0, 0, 1, 0], [], []>, transpose_lhs_hint = false} : vector<1x512xbf16>, vector<128x512xbf16>, vector<1x128xf32> -> vector<1x128xf32>
    %add3A_253 = arith.addf %mul3A_249, %dot_general3A_252 : vector<1x128xf32>
    %convert_element_type3A_254 = arith.fptosi %add3A_253 : vector<1x128xf32> to vector<1x128xi32>
    %swap3A_255 = arith.constant 0 : index
    %swap3A_256 = arith.constant 0 : index
    %swap3A_257 = arith.constant 128 : index
    %swap3A_258 = vector.load %arg6[%swap3A_255, %swap3A_256, %swap3A_257] : memref<2x1x724xi32, #tpu.memory_space<vmem>>, vector<1x1x128xi32>
    %swap3A_259 = vector.shape_cast %swap3A_258 : vector<1x1x128xi32> to vector<1x128xi32>
    %swap3A_260 = vector.shape_cast %convert_element_type3A_254 : vector<1x128xi32> to vector<1x1x128xi32>
    tpu.vector_store %arg6[%swap3A_255, %swap3A_256, %swap3A_257], %swap3A_260 {strides = array<i32>} : memref<2x1x724xi32, #tpu.memory_space<vmem>>, vector<1x1x128xi32>,
    %mul3A_261 = arith.constant 2 : i32
    %mul3A_262 = arith.muli %arg0, %mul3A_261 : i32
    %add3A_263 = arith.constant 0 : i32
    %add3A_264 = arith.addi %mul3A_262, %add3A_263 : i32
    %mul3A_265 = arith.constant 1024 : i32
    %mul3A_266 = arith.muli %add3A_264, %mul3A_265 : i32
    %add3A_267 = vector.broadcast %mul3A_266 : i32 to vector<1x128xi32>
    %add3A_268 = arith.addi %convert_element_type3A_254, %add3A_267 : vector<1x128xi32>
    %swap3A_269 = arith.constant 0 : index
    %swap3A_270 = arith.constant 0 : index
    %swap3A_271 = arith.constant 128 : index
    %swap3A_272 = vector.load %arg7[%swap3A_269, %swap3A_270, %swap3A_271] : memref<2x1x724xi32, #tpu.memory_space<vmem>>, vector<1x1x128xi32>
    %swap3A_273 = vector.shape_cast %swap3A_272 : vector<1x1x128xi32> to vector<1x128xi32>
    %swap3A_274 = vector.shape_cast %add3A_268 : vector<1x128xi32> to vector<1x1x128xi32>
    tpu.vector_store %arg7[%swap3A_269, %swap3A_270, %swap3A_271], %swap3A_274 {strides = array<i32>} : memref<2x1x724xi32, #tpu.memory_space<vmem>>, vector<1x1x128xi32>,
    %iota3A_275 = tpu.iota {dimensions = array<i32: 0>} : vector<128x512xi32>
    %add3A_276 = arith.constant 256 : i32
    %add3A_277 = vector.broadcast %add3A_276 : i32 to vector<128x512xi32>
    %add3A_278 = arith.addi %add3A_277, %iota3A_275 : vector<128x512xi32>
    %convert_element_type3A_279 = arith.sitofp %add3A_278 : vector<128x512xi32> to vector<128x512xf32>
    %slice3A_280 = vector.extract_strided_slice %dot_general3A_127 {offsets = [0, 256], sizes = [1, 512], strides = [1, 1]} : vector<1x1024xf32> to vector<1x512xf32>
    %broadcast_in_dim3A_281 = vector.shape_cast %slice3A_280 : vector<1x512xf32> to vector<1x512xf32>
    %broadcast_in_dim3A_282 = vector.broadcast %broadcast_in_dim3A_281 : vector<1x512xf32> to vector<128x512xf32>
    %eq3A_283 = arith.cmpf oeq, %broadcast_in_dim3A_282, %convert_element_type3A_279 : vector<128x512xf32>
    %slice3A_284 = vector.extract_strided_slice %or3A_119 {offsets = [0, 256], sizes = [1, 512], strides = [1, 1]} : vector<1x1024xi1> to vector<1x512xi1>
    %broadcast_in_dim3A_285 = vector.shape_cast %slice3A_284 : vector<1x512xi1> to vector<1x512xi1>
    %broadcast_in_dim3A_286 = vector.broadcast %broadcast_in_dim3A_285 : vector<1x512xi1> to vector<128x512xi1>
    %and3A_287 = arith.andi %eq3A_283, %broadcast_in_dim3A_286 : vector<128x512xi1>
    %convert_element_type3A_288 = arith.extui %and3A_287 : vector<128x512xi1> to vector<128x512xi32>
    %convert_element_type3A_289 = arith.sitofp %convert_element_type3A_288 : vector<128x512xi32> to vector<128x512xf32>
    %convert_element_type3A_290 = arith.truncf %convert_element_type3A_289 : vector<128x512xf32> to vector<128x512xbf16>
    %slice3A_291 = vector.extract_strided_slice %convert_element_type3A_159 {offsets = [0, 256], sizes = [1, 512], strides = [1, 1]} : vector<1x1024xbf16> to vector<1x512xbf16>
    %dot_general3A_292 = arith.constant dense<0.000000e+00> : vector<1x128xf32>
    %dot_general3A_293 = tpu.matmul %slice3A_291, %convert_element_type3A_290, %dot_general3A_292 {dimension_numbers = #tpu.dot_dimension_numbers<[1], [1], [0], [0], [0, 0, 1, 0], [], []>, transpose_lhs_hint = false} : vector<1x512xbf16>, vector<128x512xbf16>, vector<1x128xf32> -> vector<1x128xf32>
    %mul3A_294 = arith.constant 2.560000e+02 : f32
    %mul3A_295 = vector.broadcast %mul3A_294 : f32 to vector<1x128xf32>
    %mul3A_296 = arith.mulf %mul3A_295, %dot_general3A_293 : vector<1x128xf32>
    %slice3A_297 = vector.extract_strided_slice %convert_element_type3A_182 {offsets = [0, 256], sizes = [1, 512], strides = [1, 1]} : vector<1x1024xbf16> to vector<1x512xbf16>
    %dot_general3A_298 = arith.constant dense<0.000000e+00> : vector<1x128xf32>
    %dot_general3A_299 = tpu.matmul %slice3A_297, %convert_element_type3A_290, %dot_general3A_298 {dimension_numbers = #tpu.dot_dimension_numbers<[1], [1], [0], [0], [0, 0, 1, 0], [], []>, transpose_lhs_hint = false} : vector<1x512xbf16>, vector<128x512xbf16>, vector<1x128xf32> -> vector<1x128xf32>
    %add3A_300 = arith.addf %mul3A_296, %dot_general3A_299 : vector<1x128xf32>
    %convert_element_type3A_301 = arith.fptosi %add3A_300 : vector<1x128xf32> to vector<1x128xi32>
    %swap3A_302 = arith.constant 0 : index
    %swap3A_303 = arith.constant 0 : index
    %swap3A_304 = arith.constant 256 : index
    %swap3A_305 = vector.load %arg6[%swap3A_302, %swap3A_303, %swap3A_304] : memref<2x1x724xi32, #tpu.memory_space<vmem>>, vector<1x1x128xi32>
    %swap3A_306 = vector.shape_cast %swap3A_305 : vector<1x1x128xi32> to vector<1x128xi32>
    %swap3A_307 = vector.shape_cast %convert_element_type3A_301 : vector<1x128xi32> to vector<1x1x128xi32>
    tpu.vector_store %arg6[%swap3A_302, %swap3A_303, %swap3A_304], %swap3A_307 {strides = array<i32>} : memref<2x1x724xi32, #tpu.memory_space<vmem>>, vector<1x1x128xi32>,
    %mul3A_308 = arith.constant 2 : i32
    %mul3A_309 = arith.muli %arg0, %mul3A_308 : i32
    %add3A_310 = arith.constant 0 : i32
    %add3A_311 = arith.addi %mul3A_309, %add3A_310 : i32
    %mul3A_312 = arith.constant 1024 : i32
    %mul3A_313 = arith.muli %add3A_311, %mul3A_312 : i32
    %add3A_314 = vector.broadcast %mul3A_313 : i32 to vector<1x128xi32>
    %add3A_315 = arith.addi %convert_element_type3A_301, %add3A_314 : vector<1x128xi32>
    %swap3A_316 = arith.constant 0 : index
    %swap3A_317 = arith.constant 0 : index
    %swap3A_318 = arith.constant 256 : index
    %swap3A_319 = vector.load %arg7[%swap3A_316, %swap3A_317, %swap3A_318] : memref<2x1x724xi32, #tpu.memory_space<vmem>>, vector<1x1x128xi32>
    %swap3A_320 = vector.shape_cast %swap3A_319 : vector<1x1x128xi32> to vector<1x128xi32>
    %swap3A_321 = vector.shape_cast %add3A_315 : vector<1x128xi32> to vector<1x1x128xi32>
    tpu.vector_store %arg7[%swap3A_316, %swap3A_317, %swap3A_318], %swap3A_321 {strides = array<i32>} : memref<2x1x724xi32, #tpu.memory_space<vmem>>, vector<1x1x128xi32>,
    %iota3A_322 = tpu.iota {dimensions = array<i32: 0>} : vector<128x512xi32>
    %add3A_323 = arith.constant 384 : i32
    %add3A_324 = vector.broadcast %add3A_323 : i32 to vector<128x512xi32>
    %add3A_325 = arith.addi %add3A_324, %iota3A_322 : vector<128x512xi32>
    %convert_element_type3A_326 = arith.sitofp %add3A_325 : vector<128x512xi32> to vector<128x512xf32>
    %slice3A_327 = vector.extract_strided_slice %dot_general3A_127 {offsets = [0, 384], sizes = [1, 512], strides = [1, 1]} : vector<1x1024xf32> to vector<1x512xf32>
    %broadcast_in_dim3A_328 = vector.shape_cast %slice3A_327 : vector<1x512xf32> to vector<1x512xf32>
    %broadcast_in_dim3A_329 = vector.broadcast %broadcast_in_dim3A_328 : vector<1x512xf32> to vector<128x512xf32>
    %eq3A_330 = arith.cmpf oeq, %broadcast_in_dim3A_329, %convert_element_type3A_326 : vector<128x512xf32>
    %slice3A_331 = vector.extract_strided_slice %or3A_119 {offsets = [0, 384], sizes = [1, 512], strides = [1, 1]} : vector<1x1024xi1> to vector<1x512xi1>
    %broadcast_in_dim3A_332 = vector.shape_cast %slice3A_331 : vector<1x512xi1> to vector<1x512xi1>
    %broadcast_in_dim3A_333 = vector.broadcast %broadcast_in_dim3A_332 : vector<1x512xi1> to vector<128x512xi1>
    %and3A_334 = arith.andi %eq3A_330, %broadcast_in_dim3A_333 : vector<128x512xi1>
    %convert_element_type3A_335 = arith.extui %and3A_334 : vector<128x512xi1> to vector<128x512xi32>
    %convert_element_type3A_336 = arith.sitofp %convert_element_type3A_335 : vector<128x512xi32> to vector<128x512xf32>
    %convert_element_type3A_337 = arith.truncf %convert_element_type3A_336 : vector<128x512xf32> to vector<128x512xbf16>
    %slice3A_338 = vector.extract_strided_slice %convert_element_type3A_159 {offsets = [0, 384], sizes = [1, 512], strides = [1, 1]} : vector<1x1024xbf16> to vector<1x512xbf16>
    %dot_general3A_339 = arith.constant dense<0.000000e+00> : vector<1x128xf32>
    %dot_general3A_340 = tpu.matmul %slice3A_338, %convert_element_type3A_337, %dot_general3A_339 {dimension_numbers = #tpu.dot_dimension_numbers<[1], [1], [0], [0], [0, 0, 1, 0], [], []>, transpose_lhs_hint = false} : vector<1x512xbf16>, vector<128x512xbf16>, vector<1x128xf32> -> vector<1x128xf32>
    %mul3A_341 = arith.constant 2.560000e+02 : f32
    %mul3A_342 = vector.broadcast %mul3A_341 : f32 to vector<1x128xf32>
    %mul3A_343 = arith.mulf %mul3A_342, %dot_general3A_340 : vector<1x128xf32>
    %slice3A_344 = vector.extract_strided_slice %convert_element_type3A_182 {offsets = [0, 384], sizes = [1, 512], strides = [1, 1]} : vector<1x1024xbf16> to vector<1x512xbf16>
    %dot_general3A_345 = arith.constant dense<0.000000e+00> : vector<1x128xf32>
    %dot_general3A_346 = tpu.matmul %slice3A_344, %convert_element_type3A_337, %dot_general3A_345 {dimension_numbers = #tpu.dot_dimension_numbers<[1], [1], [0], [0], [0, 0, 1, 0], [], []>, transpose_lhs_hint = false} : vector<1x512xbf16>, vector<128x512xbf16>, vector<1x128xf32> -> vector<1x128xf32>
    %add3A_347 = arith.addf %mul3A_343, %dot_general3A_346 : vector<1x128xf32>
    %convert_element_type3A_348 = arith.fptosi %add3A_347 : vector<1x128xf32> to vector<1x128xi32>
    %swap3A_349 = arith.constant 0 : index
    %swap3A_350 = arith.constant 0 : index
    %swap3A_351 = arith.constant 384 : index
    %swap3A_352 = vector.load %arg6[%swap3A_349, %swap3A_350, %swap3A_351] : memref<2x1x724xi32, #tpu.memory_space<vmem>>, vector<1x1x128xi32>
    %swap3A_353 = vector.shape_cast %swap3A_352 : vector<1x1x128xi32> to vector<1x128xi32>
    %swap3A_354 = vector.shape_cast %convert_element_type3A_348 : vector<1x128xi32> to vector<1x1x128xi32>
    tpu.vector_store %arg6[%swap3A_349, %swap3A_350, %swap3A_351], %swap3A_354 {strides = array<i32>} : memref<2x1x724xi32, #tpu.memory_space<vmem>>, vector<1x1x128xi32>,
    %mul3A_355 = arith.constant 2 : i32
    %mul3A_356 = arith.muli %arg0, %mul3A_355 : i32
    %add3A_357 = arith.constant 0 : i32
    %add3A_358 = arith.addi %mul3A_356, %add3A_357 : i32
    %mul3A_359 = arith.constant 1024 : i32
    %mul3A_360 = arith.muli %add3A_358, %mul3A_359 : i32
    %add3A_361 = vector.broadcast %mul3A_360 : i32 to vector<1x128xi32>
    %add3A_362 = arith.addi %convert_element_type3A_348, %add3A_361 : vector<1x128xi32>
    %swap3A_363 = arith.constant 0 : index
    %swap3A_364 = arith.constant 0 : index
    %swap3A_365 = arith.constant 384 : index
    %swap3A_366 = vector.load %arg7[%swap3A_363, %swap3A_364, %swap3A_365] : memref<2x1x724xi32, #tpu.memory_space<vmem>>, vector<1x1x128xi32>
    %swap3A_367 = vector.shape_cast %swap3A_366 : vector<1x1x128xi32> to vector<1x128xi32>
    %swap3A_368 = vector.shape_cast %add3A_362 : vector<1x128xi32> to vector<1x1x128xi32>
    tpu.vector_store %arg7[%swap3A_363, %swap3A_364, %swap3A_365], %swap3A_368 {strides = array<i32>} : memref<2x1x724xi32, #tpu.memory_space<vmem>>, vector<1x1x128xi32>,
    %iota3A_369 = tpu.iota {dimensions = array<i32: 0>} : vector<128x512xi32>
    %add3A_370 = arith.constant 512 : i32
    %add3A_371 = vector.broadcast %add3A_370 : i32 to vector<128x512xi32>
    %add3A_372 = arith.addi %add3A_371, %iota3A_369 : vector<128x512xi32>
    %convert_element_type3A_373 = arith.sitofp %add3A_372 : vector<128x512xi32> to vector<128x512xf32>
    %slice3A_374 = vector.extract_strided_slice %dot_general3A_127 {offsets = [0, 512], sizes = [1, 512], strides = [1, 1]} : vector<1x1024xf32> to vector<1x512xf32>
    %broadcast_in_dim3A_375 = vector.shape_cast %slice3A_374 : vector<1x512xf32> to vector<1x512xf32>
    %broadcast_in_dim3A_376 = vector.broadcast %broadcast_in_dim3A_375 : vector<1x512xf32> to vector<128x512xf32>
    %eq3A_377 = arith.cmpf oeq, %broadcast_in_dim3A_376, %convert_element_type3A_373 : vector<128x512xf32>
    %slice3A_378 = vector.extract_strided_slice %or3A_119 {offsets = [0, 512], sizes = [1, 512], strides = [1, 1]} : vector<1x1024xi1> to vector<1x512xi1>
    %broadcast_in_dim3A_379 = vector.shape_cast %slice3A_378 : vector<1x512xi1> to vector<1x512xi1>
    %broadcast_in_dim3A_380 = vector.broadcast %broadcast_in_dim3A_379 : vector<1x512xi1> to vector<128x512xi1>
    %and3A_381 = arith.andi %eq3A_377, %broadcast_in_dim3A_380 : vector<128x512xi1>
    %convert_element_type3A_382 = arith.extui %and3A_381 : vector<128x512xi1> to vector<128x512xi32>
    %convert_element_type3A_383 = arith.sitofp %convert_element_type3A_382 : vector<128x512xi32> to vector<128x512xf32>
    %convert_element_type3A_384 = arith.truncf %convert_element_type3A_383 : vector<128x512xf32> to vector<128x512xbf16>
    %slice3A_385 = vector.extract_strided_slice %convert_element_type3A_159 {offsets = [0, 512], sizes = [1, 512], strides = [1, 1]} : vector<1x1024xbf16> to vector<1x512xbf16>
    %dot_general3A_386 = arith.constant dense<0.000000e+00> : vector<1x128xf32>
    %dot_general3A_387 = tpu.matmul %slice3A_385, %convert_element_type3A_384, %dot_general3A_386 {dimension_numbers = #tpu.dot_dimension_numbers<[1], [1], [0], [0], [0, 0, 1, 0], [], []>, transpose_lhs_hint = false} : vector<1x512xbf16>, vector<128x512xbf16>, vector<1x128xf32> -> vector<1x128xf32>
    %mul3A_388 = arith.constant 2.560000e+02 : f32
    %mul3A_389 = vector.broadcast %mul3A_388 : f32 to vector<1x128xf32>
    %mul3A_390 = arith.mulf %mul3A_389, %dot_general3A_387 : vector<1x128xf32>
    %slice3A_391 = vector.extract_strided_slice %convert_element_type3A_182 {offsets = [0, 512], sizes = [1, 512], strides = [1, 1]} : vector<1x1024xbf16> to vector<1x512xbf16>
    %dot_general3A_392 = arith.constant dense<0.000000e+00> : vector<1x128xf32>
    %dot_general3A_393 = tpu.matmul %slice3A_391, %convert_element_type3A_384, %dot_general3A_392 {dimension_numbers = #tpu.dot_dimension_numbers<[1], [1], [0], [0], [0, 0, 1, 0], [], []>, transpose_lhs_hint = false} : vector<1x512xbf16>, vector<128x512xbf16>, vector<1x128xf32> -> vector<1x128xf32>
    %add3A_394 = arith.addf %mul3A_390, %dot_general3A_393 : vector<1x128xf32>
    %convert_element_type3A_395 = arith.fptosi %add3A_394 : vector<1x128xf32> to vector<1x128xi32>
    %swap3A_396 = arith.constant 0 : index
    %swap3A_397 = arith.constant 0 : index
    %swap3A_398 = arith.constant 512 : index
    %swap3A_399 = vector.load %arg6[%swap3A_396, %swap3A_397, %swap3A_398] : memref<2x1x724xi32, #tpu.memory_space<vmem>>, vector<1x1x128xi32>
    %swap3A_400 = vector.shape_cast %swap3A_399 : vector<1x1x128xi32> to vector<1x128xi32>
    %swap3A_401 = vector.shape_cast %convert_element_type3A_395 : vector<1x128xi32> to vector<1x1x128xi32>
    tpu.vector_store %arg6[%swap3A_396, %swap3A_397, %swap3A_398], %swap3A_401 {strides = array<i32>} : memref<2x1x724xi32, #tpu.memory_space<vmem>>, vector<1x1x128xi32>,
    %mul3A_402 = arith.constant 2 : i32
    %mul3A_403 = arith.muli %arg0, %mul3A_402 : i32
    %add3A_404 = arith.constant 0 : i32
    %add3A_405 = arith.addi %mul3A_403, %add3A_404 : i32
    %mul3A_406 = arith.constant 1024 : i32
    %mul3A_407 = arith.muli %add3A_405, %mul3A_406 : i32
    %add3A_408 = vector.broadcast %mul3A_407 : i32 to vector<1x128xi32>
    %add3A_409 = arith.addi %convert_element_type3A_395, %add3A_408 : vector<1x128xi32>
    %swap3A_410 = arith.constant 0 : index
    %swap3A_411 = arith.constant 0 : index
    %swap3A_412 = arith.constant 512 : index
    %swap3A_413 = vector.load %arg7[%swap3A_410, %swap3A_411, %swap3A_412] : memref<2x1x724xi32, #tpu.memory_space<vmem>>, vector<1x1x128xi32>
    %swap3A_414 = vector.shape_cast %swap3A_413 : vector<1x1x128xi32> to vector<1x128xi32>
    %swap3A_415 = vector.shape_cast %add3A_409 : vector<1x128xi32> to vector<1x1x128xi32>
    tpu.vector_store %arg7[%swap3A_410, %swap3A_411, %swap3A_412], %swap3A_415 {strides = array<i32>} : memref<2x1x724xi32, #tpu.memory_space<vmem>>, vector<1x1x128xi32>,
    %iota3A_416 = tpu.iota {dimensions = array<i32: 0>} : vector<128x512xi32>
    %add3A_417 = arith.constant 640 : i32
    %add3A_418 = vector.broadcast %add3A_417 : i32 to vector<128x512xi32>
    %add3A_419 = arith.addi %add3A_418, %iota3A_416 : vector<128x512xi32>
    %convert_element_type3A_420 = arith.sitofp %add3A_419 : vector<128x512xi32> to vector<128x512xf32>
    %slice3A_421 = vector.extract_strided_slice %dot_general3A_127 {offsets = [0, 512], sizes = [1, 512], strides = [1, 1]} : vector<1x1024xf32> to vector<1x512xf32>
    %broadcast_in_dim3A_422 = vector.shape_cast %slice3A_421 : vector<1x512xf32> to vector<1x512xf32>
    %broadcast_in_dim3A_423 = vector.broadcast %broadcast_in_dim3A_422 : vector<1x512xf32> to vector<128x512xf32>
    %eq3A_424 = arith.cmpf oeq, %broadcast_in_dim3A_423, %convert_element_type3A_420 : vector<128x512xf32>
    %slice3A_425 = vector.extract_strided_slice %or3A_119 {offsets = [0, 512], sizes = [1, 512], strides = [1, 1]} : vector<1x1024xi1> to vector<1x512xi1>
    %broadcast_in_dim3A_426 = vector.shape_cast %slice3A_425 : vector<1x512xi1> to vector<1x512xi1>
    %broadcast_in_dim3A_427 = vector.broadcast %broadcast_in_dim3A_426 : vector<1x512xi1> to vector<128x512xi1>
    %and3A_428 = arith.andi %eq3A_424, %broadcast_in_dim3A_427 : vector<128x512xi1>
    %convert_element_type3A_429 = arith.extui %and3A_428 : vector<128x512xi1> to vector<128x512xi32>
    %convert_element_type3A_430 = arith.sitofp %convert_element_type3A_429 : vector<128x512xi32> to vector<128x512xf32>
    %convert_element_type3A_431 = arith.truncf %convert_element_type3A_430 : vector<128x512xf32> to vector<128x512xbf16>
    %slice3A_432 = vector.extract_strided_slice %convert_element_type3A_159 {offsets = [0, 512], sizes = [1, 512], strides = [1, 1]} : vector<1x1024xbf16> to vector<1x512xbf16>
    %dot_general3A_433 = arith.constant dense<0.000000e+00> : vector<1x128xf32>
    %dot_general3A_434 = tpu.matmul %slice3A_432, %convert_element_type3A_431, %dot_general3A_433 {dimension_numbers = #tpu.dot_dimension_numbers<[1], [1], [0], [0], [0, 0, 1, 0], [], []>, transpose_lhs_hint = false} : vector<1x512xbf16>, vector<128x512xbf16>, vector<1x128xf32> -> vector<1x128xf32>
    %mul3A_435 = arith.constant 2.560000e+02 : f32
    %mul3A_436 = vector.broadcast %mul3A_435 : f32 to vector<1x128xf32>
    %mul3A_437 = arith.mulf %mul3A_436, %dot_general3A_434 : vector<1x128xf32>
    %slice3A_438 = vector.extract_strided_slice %convert_element_type3A_182 {offsets = [0, 512], sizes = [1, 512], strides = [1, 1]} : vector<1x1024xbf16> to vector<1x512xbf16>
    %dot_general3A_439 = arith.constant dense<0.000000e+00> : vector<1x128xf32>
    %dot_general3A_440 = tpu.matmul %slice3A_438, %convert_element_type3A_431, %dot_general3A_439 {dimension_numbers = #tpu.dot_dimension_numbers<[1], [1], [0], [0], [0, 0, 1, 0], [], []>, transpose_lhs_hint = false} : vector<1x512xbf16>, vector<128x512xbf16>, vector<1x128xf32> -> vector<1x128xf32>
    %add3A_441 = arith.addf %mul3A_437, %dot_general3A_440 : vector<1x128xf32>
    %slice3A_442 = vector.extract_strided_slice %add3A_441 {offsets = [0, 0], sizes = [1, 84], strides = [1, 1]} : vector<1x128xf32> to vector<1x84xf32>
    %convert_element_type3A_443 = arith.fptosi %slice3A_442 : vector<1x84xf32> to vector<1x84xi32>
    %swap3A_444 = arith.constant 0 : index
    %swap3A_445 = arith.constant 0 : index
    %swap3A_446 = arith.constant 640 : index
    %swap3A_447 = vector.load %arg6[%swap3A_444, %swap3A_445, %swap3A_446] : memref<2x1x724xi32, #tpu.memory_space<vmem>>, vector<1x1x84xi32>
    %swap3A_448 = vector.shape_cast %swap3A_447 : vector<1x1x84xi32> to vector<1x84xi32>
    %swap3A_449 = vector.shape_cast %convert_element_type3A_443 : vector<1x84xi32> to vector<1x1x84xi32>
    tpu.vector_store %arg6[%swap3A_444, %swap3A_445, %swap3A_446], %swap3A_449 {strides = array<i32>} : memref<2x1x724xi32, #tpu.memory_space<vmem>>, vector<1x1x84xi32>,
    %mul3A_450 = arith.constant 2 : i32
    %mul3A_451 = arith.muli %arg0, %mul3A_450 : i32
    %add3A_452 = arith.constant 0 : i32
    %add3A_453 = arith.addi %mul3A_451, %add3A_452 : i32
    %mul3A_454 = arith.constant 1024 : i32
    %mul3A_455 = arith.muli %add3A_453, %mul3A_454 : i32
    %add3A_456 = vector.broadcast %mul3A_455 : i32 to vector<1x84xi32>
    %add3A_457 = arith.addi %convert_element_type3A_443, %add3A_456 : vector<1x84xi32>
    %swap3A_458 = arith.constant 0 : index
    %swap3A_459 = arith.constant 0 : index
    %swap3A_460 = arith.constant 640 : index
    %swap3A_461 = vector.load %arg7[%swap3A_458, %swap3A_459, %swap3A_460] : memref<2x1x724xi32, #tpu.memory_space<vmem>>, vector<1x1x84xi32>
    %swap3A_462 = vector.shape_cast %swap3A_461 : vector<1x1x84xi32> to vector<1x84xi32>
    %swap3A_463 = vector.shape_cast %add3A_457 : vector<1x84xi32> to vector<1x1x84xi32>
    tpu.vector_store %arg7[%swap3A_458, %swap3A_459, %swap3A_460], %swap3A_463 {strides = array<i32>} : memref<2x1x724xi32, #tpu.memory_space<vmem>>, vector<1x1x84xi32>,
    %transpose3A_464 = tpu.transpose %get3A_3, [1, 0] : vector<768x1024xf32> -> vector<1024x768xf32>
    %swap3A_465 = arith.constant 0 : index
    %swap3A_466 = arith.constant 0 : index
    %swap3A_467 = vector.load %arg5[%swap3A_465, %swap3A_466] : memref<2048x768xf32, #tpu.memory_space<vmem>>, vector<1024x768xf32>
    tpu.vector_store %arg5[%swap3A_465, %swap3A_466], %transpose3A_464 {strides = array<i32>} : memref<2048x768xf32, #tpu.memory_space<vmem>>, vector<1024x768xf32>,
    %get3A_468 = arith.constant 1 : index
    %get3A_469 = arith.constant 0 : index
    %get3A_470 = arith.constant 0 : index
    %get3A_471 = vector.load %arg4[%get3A_468, %get3A_469, %get3A_470] : memref<2x768x1024xf32, #tpu.memory_space<vmem>>, vector<1x768x1024xf32>
    %get3A_472 = vector.shape_cast %get3A_471 : vector<1x768x1024xf32> to vector<768x1024xf32>
    %iota3A_473 = tpu.iota {dimensions = array<i32: 1>} : vector<1x1024xi32>
    %jit3A_474 = arith.constant 32 : i32
    %eq3A_475 = arith.constant 0 : i32
    %eq3A_476 = arith.cmpi eq, %jit3A_474, %eq3A_475 : i32
    %jit3A_477 = arith.constant 1 : i32
    %select_n3A_478 = arith.select %eq3A_476, %jit3A_477, %jit3A_474 : i32
    %rem3A_479 = vector.broadcast %select_n3A_478 : i32 to vector<1x1024xi32>
    %rem3A_480 = arith.remsi %iota3A_473, %rem3A_479 : vector<1x1024xi32>
    %ne3A_481 = arith.constant 0 : i32
    %ne3A_482 = vector.broadcast %ne3A_481 : i32 to vector<1x1024xi32>
    %ne3A_483 = arith.cmpi ne, %rem3A_480, %ne3A_482 : vector<1x1024xi32>
    %lt3A_484 = arith.constant 0 : i32
    %lt3A_485 = vector.broadcast %lt3A_484 : i32 to vector<1x1024xi32>
    %lt3A_486 = arith.cmpi slt, %rem3A_480, %lt3A_485 : vector<1x1024xi32>
    %lt3A_487 = arith.constant 0 : i32
    %lt3A_488 = arith.cmpi slt, %select_n3A_478, %lt3A_487 : i32
    %ne3A_489 = vector.broadcast %lt3A_488 : i1 to vector<1x1024xi1>
    %ne3A_490 = vector.broadcast %ne3A_489 : vector<1x1024xi1> to vector<1x1024xi1>
    %ne3A_491 = arith.xori %lt3A_486, %ne3A_490 : vector<1x1024xi1>
    %and3A_492 = arith.andi %ne3A_491, %ne3A_483 : vector<1x1024xi1>
    %add3A_493 = vector.broadcast %select_n3A_478 : i32 to vector<1x1024xi32>
    %add3A_494 = arith.addi %rem3A_480, %add3A_493 : vector<1x1024xi32>
    %select_n3A_495 = arith.select %and3A_492, %add3A_494, %rem3A_480 : vector<1x1024xi1>, vector<1x1024xi32>
    %jit3A_496 = arith.constant 32 : i32
    %div3A_497 = vector.broadcast %jit3A_496 : i32 to vector<1x1024xi32>
    %div3A_498 = arith.divsi %iota3A_473, %div3A_497 : vector<1x1024xi32>
    %sign3A_499 = arith.constant 0 : i32
    %sign3A_500 = vector.broadcast %sign3A_499 : i32 to vector<1x1024xi32>
    %sign3A_501 = arith.cmpi sgt, %iota3A_473, %sign3A_500 : vector<1x1024xi32>
    %sign3A_502 = arith.extui %sign3A_501 : vector<1x1024xi1> to vector<1x1024xi32>
    %sign3A_503 = arith.constant 0 : i32
    %sign3A_504 = vector.broadcast %sign3A_503 : i32 to vector<1x1024xi32>
    %sign3A_505 = arith.cmpi slt, %iota3A_473, %sign3A_504 : vector<1x1024xi32>
    %sign3A_506 = arith.extui %sign3A_505 : vector<1x1024xi1> to vector<1x1024xi32>
    %sign3A_507 = arith.subi %sign3A_502, %sign3A_506 : vector<1x1024xi32>
    %sign3A_508 = arith.constant 0 : i32
    %sign3A_509 = arith.cmpi sgt, %jit3A_496, %sign3A_508 : i32
    %sign3A_510 = arith.extui %sign3A_509 : i1 to i32
    %sign3A_511 = arith.constant 0 : i32
    %sign3A_512 = arith.cmpi slt, %jit3A_496, %sign3A_511 : i32
    %sign3A_513 = arith.extui %sign3A_512 : i1 to i32
    %sign3A_514 = arith.subi %sign3A_510, %sign3A_513 : i32
    %ne3A_515 = vector.broadcast %sign3A_514 : i32 to vector<1x1024xi32>
    %ne3A_516 = arith.cmpi ne, %sign3A_507, %ne3A_515 : vector<1x1024xi32>
    %rem3A_517 = vector.broadcast %jit3A_496 : i32 to vector<1x1024xi32>
    %rem3A_518 = arith.remsi %iota3A_473, %rem3A_517 : vector<1x1024xi32>
    %ne3A_519 = arith.constant 0 : i32
    %ne3A_520 = vector.broadcast %ne3A_519 : i32 to vector<1x1024xi32>
    %ne3A_521 = arith.cmpi ne, %rem3A_518, %ne3A_520 : vector<1x1024xi32>
    %and3A_522 = arith.andi %ne3A_516, %ne3A_521 : vector<1x1024xi1>
    %sub3A_523 = arith.constant 1 : i32
    %sub3A_524 = vector.broadcast %sub3A_523 : i32 to vector<1x1024xi32>
    %sub3A_525 = arith.subi %div3A_498, %sub3A_524 : vector<1x1024xi32>
    %select_n3A_526 = arith.select %and3A_522, %sub3A_525, %div3A_498 : vector<1x1024xi1>, vector<1x1024xi32>
    %and3A_527 = arith.constant 1 : i32
    %and3A_528 = vector.broadcast %and3A_527 : i32 to vector<1x1024xi32>
    %and3A_529 = arith.andi %select_n3A_495, %and3A_528 : vector<1x1024xi32>
    %eq3A_530 = arith.constant 0 : i32
    %eq3A_531 = vector.broadcast %eq3A_530 : i32 to vector<1x1024xi32>
    %eq3A_532 = arith.cmpi eq, %and3A_529, %eq3A_531 : vector<1x1024xi32>
    %and3A_533 = arith.constant 1 : i32
    %and3A_534 = vector.broadcast %and3A_533 : i32 to vector<1x1024xi32>
    %and3A_535 = arith.andi %select_n3A_526, %and3A_534 : vector<1x1024xi32>
    %eq3A_536 = arith.constant 0 : i32
    %eq3A_537 = vector.broadcast %eq3A_536 : i32 to vector<1x1024xi32>
    %eq3A_538 = arith.cmpi eq, %and3A_535, %eq3A_537 : vector<1x1024xi32>
    %slice3A_539 = vector.extract_strided_slice %get3A_472 {offsets = [0, 1023], sizes = [768, 1], strides = [1, 1]} : vector<768x1024xf32> to vector<768x1xf32>
    %slice3A_540 = vector.extract_strided_slice %get3A_472 {offsets = [0, 0], sizes = [768, 1023], strides = [1, 1]} : vector<768x1024xf32> to vector<768x1023xf32>
    %concatenate3A_541 = tpu.concatenate %slice3A_539, %slice3A_540 in 1 : vector<768x1xf32>, vector<768x1023xf32> -> vector<768x1024xf32>
    %broadcast_in_dim3A_542 = vector.shape_cast %eq3A_532 : vector<1x1024xi1> to vector<1x1024xi1>
    %broadcast_in_dim3A_543 = vector.broadcast %broadcast_in_dim3A_542 : vector<1x1024xi1> to vector<768x1024xi1>
    %select_n3A_544 = arith.select %broadcast_in_dim3A_543, %get3A_472, %concatenate3A_541 : vector<768x1024xi1>, vector<768x1024xf32>
    %slice3A_545 = vector.extract_strided_slice %select_n3A_544 {offsets = [0, 992], sizes = [768, 32], strides = [1, 1]} : vector<768x1024xf32> to vector<768x32xf32>
    %slice3A_546 = vector.extract_strided_slice %select_n3A_544 {offsets = [0, 0], sizes = [768, 992], strides = [1, 1]} : vector<768x1024xf32> to vector<768x992xf32>
    %concatenate3A_547 = tpu.concatenate %slice3A_545, %slice3A_546 in 1 : vector<768x32xf32>, vector<768x992xf32> -> vector<768x1024xf32>
    %broadcast_in_dim3A_548 = vector.shape_cast %eq3A_538 : vector<1x1024xi1> to vector<1x1024xi1>
    %broadcast_in_dim3A_549 = vector.broadcast %broadcast_in_dim3A_548 : vector<1x1024xi1> to vector<768x1024xi1>
    %select_n3A_550 = arith.select %broadcast_in_dim3A_549, %select_n3A_544, %concatenate3A_547 : vector<768x1024xi1>, vector<768x1024xf32>
    %sub3A_551 = arith.subf %get3A_472, %select_n3A_550 : vector<768x1024xf32>
    %abs3A_552 = math.absf %sub3A_551 : vector<768x1024xf32>
    %reduce_sum3A_553 = arith.constant dense<0.000000e+00> : vector<1024xf32>
    %reduce_sum3A_554 = vector.multi_reduction <add>, %abs3A_552, %reduce_sum3A_553 [0] : vector<768x1024xf32> to vector<1024xf32>
    %broadcast_in_dim3A_555 = vector.shape_cast %reduce_sum3A_554 : vector<1024xf32> to vector<1x1024xf32>
    %slice3A_556 = vector.extract_strided_slice %broadcast_in_dim3A_555 {offsets = [0, 1], sizes = [1, 1023], strides = [1, 1]} : vector<1x1024xf32> to vector<1x1023xf32>
    %slice3A_557 = vector.extract_strided_slice %broadcast_in_dim3A_555 {offsets = [0, 0], sizes = [1, 1], strides = [1, 1]} : vector<1x1024xf32> to vector<1x1xf32>
    %concatenate3A_558 = tpu.concatenate %slice3A_556, %slice3A_557 in 1 : vector<1x1023xf32>, vector<1x1xf32> -> vector<1x1024xf32>
    %add3A_559 = arith.addf %broadcast_in_dim3A_555, %concatenate3A_558 : vector<1x1024xf32>
    %slice3A_560 = vector.extract_strided_slice %add3A_559 {offsets = [0, 32], sizes = [1, 992], strides = [1, 1]} : vector<1x1024xf32> to vector<1x992xf32>
    %slice3A_561 = vector.extract_strided_slice %add3A_559 {offsets = [0, 0], sizes = [1, 32], strides = [1, 1]} : vector<1x1024xf32> to vector<1x32xf32>
    %concatenate3A_562 = tpu.concatenate %slice3A_560, %slice3A_561 in 1 : vector<1x992xf32>, vector<1x32xf32> -> vector<1x1024xf32>
    %add3A_563 = arith.addf %add3A_559, %concatenate3A_562 : vector<1x1024xf32>
    %convert_element_type3A_564 = arith.truncf %add3A_563 : vector<1x1024xf32> to vector<1x1024xbf16>
    %convert_element_type3A_565 = arith.extf %convert_element_type3A_564 : vector<1x1024xbf16> to vector<1x1024xf32>
    %sub3A_566 = arith.subf %add3A_563, %convert_element_type3A_565 : vector<1x1024xf32>
    %convert_element_type3A_567 = arith.truncf %sub3A_566 : vector<1x1024xf32> to vector<1x1024xbf16>
    %convert_element_type3A_568 = arith.extf %convert_element_type3A_567 : vector<1x1024xbf16> to vector<1x1024xf32>
    %sub3A_569 = arith.subf %sub3A_566, %convert_element_type3A_568 : vector<1x1024xf32>
    %convert_element_type3A_570 = arith.truncf %sub3A_569 : vector<1x1024xf32> to vector<1x1024xbf16>
    %get3A_571 = arith.constant 0 : index
    %get3A_572 = arith.constant 0 : index
    %get3A_573 = vector.load %arg2[%get3A_571, %get3A_572] : memref<1024x256xbf16, #tpu.memory_space<vmem>>, vector<1024x256xbf16>
    %dot_general3A_574 = arith.constant dense<0.000000e+00> : vector<1x256xf32>
    %dot_general3A_575 = tpu.matmul %convert_element_type3A_564, %get3A_573, %dot_general3A_574 {dimension_numbers = #tpu.dot_dimension_numbers<[1], [0], [0], [1], [0, 0, 1, 1], [], []>, transpose_lhs_hint = false} : vector<1x1024xbf16>, vector<1024x256xbf16>, vector<1x256xf32> -> vector<1x256xf32>
    %dot_general3A_576 = arith.constant dense<0.000000e+00> : vector<1x256xf32>
    %dot_general3A_577 = tpu.matmul %convert_element_type3A_567, %get3A_573, %dot_general3A_576 {dimension_numbers = #tpu.dot_dimension_numbers<[1], [0], [0], [1], [0, 0, 1, 1], [], []>, transpose_lhs_hint = false} : vector<1x1024xbf16>, vector<1024x256xbf16>, vector<1x256xf32> -> vector<1x256xf32>
    %add3A_578 = arith.addf %dot_general3A_575, %dot_general3A_577 : vector<1x256xf32>
    %dot_general3A_579 = arith.constant dense<0.000000e+00> : vector<1x256xf32>
    %dot_general3A_580 = tpu.matmul %convert_element_type3A_570, %get3A_573, %dot_general3A_579 {dimension_numbers = #tpu.dot_dimension_numbers<[1], [0], [0], [1], [0, 0, 1, 1], [], []>, transpose_lhs_hint = false} : vector<1x1024xbf16>, vector<1024x256xbf16>, vector<1x256xf32> -> vector<1x256xf32>
    %add3A_581 = arith.addf %add3A_578, %dot_general3A_580 : vector<1x256xf32>
    %broadcast_in_dim3A_582 = vector.shape_cast %add3A_581 : vector<1x256xf32> to vector<1x256xf32>
    %broadcast_in_dim3A_583 = vector.broadcast %broadcast_in_dim3A_582 : vector<1x256xf32> to vector<256x256xf32>
    %transpose3A_584 = tpu.transpose %broadcast_in_dim3A_583, [1, 0] : vector<256x256xf32> -> vector<256x256xf32>
    %iota3A_585 = tpu.iota {dimensions = array<i32: 0>} : vector<256x256xi32>
    %iota3A_586 = tpu.iota {dimensions = array<i32: 1>} : vector<256x256xi32>
    %lt3A_587 = arith.cmpf olt, %transpose3A_584, %broadcast_in_dim3A_583 : vector<256x256xf32>
    %eq3A_588 = arith.cmpf oeq, %transpose3A_584, %broadcast_in_dim3A_583 : vector<256x256xf32>
    %lt3A_589 = arith.cmpi slt, %iota3A_585, %iota3A_586 : vector<256x256xi32>
    %and3A_590 = arith.andi %eq3A_588, %lt3A_589 : vector<256x256xi1>
    %or3A_591 = arith.ori %lt3A_587, %and3A_590 : vector<256x256xi1>
    %convert_element_type3A_592 = arith.extui %or3A_591 : vector<256x256xi1> to vector<256x256xi32>
    %reduce_sum3A_593 = arith.constant dense<0> : vector<256xi32>
    %reduce_sum3A_594 = vector.multi_reduction <add>, %convert_element_type3A_592, %reduce_sum3A_593 [0] : vector<256x256xi32> to vector<256xi32>
    %broadcast_in_dim3A_595 = vector.shape_cast %reduce_sum3A_594 : vector<256xi32> to vector<1x256xi32>
    %ge3A_596 = arith.constant 100 : i32
    %ge3A_597 = vector.broadcast %ge3A_596 : i32 to vector<1x256xi32>
    %ge3A_598 = arith.cmpi sge, %broadcast_in_dim3A_595, %ge3A_597 : vector<1x256xi32>
    %convert_element_type3A_599 = arith.extui %ge3A_598 : vector<1x256xi1> to vector<1x256xi32>
    %convert_element_type3A_600 = arith.sitofp %convert_element_type3A_599 : vector<1x256xi32> to vector<1x256xf32>
    %convert_element_type3A_601 = arith.truncf %convert_element_type3A_600 : vector<1x256xf32> to vector<1x256xbf16>
    %get3A_602 = arith.constant 0 : index
    %get3A_603 = arith.constant 0 : index
    %get3A_604 = vector.load %arg1[%get3A_602, %get3A_603] : memref<1024x256xbf16, #tpu.memory_space<vmem>>, vector<1024x256xbf16>
    %dot_general3A_605 = arith.constant dense<0.000000e+00> : vector<1x1024xf32>
    %dot_general3A_606 = tpu.matmul %convert_element_type3A_601, %get3A_604, %dot_general3A_605 {dimension_numbers = #tpu.dot_dimension_numbers<[1], [1], [0], [0], [0, 0, 1, 0], [], []>, transpose_lhs_hint = false} : vector<1x256xbf16>, vector<1024x256xbf16>, vector<1x1024xf32> -> vector<1x1024xf32>
    %and3A_607 = arith.andi %eq3A_538, %eq3A_532 : vector<1x1024xi1>
    %gt3A_608 = arith.constant 5.000000e-01 : f32
    %gt3A_609 = vector.broadcast %gt3A_608 : f32 to vector<1x1024xf32>
    %gt3A_610 = arith.cmpf ogt, %dot_general3A_606, %gt3A_609 : vector<1x1024xf32>
    %or3A_611 = arith.ori %and3A_607, %gt3A_610 : vector<1x1024xi1>
    %convert_element_type3A_612 = arith.extui %or3A_611 : vector<1x1024xi1> to vector<1x1024xi32>
    %convert_element_type3A_613 = arith.sitofp %convert_element_type3A_612 : vector<1x1024xi32> to vector<1x1024xf32>
    %convert_element_type3A_614 = arith.truncf %convert_element_type3A_613 : vector<1x1024xf32> to vector<1x1024xbf16>
    %get3A_615 = arith.constant 0 : index
    %get3A_616 = arith.constant 0 : index
    %get3A_617 = vector.load %arg3[%get3A_615, %get3A_616] : memref<1024x1024xbf16, #tpu.memory_space<vmem>>, vector<1024x1024xbf16>
    %dot_general3A_618 = arith.constant dense<0.000000e+00> : vector<1x1024xf32>
    %dot_general3A_619 = tpu.matmul %convert_element_type3A_614, %get3A_617, %dot_general3A_618 {dimension_numbers = #tpu.dot_dimension_numbers<[1], [0], [0], [1], [0, 0, 1, 1], [], []>, transpose_lhs_hint = false} : vector<1x1024xbf16>, vector<1024x1024xbf16>, vector<1x1024xf32> -> vector<1x1024xf32>
    %jit3A_620 = arith.constant 256 : i32
    %div3A_621 = vector.broadcast %jit3A_620 : i32 to vector<1x1024xi32>
    %div3A_622 = arith.divsi %iota3A_473, %div3A_621 : vector<1x1024xi32>
    %sign3A_623 = arith.constant 0 : i32
    %sign3A_624 = vector.broadcast %sign3A_623 : i32 to vector<1x1024xi32>
    %sign3A_625 = arith.cmpi sgt, %iota3A_473, %sign3A_624 : vector<1x1024xi32>
    %sign3A_626 = arith.extui %sign3A_625 : vector<1x1024xi1> to vector<1x1024xi32>
    %sign3A_627 = arith.constant 0 : i32
    %sign3A_628 = vector.broadcast %sign3A_627 : i32 to vector<1x1024xi32>
    %sign3A_629 = arith.cmpi slt, %iota3A_473, %sign3A_628 : vector<1x1024xi32>
    %sign3A_630 = arith.extui %sign3A_629 : vector<1x1024xi1> to vector<1x1024xi32>
    %sign3A_631 = arith.subi %sign3A_626, %sign3A_630 : vector<1x1024xi32>
    %sign3A_632 = arith.constant 0 : i32
    %sign3A_633 = arith.cmpi sgt, %jit3A_620, %sign3A_632 : i32
    %sign3A_634 = arith.extui %sign3A_633 : i1 to i32
    %sign3A_635 = arith.constant 0 : i32
    %sign3A_636 = arith.cmpi slt, %jit3A_620, %sign3A_635 : i32
    %sign3A_637 = arith.extui %sign3A_636 : i1 to i32
    %sign3A_638 = arith.subi %sign3A_634, %sign3A_637 : i32
    %ne3A_639 = vector.broadcast %sign3A_638 : i32 to vector<1x1024xi32>
    %ne3A_640 = arith.cmpi ne, %sign3A_631, %ne3A_639 : vector<1x1024xi32>
    %rem3A_641 = vector.broadcast %jit3A_620 : i32 to vector<1x1024xi32>
    %rem3A_642 = arith.remsi %iota3A_473, %rem3A_641 : vector<1x1024xi32>
    %ne3A_643 = arith.constant 0 : i32
    %ne3A_644 = vector.broadcast %ne3A_643 : i32 to vector<1x1024xi32>
    %ne3A_645 = arith.cmpi ne, %rem3A_642, %ne3A_644 : vector<1x1024xi32>
    %and3A_646 = arith.andi %ne3A_640, %ne3A_645 : vector<1x1024xi1>
    %sub3A_647 = arith.constant 1 : i32
    %sub3A_648 = vector.broadcast %sub3A_647 : i32 to vector<1x1024xi32>
    %sub3A_649 = arith.subi %div3A_622, %sub3A_648 : vector<1x1024xi32>
    %select_n3A_650 = arith.select %and3A_646, %sub3A_649, %div3A_622 : vector<1x1024xi1>, vector<1x1024xi32>
    %convert_element_type3A_651 = arith.sitofp %select_n3A_650 : vector<1x1024xi32> to vector<1x1024xbf16>
    %jit3A_652 = arith.constant 256 : i32
    %eq3A_653 = arith.constant 0 : i32
    %eq3A_654 = arith.cmpi eq, %jit3A_652, %eq3A_653 : i32
    %jit3A_655 = arith.constant 1 : i32
    %select_n3A_656 = arith.select %eq3A_654, %jit3A_655, %jit3A_652 : i32
    %rem3A_657 = vector.broadcast %select_n3A_656 : i32 to vector<1x1024xi32>
    %rem3A_658 = arith.remsi %iota3A_473, %rem3A_657 : vector<1x1024xi32>
    %ne3A_659 = arith.constant 0 : i32
    %ne3A_660 = vector.broadcast %ne3A_659 : i32 to vector<1x1024xi32>
    %ne3A_661 = arith.cmpi ne, %rem3A_658, %ne3A_660 : vector<1x1024xi32>
    %lt3A_662 = arith.constant 0 : i32
    %lt3A_663 = vector.broadcast %lt3A_662 : i32 to vector<1x1024xi32>
    %lt3A_664 = arith.cmpi slt, %rem3A_658, %lt3A_663 : vector<1x1024xi32>
    %lt3A_665 = arith.constant 0 : i32
    %lt3A_666 = arith.cmpi slt, %select_n3A_656, %lt3A_665 : i32
    %ne3A_667 = vector.broadcast %lt3A_666 : i1 to vector<1x1024xi1>
    %ne3A_668 = vector.broadcast %ne3A_667 : vector<1x1024xi1> to vector<1x1024xi1>
    %ne3A_669 = arith.xori %lt3A_664, %ne3A_668 : vector<1x1024xi1>
    %and3A_670 = arith.andi %ne3A_669, %ne3A_661 : vector<1x1024xi1>
    %add3A_671 = vector.broadcast %select_n3A_656 : i32 to vector<1x1024xi32>
    %add3A_672 = arith.addi %rem3A_658, %add3A_671 : vector<1x1024xi32>
    %select_n3A_673 = arith.select %and3A_670, %add3A_672, %rem3A_658 : vector<1x1024xi1>, vector<1x1024xi32>
    %convert_element_type3A_674 = arith.sitofp %select_n3A_673 : vector<1x1024xi32> to vector<1x1024xbf16>
    %iota3A_675 = tpu.iota {dimensions = array<i32: 0>} : vector<128x512xi32>
    %add3A_676 = arith.constant 0 : i32
    %add3A_677 = vector.broadcast %add3A_676 : i32 to vector<128x512xi32>
    %add3A_678 = arith.addi %add3A_677, %iota3A_675 : vector<128x512xi32>
    %convert_element_type3A_679 = arith.sitofp %add3A_678 : vector<128x512xi32> to vector<128x512xf32>
    %slice3A_680 = vector.extract_strided_slice %dot_general3A_619 {offsets = [0, 0], sizes = [1, 512], strides = [1, 1]} : vector<1x1024xf32> to vector<1x512xf32>
    %broadcast_in_dim3A_681 = vector.shape_cast %slice3A_680 : vector<1x512xf32> to vector<1x512xf32>
    %broadcast_in_dim3A_682 = vector.broadcast %broadcast_in_dim3A_681 : vector<1x512xf32> to vector<128x512xf32>
    %eq3A_683 = arith.cmpf oeq, %broadcast_in_dim3A_682, %convert_element_type3A_679 : vector<128x512xf32>
    %slice3A_684 = vector.extract_strided_slice %or3A_611 {offsets = [0, 0], sizes = [1, 512], strides = [1, 1]} : vector<1x1024xi1> to vector<1x512xi1>
    %broadcast_in_dim3A_685 = vector.shape_cast %slice3A_684 : vector<1x512xi1> to vector<1x512xi1>
    %broadcast_in_dim3A_686 = vector.broadcast %broadcast_in_dim3A_685 : vector<1x512xi1> to vector<128x512xi1>
    %and3A_687 = arith.andi %eq3A_683, %broadcast_in_dim3A_686 : vector<128x512xi1>
    %convert_element_type3A_688 = arith.extui %and3A_687 : vector<128x512xi1> to vector<128x512xi32>
    %convert_element_type3A_689 = arith.sitofp %convert_element_type3A_688 : vector<128x512xi32> to vector<128x512xf32>
    %convert_element_type3A_690 = arith.truncf %convert_element_type3A_689 : vector<128x512xf32> to vector<128x512xbf16>
    %slice3A_691 = vector.extract_strided_slice %convert_element_type3A_651 {offsets = [0, 0], sizes = [1, 512], strides = [1, 1]} : vector<1x1024xbf16> to vector<1x512xbf16>
    %dot_general3A_692 = arith.constant dense<0.000000e+00> : vector<1x128xf32>
    %dot_general3A_693 = tpu.matmul %slice3A_691, %convert_element_type3A_690, %dot_general3A_692 {dimension_numbers = #tpu.dot_dimension_numbers<[1], [1], [0], [0], [0, 0, 1, 0], [], []>, transpose_lhs_hint = false} : vector<1x512xbf16>, vector<128x512xbf16>, vector<1x128xf32> -> vector<1x128xf32>
    %mul3A_694 = arith.constant 2.560000e+02 : f32
    %mul3A_695 = vector.broadcast %mul3A_694 : f32 to vector<1x128xf32>
    %mul3A_696 = arith.mulf %mul3A_695, %dot_general3A_693 : vector<1x128xf32>
    %slice3A_697 = vector.extract_strided_slice %convert_element_type3A_674 {offsets = [0, 0], sizes = [1, 512], strides = [1, 1]} : vector<1x1024xbf16> to vector<1x512xbf16>
    %dot_general3A_698 = arith.constant dense<0.000000e+00> : vector<1x128xf32>
    %dot_general3A_699 = tpu.matmul %slice3A_697, %convert_element_type3A_690, %dot_general3A_698 {dimension_numbers = #tpu.dot_dimension_numbers<[1], [1], [0], [0], [0, 0, 1, 0], [], []>, transpose_lhs_hint = false} : vector<1x512xbf16>, vector<128x512xbf16>, vector<1x128xf32> -> vector<1x128xf32>
    %add3A_700 = arith.addf %mul3A_696, %dot_general3A_699 : vector<1x128xf32>
    %convert_element_type3A_701 = arith.fptosi %add3A_700 : vector<1x128xf32> to vector<1x128xi32>
    %swap3A_702 = arith.constant 1 : index
    %swap3A_703 = arith.constant 0 : index
    %swap3A_704 = arith.constant 0 : index
    %swap3A_705 = vector.load %arg6[%swap3A_702, %swap3A_703, %swap3A_704] : memref<2x1x724xi32, #tpu.memory_space<vmem>>, vector<1x1x128xi32>
    %swap3A_706 = vector.shape_cast %swap3A_705 : vector<1x1x128xi32> to vector<1x128xi32>
    %swap3A_707 = vector.shape_cast %convert_element_type3A_701 : vector<1x128xi32> to vector<1x1x128xi32>
    tpu.vector_store %arg6[%swap3A_702, %swap3A_703, %swap3A_704], %swap3A_707 {strides = array<i32>} : memref<2x1x724xi32, #tpu.memory_space<vmem>>, vector<1x1x128xi32>,
    %mul3A_708 = arith.constant 2 : i32
    %mul3A_709 = arith.muli %arg0, %mul3A_708 : i32
    %add3A_710 = arith.constant 1 : i32
    %add3A_711 = arith.addi %mul3A_709, %add3A_710 : i32
    %mul3A_712 = arith.constant 1024 : i32
    %mul3A_713 = arith.muli %add3A_711, %mul3A_712 : i32
    %add3A_714 = vector.broadcast %mul3A_713 : i32 to vector<1x128xi32>
    %add3A_715 = arith.addi %convert_element_type3A_701, %add3A_714 : vector<1x128xi32>
    %swap3A_716 = arith.constant 1 : index
    %swap3A_717 = arith.constant 0 : index
    %swap3A_718 = arith.constant 0 : index
    %swap3A_719 = vector.load %arg7[%swap3A_716, %swap3A_717, %swap3A_718] : memref<2x1x724xi32, #tpu.memory_space<vmem>>, vector<1x1x128xi32>
    %swap3A_720 = vector.shape_cast %swap3A_719 : vector<1x1x128xi32> to vector<1x128xi32>
    %swap3A_721 = vector.shape_cast %add3A_715 : vector<1x128xi32> to vector<1x1x128xi32>
    tpu.vector_store %arg7[%swap3A_716, %swap3A_717, %swap3A_718], %swap3A_721 {strides = array<i32>} : memref<2x1x724xi32, #tpu.memory_space<vmem>>, vector<1x1x128xi32>,
    %iota3A_722 = tpu.iota {dimensions = array<i32: 0>} : vector<128x512xi32>
    %add3A_723 = arith.constant 128 : i32
    %add3A_724 = vector.broadcast %add3A_723 : i32 to vector<128x512xi32>
    %add3A_725 = arith.addi %add3A_724, %iota3A_722 : vector<128x512xi32>
    %convert_element_type3A_726 = arith.sitofp %add3A_725 : vector<128x512xi32> to vector<128x512xf32>
    %slice3A_727 = vector.extract_strided_slice %dot_general3A_619 {offsets = [0, 128], sizes = [1, 512], strides = [1, 1]} : vector<1x1024xf32> to vector<1x512xf32>
    %broadcast_in_dim3A_728 = vector.shape_cast %slice3A_727 : vector<1x512xf32> to vector<1x512xf32>
    %broadcast_in_dim3A_729 = vector.broadcast %broadcast_in_dim3A_728 : vector<1x512xf32> to vector<128x512xf32>
    %eq3A_730 = arith.cmpf oeq, %broadcast_in_dim3A_729, %convert_element_type3A_726 : vector<128x512xf32>
    %slice3A_731 = vector.extract_strided_slice %or3A_611 {offsets = [0, 128], sizes = [1, 512], strides = [1, 1]} : vector<1x1024xi1> to vector<1x512xi1>
    %broadcast_in_dim3A_732 = vector.shape_cast %slice3A_731 : vector<1x512xi1> to vector<1x512xi1>
    %broadcast_in_dim3A_733 = vector.broadcast %broadcast_in_dim3A_732 : vector<1x512xi1> to vector<128x512xi1>
    %and3A_734 = arith.andi %eq3A_730, %broadcast_in_dim3A_733 : vector<128x512xi1>
    %convert_element_type3A_735 = arith.extui %and3A_734 : vector<128x512xi1> to vector<128x512xi32>
    %convert_element_type3A_736 = arith.sitofp %convert_element_type3A_735 : vector<128x512xi32> to vector<128x512xf32>
    %convert_element_type3A_737 = arith.truncf %convert_element_type3A_736 : vector<128x512xf32> to vector<128x512xbf16>
    %slice3A_738 = vector.extract_strided_slice %convert_element_type3A_651 {offsets = [0, 128], sizes = [1, 512], strides = [1, 1]} : vector<1x1024xbf16> to vector<1x512xbf16>
    %dot_general3A_739 = arith.constant dense<0.000000e+00> : vector<1x128xf32>
    %dot_general3A_740 = tpu.matmul %slice3A_738, %convert_element_type3A_737, %dot_general3A_739 {dimension_numbers = #tpu.dot_dimension_numbers<[1], [1], [0], [0], [0, 0, 1, 0], [], []>, transpose_lhs_hint = false} : vector<1x512xbf16>, vector<128x512xbf16>, vector<1x128xf32> -> vector<1x128xf32>
    %mul3A_741 = arith.constant 2.560000e+02 : f32
    %mul3A_742 = vector.broadcast %mul3A_741 : f32 to vector<1x128xf32>
    %mul3A_743 = arith.mulf %mul3A_742, %dot_general3A_740 : vector<1x128xf32>
    %slice3A_744 = vector.extract_strided_slice %convert_element_type3A_674 {offsets = [0, 128], sizes = [1, 512], strides = [1, 1]} : vector<1x1024xbf16> to vector<1x512xbf16>
    %dot_general3A_745 = arith.constant dense<0.000000e+00> : vector<1x128xf32>
    %dot_general3A_746 = tpu.matmul %slice3A_744, %convert_element_type3A_737, %dot_general3A_745 {dimension_numbers = #tpu.dot_dimension_numbers<[1], [1], [0], [0], [0, 0, 1, 0], [], []>, transpose_lhs_hint = false} : vector<1x512xbf16>, vector<128x512xbf16>, vector<1x128xf32> -> vector<1x128xf32>
    %add3A_747 = arith.addf %mul3A_743, %dot_general3A_746 : vector<1x128xf32>
    %convert_element_type3A_748 = arith.fptosi %add3A_747 : vector<1x128xf32> to vector<1x128xi32>
    %swap3A_749 = arith.constant 1 : index
    %swap3A_750 = arith.constant 0 : index
    %swap3A_751 = arith.constant 128 : index
    %swap3A_752 = vector.load %arg6[%swap3A_749, %swap3A_750, %swap3A_751] : memref<2x1x724xi32, #tpu.memory_space<vmem>>, vector<1x1x128xi32>
    %swap3A_753 = vector.shape_cast %swap3A_752 : vector<1x1x128xi32> to vector<1x128xi32>
    %swap3A_754 = vector.shape_cast %convert_element_type3A_748 : vector<1x128xi32> to vector<1x1x128xi32>
    tpu.vector_store %arg6[%swap3A_749, %swap3A_750, %swap3A_751], %swap3A_754 {strides = array<i32>} : memref<2x1x724xi32, #tpu.memory_space<vmem>>, vector<1x1x128xi32>,
    %mul3A_755 = arith.constant 2 : i32
    %mul3A_756 = arith.muli %arg0, %mul3A_755 : i32
    %add3A_757 = arith.constant 1 : i32
    %add3A_758 = arith.addi %mul3A_756, %add3A_757 : i32
    %mul3A_759 = arith.constant 1024 : i32
    %mul3A_760 = arith.muli %add3A_758, %mul3A_759 : i32
    %add3A_761 = vector.broadcast %mul3A_760 : i32 to vector<1x128xi32>
    %add3A_762 = arith.addi %convert_element_type3A_748, %add3A_761 : vector<1x128xi32>
    %swap3A_763 = arith.constant 1 : index
    %swap3A_764 = arith.constant 0 : index
    %swap3A_765 = arith.constant 128 : index
    %swap3A_766 = vector.load %arg7[%swap3A_763, %swap3A_764, %swap3A_765] : memref<2x1x724xi32, #tpu.memory_space<vmem>>, vector<1x1x128xi32>
    %swap3A_767 = vector.shape_cast %swap3A_766 : vector<1x1x128xi32> to vector<1x128xi32>
    %swap3A_768 = vector.shape_cast %add3A_762 : vector<1x128xi32> to vector<1x1x128xi32>
    tpu.vector_store %arg7[%swap3A_763, %swap3A_764, %swap3A_765], %swap3A_768 {strides = array<i32>} : memref<2x1x724xi32, #tpu.memory_space<vmem>>, vector<1x1x128xi32>,
    %iota3A_769 = tpu.iota {dimensions = array<i32: 0>} : vector<128x512xi32>
    %add3A_770 = arith.constant 256 : i32
    %add3A_771 = vector.broadcast %add3A_770 : i32 to vector<128x512xi32>
    %add3A_772 = arith.addi %add3A_771, %iota3A_769 : vector<128x512xi32>
    %convert_element_type3A_773 = arith.sitofp %add3A_772 : vector<128x512xi32> to vector<128x512xf32>
    %slice3A_774 = vector.extract_strided_slice %dot_general3A_619 {offsets = [0, 256], sizes = [1, 512], strides = [1, 1]} : vector<1x1024xf32> to vector<1x512xf32>
    %broadcast_in_dim3A_775 = vector.shape_cast %slice3A_774 : vector<1x512xf32> to vector<1x512xf32>
    %broadcast_in_dim3A_776 = vector.broadcast %broadcast_in_dim3A_775 : vector<1x512xf32> to vector<128x512xf32>
    %eq3A_777 = arith.cmpf oeq, %broadcast_in_dim3A_776, %convert_element_type3A_773 : vector<128x512xf32>
    %slice3A_778 = vector.extract_strided_slice %or3A_611 {offsets = [0, 256], sizes = [1, 512], strides = [1, 1]} : vector<1x1024xi1> to vector<1x512xi1>
    %broadcast_in_dim3A_779 = vector.shape_cast %slice3A_778 : vector<1x512xi1> to vector<1x512xi1>
    %broadcast_in_dim3A_780 = vector.broadcast %broadcast_in_dim3A_779 : vector<1x512xi1> to vector<128x512xi1>
    %and3A_781 = arith.andi %eq3A_777, %broadcast_in_dim3A_780 : vector<128x512xi1>
    %convert_element_type3A_782 = arith.extui %and3A_781 : vector<128x512xi1> to vector<128x512xi32>
    %convert_element_type3A_783 = arith.sitofp %convert_element_type3A_782 : vector<128x512xi32> to vector<128x512xf32>
    %convert_element_type3A_784 = arith.truncf %convert_element_type3A_783 : vector<128x512xf32> to vector<128x512xbf16>
    %slice3A_785 = vector.extract_strided_slice %convert_element_type3A_651 {offsets = [0, 256], sizes = [1, 512], strides = [1, 1]} : vector<1x1024xbf16> to vector<1x512xbf16>
    %dot_general3A_786 = arith.constant dense<0.000000e+00> : vector<1x128xf32>
    %dot_general3A_787 = tpu.matmul %slice3A_785, %convert_element_type3A_784, %dot_general3A_786 {dimension_numbers = #tpu.dot_dimension_numbers<[1], [1], [0], [0], [0, 0, 1, 0], [], []>, transpose_lhs_hint = false} : vector<1x512xbf16>, vector<128x512xbf16>, vector<1x128xf32> -> vector<1x128xf32>
    %mul3A_788 = arith.constant 2.560000e+02 : f32
    %mul3A_789 = vector.broadcast %mul3A_788 : f32 to vector<1x128xf32>
    %mul3A_790 = arith.mulf %mul3A_789, %dot_general3A_787 : vector<1x128xf32>
    %slice3A_791 = vector.extract_strided_slice %convert_element_type3A_674 {offsets = [0, 256], sizes = [1, 512], strides = [1, 1]} : vector<1x1024xbf16> to vector<1x512xbf16>
    %dot_general3A_792 = arith.constant dense<0.000000e+00> : vector<1x128xf32>
    %dot_general3A_793 = tpu.matmul %slice3A_791, %convert_element_type3A_784, %dot_general3A_792 {dimension_numbers = #tpu.dot_dimension_numbers<[1], [1], [0], [0], [0, 0, 1, 0], [], []>, transpose_lhs_hint = false} : vector<1x512xbf16>, vector<128x512xbf16>, vector<1x128xf32> -> vector<1x128xf32>
    %add3A_794 = arith.addf %mul3A_790, %dot_general3A_793 : vector<1x128xf32>
    %convert_element_type3A_795 = arith.fptosi %add3A_794 : vector<1x128xf32> to vector<1x128xi32>
    %swap3A_796 = arith.constant 1 : index
    %swap3A_797 = arith.constant 0 : index
    %swap3A_798 = arith.constant 256 : index
    %swap3A_799 = vector.load %arg6[%swap3A_796, %swap3A_797, %swap3A_798] : memref<2x1x724xi32, #tpu.memory_space<vmem>>, vector<1x1x128xi32>
    %swap3A_800 = vector.shape_cast %swap3A_799 : vector<1x1x128xi32> to vector<1x128xi32>
    %swap3A_801 = vector.shape_cast %convert_element_type3A_795 : vector<1x128xi32> to vector<1x1x128xi32>
    tpu.vector_store %arg6[%swap3A_796, %swap3A_797, %swap3A_798], %swap3A_801 {strides = array<i32>} : memref<2x1x724xi32, #tpu.memory_space<vmem>>, vector<1x1x128xi32>,
    %mul3A_802 = arith.constant 2 : i32
    %mul3A_803 = arith.muli %arg0, %mul3A_802 : i32
    %add3A_804 = arith.constant 1 : i32
    %add3A_805 = arith.addi %mul3A_803, %add3A_804 : i32
    %mul3A_806 = arith.constant 1024 : i32
    %mul3A_807 = arith.muli %add3A_805, %mul3A_806 : i32
    %add3A_808 = vector.broadcast %mul3A_807 : i32 to vector<1x128xi32>
    %add3A_809 = arith.addi %convert_element_type3A_795, %add3A_808 : vector<1x128xi32>
    %swap3A_810 = arith.constant 1 : index
    %swap3A_811 = arith.constant 0 : index
    %swap3A_812 = arith.constant 256 : index
    %swap3A_813 = vector.load %arg7[%swap3A_810, %swap3A_811, %swap3A_812] : memref<2x1x724xi32, #tpu.memory_space<vmem>>, vector<1x1x128xi32>
    %swap3A_814 = vector.shape_cast %swap3A_813 : vector<1x1x128xi32> to vector<1x128xi32>
    %swap3A_815 = vector.shape_cast %add3A_809 : vector<1x128xi32> to vector<1x1x128xi32>
    tpu.vector_store %arg7[%swap3A_810, %swap3A_811, %swap3A_812], %swap3A_815 {strides = array<i32>} : memref<2x1x724xi32, #tpu.memory_space<vmem>>, vector<1x1x128xi32>,
    %iota3A_816 = tpu.iota {dimensions = array<i32: 0>} : vector<128x512xi32>
    %add3A_817 = arith.constant 384 : i32
    %add3A_818 = vector.broadcast %add3A_817 : i32 to vector<128x512xi32>
    %add3A_819 = arith.addi %add3A_818, %iota3A_816 : vector<128x512xi32>
    %convert_element_type3A_820 = arith.sitofp %add3A_819 : vector<128x512xi32> to vector<128x512xf32>
    %slice3A_821 = vector.extract_strided_slice %dot_general3A_619 {offsets = [0, 384], sizes = [1, 512], strides = [1, 1]} : vector<1x1024xf32> to vector<1x512xf32>
    %broadcast_in_dim3A_822 = vector.shape_cast %slice3A_821 : vector<1x512xf32> to vector<1x512xf32>
    %broadcast_in_dim3A_823 = vector.broadcast %broadcast_in_dim3A_822 : vector<1x512xf32> to vector<128x512xf32>
    %eq3A_824 = arith.cmpf oeq, %broadcast_in_dim3A_823, %convert_element_type3A_820 : vector<128x512xf32>
    %slice3A_825 = vector.extract_strided_slice %or3A_611 {offsets = [0, 384], sizes = [1, 512], strides = [1, 1]} : vector<1x1024xi1> to vector<1x512xi1>
    %broadcast_in_dim3A_826 = vector.shape_cast %slice3A_825 : vector<1x512xi1> to vector<1x512xi1>
    %broadcast_in_dim3A_827 = vector.broadcast %broadcast_in_dim3A_826 : vector<1x512xi1> to vector<128x512xi1>
    %and3A_828 = arith.andi %eq3A_824, %broadcast_in_dim3A_827 : vector<128x512xi1>
    %convert_element_type3A_829 = arith.extui %and3A_828 : vector<128x512xi1> to vector<128x512xi32>
    %convert_element_type3A_830 = arith.sitofp %convert_element_type3A_829 : vector<128x512xi32> to vector<128x512xf32>
    %convert_element_type3A_831 = arith.truncf %convert_element_type3A_830 : vector<128x512xf32> to vector<128x512xbf16>
    %slice3A_832 = vector.extract_strided_slice %convert_element_type3A_651 {offsets = [0, 384], sizes = [1, 512], strides = [1, 1]} : vector<1x1024xbf16> to vector<1x512xbf16>
    %dot_general3A_833 = arith.constant dense<0.000000e+00> : vector<1x128xf32>
    %dot_general3A_834 = tpu.matmul %slice3A_832, %convert_element_type3A_831, %dot_general3A_833 {dimension_numbers = #tpu.dot_dimension_numbers<[1], [1], [0], [0], [0, 0, 1, 0], [], []>, transpose_lhs_hint = false} : vector<1x512xbf16>, vector<128x512xbf16>, vector<1x128xf32> -> vector<1x128xf32>
    %mul3A_835 = arith.constant 2.560000e+02 : f32
    %mul3A_836 = vector.broadcast %mul3A_835 : f32 to vector<1x128xf32>
    %mul3A_837 = arith.mulf %mul3A_836, %dot_general3A_834 : vector<1x128xf32>
    %slice3A_838 = vector.extract_strided_slice %convert_element_type3A_674 {offsets = [0, 384], sizes = [1, 512], strides = [1, 1]} : vector<1x1024xbf16> to vector<1x512xbf16>
    %dot_general3A_839 = arith.constant dense<0.000000e+00> : vector<1x128xf32>
    %dot_general3A_840 = tpu.matmul %slice3A_838, %convert_element_type3A_831, %dot_general3A_839 {dimension_numbers = #tpu.dot_dimension_numbers<[1], [1], [0], [0], [0, 0, 1, 0], [], []>, transpose_lhs_hint = false} : vector<1x512xbf16>, vector<128x512xbf16>, vector<1x128xf32> -> vector<1x128xf32>
    %add3A_841 = arith.addf %mul3A_837, %dot_general3A_840 : vector<1x128xf32>
    %convert_element_type3A_842 = arith.fptosi %add3A_841 : vector<1x128xf32> to vector<1x128xi32>
    %swap3A_843 = arith.constant 1 : index
    %swap3A_844 = arith.constant 0 : index
    %swap3A_845 = arith.constant 384 : index
    %swap3A_846 = vector.load %arg6[%swap3A_843, %swap3A_844, %swap3A_845] : memref<2x1x724xi32, #tpu.memory_space<vmem>>, vector<1x1x128xi32>
    %swap3A_847 = vector.shape_cast %swap3A_846 : vector<1x1x128xi32> to vector<1x128xi32>
    %swap3A_848 = vector.shape_cast %convert_element_type3A_842 : vector<1x128xi32> to vector<1x1x128xi32>
    tpu.vector_store %arg6[%swap3A_843, %swap3A_844, %swap3A_845], %swap3A_848 {strides = array<i32>} : memref<2x1x724xi32, #tpu.memory_space<vmem>>, vector<1x1x128xi32>,
    %mul3A_849 = arith.constant 2 : i32
    %mul3A_850 = arith.muli %arg0, %mul3A_849 : i32
    %add3A_851 = arith.constant 1 : i32
    %add3A_852 = arith.addi %mul3A_850, %add3A_851 : i32
    %mul3A_853 = arith.constant 1024 : i32
    %mul3A_854 = arith.muli %add3A_852, %mul3A_853 : i32
    %add3A_855 = vector.broadcast %mul3A_854 : i32 to vector<1x128xi32>
    %add3A_856 = arith.addi %convert_element_type3A_842, %add3A_855 : vector<1x128xi32>
    %swap3A_857 = arith.constant 1 : index
    %swap3A_858 = arith.constant 0 : index
    %swap3A_859 = arith.constant 384 : index
    %swap3A_860 = vector.load %arg7[%swap3A_857, %swap3A_858, %swap3A_859] : memref<2x1x724xi32, #tpu.memory_space<vmem>>, vector<1x1x128xi32>
    %swap3A_861 = vector.shape_cast %swap3A_860 : vector<1x1x128xi32> to vector<1x128xi32>
    %swap3A_862 = vector.shape_cast %add3A_856 : vector<1x128xi32> to vector<1x1x128xi32>
    tpu.vector_store %arg7[%swap3A_857, %swap3A_858, %swap3A_859], %swap3A_862 {strides = array<i32>} : memref<2x1x724xi32, #tpu.memory_space<vmem>>, vector<1x1x128xi32>,
    %iota3A_863 = tpu.iota {dimensions = array<i32: 0>} : vector<128x512xi32>
    %add3A_864 = arith.constant 512 : i32
    %add3A_865 = vector.broadcast %add3A_864 : i32 to vector<128x512xi32>
    %add3A_866 = arith.addi %add3A_865, %iota3A_863 : vector<128x512xi32>
    %convert_element_type3A_867 = arith.sitofp %add3A_866 : vector<128x512xi32> to vector<128x512xf32>
    %slice3A_868 = vector.extract_strided_slice %dot_general3A_619 {offsets = [0, 512], sizes = [1, 512], strides = [1, 1]} : vector<1x1024xf32> to vector<1x512xf32>
    %broadcast_in_dim3A_869 = vector.shape_cast %slice3A_868 : vector<1x512xf32> to vector<1x512xf32>
    %broadcast_in_dim3A_870 = vector.broadcast %broadcast_in_dim3A_869 : vector<1x512xf32> to vector<128x512xf32>
    %eq3A_871 = arith.cmpf oeq, %broadcast_in_dim3A_870, %convert_element_type3A_867 : vector<128x512xf32>
    %slice3A_872 = vector.extract_strided_slice %or3A_611 {offsets = [0, 512], sizes = [1, 512], strides = [1, 1]} : vector<1x1024xi1> to vector<1x512xi1>
    %broadcast_in_dim3A_873 = vector.shape_cast %slice3A_872 : vector<1x512xi1> to vector<1x512xi1>
    %broadcast_in_dim3A_874 = vector.broadcast %broadcast_in_dim3A_873 : vector<1x512xi1> to vector<128x512xi1>
    %and3A_875 = arith.andi %eq3A_871, %broadcast_in_dim3A_874 : vector<128x512xi1>
    %convert_element_type3A_876 = arith.extui %and3A_875 : vector<128x512xi1> to vector<128x512xi32>
    %convert_element_type3A_877 = arith.sitofp %convert_element_type3A_876 : vector<128x512xi32> to vector<128x512xf32>
    %convert_element_type3A_878 = arith.truncf %convert_element_type3A_877 : vector<128x512xf32> to vector<128x512xbf16>
    %slice3A_879 = vector.extract_strided_slice %convert_element_type3A_651 {offsets = [0, 512], sizes = [1, 512], strides = [1, 1]} : vector<1x1024xbf16> to vector<1x512xbf16>
    %dot_general3A_880 = arith.constant dense<0.000000e+00> : vector<1x128xf32>
    %dot_general3A_881 = tpu.matmul %slice3A_879, %convert_element_type3A_878, %dot_general3A_880 {dimension_numbers = #tpu.dot_dimension_numbers<[1], [1], [0], [0], [0, 0, 1, 0], [], []>, transpose_lhs_hint = false} : vector<1x512xbf16>, vector<128x512xbf16>, vector<1x128xf32> -> vector<1x128xf32>
    %mul3A_882 = arith.constant 2.560000e+02 : f32
    %mul3A_883 = vector.broadcast %mul3A_882 : f32 to vector<1x128xf32>
    %mul3A_884 = arith.mulf %mul3A_883, %dot_general3A_881 : vector<1x128xf32>
    %slice3A_885 = vector.extract_strided_slice %convert_element_type3A_674 {offsets = [0, 512], sizes = [1, 512], strides = [1, 1]} : vector<1x1024xbf16> to vector<1x512xbf16>
    %dot_general3A_886 = arith.constant dense<0.000000e+00> : vector<1x128xf32>
    %dot_general3A_887 = tpu.matmul %slice3A_885, %convert_element_type3A_878, %dot_general3A_886 {dimension_numbers = #tpu.dot_dimension_numbers<[1], [1], [0], [0], [0, 0, 1, 0], [], []>, transpose_lhs_hint = false} : vector<1x512xbf16>, vector<128x512xbf16>, vector<1x128xf32> -> vector<1x128xf32>
    %add3A_888 = arith.addf %mul3A_884, %dot_general3A_887 : vector<1x128xf32>
    %convert_element_type3A_889 = arith.fptosi %add3A_888 : vector<1x128xf32> to vector<1x128xi32>
    %swap3A_890 = arith.constant 1 : index
    %swap3A_891 = arith.constant 0 : index
    %swap3A_892 = arith.constant 512 : index
    %swap3A_893 = vector.load %arg6[%swap3A_890, %swap3A_891, %swap3A_892] : memref<2x1x724xi32, #tpu.memory_space<vmem>>, vector<1x1x128xi32>
    %swap3A_894 = vector.shape_cast %swap3A_893 : vector<1x1x128xi32> to vector<1x128xi32>
    %swap3A_895 = vector.shape_cast %convert_element_type3A_889 : vector<1x128xi32> to vector<1x1x128xi32>
    tpu.vector_store %arg6[%swap3A_890, %swap3A_891, %swap3A_892], %swap3A_895 {strides = array<i32>} : memref<2x1x724xi32, #tpu.memory_space<vmem>>, vector<1x1x128xi32>,
    %mul3A_896 = arith.constant 2 : i32
    %mul3A_897 = arith.muli %arg0, %mul3A_896 : i32
    %add3A_898 = arith.constant 1 : i32
    %add3A_899 = arith.addi %mul3A_897, %add3A_898 : i32
    %mul3A_900 = arith.constant 1024 : i32
    %mul3A_901 = arith.muli %add3A_899, %mul3A_900 : i32
    %add3A_902 = vector.broadcast %mul3A_901 : i32 to vector<1x128xi32>
    %add3A_903 = arith.addi %convert_element_type3A_889, %add3A_902 : vector<1x128xi32>
    %swap3A_904 = arith.constant 1 : index
    %swap3A_905 = arith.constant 0 : index
    %swap3A_906 = arith.constant 512 : index
    %swap3A_907 = vector.load %arg7[%swap3A_904, %swap3A_905, %swap3A_906] : memref<2x1x724xi32, #tpu.memory_space<vmem>>, vector<1x1x128xi32>
    %swap3A_908 = vector.shape_cast %swap3A_907 : vector<1x1x128xi32> to vector<1x128xi32>
    %swap3A_909 = vector.shape_cast %add3A_903 : vector<1x128xi32> to vector<1x1x128xi32>
    tpu.vector_store %arg7[%swap3A_904, %swap3A_905, %swap3A_906], %swap3A_909 {strides = array<i32>} : memref<2x1x724xi32, #tpu.memory_space<vmem>>, vector<1x1x128xi32>,
    %iota3A_910 = tpu.iota {dimensions = array<i32: 0>} : vector<128x512xi32>
    %add3A_911 = arith.constant 640 : i32
    %add3A_912 = vector.broadcast %add3A_911 : i32 to vector<128x512xi32>
    %add3A_913 = arith.addi %add3A_912, %iota3A_910 : vector<128x512xi32>
    %convert_element_type3A_914 = arith.sitofp %add3A_913 : vector<128x512xi32> to vector<128x512xf32>
    %slice3A_915 = vector.extract_strided_slice %dot_general3A_619 {offsets = [0, 512], sizes = [1, 512], strides = [1, 1]} : vector<1x1024xf32> to vector<1x512xf32>
    %broadcast_in_dim3A_916 = vector.shape_cast %slice3A_915 : vector<1x512xf32> to vector<1x512xf32>
    %broadcast_in_dim3A_917 = vector.broadcast %broadcast_in_dim3A_916 : vector<1x512xf32> to vector<128x512xf32>
    %eq3A_918 = arith.cmpf oeq, %broadcast_in_dim3A_917, %convert_element_type3A_914 : vector<128x512xf32>
    %slice3A_919 = vector.extract_strided_slice %or3A_611 {offsets = [0, 512], sizes = [1, 512], strides = [1, 1]} : vector<1x1024xi1> to vector<1x512xi1>
    %broadcast_in_dim3A_920 = vector.shape_cast %slice3A_919 : vector<1x512xi1> to vector<1x512xi1>
    %broadcast_in_dim3A_921 = vector.broadcast %broadcast_in_dim3A_920 : vector<1x512xi1> to vector<128x512xi1>
    %and3A_922 = arith.andi %eq3A_918, %broadcast_in_dim3A_921 : vector<128x512xi1>
    %convert_element_type3A_923 = arith.extui %and3A_922 : vector<128x512xi1> to vector<128x512xi32>
    %convert_element_type3A_924 = arith.sitofp %convert_element_type3A_923 : vector<128x512xi32> to vector<128x512xf32>
    %convert_element_type3A_925 = arith.truncf %convert_element_type3A_924 : vector<128x512xf32> to vector<128x512xbf16>
    %slice3A_926 = vector.extract_strided_slice %convert_element_type3A_651 {offsets = [0, 512], sizes = [1, 512], strides = [1, 1]} : vector<1x1024xbf16> to vector<1x512xbf16>
    %dot_general3A_927 = arith.constant dense<0.000000e+00> : vector<1x128xf32>
    %dot_general3A_928 = tpu.matmul %slice3A_926, %convert_element_type3A_925, %dot_general3A_927 {dimension_numbers = #tpu.dot_dimension_numbers<[1], [1], [0], [0], [0, 0, 1, 0], [], []>, transpose_lhs_hint = false} : vector<1x512xbf16>, vector<128x512xbf16>, vector<1x128xf32> -> vector<1x128xf32>
    %mul3A_929 = arith.constant 2.560000e+02 : f32
    %mul3A_930 = vector.broadcast %mul3A_929 : f32 to vector<1x128xf32>
    %mul3A_931 = arith.mulf %mul3A_930, %dot_general3A_928 : vector<1x128xf32>
    %slice3A_932 = vector.extract_strided_slice %convert_element_type3A_674 {offsets = [0, 512], sizes = [1, 512], strides = [1, 1]} : vector<1x1024xbf16> to vector<1x512xbf16>
    %dot_general3A_933 = arith.constant dense<0.000000e+00> : vector<1x128xf32>
    %dot_general3A_934 = tpu.matmul %slice3A_932, %convert_element_type3A_925, %dot_general3A_933 {dimension_numbers = #tpu.dot_dimension_numbers<[1], [1], [0], [0], [0, 0, 1, 0], [], []>, transpose_lhs_hint = false} : vector<1x512xbf16>, vector<128x512xbf16>, vector<1x128xf32> -> vector<1x128xf32>
    %add3A_935 = arith.addf %mul3A_931, %dot_general3A_934 : vector<1x128xf32>
    %slice3A_936 = vector.extract_strided_slice %add3A_935 {offsets = [0, 0], sizes = [1, 84], strides = [1, 1]} : vector<1x128xf32> to vector<1x84xf32>
    %convert_element_type3A_937 = arith.fptosi %slice3A_936 : vector<1x84xf32> to vector<1x84xi32>
    %swap3A_938 = arith.constant 1 : index
    %swap3A_939 = arith.constant 0 : index
    %swap3A_940 = arith.constant 640 : index
    %swap3A_941 = vector.load %arg6[%swap3A_938, %swap3A_939, %swap3A_940] : memref<2x1x724xi32, #tpu.memory_space<vmem>>, vector<1x1x84xi32>
    %swap3A_942 = vector.shape_cast %swap3A_941 : vector<1x1x84xi32> to vector<1x84xi32>
    %swap3A_943 = vector.shape_cast %convert_element_type3A_937 : vector<1x84xi32> to vector<1x1x84xi32>
    tpu.vector_store %arg6[%swap3A_938, %swap3A_939, %swap3A_940], %swap3A_943 {strides = array<i32>} : memref<2x1x724xi32, #tpu.memory_space<vmem>>, vector<1x1x84xi32>,
    %mul3A_944 = arith.constant 2 : i32
    %mul3A_945 = arith.muli %arg0, %mul3A_944 : i32
    %add3A_946 = arith.constant 1 : i32
    %add3A_947 = arith.addi %mul3A_945, %add3A_946 : i32
    %mul3A_948 = arith.constant 1024 : i32
    %mul3A_949 = arith.muli %add3A_947, %mul3A_948 : i32
    %add3A_950 = vector.broadcast %mul3A_949 : i32 to vector<1x84xi32>
    %add3A_951 = arith.addi %convert_element_type3A_937, %add3A_950 : vector<1x84xi32>
    %swap3A_952 = arith.constant 1 : index
    %swap3A_953 = arith.constant 0 : index
    %swap3A_954 = arith.constant 640 : index
    %swap3A_955 = vector.load %arg7[%swap3A_952, %swap3A_953, %swap3A_954] : memref<2x1x724xi32, #tpu.memory_space<vmem>>, vector<1x1x84xi32>
    %swap3A_956 = vector.shape_cast %swap3A_955 : vector<1x1x84xi32> to vector<1x84xi32>
    %swap3A_957 = vector.shape_cast %add3A_951 : vector<1x84xi32> to vector<1x1x84xi32>
    tpu.vector_store %arg7[%swap3A_952, %swap3A_953, %swap3A_954], %swap3A_957 {strides = array<i32>} : memref<2x1x724xi32, #tpu.memory_space<vmem>>, vector<1x1x84xi32>,
    %transpose3A_958 = tpu.transpose %get3A_472, [1, 0] : vector<768x1024xf32> -> vector<1024x768xf32>
    %swap3A_959 = arith.constant 1024 : index
    %swap3A_960 = arith.constant 0 : index
    %swap3A_961 = vector.load %arg5[%swap3A_959, %swap3A_960] : memref<2048x768xf32, #tpu.memory_space<vmem>>, vector<1024x768xf32>
    tpu.vector_store %arg5[%swap3A_959, %swap3A_960], %transpose3A_958 {strides = array<i32>} : memref<2048x768xf32, #tpu.memory_space<vmem>>, vector<1024x768xf32>,
    return
  }
  func.func @transform_0(%arg0: i32) -> (i32, i32) {
    %c0_i32 = arith.constant 0 : i32
    %c0_i32_0 = arith.constant 0 : i32
    %c0_i32_1 = arith.constant 0 : i32
    return %c0_i32, %c0_i32_0 : i32, i32
  }
  func.func @transform_1(%arg0: i32) -> (i32, i32) {
    %c0_i32 = arith.constant 0 : i32
    %c0_i32_0 = arith.constant 0 : i32
    %c0_i32_1 = arith.constant 0 : i32
    return %c0_i32, %c0_i32_0 : i32, i32
  }
  func.func @transform_2(%arg0: i32) -> (i32, i32) {
    %c0_i32 = arith.constant 0 : i32
    %c0_i32_0 = arith.constant 0 : i32
    %c0_i32_1 = arith.constant 0 : i32
    return %c0_i32, %c0_i32_0 : i32, i32
  }
  func.func @transform_3(%arg0: i32) -> (i32, i32, i32) {
    %c0_i32 = arith.constant 0 : i32
    %c0_i32_0 = arith.constant 0 : i32
    %c0_i32_1 = arith.constant 0 : i32
    return %arg0, %c0_i32, %c0_i32_0 : i32, i32, i32
  }
  func.func @transform_4(%arg0: i32) -> (i32, i32) {
    %c0_i32 = arith.constant 0 : i32
    %c0_i32_0 = arith.constant 0 : i32
    return %arg0, %c0_i32 : i32, i32
  }
  func.func @transform_5(%arg0: i32) -> (i32, i32, i32) {
    %c0_i32 = arith.constant 0 : i32
    %c0_i32_0 = arith.constant 0 : i32
    %c0_i32_1 = arith.constant 0 : i32
    return %arg0, %c0_i32, %c0_i32_0 : i32, i32, i32
  }
  func.func @transform_6(%arg0: i32) -> (i32, i32, i32) {
    %c0_i32 = arith.constant 0 : i32
    %c0_i32_0 = arith.constant 0 : i32
    %c0_i32_1 = arith.constant 0 : i32
    return %arg0, %c0_i32, %c0_i32_0 : i32, i32, i32
  }
}

</mosaic_0001>

<sc_bundles>
// kernel: kernel.4.cloned.1.call-start
scs
__scs_entry_jumppad:
0x0: {  	(pc) =	sbr.rel $0x88, $3  }
0x1: {  	(tag) =	ssettag $0x0;
	lr =	simm.s32 $0x1  }
0x2: {  	[smem:$0x3FA0] =	sst lr;
	_ =	strace $0xD0000000  }
0x3: {  	_ = 	snop  }
0x4: {  	_ = 	snop  }
0x5: {  	_ = 	snop  }
0x6: {  	_ = 	snop  }
0x7: {  	_ = 	snop  }
__scs_overlays_trampoline_lowered:
0x8: {  	[smem:$0x3FAF] =	sst s0  }
0x9: {  	[smem:$0x3FB0] =	sst s1  }
0xa: {  	[smem:$0x3FB1] =	sst s2  }
0xb: {  	[smem:$0x3FB2] =	sst s3  }
0xc: {  	[smem:$0x3FB3] =	sst s4  }
0xd: {  	[smem:$0x3FB4] =	sst s5  }
0xe: {  	[smem:$0x3FB5] =	sst s6  }
0xf: {  	[smem:$0x3FB6] =	sst s7  }
0x10: {  	[smem:$0x3FB7] =	sst s8  }
0x11: {  	[smem:$0x3FB8] =	sst s9;
	s0 =	simm.s32 @!p0 $0x0  }
0x12: {  	s1 =	sld [smem:$0x3F9E];
	s0 =	simm.s32 @p0 $0x1  }
0x13: {  	[smem:$0x3FB9] =	sst s0;
	s0 =	simm.s32 @!p1 $0x0  }
0x14: {  	s2 =	sld [smem:$0x3F9D];
	s0 =	simm.s32 @p1 $0x1  }
0x15: {  	[smem:$0x3FBA] =	sst s0;
	s0 =	simm.s32 @!p2 $0x0  }
0x16: {  	s3 =	sld [smem:$0x3FDB];
	s0 =	simm.s32 @p2 $0x1  }
0x17: {  	s4 =	simm.s32 $0x1BF5;
	[smem:$0x3FBC] =	sst s0  }
0x18: {  	s0 =	sld [smem:$0x3F9F];
	_ =	swait.ge [sflag:s4], $0x0  }
0x19: {  	s7 =	sld [smem:$0x3FA0]  }
0x1a: {  	s8 =	sadd.s32 $0xFFFFE003, lr  }
0x1b: {  	s9 =	sadd.s32 $0xFFFFFEF7, lr;
	s5 =	simm.s32 $0xFFFFFFFF;
	p2 =	slt.u32 s8, $0xFFFFF086  }
0x1c: {  	p1 =	slt.u32 s9, $0xF7A;
	s5 =	simm.s32 @!p2 $0x0  }
0x1d: {  	s5 =	simm.s32 @p1 $0x1;
	p0 =	seq.s32 s7, s2  }
0x1e: {  	s7 =	smul.u32 @!p0 $0xF7A, s2;
	p2 =	seq.s32 @!p0 s5, $0x0  }
0x1f: {  	s9 =	smul.u32 $0xF7A, s1;
	s8 =	simm.s32 @!p0 $0x1BF5;
	p2 =	por !p2, p0  }
0x20: {  	[sflag:s8] =	ssyncset.s32 @!p0 $0xFFFFF086;
	s6 =	sadd.s32 @!p0 s3, s7;
	s7 =	simm.s32 @!p0 $0x108  }
0x21: {  	s3 =	sadd.s32 s3, s9;
	s6 =	sadd.s32 @!p0 $0x88, s6;
	s7 =	simm.s32 @p2 $0x1082  }
0x22: {  	[simem:s7], [sflag:s8] =	dma.local @!p0 [hbm:s6], $0xF7A  }
0x23: {  	s9 =	sor.u32 $0xD0000000, s2;
	s6 =	simm.s32 $0x108;
	_ =	swait.ge @!p0 [sflag:s8], $0x0  }
0x24: {  	s3 =	sadd.s32 $0x88, s3;
	s6 =	simm.s32 @!p1 $0x1082;
	[sflag:s4] =	ssyncset.s32 $0xFFFFF086  }
0x25: {  	[simem:s6], [sflag:s4] =	dma.local [hbm:s3], $0xF7A  }
0x26: {  	[smem:$0x3FA0] =	sst s1;
	(tag) =	ssettag s2;
	_ =	strace s9  }
0x27: {  	s1 =	sld [smem:$0x3FB0]  }
0x28: {  	s2 =	sld [smem:$0x3FB1]  }
0x29: {  	s4 =	sld [smem:$0x3FB3]  }
0x2a: {  	p0 =	seq.s32 s5, $0x0;
	s5 =	sld [smem:$0x3FB4]  }
0x2b: {  	s6 =	sld [smem:$0x3FB5]  }
0x2c: {  	s7 =	sld [smem:$0x3FB6]  }
0x2d: {  	s3 =	simm.s32 $0x108;
	s8 =	sld [smem:$0x3FB7]  }
0x2e: {  	s3 =	simm.s32 @!p0 $0x1082;
	s9 =	sld [smem:$0x3FB8]  }
0x2f: {  	lr =	sadd.s32 s0, s3;
	s0 =	sld [smem:$0x3FAF]  }
0x30: {  	s3 =	sld [smem:$0x3FB2]  }
0x31: {  	[smem:$0x3FBB] =	sst s10  }
0x32: {  	s10 =	sld [smem:$0x3FB9];
	_ =	sdelay $0x3  }
0x33: {  	p0 =	seq.s32 s10, $0x1;
	s10 =	sld [smem:$0x3FBB];
	_ =	sdelay $0x3  }
0x34: {  	[smem:$0x3FBB] =	sst s10  }
0x35: {  	s10 =	sld [smem:$0x3FBA];
	_ =	sdelay $0x3  }
0x36: {  	p1 =	seq.s32 s10, $0x1;
	s10 =	sld [smem:$0x3FBB];
	_ =	sdelay $0x3  }
0x37: {  	[smem:$0x3FBB] =	sst s10  }
0x38: {  	s10 =	sld [smem:$0x3FBC]  }
0x39: {  	_ = 	snop;
	(pc) =	sbr.ind lr, $3  }
0x3a: {  	_ = 	snop  }
0x3b: {  	_ = 	snop  }
0x3c: {  	p2 =	seq.s32 s10, $0x1;
	s10 =	sld [smem:$0x3FBB]  }
0x3d: {  	_ =	shalt  }
0x3e: {  	_ =	shalt  }
0x3f: {  	_ =	shalt  }
0x40: {  	_ =	shalt  }
0x41: {  	_ =	shalt  }
0x42: {  	_ =	shalt  }
0x43: {  	_ =	shalt  }
0x44: {  	_ =	shalt  }
0x45: {  	_ =	shalt  }
0x46: {  	_ =	shalt  }
0x47: {  	_ =	shalt  }
0x48: {  	_ =	shalt  }
0x49: {  	_ =	shalt  }
0x4a: {  	_ =	shalt  }
0x4b: {  	_ =	shalt  }
0x4c: {  	_ =	shalt  }
0x4d: {  	_ =	shalt  }
0x4e: {  	_ =	shalt  }
0x4f: {  	_ =	shalt  }
0x50: {  	_ =	shalt  }
0x51: {  	_ =	shalt  }
0x52: {  	_ =	shalt  }
0x53: {  	_ =	shalt  }
0x54: {  	_ =	shalt  }
0x55: {  	_ =	shalt  }
0x56: {  	_ =	shalt  }
0x57: {  	_ =	shalt  }
0x58: {  	_ =	shalt  }
0x59: {  	_ =	shalt  }
0x5a: {  	_ =	shalt  }
0x5b: {  	_ =	shalt  }
0x5c: {  	_ =	shalt  }
0x5d: {  	_ =	shalt  }
0x5e: {  	_ =	shalt  }
0x5f: {  	_ =	shalt  }
0x60: {  	_ =	shalt  }
0x61: {  	_ =	shalt  }
0x62: {  	_ =	shalt  }
0x63: {  	_ =	shalt  }
0x64: {  	_ =	shalt  }
0x65: {  	_ =	shalt  }
0x66: {  	_ =	shalt  }
0x67: {  	_ =	shalt  }
0x68: {  	_ =	shalt  }
0x69: {  	_ =	shalt  }
0x6a: {  	_ =	shalt  }
0x6b: {  	_ =	shalt  }
0x6c: {  	_ =	shalt  }
0x6d: {  	_ =	shalt  }
0x6e: {  	_ =	shalt  }
0x6f: {  	_ =	shalt  }
0x70: {  	_ =	shalt  }
0x71: {  	_ =	shalt  }
0x72: {  	_ =	shalt  }
0x73: {  	_ =	shalt  }
0x74: {  	_ =	shalt  }
0x75: {  	_ =	shalt  }
0x76: {  	_ =	shalt  }
0x77: {  	_ =	shalt  }
0x78: {  	_ =	shalt  }
0x79: {  	_ =	shalt  }
0x7a: {  	_ =	shalt  }
0x7b: {  	_ =	shalt  }
0x7c: {  	_ =	shalt  }
0x7d: {  	_ =	shalt  }
0x7e: {  	_ =	shalt  }
0x7f: {  	_ =	shalt  }
0x80: {  	_ =	shalt  }
0x81: {  	_ =	shalt  }
0x82: {  	_ =	shalt  }
0x83: {  	_ =	shalt  }
0x84: {  	_ =	shalt  }
0x85: {  	_ =	shalt  }
0x86: {  	_ =	shalt  }
0x87: {  	_ =	shalt  }
.Lfunc_end0:
.L_simem_size_0:
called_computation.1_lowered:
.L_overlay_start_0:
0x88: {  	s2 =	sld [smem:$0x3FD9]  }
0x89: {  	s3 =	sld [smem:$0x3FFE];
	_ =	sdelay $0x1  }
0x8a: {  	s1 =	srdreg.scid  }
0x8b: {  	s0 =	sand.u32 $0x1, s1  }
0x8c: {  	s14 =	sshll.u32 s0, $0xA;
	s2 =	sadd.s32 s3, s2  }
0x8d: {  	s2 =	sadd.s32 s2, s14  }
0x8e: {  	[smem:$0x3FC7] =	sst s2  }
0x8f: {  	_ = 	snop  }
0x90: {  	s2 =	sld [smem:$0x3FD0];
	_ =	sdelay $0x2  }
0x91: {  	s15 =	simm.s32 $0xA;
	s4 =	simm.s32 $0x10  }
0x92: {  	[smem:s4], [sflag:s15] =	dma.local [hbm:s2], $0x1  }
0x93: {  	_ =	swait.eq [sflag:s15], $0x1  }
0x94: {  	[sflag:s15] =	ssyncset.done $0x0  }
0x95: {  	[sflag:s15] =	ssyncadd.s32 $0xFFFFFFFF  }
0x96: {  	s16 =	sld [smem:$0x10];
	(tm) =	ssettm $0x1  }
0x97: {  	s17 =	sld [smem:$0x3FFB];
	_ =	sdelay $0x3  }
0x98: {  	_ =	strace s17  }
0x99: {  	s3 =	sld [smem:$0x3FFC];
	_ =	sdelay $0x3  }
0x9a: {  	_ =	strace s3  }
0x9b: {  	s3 =	sld [smem:$0x3FFD];
	_ =	sdelay $0x3  }
0x9c: {  	_ =	strace s3  }
0x9d: {  	_ =	strace $0x8FFFFFFF  }
0x9e: {  	s18 =	sld [smem:$0x3FDB];
	_ =	sdelay $0x1  }
0x9f: {  	s19 =	simm.s32 $_scs_section_size  }
0xa0: {  	s5 =	simm.s32 $_size__tile_overlayer_lowered;
	s6 =	simm.s32 $_tile_overlayer_lowered  }
0xa1: {  	s22 =	simm.s32 $0x1BFF;
	s21 =	sshll.u32 s6, $0x1;
	s3 =	sadd.s32 s19, s18  }
0xa2: {  	s7 =	simm.s32 $0x0;
	s20 =	sshll.u32 s5, $0x1;
	s5 =	sadd.s32 s21, s3  }
0xa3: {  	[timem:s7], [sflag:s22] =	dma.local [hbm:s5], s20  }
0xa4: {  	_ =	swait.ge [sflag:s22], s20  }
0xa5: {  	s4 =	ssub.s32 $0x0, s20;
	[sflag:s22] =	ssyncset.done $0x0  }
0xa6: {  	[sflag:s22] =	ssyncadd.s32 s4;
	_ =	sdelay $0x1  }
0xa7: {  	s23 =	simm.s32 $0x1B8B  }
0xa8: {  	_ =	swait.ge [sflag:s23], $0x1  }
0xa9: {  	[sflag:s23] =	ssyncset.done $0x0  }
0xaa: {  	s25 =	simm.s32 $0x1B8E;
	s24 =	sld [smem:$0x3FFE];
	[sflag:s23] =	ssyncadd.s32 $0xFFFFFFFF  }
0xab: {  	s26 =	simm.s32 $execute0_lowered;
	[smem:$0x3FD2] =	sst s25  }
0xac: {  	s5 =	sshll.u32 s26, $0x1;
	_ =	strace $0x80000046;
	[dreg:$0x1] =	wrdreg $0xFFFFFFFF  }
0xad: {  	s28 =	simm.s32 $_size_execute0_lowered;
	s3 =	sadd.s32 s3, s5;
	[dreg:$0x0] =	wrdreg $0x0  }
0xae: {  	s5 =	sshll.u32 s28, $0x1;
	[dreg:$0x2] =	wrdreg s3  }
0xaf: {  	[dreg:$0x3] =	wrdreg s5  }
0xb0: {  	[dreg:$0x4] =	wrdreg $0xC0  }
0xb1: {  	_ =	task [dreg:s7], $0x5FFFF  }
0xb2: {  	[dreg:$0x1] =	wrdreg $0xFFFFFFFF  }
0xb3: {  	[dreg:$0x0] =	wrdreg $0x60  }
0xb4: {  	[dreg:$0x2] =	wrdreg s24  }
0xb5: {  	[dreg:$0x3] =	wrdreg s16  }
0xb6: {  	[dreg:$0x4] =	wrdreg $0x9  }
0xb7: {  	_ =	task.clear_ibuf [dreg:s7], $0x5FFFF;
	_ =	strace $0x90000046  }
0xb8: {  	s29 =	simm.s32 $0x9;
	_ =	strace $0x80000048  }
0xb9: {  	_ =	swait.ge [sflag:s29], $0x1  }
0xba: {  	[sflag:s29] =	ssyncadd.s32 $0xFFFFFFFF  }
0xbb: {  	_ =	strace $0x90000048  }
0xbc: {  	_ =	sfence  }
0xbd: {  	s30 =	sld [smem:$0x0];
	_ =	sdelay $0x2  }
0xbe: {  	s31 =	sshll.u32 s1, $0xD;
	s1 =	sshrl.u32 s1, $0x2  }
0xbf: {  	s3 =	sand.u32 $0x4000, s31;
	s1 =	sadd.s32 s1, s30  }
0xc0: {  	s0 =	sor.u32 s3, s0;
	s1 =	sshll.u32 s1, $0x11  }
0xc1: {  	s0 =	sor.u32 s1, s0  }
0xc2: {  	s0 =	sadd.s32 $0x8F2B, s0  }
0xc3: {  	[sflag:s0] =	ssyncadd.remote.s32 $0x1  }
0xc4: {  	_ =	sfence.sel $0xFFFF  }
0xc5: {  	[dreg:$0x0] =	wrdreg $0xFFFFFFFF;
	(pc) =	sbr.abs _section_cstart, $3  }
0xc6: {  	[dreg:$0x1] =	wrdreg $0xFFFFFFFF  }
0xc7: {  	_ =	task.clear_ibuf [dreg:s7], $0x2FFFF;
	_ =	strace $0x9FFFFFFF  }
0xc8: {  	(tm) =	ssettm $0x7FFFFFFF  }
0xc9: {  	_ =	shalt  }
tec
execute0_lowered:
.L_overlay_start_1:
0x0: {  	(tag) =	ssettag $0x1  }
0x1: {  	s0 =	srdreg.scid;
	s1 =	stileid.u32  }
0x2: {  	s0 =	sand.u32 $0x1, s0;
	s1 =	sshll.u32 s1, $0x1  }
0x3: {  	s1 =	sor.u32 s0, s1  }
0x4: {  	s1 =	smul.u32 $0x5A8, s1  }
0x5: {  	s3 =	rddreg [dreg:$0x0]  }
0x6: {  	s4 =	rddreg [dreg:$0x1];
	s1 =	sshrl.u32 s1, $0x3  }
0x7: {  	s2 =	simm.s32 $0x0;
	s5 =	smul.u32 $0x300, s1;
	s1 =	sadd.s32 s1, s3  }
0x8: {  	[smem:$0x7FF] =	sst s2;
	s1 =	sadd.s32 $0xC00, s1  }
0x9: {  	_ =	strace $0x80000047;
	s6 =	sadd.s32 s4, s5;
	[dreg:$0x3] =	wrdreg s1  }
0xa: {  	s5 =	sadd.s32 $0x1800, s6;
	[dreg:$0x1a] =	wrdreg s6  }
0xb: {  	s7 =	sadd.s32 $0x3000, s6;
	[dreg:$0x4] =	wrdreg s5  }
0xc: {  	s8 =	sadd.s32 $0x4800, s6;
	[dreg:$0x5] =	wrdreg s7  }
0xd: {  	s9 =	sadd.s32 $0x6000, s6;
	[dreg:$0x6] =	wrdreg s8  }
0xe: {  	s10 =	sadd.s32 $0x7800, s6;
	[dreg:$0x7] =	wrdreg s9  }
0xf: {  	s11 =	sadd.s32 $0x9000, s6;
	[dreg:$0x8] =	wrdreg s10  }
0x10: {  	s12 =	sadd.s32 $0xA800, s6;
	[dreg:$0x9] =	wrdreg s11  }
0x11: {  	s13 =	sadd.s32 $0xC000, s6;
	[dreg:$0xa] =	wrdreg s12  }
0x12: {  	s14 =	sadd.s32 $0xD800, s6;
	[dreg:$0xb] =	wrdreg s13  }
0x13: {  	s15 =	sadd.s32 $0xF000, s6;
	[dreg:$0xc] =	wrdreg s14  }
0x14: {  	s16 =	sadd.s32 $0x10800, s6;
	[dreg:$0xd] =	wrdreg s15  }
0x15: {  	s17 =	sadd.s32 $0x12000, s6;
	[dreg:$0xe] =	wrdreg s16  }
0x16: {  	s18 =	sadd.s32 $0x13800, s6;
	[dreg:$0xf] =	wrdreg s17  }
0x17: {  	s19 =	sadd.s32 $0x15000, s6;
	[dreg:$0x10] =	wrdreg s18  }
0x18: {  	s30 =	simm.s32 $0x1;
	s20 =	sadd.s32 $0x16800, s6;
	[dreg:$0x11] =	wrdreg s19  }
0x19: {  	s31 =	simm.s32 $0x2;
	s21 =	sadd.s32 $0x18000, s6;
	[dreg:$0x12] =	wrdreg s20  }
0x1a: {  	s0 =	ssub.s32 $0x2, s0;
	s22 =	sadd.s32 $0x19800, s6;
	[dreg:$0x13] =	wrdreg s21  }
0x1b: {  	s25 =	sshrl.u32 s0, $0x1;
	s23 =	sadd.s32 $0x1B000, s6;
	[dreg:$0x14] =	wrdreg s22  }
0x1c: {  	s0 =	ssub.s32 s0, s25;
	s24 =	sadd.s32 $0x1C800, s6;
	[dreg:$0x15] =	wrdreg s23  }
0x1d: {  	s0 =	smax.u32 s0, $0x1;
	s26 =	sadd.s32 $0x1E000, s6;
	[dreg:$0x16] =	wrdreg s24  }
0x1e: {  	v2 =	vlaneseq.u32;
	s4 =	sadd.s32 $0x600C00, s3;
	s28 =	sadd.s32 $0x1F800, s6;
	[dreg:$0x17] =	wrdreg s26  }
0x1f: {  	vm0 =	vmmov $0xffff;
	v1 =	vshrl.u32 v2, $0x3;
	s29 =	sadd.s32 $0x21000, s6;
	s6 =	sadd.s32 $0x600E00, s3;
	[dreg:$0x18] =	wrdreg s28  }
0x20: {  	v0 =	vand.u32 $0x7, v2;
	v2 =	vor.u32 $0x8, v2;
	v1 =	vmul.u32 $0x8, v1;
	s5 =	sadd.s32 $0x600D00, s3;
	[dreg:$0x19] =	wrdreg s29;
	s8 =	simm.s32 $0x3  }
.LBB2_1:
0x21: {  	[dreg:$0x1b] =	wrdreg s0  }
0x22: {  	s1 =	rddreg [dreg:$0x3]  }
0x23: {  	[tilespmem:s2], [sflag:$0x3] =	stream.linear.gather [hbm4b:s1+s2], $0x5A8, $0x38;
	[tilespmem:$0x18600] =	vst v63  }
0x24: {  	_ =	swait.ge [sflag:s8], $0x5A8  }
0x25: {  	[sflag:s8] =	ssyncset.done $0x0  }
0x26: {  	[sflag:s8] =	ssyncadd.s32 $0xFFFFFA58  }
0x27: {  	v3 =	vld [tilespmem:$0x0];
	_ =	sdelay $0x4  }
0x28: {  	v4 =	vshrl.u32 v3, $0x3  }
0x29: {  	v4 =	vmul.u32 $0x30, v4  }
0x2a: {  	v3 =	vand.u32 $0x7, v3  }
0x2b: {  	v3 =	vor.u32 v3, v4  }
0x2c: {  	v4 =	vperm.xlane v3, v0;
	_ =	sdelay $0x1  }
0x2d: {  	v4 =	vadd.s32 v1, v4;
	_ =	sdelay $0x3  }
0x2e: {  	s15 =	simm.s32 $0x600;
	v3 =	vperm.xlane v3, v2  }
0x2f: {  	[tilespmem:s15], [sflag:$0x1] =	stream.indirect_vreg.gather [hbm4b:s4+s2], $0x80, v4, vm0, $0xb8;
	[tilespmem:$0x18600] =	vst v63  }
0x30: {  	s16 =	simm.s32 $0xE00;
	v3 =	vadd.s32 v1, v3  }
0x31: {  	[tilespmem:s16], [sflag:$0x1] =	stream.indirect_vreg.gather [hbm4b:s5+s2], $0x80, v4, vm0, $0xb8;
	[tilespmem:$0x18600] =	vst v63  }
0x32: {  	s17 =	simm.s32 $0x1600  }
0x33: {  	[tilespmem:s17], [sflag:$0x1] =	stream.indirect_vreg.gather [hbm4b:s6+s2], $0x80, v4, vm0, $0xb8;
	[tilespmem:$0x18600] =	vst v63  }
0x34: {  	s18 =	simm.s32 $0x1E00  }
0x35: {  	[tilespmem:s18], [sflag:$0x1] =	stream.indirect_vreg.gather [hbm4b:s4+s2], $0x80, v3, vm0, $0xb8;
	[tilespmem:$0x18600] =	vst v63  }
0x36: {  	s19 =	simm.s32 $0x2600  }
0x37: {  	[tilespmem:s19], [sflag:$0x1] =	stream.indirect_vreg.gather [hbm4b:s5+s2], $0x80, v3, vm0, $0xb8;
	[tilespmem:$0x18600] =	vst v63  }
0x38: {  	s20 =	simm.s32 $0x2E00  }
0x39: {  	[tilespmem:s20], [sflag:$0x1] =	stream.indirect_vreg.gather [hbm4b:s6+s2], $0x80, v3, vm0, $0xb8;
	[tilespmem:$0x18600] =	vst v63  }
0x3a: {  	v3 =	vld [tilespmem:$0x10];
	_ =	sdelay $0x4  }
0x3b: {  	v30 =	vshrl.u32 v3, $0x3  }
0x3c: {  	v4 =	vmul.u32 $0x30, v30  }
0x3d: {  	v3 =	vand.u32 $0x7, v3  }
0x3e: {  	v3 =	vor.u32 v3, v4  }
0x3f: {  	v4 =	vperm.xlane v3, v0;
	_ =	sdelay $0x1  }
0x40: {  	v4 =	vadd.s32 v1, v4;
	_ =	sdelay $0x3  }
0x41: {  	s21 =	simm.s32 $0x3600;
	v3 =	vperm.xlane v3, v2  }
0x42: {  	[tilespmem:s21], [sflag:$0x1] =	stream.indirect_vreg.gather [hbm4b:s4+s2], $0x80, v4, vm0, $0xb8;
	[tilespmem:$0x18600] =	vst v63  }
0x43: {  	s22 =	simm.s32 $0x3E00;
	v3 =	vadd.s32 v1, v3  }
0x44: {  	[tilespmem:s22], [sflag:$0x1] =	stream.indirect_vreg.gather [hbm4b:s5+s2], $0x80, v4, vm0, $0xb8;
	[tilespmem:$0x18600] =	vst v63  }
0x45: {  	s23 =	simm.s32 $0x4600  }
0x46: {  	[tilespmem:s23], [sflag:$0x1] =	stream.indirect_vreg.gather [hbm4b:s6+s2], $0x80, v4, vm0, $0xb8;
	[tilespmem:$0x18600] =	vst v63  }
0x47: {  	s24 =	simm.s32 $0x4E00  }
0x48: {  	[tilespmem:s24], [sflag:$0x1] =	stream.indirect_vreg.gather [hbm4b:s4+s2], $0x80, v3, vm0, $0xb8;
	[tilespmem:$0x18600] =	vst v63  }
0x49: {  	s25 =	simm.s32 $0x5600  }
0x4a: {  	[tilespmem:s25], [sflag:$0x1] =	stream.indirect_vreg.gather [hbm4b:s5+s2], $0x80, v3, vm0, $0xb8;
	[tilespmem:$0x18600] =	vst v63  }
0x4b: {  	s26 =	simm.s32 $0x5E00  }
0x4c: {  	[tilespmem:s26], [sflag:$0x1] =	stream.indirect_vreg.gather [hbm4b:s6+s2], $0x80, v3, vm0, $0xb8;
	[tilespmem:$0x18600] =	vst v63  }
0x4d: {  	v3 =	vld [tilespmem:$0x20];
	_ =	sdelay $0x4  }
0x4e: {  	v31 =	vshrl.u32 v3, $0x3  }
0x4f: {  	v4 =	vmul.u32 $0x30, v31  }
0x50: {  	v3 =	vand.u32 $0x7, v3  }
0x51: {  	v3 =	vor.u32 v3, v4  }
0x52: {  	v4 =	vperm.xlane v3, v0;
	_ =	sdelay $0x1  }
0x53: {  	v4 =	vadd.s32 v1, v4;
	_ =	sdelay $0x3  }
0x54: {  	s28 =	simm.s32 $0x6600;
	v3 =	vperm.xlane v3, v2  }
0x55: {  	[tilespmem:s28], [sflag:$0x1] =	stream.indirect_vreg.gather [hbm4b:s4+s2], $0x80, v4, vm0, $0xb8;
	[tilespmem:$0x18600] =	vst v63  }
0x56: {  	s29 =	simm.s32 $0x6E00;
	v3 =	vadd.s32 v1, v3  }
0x57: {  	[tilespmem:s29], [sflag:$0x1] =	stream.indirect_vreg.gather [hbm4b:s5+s2], $0x80, v4, vm0, $0xb8;
	[tilespmem:$0x18600] =	vst v63  }
0x58: {  	s1 =	simm.s32 $0x7600  }
0x59: {  	[tilespmem:s1], [sflag:$0x1] =	stream.indirect_vreg.gather [hbm4b:s6+s2], $0x80, v4, vm0, $0xb8;
	[tilespmem:$0x18600] =	vst v63  }
0x5a: {  	s3 =	simm.s32 $0x7E00  }
0x5b: {  	[tilespmem:s3], [sflag:$0x1] =	stream.indirect_vreg.gather [hbm4b:s4+s2], $0x80, v3, vm0, $0xb8;
	[tilespmem:$0x18600] =	vst v63  }
0x5c: {  	s9 =	simm.s32 $0x8600  }
0x5d: {  	[tilespmem:s9], [sflag:$0x1] =	stream.indirect_vreg.gather [hbm4b:s5+s2], $0x80, v3, vm0, $0xb8;
	[tilespmem:$0x18600] =	vst v63  }
0x5e: {  	s23 =	simm.s32 $0x8E00  }
0x5f: {  	[tilespmem:s23], [sflag:$0x1] =	stream.indirect_vreg.gather [hbm4b:s6+s2], $0x80, v3, vm0, $0xb8;
	[tilespmem:$0x18600] =	vst v63  }
0x60: {  	v3 =	vld [tilespmem:$0x30];
	_ =	sdelay $0x4  }
0x61: {  	v32 =	vshrl.u32 v3, $0x3  }
0x62: {  	v4 =	vmul.u32 $0x30, v32  }
0x63: {  	v3 =	vand.u32 $0x7, v3  }
0x64: {  	v3 =	vor.u32 v3, v4  }
0x65: {  	v4 =	vperm.xlane v3, v0;
	_ =	sdelay $0x1  }
0x66: {  	v4 =	vadd.s32 v1, v4;
	_ =	sdelay $0x3  }
0x67: {  	s24 =	simm.s32 $0x9600;
	v3 =	vperm.xlane v3, v2  }
0x68: {  	[tilespmem:s24], [sflag:$0x1] =	stream.indirect_vreg.gather [hbm4b:s4+s2], $0x80, v4, vm0, $0xb8;
	[tilespmem:$0x18600] =	vst v63  }
0x69: {  	s25 =	simm.s32 $0x9E00;
	v3 =	vadd.s32 v1, v3  }
0x6a: {  	[tilespmem:s25], [sflag:$0x1] =	stream.indirect_vreg.gather [hbm4b:s5+s2], $0x80, v4, vm0, $0xb8;
	[tilespmem:$0x18600] =	vst v63  }
0x6b: {  	s26 =	simm.s32 $0xA600  }
0x6c: {  	[tilespmem:s26], [sflag:$0x1] =	stream.indirect_vreg.gather [hbm4b:s6+s2], $0x80, v4, vm0, $0xb8;
	[tilespmem:$0x18600] =	vst v63  }
0x6d: {  	s28 =	simm.s32 $0xAE00  }
0x6e: {  	[tilespmem:s28], [sflag:$0x1] =	stream.indirect_vreg.gather [hbm4b:s4+s2], $0x80, v3, vm0, $0xb8;
	[tilespmem:$0x18600] =	vst v63  }
0x6f: {  	s29 =	simm.s32 $0xB600  }
0x70: {  	[tilespmem:s29], [sflag:$0x1] =	stream.indirect_vreg.gather [hbm4b:s5+s2], $0x80, v3, vm0, $0xb8;
	[tilespmem:$0x18600] =	vst v63  }
0x71: {  	s1 =	simm.s32 $0xBE00  }
0x72: {  	[tilespmem:s1], [sflag:$0x1] =	stream.indirect_vreg.gather [hbm4b:s6+s2], $0x80, v3, vm0, $0xb8;
	[tilespmem:$0x18600] =	vst v63  }
0x73: {  	v3 =	vld [tilespmem:$0x40];
	_ =	sdelay $0x4  }
0x74: {  	v33 =	vshrl.u32 v3, $0x3  }
0x75: {  	v4 =	vmul.u32 $0x30, v33  }
0x76: {  	v3 =	vand.u32 $0x7, v3  }
0x77: {  	v3 =	vor.u32 v3, v4  }
0x78: {  	v4 =	vperm.xlane v3, v0;
	_ =	sdelay $0x1  }
0x79: {  	v4 =	vadd.s32 v1, v4;
	_ =	sdelay $0x3  }
0x7a: {  	s23 =	simm.s32 $0xC600;
	v3 =	vperm.xlane v3, v2  }
0x7b: {  	[tilespmem:s23], [sflag:$0x2] =	stream.indirect_vreg.gather [hbm4b:s4+s2], $0x80, v4, vm0, $0xb8;
	[tilespmem:$0x18600] =	vst v63  }
0x7c: {  	s24 =	simm.s32 $0xCE00;
	v3 =	vadd.s32 v1, v3  }
0x7d: {  	[tilespmem:s24], [sflag:$0x2] =	stream.indirect_vreg.gather [hbm4b:s5+s2], $0x80, v4, vm0, $0xb8;
	[tilespmem:$0x18600] =	vst v63  }
0x7e: {  	s29 =	simm.s32 $0xD600  }
0x7f: {  	[tilespmem:s29], [sflag:$0x2] =	stream.indirect_vreg.gather [hbm4b:s6+s2], $0x80, v4, vm0, $0xb8;
	[tilespmem:$0x18600] =	vst v63  }
0x80: {  	s1 =	simm.s32 $0xDE00  }
0x81: {  	[tilespmem:s1], [sflag:$0x2] =	stream.indirect_vreg.gather [hbm4b:s4+s2], $0x80, v3, vm0, $0xb8;
	[tilespmem:$0x18600] =	vst v63  }
0x82: {  	s23 =	simm.s32 $0xE600  }
0x83: {  	[tilespmem:s23], [sflag:$0x2] =	stream.indirect_vreg.gather [hbm4b:s5+s2], $0x80, v3, vm0, $0xb8;
	[tilespmem:$0x18600] =	vst v63  }
0x84: {  	s24 =	simm.s32 $0xEE00  }
0x85: {  	[tilespmem:s24], [sflag:$0x2] =	stream.indirect_vreg.gather [hbm4b:s6+s2], $0x80, v3, vm0, $0xb8;
	[tilespmem:$0x18600] =	vst v63  }
0x86: {  	v3 =	vld [tilespmem:$0x50];
	_ =	sdelay $0x4  }
0x87: {  	v34 =	vshrl.u32 v3, $0x3  }
0x88: {  	v4 =	vmul.u32 $0x30, v34  }
0x89: {  	v3 =	vand.u32 $0x7, v3  }
0x8a: {  	v3 =	vor.u32 v3, v4  }
0x8b: {  	v4 =	vperm.xlane v3, v0;
	_ =	sdelay $0x1  }
0x8c: {  	v4 =	vadd.s32 v1, v4;
	_ =	sdelay $0x3  }
0x8d: {  	s29 =	simm.s32 $0xF600;
	v3 =	vperm.xlane v3, v2  }
0x8e: {  	[tilespmem:s29], [sflag:$0x2] =	stream.indirect_vreg.gather [hbm4b:s4+s2], $0x80, v4, vm0, $0xb8;
	[tilespmem:$0x18600] =	vst v63  }
0x8f: {  	s1 =	simm.s32 $0xFE00;
	v3 =	vadd.s32 v1, v3  }
0x90: {  	[tilespmem:s1], [sflag:$0x2] =	stream.indirect_vreg.gather [hbm4b:s5+s2], $0x80, v4, vm0, $0xb8;
	[tilespmem:$0x18600] =	vst v63  }
0x91: {  	s24 =	simm.s32 $0x10600  }
0x92: {  	[tilespmem:s24], [sflag:$0x2] =	stream.indirect_vreg.gather [hbm4b:s6+s2], $0x80, v4, vm0, $0xb8;
	[tilespmem:$0x18600] =	vst v63  }
0x93: {  	s29 =	simm.s32 $0x10E00  }
0x94: {  	[tilespmem:s29], [sflag:$0x2] =	stream.indirect_vreg.gather [hbm4b:s4+s2], $0x80, v3, vm0, $0xb8;
	[tilespmem:$0x18600] =	vst v63  }
0x95: {  	s1 =	simm.s32 $0x11600  }
0x96: {  	[tilespmem:s1], [sflag:$0x2] =	stream.indirect_vreg.gather [hbm4b:s5+s2], $0x80, v3, vm0, $0xb8;
	[tilespmem:$0x18600] =	vst v63  }
0x97: {  	s24 =	simm.s32 $0x11E00  }
0x98: {  	[tilespmem:s24], [sflag:$0x2] =	stream.indirect_vreg.gather [hbm4b:s6+s2], $0x80, v3, vm0, $0xb8;
	[tilespmem:$0x18600] =	vst v63  }
0x99: {  	v3 =	vld [tilespmem:$0x60];
	_ =	sdelay $0x4  }
0x9a: {  	v35 =	vshrl.u32 v3, $0x3  }
0x9b: {  	v4 =	vmul.u32 $0x30, v35  }
0x9c: {  	v3 =	vand.u32 $0x7, v3  }
0x9d: {  	v3 =	vor.u32 v3, v4  }
0x9e: {  	v4 =	vperm.xlane v3, v0;
	_ =	sdelay $0x1  }
0x9f: {  	v4 =	vadd.s32 v1, v4;
	_ =	sdelay $0x3  }
0xa0: {  	s29 =	simm.s32 $0x12600;
	v3 =	vperm.xlane v3, v2  }
0xa1: {  	[tilespmem:s29], [sflag:$0x2] =	stream.indirect_vreg.gather [hbm4b:s4+s2], $0x80, v4, vm0, $0xb8;
	[tilespmem:$0x18600] =	vst v63  }
0xa2: {  	s1 =	simm.s32 $0x12E00;
	v3 =	vadd.s32 v1, v3  }
0xa3: {  	[tilespmem:s1], [sflag:$0x2] =	stream.indirect_vreg.gather [hbm4b:s5+s2], $0x80, v4, vm0, $0xb8;
	[tilespmem:$0x18600] =	vst v63  }
0xa4: {  	s1 =	simm.s32 $0x13600  }
0xa5: {  	[tilespmem:s1], [sflag:$0x2] =	stream.indirect_vreg.gather [hbm4b:s6+s2], $0x80, v4, vm0, $0xb8;
	[tilespmem:$0x18600] =	vst v63  }
0xa6: {  	s1 =	simm.s32 $0x13E00  }
0xa7: {  	[tilespmem:s1], [sflag:$0x2] =	stream.indirect_vreg.gather [hbm4b:s4+s2], $0x80, v3, vm0, $0xb8;
	[tilespmem:$0x18600] =	vst v63  }
0xa8: {  	s1 =	simm.s32 $0x14600  }
0xa9: {  	[tilespmem:s1], [sflag:$0x2] =	stream.indirect_vreg.gather [hbm4b:s5+s2], $0x80, v3, vm0, $0xb8;
	[tilespmem:$0x18600] =	vst v63  }
0xaa: {  	s1 =	simm.s32 $0x14E00  }
0xab: {  	[tilespmem:s1], [sflag:$0x2] =	stream.indirect_vreg.gather [hbm4b:s6+s2], $0x80, v3, vm0, $0xb8;
	[tilespmem:$0x18600] =	vst v63  }
0xac: {  	v3 =	vld [tilespmem:$0x70];
	_ =	sdelay $0x4  }
0xad: {  	v36 =	vshrl.u32 v3, $0x3  }
0xae: {  	v4 =	vmul.u32 $0x30, v36  }
0xaf: {  	v3 =	vand.u32 $0x7, v3  }
0xb0: {  	v3 =	vor.u32 v3, v4  }
0xb1: {  	v4 =	vperm.xlane v3, v0;
	_ =	sdelay $0x1  }
0xb2: {  	v4 =	vadd.s32 v1, v4;
	_ =	sdelay $0x3  }
0xb3: {  	s1 =	simm.s32 $0x15600;
	v3 =	vperm.xlane v3, v2  }
0xb4: {  	[tilespmem:s1], [sflag:$0x2] =	stream.indirect_vreg.gather [hbm4b:s4+s2], $0x80, v4, vm0, $0xb8;
	[tilespmem:$0x18600] =	vst v63  }
0xb5: {  	v3 =	vadd.s32 v1, v3;
	s1 =	simm.s32 $0x15E00  }
0xb6: {  	[tilespmem:s1], [sflag:$0x2] =	stream.indirect_vreg.gather [hbm4b:s5+s2], $0x80, v4, vm0, $0xb8;
	[tilespmem:$0x18600] =	vst v63  }
0xb7: {  	s1 =	simm.s32 $0x16600  }
0xb8: {  	[tilespmem:s1], [sflag:$0x2] =	stream.indirect_vreg.gather [hbm4b:s6+s2], $0x80, v4, vm0, $0xb8;
	[tilespmem:$0x18600] =	vst v63  }
0xb9: {  	s1 =	simm.s32 $0x16E00  }
0xba: {  	[tilespmem:s1], [sflag:$0x2] =	stream.indirect_vreg.gather [hbm4b:s4+s2], $0x80, v3, vm0, $0xb8;
	[tilespmem:$0x18600] =	vst v63  }
0xbb: {  	s1 =	simm.s32 $0x17600  }
0xbc: {  	[tilespmem:s1], [sflag:$0x2] =	stream.indirect_vreg.gather [hbm4b:s5+s2], $0x80, v3, vm0, $0xb8;
	[tilespmem:$0x18600] =	vst v63  }
0xbd: {  	s1 =	simm.s32 $0x17E00  }
0xbe: {  	[tilespmem:s1], [sflag:$0x2] =	stream.indirect_vreg.gather [hbm4b:s6+s2], $0x80, v3, vm0, $0xb8;
	[tilespmem:$0x18600] =	vst v63  }
0xbf: {  	_ =	swait.ge [sflag:s30], $0xC000  }
0xc0: {  	[sflag:s30] =	ssyncset.done $0x0  }
0xc1: {  	s0 =	simm.s32 $0x600;
	s1 =	rddreg [dreg:$0x1a];
	[sflag:s30] =	ssyncadd.s32 $0xFFFF4000  }
0xc2: {  	[hbm4b:s1+s2] =	stream.linear.scatter [tilespmem:s0], [sflag:$0x3], $0xC000, $0x38;
	[tilespmem:$0x18600] =	vst v63  }
0xc3: {  	_ =	swait.ge [sflag:s8], $0xC000  }
0xc4: {  	[sflag:s8] =	ssyncset.done $0x0  }
0xc5: {  	[sflag:s8] =	ssyncadd.s32 $0xFFFF4000  }
0xc6: {  	v3 =	vld [tilespmem:$0x80];
	_ =	sdelay $0x4  }
0xc7: {  	v37 =	vshrl.u32 v3, $0x3  }
0xc8: {  	v4 =	vmul.u32 $0x30, v37  }
0xc9: {  	v3 =	vand.u32 $0x7, v3  }
0xca: {  	v3 =	vor.u32 v3, v4  }
0xcb: {  	v4 =	vperm.xlane v3, v0;
	_ =	sdelay $0x1  }
0xcc: {  	v4 =	vadd.s32 v1, v4;
	_ =	sdelay $0x3  }
0xcd: {  	v3 =	vperm.xlane v3, v2  }
0xce: {  	[tilespmem:s0], [sflag:$0x1] =	stream.indirect_vreg.gather [hbm4b:s4+s2], $0x80, v4, vm0, $0xb8;
	[tilespmem:$0x18600] =	vst v63  }
0xcf: {  	v3 =	vadd.s32 v1, v3;
	s0 =	simm.s32 $0xE00  }
0xd0: {  	[tilespmem:s0], [sflag:$0x1] =	stream.indirect_vreg.gather [hbm4b:s5+s2], $0x80, v4, vm0, $0xb8;
	[tilespmem:$0x18600] =	vst v63  }
0xd1: {  	s14 =	simm.s32 $0x1600  }
0xd2: {  	[tilespmem:s14], [sflag:$0x1] =	stream.indirect_vreg.gather [hbm4b:s6+s2], $0x80, v4, vm0, $0xb8;
	[tilespmem:$0x18600] =	vst v63  }
0xd3: {  	s16 =	simm.s32 $0x1E00  }
0xd4: {  	[tilespmem:s16], [sflag:$0x1] =	stream.indirect_vreg.gather [hbm4b:s4+s2], $0x80, v3, vm0, $0xb8;
	[tilespmem:$0x18600] =	vst v63  }
0xd5: {  	s17 =	simm.s32 $0x2600  }
0xd6: {  	[tilespmem:s17], [sflag:$0x1] =	stream.indirect_vreg.gather [hbm4b:s5+s2], $0x80, v3, vm0, $0xb8;
	[tilespmem:$0x18600] =	vst v63  }
0xd7: {  	s7 =	simm.s32 $0x2E00  }
0xd8: {  	[tilespmem:s7], [sflag:$0x1] =	stream.indirect_vreg.gather [hbm4b:s6+s2], $0x80, v3, vm0, $0xb8;
	[tilespmem:$0x18600] =	vst v63  }
0xd9: {  	v3 =	vld [tilespmem:$0x90];
	_ =	sdelay $0x4  }
0xda: {  	v38 =	vshrl.u32 v3, $0x3  }
0xdb: {  	v4 =	vmul.u32 $0x30, v38  }
0xdc: {  	v3 =	vand.u32 $0x7, v3  }
0xdd: {  	v3 =	vor.u32 v3, v4  }
0xde: {  	v4 =	vperm.xlane v3, v0;
	_ =	sdelay $0x1  }
0xdf: {  	v4 =	vadd.s32 v1, v4;
	_ =	sdelay $0x3  }
0xe0: {  	s21 =	simm.s32 $0x3600;
	v3 =	vperm.xlane v3, v2  }
0xe1: {  	[tilespmem:s21], [sflag:$0x1] =	stream.indirect_vreg.gather [hbm4b:s4+s2], $0x80, v4, vm0, $0xb8;
	[tilespmem:$0x18600] =	vst v63  }
0xe2: {  	s18 =	simm.s32 $0x3E00;
	v3 =	vadd.s32 v1, v3  }
0xe3: {  	[tilespmem:s18], [sflag:$0x1] =	stream.indirect_vreg.gather [hbm4b:s5+s2], $0x80, v4, vm0, $0xb8;
	[tilespmem:$0x18600] =	vst v63  }
0xe4: {  	s20 =	simm.s32 $0x4600  }
0xe5: {  	[tilespmem:s20], [sflag:$0x1] =	stream.indirect_vreg.gather [hbm4b:s6+s2], $0x80, v4, vm0, $0xb8;
	[tilespmem:$0x18600] =	vst v63  }
0xe6: {  	s22 =	simm.s32 $0x4E00  }
0xe7: {  	[tilespmem:s22], [sflag:$0x1] =	stream.indirect_vreg.gather [hbm4b:s4+s2], $0x80, v3, vm0, $0xb8;
	[tilespmem:$0x18600] =	vst v63  }
0xe8: {  	s15 =	simm.s32 $0x5600  }
0xe9: {  	[tilespmem:s15], [sflag:$0x1] =	stream.indirect_vreg.gather [hbm4b:s5+s2], $0x80, v3, vm0, $0xb8;
	[tilespmem:$0x18600] =	vst v63  }
0xea: {  	s10 =	simm.s32 $0x5E00  }
0xeb: {  	[tilespmem:s10], [sflag:$0x1] =	stream.indirect_vreg.gather [hbm4b:s6+s2], $0x80, v3, vm0, $0xb8;
	[tilespmem:$0x18600] =	vst v63  }
0xec: {  	v3 =	vld [tilespmem:$0xA0];
	_ =	sdelay $0x4  }
0xed: {  	v39 =	vshrl.u32 v3, $0x3  }
0xee: {  	v4 =	vmul.u32 $0x30, v39  }
0xef: {  	v3 =	vand.u32 $0x7, v3  }
0xf0: {  	v3 =	vor.u32 v3, v4  }
0xf1: {  	v4 =	vperm.xlane v3, v0;
	_ =	sdelay $0x1  }
0xf2: {  	v4 =	vadd.s32 v1, v4;
	_ =	sdelay $0x3  }
0xf3: {  	s12 =	simm.s32 $0x6600;
	v3 =	vperm.xlane v3, v2  }
0xf4: {  	[tilespmem:s12], [sflag:$0x1] =	stream.indirect_vreg.gather [hbm4b:s4+s2], $0x80, v4, vm0, $0xb8;
	[tilespmem:$0x18600] =	vst v63  }
0xf5: {  	s19 =	simm.s32 $0x6E00;
	v3 =	vadd.s32 v1, v3  }
0xf6: {  	[tilespmem:s19], [sflag:$0x1] =	stream.indirect_vreg.gather [hbm4b:s5+s2], $0x80, v4, vm0, $0xb8;
	[tilespmem:$0x18600] =	vst v63  }
0xf7: {  	s11 =	simm.s32 $0x7600  }
0xf8: {  	[tilespmem:s11], [sflag:$0x1] =	stream.indirect_vreg.gather [hbm4b:s6+s2], $0x80, v4, vm0, $0xb8;
	[tilespmem:$0x18600] =	vst v63  }
0xf9: {  	s13 =	simm.s32 $0x7E00  }
0xfa: {  	[tilespmem:s13], [sflag:$0x1] =	stream.indirect_vreg.gather [hbm4b:s4+s2], $0x80, v3, vm0, $0xb8;
	[tilespmem:$0x18600] =	vst v63  }
0xfb: {  	s3 =	simm.s32 $0x8600  }
0xfc: {  	[tilespmem:s3], [sflag:$0x1] =	stream.indirect_vreg.gather [hbm4b:s5+s2], $0x80, v3, vm0, $0xb8;
	[tilespmem:$0x18600] =	vst v63  }
0xfd: {  	s9 =	simm.s32 $0x8E00  }
0xfe: {  	[tilespmem:s9], [sflag:$0x1] =	stream.indirect_vreg.gather [hbm4b:s6+s2], $0x80, v3, vm0, $0xb8;
	[tilespmem:$0x18600] =	vst v63  }
0xff: {  	v3 =	vld [tilespmem:$0xB0];
	_ =	sdelay $0x4  }
0x100: {  	v40 =	vshrl.u32 v3, $0x3  }
0x101: {  	v4 =	vmul.u32 $0x30, v40  }
0x102: {  	v3 =	vand.u32 $0x7, v3  }
0x103: {  	v3 =	vor.u32 v3, v4  }
0x104: {  	v4 =	vperm.xlane v3, v0;
	_ =	sdelay $0x1  }
0x105: {  	v4 =	vadd.s32 v1, v4;
	_ =	sdelay $0x3  }
0x106: {  	s11 =	simm.s32 $0x9600;
	v3 =	vperm.xlane v3, v2  }
0x107: {  	[tilespmem:s11], [sflag:$0x1] =	stream.indirect_vreg.gather [hbm4b:s4+s2], $0x80, v4, vm0, $0xb8;
	[tilespmem:$0x18600] =	vst v63  }
0x108: {  	s25 =	simm.s32 $0x9E00;
	v3 =	vadd.s32 v1, v3  }
0x109: {  	[tilespmem:s25], [sflag:$0x1] =	stream.indirect_vreg.gather [hbm4b:s5+s2], $0x80, v4, vm0, $0xb8;
	[tilespmem:$0x18600] =	vst v63  }
0x10a: {  	s26 =	simm.s32 $0xA600  }
0x10b: {  	[tilespmem:s26], [sflag:$0x1] =	stream.indirect_vreg.gather [hbm4b:s6+s2], $0x80, v4, vm0, $0xb8;
	[tilespmem:$0x18600] =	vst v63  }
0x10c: {  	s28 =	simm.s32 $0xAE00  }
0x10d: {  	[tilespmem:s28], [sflag:$0x1] =	stream.indirect_vreg.gather [hbm4b:s4+s2], $0x80, v3, vm0, $0xb8;
	[tilespmem:$0x18600] =	vst v63  }
0x10e: {  	s10 =	simm.s32 $0xB600  }
0x10f: {  	[tilespmem:s10], [sflag:$0x1] =	stream.indirect_vreg.gather [hbm4b:s5+s2], $0x80, v3, vm0, $0xb8;
	[tilespmem:$0x18600] =	vst v63  }
0x110: {  	s13 =	simm.s32 $0xBE00  }
0x111: {  	[tilespmem:s13], [sflag:$0x1] =	stream.indirect_vreg.gather [hbm4b:s6+s2], $0x80, v3, vm0, $0xb8;
	[tilespmem:$0x18600] =	vst v63  }
0x112: {  	_ =	swait.ge [sflag:s31], $0xC000  }
0x113: {  	[sflag:s31] =	ssyncset.done $0x0  }
0x114: {  	s26 =	simm.s32 $0xC600;
	s25 =	rddreg [dreg:$0x4];
	[sflag:s31] =	ssyncadd.s32 $0xFFFF4000  }
0x115: {  	[hbm4b:s25+s2] =	stream.linear.scatter [tilespmem:s26], [sflag:$0x3], $0xC000, $0x38;
	[tilespmem:$0x18600] =	vst v63  }
0x116: {  	_ =	swait.ge [sflag:s8], $0xC000  }
0x117: {  	[sflag:s8] =	ssyncset.done $0x0  }
0x118: {  	[sflag:s8] =	ssyncadd.s32 $0xFFFF4000  }
0x119: {  	v3 =	vld [tilespmem:$0xC0];
	_ =	sdelay $0x4  }
0x11a: {  	v41 =	vshrl.u32 v3, $0x3  }
0x11b: {  	v4 =	vmul.u32 $0x30, v41  }
0x11c: {  	v3 =	vand.u32 $0x7, v3  }
0x11d: {  	v3 =	vor.u32 v3, v4  }
0x11e: {  	v4 =	vperm.xlane v3, v0;
	_ =	sdelay $0x1  }
0x11f: {  	v4 =	vadd.s32 v1, v4;
	_ =	sdelay $0x3  }
0x120: {  	v3 =	vperm.xlane v3, v2  }
0x121: {  	[tilespmem:s26], [sflag:$0x2] =	stream.indirect_vreg.gather [hbm4b:s4+s2], $0x80, v4, vm0, $0xb8;
	[tilespmem:$0x18600] =	vst v63  }
0x122: {  	s12 =	simm.s32 $0xCE00;
	v3 =	vadd.s32 v1, v3  }
0x123: {  	[tilespmem:s12], [sflag:$0x2] =	stream.indirect_vreg.gather [hbm4b:s5+s2], $0x80, v4, vm0, $0xb8;
	[tilespmem:$0x18600] =	vst v63  }
0x124: {  	s15 =	simm.s32 $0xD600  }
0x125: {  	[tilespmem:s15], [sflag:$0x2] =	stream.indirect_vreg.gather [hbm4b:s6+s2], $0x80, v4, vm0, $0xb8;
	[tilespmem:$0x18600] =	vst v63  }
0x126: {  	s3 =	simm.s32 $0xDE00  }
0x127: {  	[tilespmem:s3], [sflag:$0x2] =	stream.indirect_vreg.gather [hbm4b:s4+s2], $0x80, v3, vm0, $0xb8;
	[tilespmem:$0x18600] =	vst v63  }
0x128: {  	s7 =	simm.s32 $0xE600  }
0x129: {  	[tilespmem:s7], [sflag:$0x2] =	stream.indirect_vreg.gather [hbm4b:s5+s2], $0x80, v3, vm0, $0xb8;
	[tilespmem:$0x18600] =	vst v63  }
0x12a: {  	s28 =	simm.s32 $0xEE00  }
0x12b: {  	[tilespmem:s28], [sflag:$0x2] =	stream.indirect_vreg.gather [hbm4b:s6+s2], $0x80, v3, vm0, $0xb8;
	[tilespmem:$0x18600] =	vst v63  }
0x12c: {  	v3 =	vld [tilespmem:$0xD0];
	_ =	sdelay $0x4  }
0x12d: {  	v42 =	vshrl.u32 v3, $0x3  }
0x12e: {  	v4 =	vmul.u32 $0x30, v42  }
0x12f: {  	v3 =	vand.u32 $0x7, v3  }
0x130: {  	v3 =	vor.u32 v3, v4  }
0x131: {  	v4 =	vperm.xlane v3, v0;
	_ =	sdelay $0x1  }
0x132: {  	v4 =	vadd.s32 v1, v4;
	_ =	sdelay $0x3  }
0x133: {  	s23 =	simm.s32 $0xF600;
	v3 =	vperm.xlane v3, v2  }
0x134: {  	[tilespmem:s23], [sflag:$0x2] =	stream.indirect_vreg.gather [hbm4b:s4+s2], $0x80, v4, vm0, $0xb8;
	[tilespmem:$0x18600] =	vst v63  }
0x135: {  	v3 =	vadd.s32 v1, v3;
	s23 =	simm.s32 $0xFE00  }
0x136: {  	[tilespmem:s23], [sflag:$0x2] =	stream.indirect_vreg.gather [hbm4b:s5+s2], $0x80, v4, vm0, $0xb8;
	[tilespmem:$0x18600] =	vst v63  }
0x137: {  	s25 =	simm.s32 $0x10600  }
0x138: {  	[tilespmem:s25], [sflag:$0x2] =	stream.indirect_vreg.gather [hbm4b:s6+s2], $0x80, v4, vm0, $0xb8;
	[tilespmem:$0x18600] =	vst v63  }
0x139: {  	s26 =	simm.s32 $0x10E00  }
0x13a: {  	[tilespmem:s26], [sflag:$0x2] =	stream.indirect_vreg.gather [hbm4b:s4+s2], $0x80, v3, vm0, $0xb8;
	[tilespmem:$0x18600] =	vst v63  }
0x13b: {  	s28 =	simm.s32 $0x11600  }
0x13c: {  	[tilespmem:s28], [sflag:$0x2] =	stream.indirect_vreg.gather [hbm4b:s5+s2], $0x80, v3, vm0, $0xb8;
	[tilespmem:$0x18600] =	vst v63  }
0x13d: {  	s24 =	simm.s32 $0x11E00  }
0x13e: {  	[tilespmem:s24], [sflag:$0x2] =	stream.indirect_vreg.gather [hbm4b:s6+s2], $0x80, v3, vm0, $0xb8;
	[tilespmem:$0x18600] =	vst v63  }
0x13f: {  	v3 =	vld [tilespmem:$0xE0];
	_ =	sdelay $0x4  }
0x140: {  	v43 =	vshrl.u32 v3, $0x3  }
0x141: {  	v4 =	vmul.u32 $0x30, v43  }
0x142: {  	v3 =	vand.u32 $0x7, v3  }
0x143: {  	v3 =	vor.u32 v3, v4  }
0x144: {  	v4 =	vperm.xlane v3, v0;
	_ =	sdelay $0x1  }
0x145: {  	v4 =	vadd.s32 v1, v4;
	_ =	sdelay $0x3  }
0x146: {  	s29 =	simm.s32 $0x12600;
	v3 =	vperm.xlane v3, v2  }
0x147: {  	[tilespmem:s29], [sflag:$0x2] =	stream.indirect_vreg.gather [hbm4b:s4+s2], $0x80, v4, vm0, $0xb8;
	[tilespmem:$0x18600] =	vst v63  }
0x148: {  	v3 =	vadd.s32 v1, v3;
	s29 =	simm.s32 $0x12E00  }
0x149: {  	[tilespmem:s29], [sflag:$0x2] =	stream.indirect_vreg.gather [hbm4b:s5+s2], $0x80, v4, vm0, $0xb8;
	[tilespmem:$0x18600] =	vst v63  }
0x14a: {  	s22 =	simm.s32 $0x13600  }
0x14b: {  	[tilespmem:s22], [sflag:$0x2] =	stream.indirect_vreg.gather [hbm4b:s6+s2], $0x80, v4, vm0, $0xb8;
	[tilespmem:$0x18600] =	vst v63  }
0x14c: {  	s24 =	simm.s32 $0x13E00  }
0x14d: {  	[tilespmem:s24], [sflag:$0x2] =	stream.indirect_vreg.gather [hbm4b:s4+s2], $0x80, v3, vm0, $0xb8;
	[tilespmem:$0x18600] =	vst v63  }
0x14e: {  	s14 =	simm.s32 $0x14600  }
0x14f: {  	[tilespmem:s14], [sflag:$0x2] =	stream.indirect_vreg.gather [hbm4b:s5+s2], $0x80, v3, vm0, $0xb8;
	[tilespmem:$0x18600] =	vst v63  }
0x150: {  	s20 =	simm.s32 $0x14E00  }
0x151: {  	[tilespmem:s20], [sflag:$0x2] =	stream.indirect_vreg.gather [hbm4b:s6+s2], $0x80, v3, vm0, $0xb8;
	[tilespmem:$0x18600] =	vst v63  }
0x152: {  	v3 =	vld [tilespmem:$0xF0];
	_ =	sdelay $0x4  }
0x153: {  	v44 =	vshrl.u32 v3, $0x3  }
0x154: {  	v4 =	vmul.u32 $0x30, v44  }
0x155: {  	v3 =	vand.u32 $0x7, v3  }
0x156: {  	v3 =	vor.u32 v3, v4  }
0x157: {  	v4 =	vperm.xlane v3, v0;
	_ =	sdelay $0x1  }
0x158: {  	v4 =	vadd.s32 v1, v4;
	_ =	sdelay $0x3  }
0x159: {  	s21 =	simm.s32 $0x15600;
	v3 =	vperm.xlane v3, v2  }
0x15a: {  	[tilespmem:s21], [sflag:$0x2] =	stream.indirect_vreg.gather [hbm4b:s4+s2], $0x80, v4, vm0, $0xb8;
	[tilespmem:$0x18600] =	vst v63  }
0x15b: {  	s16 =	simm.s32 $0x15E00;
	v3 =	vadd.s32 v1, v3  }
0x15c: {  	[tilespmem:s16], [sflag:$0x2] =	stream.indirect_vreg.gather [hbm4b:s5+s2], $0x80, v4, vm0, $0xb8;
	[tilespmem:$0x18600] =	vst v63  }
0x15d: {  	s17 =	simm.s32 $0x16600  }
0x15e: {  	[tilespmem:s17], [sflag:$0x2] =	stream.indirect_vreg.gather [hbm4b:s6+s2], $0x80, v4, vm0, $0xb8;
	[tilespmem:$0x18600] =	vst v63  }
0x15f: {  	s18 =	simm.s32 $0x16E00  }
0x160: {  	[tilespmem:s18], [sflag:$0x2] =	stream.indirect_vreg.gather [hbm4b:s4+s2], $0x80, v3, vm0, $0xb8;
	[tilespmem:$0x18600] =	vst v63  }
0x161: {  	s19 =	simm.s32 $0x17600  }
0x162: {  	[tilespmem:s19], [sflag:$0x2] =	stream.indirect_vreg.gather [hbm4b:s5+s2], $0x80, v3, vm0, $0xb8;
	[tilespmem:$0x18600] =	vst v63  }
0x163: {  	s9 =	simm.s32 $0x17E00  }
0x164: {  	[tilespmem:s9], [sflag:$0x2] =	stream.indirect_vreg.gather [hbm4b:s6+s2], $0x80, v3, vm0, $0xb8;
	[tilespmem:$0x18600] =	vst v63  }
0x165: {  	_ =	swait.ge [sflag:s30], $0xC000  }
0x166: {  	[sflag:s30] =	ssyncset.done $0x0  }
0x167: {  	s9 =	simm.s32 $0x600;
	s1 =	rddreg [dreg:$0x5];
	[sflag:s30] =	ssyncadd.s32 $0xFFFF4000  }
0x168: {  	[hbm4b:s1+s2] =	stream.linear.scatter [tilespmem:s9], [sflag:$0x3], $0xC000, $0x38;
	[tilespmem:$0x18600] =	vst v63  }
0x169: {  	_ =	swait.ge [sflag:s8], $0xC000  }
0x16a: {  	[sflag:s8] =	ssyncset.done $0x0  }
0x16b: {  	[sflag:s8] =	ssyncadd.s32 $0xFFFF4000  }
0x16c: {  	v3 =	vld [tilespmem:$0x100];
	_ =	sdelay $0x4  }
0x16d: {  	v45 =	vshrl.u32 v3, $0x3  }
0x16e: {  	v4 =	vmul.u32 $0x30, v45  }
0x16f: {  	v3 =	vand.u32 $0x7, v3  }
0x170: {  	v3 =	vor.u32 v3, v4  }
0x171: {  	v4 =	vperm.xlane v3, v0;
	_ =	sdelay $0x1  }
0x172: {  	v4 =	vadd.s32 v1, v4;
	_ =	sdelay $0x3  }
0x173: {  	v3 =	vperm.xlane v3, v2  }
0x174: {  	[tilespmem:s9], [sflag:$0x1] =	stream.indirect_vreg.gather [hbm4b:s4+s2], $0x80, v4, vm0, $0xb8;
	[tilespmem:$0x18600] =	vst v63  }
0x175: {  	v3 =	vadd.s32 v1, v3  }
0x176: {  	[tilespmem:s0], [sflag:$0x1] =	stream.indirect_vreg.gather [hbm4b:s5+s2], $0x80, v4, vm0, $0xb8;
	[tilespmem:$0x18600] =	vst v63  }
0x177: {  	s1 =	simm.s32 $0x1600  }
0x178: {  	[tilespmem:s1], [sflag:$0x1] =	stream.indirect_vreg.gather [hbm4b:s6+s2], $0x80, v4, vm0, $0xb8;
	[tilespmem:$0x18600] =	vst v63  }
0x179: {  	s9 =	simm.s32 $0x1E00  }
0x17a: {  	[tilespmem:s9], [sflag:$0x1] =	stream.indirect_vreg.gather [hbm4b:s4+s2], $0x80, v3, vm0, $0xb8;
	[tilespmem:$0x18600] =	vst v63  }
0x17b: {  	s1 =	simm.s32 $0x2600  }
0x17c: {  	[tilespmem:s1], [sflag:$0x1] =	stream.indirect_vreg.gather [hbm4b:s5+s2], $0x80, v3, vm0, $0xb8;
	[tilespmem:$0x18600] =	vst v63  }
0x17d: {  	s9 =	simm.s32 $0x2E00  }
0x17e: {  	[tilespmem:s9], [sflag:$0x1] =	stream.indirect_vreg.gather [hbm4b:s6+s2], $0x80, v3, vm0, $0xb8;
	[tilespmem:$0x18600] =	vst v63  }
0x17f: {  	v3 =	vld [tilespmem:$0x110];
	_ =	sdelay $0x4  }
0x180: {  	v46 =	vshrl.u32 v3, $0x3  }
0x181: {  	v4 =	vmul.u32 $0x30, v46  }
0x182: {  	v3 =	vand.u32 $0x7, v3  }
0x183: {  	v3 =	vor.u32 v3, v4  }
0x184: {  	v4 =	vperm.xlane v3, v0;
	_ =	sdelay $0x1  }
0x185: {  	v4 =	vadd.s32 v1, v4;
	_ =	sdelay $0x3  }
0x186: {  	s1 =	simm.s32 $0x3600;
	v3 =	vperm.xlane v3, v2  }
0x187: {  	[tilespmem:s1], [sflag:$0x1] =	stream.indirect_vreg.gather [hbm4b:s4+s2], $0x80, v4, vm0, $0xb8;
	[tilespmem:$0x18600] =	vst v63  }
0x188: {  	s9 =	simm.s32 $0x3E00;
	v3 =	vadd.s32 v1, v3  }
0x189: {  	[tilespmem:s9], [sflag:$0x1] =	stream.indirect_vreg.gather [hbm4b:s5+s2], $0x80, v4, vm0, $0xb8;
	[tilespmem:$0x18600] =	vst v63  }
0x18a: {  	s1 =	simm.s32 $0x4600  }
0x18b: {  	[tilespmem:s1], [sflag:$0x1] =	stream.indirect_vreg.gather [hbm4b:s6+s2], $0x80, v4, vm0, $0xb8;
	[tilespmem:$0x18600] =	vst v63  }
0x18c: {  	s9 =	simm.s32 $0x4E00  }
0x18d: {  	[tilespmem:s9], [sflag:$0x1] =	stream.indirect_vreg.gather [hbm4b:s4+s2], $0x80, v3, vm0, $0xb8;
	[tilespmem:$0x18600] =	vst v63  }
0x18e: {  	s1 =	simm.s32 $0x5600  }
0x18f: {  	[tilespmem:s1], [sflag:$0x1] =	stream.indirect_vreg.gather [hbm4b:s5+s2], $0x80, v3, vm0, $0xb8;
	[tilespmem:$0x18600] =	vst v63  }
0x190: {  	s9 =	simm.s32 $0x5E00  }
0x191: {  	[tilespmem:s9], [sflag:$0x1] =	stream.indirect_vreg.gather [hbm4b:s6+s2], $0x80, v3, vm0, $0xb8;
	[tilespmem:$0x18600] =	vst v63  }
0x192: {  	v3 =	vld [tilespmem:$0x120];
	_ =	sdelay $0x4  }
0x193: {  	v47 =	vshrl.u32 v3, $0x3  }
0x194: {  	v4 =	vmul.u32 $0x30, v47  }
0x195: {  	v3 =	vand.u32 $0x7, v3  }
0x196: {  	v3 =	vor.u32 v3, v4  }
0x197: {  	v4 =	vperm.xlane v3, v0;
	_ =	sdelay $0x1  }
0x198: {  	v4 =	vadd.s32 v1, v4;
	_ =	sdelay $0x3  }
0x199: {  	s1 =	simm.s32 $0x6600;
	v3 =	vperm.xlane v3, v2  }
0x19a: {  	[tilespmem:s1], [sflag:$0x1] =	stream.indirect_vreg.gather [hbm4b:s4+s2], $0x80, v4, vm0, $0xb8;
	[tilespmem:$0x18600] =	vst v63  }
0x19b: {  	s9 =	simm.s32 $0x6E00;
	v3 =	vadd.s32 v1, v3  }
0x19c: {  	[tilespmem:s9], [sflag:$0x1] =	stream.indirect_vreg.gather [hbm4b:s5+s2], $0x80, v4, vm0, $0xb8;
	[tilespmem:$0x18600] =	vst v63  }
0x19d: {  	s1 =	simm.s32 $0x7600  }
0x19e: {  	[tilespmem:s1], [sflag:$0x1] =	stream.indirect_vreg.gather [hbm4b:s6+s2], $0x80, v4, vm0, $0xb8;
	[tilespmem:$0x18600] =	vst v63  }
0x19f: {  	s9 =	simm.s32 $0x7E00  }
0x1a0: {  	[tilespmem:s9], [sflag:$0x1] =	stream.indirect_vreg.gather [hbm4b:s4+s2], $0x80, v3, vm0, $0xb8;
	[tilespmem:$0x18600] =	vst v63  }
0x1a1: {  	s0 =	simm.s32 $0x8600  }
0x1a2: {  	[tilespmem:s0], [sflag:$0x1] =	stream.indirect_vreg.gather [hbm4b:s5+s2], $0x80, v3, vm0, $0xb8;
	[tilespmem:$0x18600] =	vst v63  }
0x1a3: {  	s9 =	simm.s32 $0x8E00  }
0x1a4: {  	[tilespmem:s9], [sflag:$0x1] =	stream.indirect_vreg.gather [hbm4b:s6+s2], $0x80, v3, vm0, $0xb8;
	[tilespmem:$0x18600] =	vst v63  }
0x1a5: {  	v3 =	vld [tilespmem:$0x130];
	_ =	sdelay $0x4  }
0x1a6: {  	v48 =	vshrl.u32 v3, $0x3  }
0x1a7: {  	v4 =	vmul.u32 $0x30, v48  }
0x1a8: {  	v3 =	vand.u32 $0x7, v3  }
0x1a9: {  	v3 =	vor.u32 v3, v4  }
0x1aa: {  	v4 =	vperm.xlane v3, v0;
	_ =	sdelay $0x1  }
0x1ab: {  	v4 =	vadd.s32 v1, v4;
	_ =	sdelay $0x3  }
0x1ac: {  	v3 =	vperm.xlane v3, v2  }
0x1ad: {  	[tilespmem:s11], [sflag:$0x1] =	stream.indirect_vreg.gather [hbm4b:s4+s2], $0x80, v4, vm0, $0xb8;
	[tilespmem:$0x18600] =	vst v63  }
0x1ae: {  	v3 =	vadd.s32 v1, v3;
	s11 =	simm.s32 $0x9E00  }
0x1af: {  	[tilespmem:s11], [sflag:$0x1] =	stream.indirect_vreg.gather [hbm4b:s5+s2], $0x80, v4, vm0, $0xb8;
	[tilespmem:$0x18600] =	vst v63  }
0x1b0: {  	s11 =	simm.s32 $0xA600  }
0x1b1: {  	[tilespmem:s11], [sflag:$0x1] =	stream.indirect_vreg.gather [hbm4b:s6+s2], $0x80, v4, vm0, $0xb8;
	[tilespmem:$0x18600] =	vst v63  }
0x1b2: {  	s11 =	simm.s32 $0xAE00  }
0x1b3: {  	[tilespmem:s11], [sflag:$0x1] =	stream.indirect_vreg.gather [hbm4b:s4+s2], $0x80, v3, vm0, $0xb8;
	[tilespmem:$0x18600] =	vst v63  }
0x1b4: {  	_ = 	snop  }
0x1b5: {  	[tilespmem:s10], [sflag:$0x1] =	stream.indirect_vreg.gather [hbm4b:s5+s2], $0x80, v3, vm0, $0xb8;
	[tilespmem:$0x18600] =	vst v63  }
0x1b6: {  	_ = 	snop  }
0x1b7: {  	[tilespmem:s13], [sflag:$0x1] =	stream.indirect_vreg.gather [hbm4b:s6+s2], $0x80, v3, vm0, $0xb8;
	[tilespmem:$0x18600] =	vst v63  }
0x1b8: {  	_ =	swait.ge [sflag:s31], $0xC000  }
0x1b9: {  	[sflag:s31] =	ssyncset.done $0x0  }
0x1ba: {  	s11 =	simm.s32 $0xC600;
	s10 =	rddreg [dreg:$0x6];
	[sflag:s31] =	ssyncadd.s32 $0xFFFF4000  }
0x1bb: {  	[hbm4b:s10+s2] =	stream.linear.scatter [tilespmem:s11], [sflag:$0x3], $0xC000, $0x38;
	[tilespmem:$0x18600] =	vst v63  }
0x1bc: {  	_ =	swait.ge [sflag:s8], $0xC000  }
0x1bd: {  	[sflag:s8] =	ssyncset.done $0x0  }
0x1be: {  	[sflag:s8] =	ssyncadd.s32 $0xFFFF4000  }
0x1bf: {  	v3 =	vld [tilespmem:$0x140];
	_ =	sdelay $0x4  }
0x1c0: {  	v49 =	vshrl.u32 v3, $0x3  }
0x1c1: {  	v4 =	vmul.u32 $0x30, v49  }
0x1c2: {  	v3 =	vand.u32 $0x7, v3  }
0x1c3: {  	v3 =	vor.u32 v3, v4  }
0x1c4: {  	v4 =	vperm.xlane v3, v0;
	_ =	sdelay $0x1  }
0x1c5: {  	v4 =	vadd.s32 v1, v4;
	_ =	sdelay $0x3  }
0x1c6: {  	v3 =	vperm.xlane v3, v2  }
0x1c7: {  	[tilespmem:s11], [sflag:$0x2] =	stream.indirect_vreg.gather [hbm4b:s4+s2], $0x80, v4, vm0, $0xb8;
	[tilespmem:$0x18600] =	vst v63  }
0x1c8: {  	v3 =	vadd.s32 v1, v3  }
0x1c9: {  	[tilespmem:s12], [sflag:$0x2] =	stream.indirect_vreg.gather [hbm4b:s5+s2], $0x80, v4, vm0, $0xb8;
	[tilespmem:$0x18600] =	vst v63  }
0x1ca: {  	_ = 	snop  }
0x1cb: {  	[tilespmem:s15], [sflag:$0x2] =	stream.indirect_vreg.gather [hbm4b:s6+s2], $0x80, v4, vm0, $0xb8;
	[tilespmem:$0x18600] =	vst v63  }
0x1cc: {  	_ = 	snop  }
0x1cd: {  	[tilespmem:s3], [sflag:$0x2] =	stream.indirect_vreg.gather [hbm4b:s4+s2], $0x80, v3, vm0, $0xb8;
	[tilespmem:$0x18600] =	vst v63  }
0x1ce: {  	_ = 	snop  }
0x1cf: {  	[tilespmem:s7], [sflag:$0x2] =	stream.indirect_vreg.gather [hbm4b:s5+s2], $0x80, v3, vm0, $0xb8;
	[tilespmem:$0x18600] =	vst v63  }
0x1d0: {  	s13 =	simm.s32 $0xEE00  }
0x1d1: {  	[tilespmem:s13], [sflag:$0x2] =	stream.indirect_vreg.gather [hbm4b:s6+s2], $0x80, v3, vm0, $0xb8;
	[tilespmem:$0x18600] =	vst v63  }
0x1d2: {  	v3 =	vld [tilespmem:$0x150];
	_ =	sdelay $0x4  }
0x1d3: {  	v50 =	vshrl.u32 v3, $0x3  }
0x1d4: {  	v4 =	vmul.u32 $0x30, v50  }
0x1d5: {  	v3 =	vand.u32 $0x7, v3  }
0x1d6: {  	v3 =	vor.u32 v3, v4  }
0x1d7: {  	v4 =	vperm.xlane v3, v0;
	_ =	sdelay $0x1  }
0x1d8: {  	v4 =	vadd.s32 v1, v4;
	_ =	sdelay $0x3  }
0x1d9: {  	s15 =	simm.s32 $0xF600;
	v3 =	vperm.xlane v3, v2  }
0x1da: {  	[tilespmem:s15], [sflag:$0x2] =	stream.indirect_vreg.gather [hbm4b:s4+s2], $0x80, v4, vm0, $0xb8;
	[tilespmem:$0x18600] =	vst v63  }
0x1db: {  	v3 =	vadd.s32 v1, v3  }
0x1dc: {  	[tilespmem:s23], [sflag:$0x2] =	stream.indirect_vreg.gather [hbm4b:s5+s2], $0x80, v4, vm0, $0xb8;
	[tilespmem:$0x18600] =	vst v63  }
0x1dd: {  	_ = 	snop  }
0x1de: {  	[tilespmem:s25], [sflag:$0x2] =	stream.indirect_vreg.gather [hbm4b:s6+s2], $0x80, v4, vm0, $0xb8;
	[tilespmem:$0x18600] =	vst v63  }
0x1df: {  	_ = 	snop  }
0x1e0: {  	[tilespmem:s26], [sflag:$0x2] =	stream.indirect_vreg.gather [hbm4b:s4+s2], $0x80, v3, vm0, $0xb8;
	[tilespmem:$0x18600] =	vst v63  }
0x1e1: {  	_ = 	snop  }
0x1e2: {  	[tilespmem:s28], [sflag:$0x2] =	stream.indirect_vreg.gather [hbm4b:s5+s2], $0x80, v3, vm0, $0xb8;
	[tilespmem:$0x18600] =	vst v63  }
0x1e3: {  	s23 =	simm.s32 $0x11E00  }
0x1e4: {  	[tilespmem:s23], [sflag:$0x2] =	stream.indirect_vreg.gather [hbm4b:s6+s2], $0x80, v3, vm0, $0xb8;
	[tilespmem:$0x18600] =	vst v63  }
0x1e5: {  	v3 =	vld [tilespmem:$0x160];
	_ =	sdelay $0x4  }
0x1e6: {  	v51 =	vshrl.u32 v3, $0x3  }
0x1e7: {  	v4 =	vmul.u32 $0x30, v51  }
0x1e8: {  	v3 =	vand.u32 $0x7, v3  }
0x1e9: {  	v3 =	vor.u32 v3, v4  }
0x1ea: {  	v4 =	vperm.xlane v3, v0;
	_ =	sdelay $0x1  }
0x1eb: {  	v4 =	vadd.s32 v1, v4;
	_ =	sdelay $0x3  }
0x1ec: {  	s25 =	simm.s32 $0x12600;
	v3 =	vperm.xlane v3, v2  }
0x1ed: {  	[tilespmem:s25], [sflag:$0x2] =	stream.indirect_vreg.gather [hbm4b:s4+s2], $0x80, v4, vm0, $0xb8;
	[tilespmem:$0x18600] =	vst v63  }
0x1ee: {  	v3 =	vadd.s32 v1, v3  }
0x1ef: {  	[tilespmem:s29], [sflag:$0x2] =	stream.indirect_vreg.gather [hbm4b:s5+s2], $0x80, v4, vm0, $0xb8;
	[tilespmem:$0x18600] =	vst v63  }
0x1f0: {  	_ = 	snop  }
0x1f1: {  	[tilespmem:s22], [sflag:$0x2] =	stream.indirect_vreg.gather [hbm4b:s6+s2], $0x80, v4, vm0, $0xb8;
	[tilespmem:$0x18600] =	vst v63  }
0x1f2: {  	_ = 	snop  }
0x1f3: {  	[tilespmem:s24], [sflag:$0x2] =	stream.indirect_vreg.gather [hbm4b:s4+s2], $0x80, v3, vm0, $0xb8;
	[tilespmem:$0x18600] =	vst v63  }
0x1f4: {  	_ = 	snop  }
0x1f5: {  	[tilespmem:s14], [sflag:$0x2] =	stream.indirect_vreg.gather [hbm4b:s5+s2], $0x80, v3, vm0, $0xb8;
	[tilespmem:$0x18600] =	vst v63  }
0x1f6: {  	_ = 	snop  }
0x1f7: {  	[tilespmem:s20], [sflag:$0x2] =	stream.indirect_vreg.gather [hbm4b:s6+s2], $0x80, v3, vm0, $0xb8;
	[tilespmem:$0x18600] =	vst v63  }
0x1f8: {  	v3 =	vld [tilespmem:$0x170];
	_ =	sdelay $0x4  }
0x1f9: {  	v52 =	vshrl.u32 v3, $0x3  }
0x1fa: {  	v4 =	vmul.u32 $0x30, v52  }
0x1fb: {  	v3 =	vand.u32 $0x7, v3  }
0x1fc: {  	v3 =	vor.u32 v3, v4  }
0x1fd: {  	v4 =	vperm.xlane v3, v0;
	_ =	sdelay $0x1  }
0x1fe: {  	v4 =	vadd.s32 v1, v4;
	_ =	sdelay $0x3  }
0x1ff: {  	v3 =	vperm.xlane v3, v2  }
0x200: {  	[tilespmem:s21], [sflag:$0x2] =	stream.indirect_vreg.gather [hbm4b:s4+s2], $0x80, v4, vm0, $0xb8;
	[tilespmem:$0x18600] =	vst v63  }
0x201: {  	v3 =	vadd.s32 v1, v3  }
0x202: {  	[tilespmem:s16], [sflag:$0x2] =	stream.indirect_vreg.gather [hbm4b:s5+s2], $0x80, v4, vm0, $0xb8;
	[tilespmem:$0x18600] =	vst v63  }
0x203: {  	_ = 	snop  }
0x204: {  	[tilespmem:s17], [sflag:$0x2] =	stream.indirect_vreg.gather [hbm4b:s6+s2], $0x80, v4, vm0, $0xb8;
	[tilespmem:$0x18600] =	vst v63  }
0x205: {  	_ = 	snop  }
0x206: {  	[tilespmem:s18], [sflag:$0x2] =	stream.indirect_vreg.gather [hbm4b:s4+s2], $0x80, v3, vm0, $0xb8;
	[tilespmem:$0x18600] =	vst v63  }
0x207: {  	_ = 	snop  }
0x208: {  	[tilespmem:s19], [sflag:$0x2] =	stream.indirect_vreg.gather [hbm4b:s5+s2], $0x80, v3, vm0, $0xb8;
	[tilespmem:$0x18600] =	vst v63  }
0x209: {  	s26 =	simm.s32 $0x17E00  }
0x20a: {  	[tilespmem:s26], [sflag:$0x2] =	stream.indirect_vreg.gather [hbm4b:s6+s2], $0x80, v3, vm0, $0xb8;
	[tilespmem:$0x18600] =	vst v63  }
0x20b: {  	_ =	swait.ge [sflag:s30], $0xC000  }
0x20c: {  	[sflag:s30] =	ssyncset.done $0x0  }
0x20d: {  	s29 =	simm.s32 $0x600;
	s28 =	rddreg [dreg:$0x7];
	[sflag:s30] =	ssyncadd.s32 $0xFFFF4000  }
0x20e: {  	[hbm4b:s28+s2] =	stream.linear.scatter [tilespmem:s29], [sflag:$0x3], $0xC000, $0x38;
	[tilespmem:$0x18600] =	vst v63  }
0x20f: {  	_ =	swait.ge [sflag:s8], $0xC000  }
0x210: {  	[sflag:s8] =	ssyncset.done $0x0  }
0x211: {  	[sflag:s8] =	ssyncadd.s32 $0xFFFF4000  }
0x212: {  	v3 =	vld [tilespmem:$0x180];
	_ =	sdelay $0x4  }
0x213: {  	v53 =	vshrl.u32 v3, $0x3  }
0x214: {  	v4 =	vmul.u32 $0x30, v53  }
0x215: {  	v3 =	vand.u32 $0x7, v3  }
0x216: {  	v3 =	vor.u32 v3, v4  }
0x217: {  	v4 =	vperm.xlane v3, v0;
	_ =	sdelay $0x1  }
0x218: {  	v4 =	vadd.s32 v1, v4;
	_ =	sdelay $0x3  }
0x219: {  	v3 =	vperm.xlane v3, v2  }
0x21a: {  	[tilespmem:s29], [sflag:$0x1] =	stream.indirect_vreg.gather [hbm4b:s4+s2], $0x80, v4, vm0, $0xb8;
	[tilespmem:$0x18600] =	vst v63  }
0x21b: {  	s7 =	simm.s32 $0xE00;
	v3 =	vadd.s32 v1, v3  }
0x21c: {  	[tilespmem:s7], [sflag:$0x1] =	stream.indirect_vreg.gather [hbm4b:s5+s2], $0x80, v4, vm0, $0xb8;
	[tilespmem:$0x18600] =	vst v63  }
0x21d: {  	s7 =	simm.s32 $0x1600  }
0x21e: {  	[tilespmem:s7], [sflag:$0x1] =	stream.indirect_vreg.gather [hbm4b:s6+s2], $0x80, v4, vm0, $0xb8;
	[tilespmem:$0x18600] =	vst v63  }
0x21f: {  	s10 =	simm.s32 $0x1E00  }
0x220: {  	[tilespmem:s10], [sflag:$0x1] =	stream.indirect_vreg.gather [hbm4b:s4+s2], $0x80, v3, vm0, $0xb8;
	[tilespmem:$0x18600] =	vst v63  }
0x221: {  	s11 =	simm.s32 $0x2600  }
0x222: {  	[tilespmem:s11], [sflag:$0x1] =	stream.indirect_vreg.gather [hbm4b:s5+s2], $0x80, v3, vm0, $0xb8;
	[tilespmem:$0x18600] =	vst v63  }
0x223: {  	s14 =	simm.s32 $0x2E00  }
0x224: {  	[tilespmem:s14], [sflag:$0x1] =	stream.indirect_vreg.gather [hbm4b:s6+s2], $0x80, v3, vm0, $0xb8;
	[tilespmem:$0x18600] =	vst v63  }
0x225: {  	v3 =	vld [tilespmem:$0x190];
	_ =	sdelay $0x4  }
0x226: {  	v54 =	vshrl.u32 v3, $0x3  }
0x227: {  	v4 =	vmul.u32 $0x30, v54  }
0x228: {  	v3 =	vand.u32 $0x7, v3  }
0x229: {  	v3 =	vor.u32 v3, v4  }
0x22a: {  	v4 =	vperm.xlane v3, v0;
	_ =	sdelay $0x1  }
0x22b: {  	v4 =	vadd.s32 v1, v4;
	_ =	sdelay $0x3  }
0x22c: {  	s15 =	simm.s32 $0x3600;
	v3 =	vperm.xlane v3, v2  }
0x22d: {  	[tilespmem:s15], [sflag:$0x1] =	stream.indirect_vreg.gather [hbm4b:s4+s2], $0x80, v4, vm0, $0xb8;
	[tilespmem:$0x18600] =	vst v63  }
0x22e: {  	s12 =	simm.s32 $0x3E00;
	v3 =	vadd.s32 v1, v3  }
0x22f: {  	[tilespmem:s12], [sflag:$0x1] =	stream.indirect_vreg.gather [hbm4b:s5+s2], $0x80, v4, vm0, $0xb8;
	[tilespmem:$0x18600] =	vst v63  }
0x230: {  	s20 =	simm.s32 $0x4600  }
0x231: {  	[tilespmem:s20], [sflag:$0x1] =	stream.indirect_vreg.gather [hbm4b:s6+s2], $0x80, v4, vm0, $0xb8;
	[tilespmem:$0x18600] =	vst v63  }
0x232: {  	s18 =	simm.s32 $0x4E00  }
0x233: {  	[tilespmem:s18], [sflag:$0x1] =	stream.indirect_vreg.gather [hbm4b:s4+s2], $0x80, v3, vm0, $0xb8;
	[tilespmem:$0x18600] =	vst v63  }
0x234: {  	s17 =	simm.s32 $0x5600  }
0x235: {  	[tilespmem:s17], [sflag:$0x1] =	stream.indirect_vreg.gather [hbm4b:s5+s2], $0x80, v3, vm0, $0xb8;
	[tilespmem:$0x18600] =	vst v63  }
0x236: {  	s13 =	simm.s32 $0x5E00  }
0x237: {  	[tilespmem:s13], [sflag:$0x1] =	stream.indirect_vreg.gather [hbm4b:s6+s2], $0x80, v3, vm0, $0xb8;
	[tilespmem:$0x18600] =	vst v63  }
0x238: {  	v3 =	vld [tilespmem:$0x1A0];
	_ =	sdelay $0x4  }
0x239: {  	v55 =	vshrl.u32 v3, $0x3  }
0x23a: {  	v4 =	vmul.u32 $0x30, v55  }
0x23b: {  	v3 =	vand.u32 $0x7, v3  }
0x23c: {  	v3 =	vor.u32 v3, v4  }
0x23d: {  	v4 =	vperm.xlane v3, v0;
	_ =	sdelay $0x1  }
0x23e: {  	v4 =	vadd.s32 v1, v4;
	_ =	sdelay $0x3  }
0x23f: {  	s26 =	simm.s32 $0x6600;
	v3 =	vperm.xlane v3, v2  }
0x240: {  	[tilespmem:s26], [sflag:$0x1] =	stream.indirect_vreg.gather [hbm4b:s4+s2], $0x80, v4, vm0, $0xb8;
	[tilespmem:$0x18600] =	vst v63  }
0x241: {  	s28 =	simm.s32 $0x6E00;
	v3 =	vadd.s32 v1, v3  }
0x242: {  	[tilespmem:s28], [sflag:$0x1] =	stream.indirect_vreg.gather [hbm4b:s5+s2], $0x80, v4, vm0, $0xb8;
	[tilespmem:$0x18600] =	vst v63  }
0x243: {  	s29 =	simm.s32 $0x7600  }
0x244: {  	[tilespmem:s29], [sflag:$0x1] =	stream.indirect_vreg.gather [hbm4b:s6+s2], $0x80, v4, vm0, $0xb8;
	[tilespmem:$0x18600] =	vst v63  }
0x245: {  	s25 =	simm.s32 $0x7E00  }
0x246: {  	[tilespmem:s25], [sflag:$0x1] =	stream.indirect_vreg.gather [hbm4b:s4+s2], $0x80, v3, vm0, $0xb8;
	[tilespmem:$0x18600] =	vst v63  }
0x247: {  	_ = 	snop  }
0x248: {  	[tilespmem:s0], [sflag:$0x1] =	stream.indirect_vreg.gather [hbm4b:s5+s2], $0x80, v3, vm0, $0xb8;
	[tilespmem:$0x18600] =	vst v63  }
0x249: {  	_ = 	snop  }
0x24a: {  	[tilespmem:s9], [sflag:$0x1] =	stream.indirect_vreg.gather [hbm4b:s6+s2], $0x80, v3, vm0, $0xb8;
	[tilespmem:$0x18600] =	vst v63  }
0x24b: {  	v3 =	vld [tilespmem:$0x1B0];
	_ =	sdelay $0x4  }
0x24c: {  	v56 =	vshrl.u32 v3, $0x3  }
0x24d: {  	v4 =	vmul.u32 $0x30, v56  }
0x24e: {  	v3 =	vand.u32 $0x7, v3  }
0x24f: {  	v3 =	vor.u32 v3, v4  }
0x250: {  	v4 =	vperm.xlane v3, v0;
	_ =	sdelay $0x1  }
0x251: {  	v4 =	vadd.s32 v1, v4;
	_ =	sdelay $0x3  }
0x252: {  	s9 =	simm.s32 $0x9600;
	v3 =	vperm.xlane v3, v2  }
0x253: {  	[tilespmem:s9], [sflag:$0x1] =	stream.indirect_vreg.gather [hbm4b:s4+s2], $0x80, v4, vm0, $0xb8;
	[tilespmem:$0x18600] =	vst v63  }
0x254: {  	s22 =	simm.s32 $0x9E00;
	v3 =	vadd.s32 v1, v3  }
0x255: {  	[tilespmem:s22], [sflag:$0x1] =	stream.indirect_vreg.gather [hbm4b:s5+s2], $0x80, v4, vm0, $0xb8;
	[tilespmem:$0x18600] =	vst v63  }
0x256: {  	s23 =	simm.s32 $0xA600  }
0x257: {  	[tilespmem:s23], [sflag:$0x1] =	stream.indirect_vreg.gather [hbm4b:s6+s2], $0x80, v4, vm0, $0xb8;
	[tilespmem:$0x18600] =	vst v63  }
0x258: {  	s24 =	simm.s32 $0xAE00  }
0x259: {  	[tilespmem:s24], [sflag:$0x1] =	stream.indirect_vreg.gather [hbm4b:s4+s2], $0x80, v3, vm0, $0xb8;
	[tilespmem:$0x18600] =	vst v63  }
0x25a: {  	s16 =	simm.s32 $0xB600  }
0x25b: {  	[tilespmem:s16], [sflag:$0x1] =	stream.indirect_vreg.gather [hbm4b:s5+s2], $0x80, v3, vm0, $0xb8;
	[tilespmem:$0x18600] =	vst v63  }
0x25c: {  	s19 =	simm.s32 $0xBE00  }
0x25d: {  	[tilespmem:s19], [sflag:$0x1] =	stream.indirect_vreg.gather [hbm4b:s6+s2], $0x80, v3, vm0, $0xb8;
	[tilespmem:$0x18600] =	vst v63  }
0x25e: {  	_ =	swait.ge [sflag:s31], $0xC000  }
0x25f: {  	[sflag:s31] =	ssyncset.done $0x0  }
0x260: {  	s9 =	simm.s32 $0xC600;
	s0 =	rddreg [dreg:$0x8];
	[sflag:s31] =	ssyncadd.s32 $0xFFFF4000  }
0x261: {  	[hbm4b:s0+s2] =	stream.linear.scatter [tilespmem:s9], [sflag:$0x3], $0xC000, $0x38;
	[tilespmem:$0x18600] =	vst v63  }
0x262: {  	_ =	swait.ge [sflag:s8], $0xC000  }
0x263: {  	[sflag:s8] =	ssyncset.done $0x0  }
0x264: {  	[sflag:s8] =	ssyncadd.s32 $0xFFFF4000  }
0x265: {  	v3 =	vld [tilespmem:$0x1C0];
	_ =	sdelay $0x4  }
0x266: {  	v57 =	vshrl.u32 v3, $0x3  }
0x267: {  	v4 =	vmul.u32 $0x30, v57  }
0x268: {  	v3 =	vand.u32 $0x7, v3  }
0x269: {  	v3 =	vor.u32 v3, v4  }
0x26a: {  	v4 =	vperm.xlane v3, v0;
	_ =	sdelay $0x1  }
0x26b: {  	v4 =	vadd.s32 v1, v4;
	_ =	sdelay $0x3  }
0x26c: {  	v3 =	vperm.xlane v3, v2  }
0x26d: {  	[tilespmem:s9], [sflag:$0x2] =	stream.indirect_vreg.gather [hbm4b:s4+s2], $0x80, v4, vm0, $0xb8;
	[tilespmem:$0x18600] =	vst v63  }
0x26e: {  	s16 =	simm.s32 $0xCE00;
	v3 =	vadd.s32 v1, v3  }
0x26f: {  	[tilespmem:s16], [sflag:$0x2] =	stream.indirect_vreg.gather [hbm4b:s5+s2], $0x80, v4, vm0, $0xb8;
	[tilespmem:$0x18600] =	vst v63  }
0x270: {  	s19 =	simm.s32 $0xD600  }
0x271: {  	[tilespmem:s19], [sflag:$0x2] =	stream.indirect_vreg.gather [hbm4b:s6+s2], $0x80, v4, vm0, $0xb8;
	[tilespmem:$0x18600] =	vst v63  }
0x272: {  	s1 =	simm.s32 $0xDE00  }
0x273: {  	[tilespmem:s1], [sflag:$0x2] =	stream.indirect_vreg.gather [hbm4b:s4+s2], $0x80, v3, vm0, $0xb8;
	[tilespmem:$0x18600] =	vst v63  }
0x274: {  	s9 =	simm.s32 $0xE600  }
0x275: {  	[tilespmem:s9], [sflag:$0x2] =	stream.indirect_vreg.gather [hbm4b:s5+s2], $0x80, v3, vm0, $0xb8;
	[tilespmem:$0x18600] =	vst v63  }
0x276: {  	s16 =	simm.s32 $0xEE00  }
0x277: {  	[tilespmem:s16], [sflag:$0x2] =	stream.indirect_vreg.gather [hbm4b:s6+s2], $0x80, v3, vm0, $0xb8;
	[tilespmem:$0x18600] =	vst v63  }
0x278: {  	v3 =	vld [tilespmem:$0x1D0];
	_ =	sdelay $0x4  }
0x279: {  	v58 =	vshrl.u32 v3, $0x3  }
0x27a: {  	v4 =	vmul.u32 $0x30, v58  }
0x27b: {  	v3 =	vand.u32 $0x7, v3  }
0x27c: {  	v3 =	vor.u32 v3, v4  }
0x27d: {  	v4 =	vperm.xlane v3, v0;
	_ =	sdelay $0x1  }
0x27e: {  	v4 =	vadd.s32 v1, v4;
	_ =	sdelay $0x3  }
0x27f: {  	s9 =	simm.s32 $0xF600;
	v3 =	vperm.xlane v3, v2  }
0x280: {  	[tilespmem:s9], [sflag:$0x2] =	stream.indirect_vreg.gather [hbm4b:s4+s2], $0x80, v4, vm0, $0xb8;
	[tilespmem:$0x18600] =	vst v63  }
0x281: {  	s19 =	simm.s32 $0xFE00;
	v3 =	vadd.s32 v1, v3  }
0x282: {  	[tilespmem:s19], [sflag:$0x2] =	stream.indirect_vreg.gather [hbm4b:s5+s2], $0x80, v4, vm0, $0xb8;
	[tilespmem:$0x18600] =	vst v63  }
0x283: {  	s1 =	simm.s32 $0x10600  }
0x284: {  	[tilespmem:s1], [sflag:$0x2] =	stream.indirect_vreg.gather [hbm4b:s6+s2], $0x80, v4, vm0, $0xb8;
	[tilespmem:$0x18600] =	vst v63  }
0x285: {  	s16 =	simm.s32 $0x10E00  }
0x286: {  	[tilespmem:s16], [sflag:$0x2] =	stream.indirect_vreg.gather [hbm4b:s4+s2], $0x80, v3, vm0, $0xb8;
	[tilespmem:$0x18600] =	vst v63  }
0x287: {  	s19 =	simm.s32 $0x11600  }
0x288: {  	[tilespmem:s19], [sflag:$0x2] =	stream.indirect_vreg.gather [hbm4b:s5+s2], $0x80, v3, vm0, $0xb8;
	[tilespmem:$0x18600] =	vst v63  }
0x289: {  	s16 =	simm.s32 $0x11E00  }
0x28a: {  	[tilespmem:s16], [sflag:$0x2] =	stream.indirect_vreg.gather [hbm4b:s6+s2], $0x80, v3, vm0, $0xb8;
	[tilespmem:$0x18600] =	vst v63  }
0x28b: {  	v3 =	vld [tilespmem:$0x1E0];
	_ =	sdelay $0x4  }
0x28c: {  	v59 =	vshrl.u32 v3, $0x3  }
0x28d: {  	v4 =	vmul.u32 $0x30, v59  }
0x28e: {  	v3 =	vand.u32 $0x7, v3  }
0x28f: {  	v3 =	vor.u32 v3, v4  }
0x290: {  	v4 =	vperm.xlane v3, v0;
	_ =	sdelay $0x1  }
0x291: {  	v4 =	vadd.s32 v1, v4;
	_ =	sdelay $0x3  }
0x292: {  	s19 =	simm.s32 $0x12600;
	v3 =	vperm.xlane v3, v2  }
0x293: {  	[tilespmem:s19], [sflag:$0x2] =	stream.indirect_vreg.gather [hbm4b:s4+s2], $0x80, v4, vm0, $0xb8;
	[tilespmem:$0x18600] =	vst v63  }
0x294: {  	s1 =	simm.s32 $0x12E00;
	v3 =	vadd.s32 v1, v3  }
0x295: {  	[tilespmem:s1], [sflag:$0x2] =	stream.indirect_vreg.gather [hbm4b:s5+s2], $0x80, v4, vm0, $0xb8;
	[tilespmem:$0x18600] =	vst v63  }
0x296: {  	s1 =	simm.s32 $0x13600  }
0x297: {  	[tilespmem:s1], [sflag:$0x2] =	stream.indirect_vreg.gather [hbm4b:s6+s2], $0x80, v4, vm0, $0xb8;
	[tilespmem:$0x18600] =	vst v63  }
0x298: {  	s1 =	simm.s32 $0x13E00  }
0x299: {  	[tilespmem:s1], [sflag:$0x2] =	stream.indirect_vreg.gather [hbm4b:s4+s2], $0x80, v3, vm0, $0xb8;
	[tilespmem:$0x18600] =	vst v63  }
0x29a: {  	s1 =	simm.s32 $0x14600  }
0x29b: {  	[tilespmem:s1], [sflag:$0x2] =	stream.indirect_vreg.gather [hbm4b:s5+s2], $0x80, v3, vm0, $0xb8;
	[tilespmem:$0x18600] =	vst v63  }
0x29c: {  	s3 =	simm.s32 $0x14E00  }
0x29d: {  	[tilespmem:s3], [sflag:$0x2] =	stream.indirect_vreg.gather [hbm4b:s6+s2], $0x80, v3, vm0, $0xb8;
	[tilespmem:$0x18600] =	vst v63  }
0x29e: {  	v3 =	vld [tilespmem:$0x1F0];
	_ =	sdelay $0x4  }
0x29f: {  	v60 =	vshrl.u32 v3, $0x3  }
0x2a0: {  	v4 =	vmul.u32 $0x30, v60  }
0x2a1: {  	v3 =	vand.u32 $0x7, v3  }
0x2a2: {  	v3 =	vor.u32 v3, v4  }
0x2a3: {  	v4 =	vperm.xlane v3, v0;
	_ =	sdelay $0x1  }
0x2a4: {  	v4 =	vadd.s32 v1, v4;
	_ =	sdelay $0x3  }
0x2a5: {  	s3 =	simm.s32 $0x15600;
	v3 =	vperm.xlane v3, v2  }
0x2a6: {  	[tilespmem:s3], [sflag:$0x2] =	stream.indirect_vreg.gather [hbm4b:s4+s2], $0x80, v4, vm0, $0xb8;
	[tilespmem:$0x18600] =	vst v63  }
0x2a7: {  	s21 =	simm.s32 $0x15E00;
	v3 =	vadd.s32 v1, v3  }
0x2a8: {  	[tilespmem:s21], [sflag:$0x2] =	stream.indirect_vreg.gather [hbm4b:s5+s2], $0x80, v4, vm0, $0xb8;
	[tilespmem:$0x18600] =	vst v63  }
0x2a9: {  	s3 =	simm.s32 $0x16600  }
0x2aa: {  	[tilespmem:s3], [sflag:$0x2] =	stream.indirect_vreg.gather [hbm4b:s6+s2], $0x80, v4, vm0, $0xb8;
	[tilespmem:$0x18600] =	vst v63  }
0x2ab: {  	s1 =	simm.s32 $0x16E00  }
0x2ac: {  	[tilespmem:s1], [sflag:$0x2] =	stream.indirect_vreg.gather [hbm4b:s4+s2], $0x80, v3, vm0, $0xb8;
	[tilespmem:$0x18600] =	vst v63  }
0x2ad: {  	s21 =	simm.s32 $0x17600  }
0x2ae: {  	[tilespmem:s21], [sflag:$0x2] =	stream.indirect_vreg.gather [hbm4b:s5+s2], $0x80, v3, vm0, $0xb8;
	[tilespmem:$0x18600] =	vst v63  }
0x2af: {  	s21 =	simm.s32 $0x17E00  }
0x2b0: {  	[tilespmem:s21], [sflag:$0x2] =	stream.indirect_vreg.gather [hbm4b:s6+s2], $0x80, v3, vm0, $0xb8;
	[tilespmem:$0x18600] =	vst v63  }
0x2b1: {  	_ =	swait.ge [sflag:s30], $0xC000  }
0x2b2: {  	[sflag:s30] =	ssyncset.done $0x0  }
0x2b3: {  	s0 =	simm.s32 $0x600;
	s1 =	rddreg [dreg:$0x9];
	[sflag:s30] =	ssyncadd.s32 $0xFFFF4000  }
0x2b4: {  	[hbm4b:s1+s2] =	stream.linear.scatter [tilespmem:s0], [sflag:$0x3], $0xC000, $0x38;
	[tilespmem:$0x18600] =	vst v63  }
0x2b5: {  	_ =	swait.ge [sflag:s8], $0xC000  }
0x2b6: {  	[sflag:s8] =	ssyncset.done $0x0  }
0x2b7: {  	[sflag:s8] =	ssyncadd.s32 $0xFFFF4000  }
0x2b8: {  	v3 =	vld [tilespmem:$0x200];
	_ =	sdelay $0x4  }
0x2b9: {  	v61 =	vshrl.u32 v3, $0x3  }
0x2ba: {  	v4 =	vmul.u32 $0x30, v61  }
0x2bb: {  	v3 =	vand.u32 $0x7, v3  }
0x2bc: {  	v3 =	vor.u32 v3, v4  }
0x2bd: {  	v4 =	vperm.xlane v3, v0;
	_ =	sdelay $0x1  }
0x2be: {  	v4 =	vadd.s32 v1, v4;
	_ =	sdelay $0x3  }
0x2bf: {  	v3 =	vperm.xlane v3, v2  }
0x2c0: {  	[tilespmem:s0], [sflag:$0x1] =	stream.indirect_vreg.gather [hbm4b:s4+s2], $0x80, v4, vm0, $0xb8;
	[tilespmem:$0x18600] =	vst v63  }
0x2c1: {  	s1 =	simm.s32 $0xE00;
	v3 =	vadd.s32 v1, v3  }
0x2c2: {  	[tilespmem:s1], [sflag:$0x1] =	stream.indirect_vreg.gather [hbm4b:s5+s2], $0x80, v4, vm0, $0xb8;
	[tilespmem:$0x18600] =	vst v63  }
0x2c3: {  	_ = 	snop  }
0x2c4: {  	[tilespmem:s7], [sflag:$0x1] =	stream.indirect_vreg.gather [hbm4b:s6+s2], $0x80, v4, vm0, $0xb8;
	[tilespmem:$0x18600] =	vst v63  }
0x2c5: {  	_ = 	snop  }
0x2c6: {  	[tilespmem:s10], [sflag:$0x1] =	stream.indirect_vreg.gather [hbm4b:s4+s2], $0x80, v3, vm0, $0xb8;
	[tilespmem:$0x18600] =	vst v63  }
0x2c7: {  	_ = 	snop  }
0x2c8: {  	[tilespmem:s11], [sflag:$0x1] =	stream.indirect_vreg.gather [hbm4b:s5+s2], $0x80, v3, vm0, $0xb8;
	[tilespmem:$0x18600] =	vst v63  }
0x2c9: {  	_ = 	snop  }
0x2ca: {  	[tilespmem:s14], [sflag:$0x1] =	stream.indirect_vreg.gather [hbm4b:s6+s2], $0x80, v3, vm0, $0xb8;
	[tilespmem:$0x18600] =	vst v63  }
0x2cb: {  	v3 =	vld [tilespmem:$0x210];
	_ =	sdelay $0x4  }
0x2cc: {  	v62 =	vshrl.u32 v3, $0x3  }
0x2cd: {  	v4 =	vmul.u32 $0x30, v62  }
0x2ce: {  	v3 =	vand.u32 $0x7, v3  }
0x2cf: {  	v3 =	vor.u32 v3, v4  }
0x2d0: {  	v4 =	vperm.xlane v3, v0;
	_ =	sdelay $0x1  }
0x2d1: {  	v4 =	vadd.s32 v1, v4;
	_ =	sdelay $0x3  }
0x2d2: {  	v3 =	vperm.xlane v3, v2  }
0x2d3: {  	[tilespmem:s15], [sflag:$0x1] =	stream.indirect_vreg.gather [hbm4b:s4+s2], $0x80, v4, vm0, $0xb8;
	[tilespmem:$0x18600] =	vst v63  }
0x2d4: {  	v3 =	vadd.s32 v1, v3  }
0x2d5: {  	[tilespmem:s12], [sflag:$0x1] =	stream.indirect_vreg.gather [hbm4b:s5+s2], $0x80, v4, vm0, $0xb8;
	[tilespmem:$0x18600] =	vst v63  }
0x2d6: {  	_ = 	snop  }
0x2d7: {  	[tilespmem:s20], [sflag:$0x1] =	stream.indirect_vreg.gather [hbm4b:s6+s2], $0x80, v4, vm0, $0xb8;
	[tilespmem:$0x18600] =	vst v63  }
0x2d8: {  	_ = 	snop  }
0x2d9: {  	[tilespmem:s18], [sflag:$0x1] =	stream.indirect_vreg.gather [hbm4b:s4+s2], $0x80, v3, vm0, $0xb8;
	[tilespmem:$0x18600] =	vst v63  }
0x2da: {  	_ = 	snop  }
0x2db: {  	[tilespmem:s17], [sflag:$0x1] =	stream.indirect_vreg.gather [hbm4b:s5+s2], $0x80, v3, vm0, $0xb8;
	[tilespmem:$0x18600] =	vst v63  }
0x2dc: {  	_ = 	snop  }
0x2dd: {  	[tilespmem:s13], [sflag:$0x1] =	stream.indirect_vreg.gather [hbm4b:s6+s2], $0x80, v3, vm0, $0xb8;
	[tilespmem:$0x18600] =	vst v63  }
0x2de: {  	v3 =	vld [tilespmem:$0x220];
	_ =	sdelay $0x4  }
0x2df: {  	v63 =	vshrl.u32 v3, $0x3  }
0x2e0: {  	v4 =	vmul.u32 $0x30, v63  }
0x2e1: {  	v3 =	vand.u32 $0x7, v3  }
0x2e2: {  	v3 =	vor.u32 v3, v4  }
0x2e3: {  	v4 =	vperm.xlane v3, v0;
	_ =	sdelay $0x1  }
0x2e4: {  	v4 =	vadd.s32 v1, v4;
	_ =	sdelay $0x3  }
0x2e5: {  	v3 =	vperm.xlane v3, v2  }
0x2e6: {  	[tilespmem:s26], [sflag:$0x1] =	stream.indirect_vreg.gather [hbm4b:s4+s2], $0x80, v4, vm0, $0xb8;
	[tilespmem:$0x18600] =	vst v63  }
0x2e7: {  	v3 =	vadd.s32 v1, v3  }
0x2e8: {  	[tilespmem:s28], [sflag:$0x1] =	stream.indirect_vreg.gather [hbm4b:s5+s2], $0x80, v4, vm0, $0xb8;
	[tilespmem:$0x18600] =	vst v63  }
0x2e9: {  	_ = 	snop  }
0x2ea: {  	[tilespmem:s29], [sflag:$0x1] =	stream.indirect_vreg.gather [hbm4b:s6+s2], $0x80, v4, vm0, $0xb8;
	[tilespmem:$0x18600] =	vst v63  }
0x2eb: {  	_ = 	snop  }
0x2ec: {  	[tilespmem:s25], [sflag:$0x1] =	stream.indirect_vreg.gather [hbm4b:s4+s2], $0x80, v3, vm0, $0xb8;
	[tilespmem:$0x18600] =	vst v63  }
0x2ed: {  	s20 =	simm.s32 $0x8600  }
0x2ee: {  	[tilespmem:s20], [sflag:$0x1] =	stream.indirect_vreg.gather [hbm4b:s5+s2], $0x80, v3, vm0, $0xb8;
	[tilespmem:$0x18600] =	vst v63  }
0x2ef: {  	s25 =	simm.s32 $0x8E00  }
0x2f0: {  	[tilespmem:s25], [sflag:$0x1] =	stream.indirect_vreg.gather [hbm4b:s6+s2], $0x80, v3, vm0, $0xb8;
	[tilespmem:$0x18600] =	vst v63  }
0x2f1: {  	v3 =	vld [tilespmem:$0x230];
	_ =	sdelay $0x4  }
0x2f2: {  	v8 =	vshrl.u32 v3, $0x3  }
0x2f3: {  	v4 =	vmul.u32 $0x30, v8  }
0x2f4: {  	v3 =	vand.u32 $0x7, v3  }
0x2f5: {  	v3 =	vor.u32 v3, v4  }
0x2f6: {  	v4 =	vperm.xlane v3, v0;
	_ =	sdelay $0x1  }
0x2f7: {  	v4 =	vadd.s32 v1, v4;
	_ =	sdelay $0x3  }
0x2f8: {  	s26 =	simm.s32 $0x9600;
	v3 =	vperm.xlane v3, v2  }
0x2f9: {  	[tilespmem:s26], [sflag:$0x1] =	stream.indirect_vreg.gather [hbm4b:s4+s2], $0x80, v4, vm0, $0xb8;
	[tilespmem:$0x18600] =	vst v63  }
0x2fa: {  	v3 =	vadd.s32 v1, v3  }
0x2fb: {  	[tilespmem:s22], [sflag:$0x1] =	stream.indirect_vreg.gather [hbm4b:s5+s2], $0x80, v4, vm0, $0xb8;
	[tilespmem:$0x18600] =	vst v63  }
0x2fc: {  	_ = 	snop  }
0x2fd: {  	[tilespmem:s23], [sflag:$0x1] =	stream.indirect_vreg.gather [hbm4b:s6+s2], $0x80, v4, vm0, $0xb8;
	[tilespmem:$0x18600] =	vst v63  }
0x2fe: {  	_ = 	snop  }
0x2ff: {  	[tilespmem:s24], [sflag:$0x1] =	stream.indirect_vreg.gather [hbm4b:s4+s2], $0x80, v3, vm0, $0xb8;
	[tilespmem:$0x18600] =	vst v63  }
0x300: {  	s28 =	simm.s32 $0xB600  }
0x301: {  	[tilespmem:s28], [sflag:$0x1] =	stream.indirect_vreg.gather [hbm4b:s5+s2], $0x80, v3, vm0, $0xb8;
	[tilespmem:$0x18600] =	vst v63  }
0x302: {  	s1 =	simm.s32 $0xBE00  }
0x303: {  	[tilespmem:s1], [sflag:$0x1] =	stream.indirect_vreg.gather [hbm4b:s6+s2], $0x80, v3, vm0, $0xb8;
	[tilespmem:$0x18600] =	vst v63  }
0x304: {  	_ =	swait.ge [sflag:s31], $0xC000  }
0x305: {  	[sflag:s31] =	ssyncset.done $0x0  }
0x306: {  	s12 =	simm.s32 $0xC600;
	s11 =	rddreg [dreg:$0xa];
	[sflag:s31] =	ssyncadd.s32 $0xFFFF4000  }
0x307: {  	[hbm4b:s11+s2] =	stream.linear.scatter [tilespmem:s12], [sflag:$0x3], $0xC000, $0x38;
	[tilespmem:$0x18600] =	vst v63  }
0x308: {  	_ =	swait.ge [sflag:s8], $0xC000  }
0x309: {  	[sflag:s8] =	ssyncset.done $0x0  }
0x30a: {  	[sflag:s8] =	ssyncadd.s32 $0xFFFF4000  }
0x30b: {  	v3 =	vld [tilespmem:$0x240];
	_ =	sdelay $0x4  }
0x30c: {  	v9 =	vshrl.u32 v3, $0x3  }
0x30d: {  	v4 =	vmul.u32 $0x30, v9  }
0x30e: {  	v3 =	vand.u32 $0x7, v3  }
0x30f: {  	v3 =	vor.u32 v3, v4  }
0x310: {  	v4 =	vperm.xlane v3, v0;
	_ =	sdelay $0x1  }
0x311: {  	v4 =	vadd.s32 v1, v4;
	_ =	sdelay $0x3  }
0x312: {  	v3 =	vperm.xlane v3, v2  }
0x313: {  	[tilespmem:s12], [sflag:$0x2] =	stream.indirect_vreg.gather [hbm4b:s4+s2], $0x80, v4, vm0, $0xb8;
	[tilespmem:$0x18600] =	vst v63  }
0x314: {  	s22 =	simm.s32 $0xCE00;
	v3 =	vadd.s32 v1, v3  }
0x315: {  	[tilespmem:s22], [sflag:$0x2] =	stream.indirect_vreg.gather [hbm4b:s5+s2], $0x80, v4, vm0, $0xb8;
	[tilespmem:$0x18600] =	vst v63  }
0x316: {  	s13 =	simm.s32 $0xD600  }
0x317: {  	[tilespmem:s13], [sflag:$0x2] =	stream.indirect_vreg.gather [hbm4b:s6+s2], $0x80, v4, vm0, $0xb8;
	[tilespmem:$0x18600] =	vst v63  }
0x318: {  	s15 =	simm.s32 $0xDE00  }
0x319: {  	[tilespmem:s15], [sflag:$0x2] =	stream.indirect_vreg.gather [hbm4b:s4+s2], $0x80, v3, vm0, $0xb8;
	[tilespmem:$0x18600] =	vst v63  }
0x31a: {  	s17 =	simm.s32 $0xE600  }
0x31b: {  	[tilespmem:s17], [sflag:$0x2] =	stream.indirect_vreg.gather [hbm4b:s5+s2], $0x80, v3, vm0, $0xb8;
	[tilespmem:$0x18600] =	vst v63  }
0x31c: {  	s18 =	simm.s32 $0xEE00  }
0x31d: {  	[tilespmem:s18], [sflag:$0x2] =	stream.indirect_vreg.gather [hbm4b:s6+s2], $0x80, v3, vm0, $0xb8;
	[tilespmem:$0x18600] =	vst v63  }
0x31e: {  	v3 =	vld [tilespmem:$0x250];
	_ =	sdelay $0x4  }
0x31f: {  	v10 =	vshrl.u32 v3, $0x3  }
0x320: {  	v4 =	vmul.u32 $0x30, v10  }
0x321: {  	v3 =	vand.u32 $0x7, v3  }
0x322: {  	v3 =	vor.u32 v3, v4  }
0x323: {  	v4 =	vperm.xlane v3, v0;
	_ =	sdelay $0x1  }
0x324: {  	v4 =	vadd.s32 v1, v4;
	_ =	sdelay $0x3  }
0x325: {  	v3 =	vperm.xlane v3, v2  }
0x326: {  	[tilespmem:s9], [sflag:$0x2] =	stream.indirect_vreg.gather [hbm4b:s4+s2], $0x80, v4, vm0, $0xb8;
	[tilespmem:$0x18600] =	vst v63  }
0x327: {  	s20 =	simm.s32 $0xFE00;
	v3 =	vadd.s32 v1, v3  }
0x328: {  	[tilespmem:s20], [sflag:$0x2] =	stream.indirect_vreg.gather [hbm4b:s5+s2], $0x80, v4, vm0, $0xb8;
	[tilespmem:$0x18600] =	vst v63  }
0x329: {  	s24 =	simm.s32 $0x10600  }
0x32a: {  	[tilespmem:s24], [sflag:$0x2] =	stream.indirect_vreg.gather [hbm4b:s6+s2], $0x80, v4, vm0, $0xb8;
	[tilespmem:$0x18600] =	vst v63  }
0x32b: {  	s26 =	simm.s32 $0x10E00  }
0x32c: {  	[tilespmem:s26], [sflag:$0x2] =	stream.indirect_vreg.gather [hbm4b:s4+s2], $0x80, v3, vm0, $0xb8;
	[tilespmem:$0x18600] =	vst v63  }
0x32d: {  	s9 =	simm.s32 $0x11600  }
0x32e: {  	[tilespmem:s9], [sflag:$0x2] =	stream.indirect_vreg.gather [hbm4b:s5+s2], $0x80, v3, vm0, $0xb8;
	[tilespmem:$0x18600] =	vst v63  }
0x32f: {  	_ = 	snop  }
0x330: {  	[tilespmem:s16], [sflag:$0x2] =	stream.indirect_vreg.gather [hbm4b:s6+s2], $0x80, v3, vm0, $0xb8;
	[tilespmem:$0x18600] =	vst v63  }
0x331: {  	v3 =	vld [tilespmem:$0x260];
	_ =	sdelay $0x4  }
0x332: {  	v11 =	vshrl.u32 v3, $0x3  }
0x333: {  	v4 =	vmul.u32 $0x30, v11  }
0x334: {  	v3 =	vand.u32 $0x7, v3  }
0x335: {  	v3 =	vor.u32 v3, v4  }
0x336: {  	v4 =	vperm.xlane v3, v0;
	_ =	sdelay $0x1  }
0x337: {  	v4 =	vadd.s32 v1, v4;
	_ =	sdelay $0x3  }
0x338: {  	v3 =	vperm.xlane v3, v2  }
0x339: {  	[tilespmem:s19], [sflag:$0x2] =	stream.indirect_vreg.gather [hbm4b:s4+s2], $0x80, v4, vm0, $0xb8;
	[tilespmem:$0x18600] =	vst v63  }
0x33a: {  	s11 =	simm.s32 $0x12E00;
	v3 =	vadd.s32 v1, v3  }
0x33b: {  	[tilespmem:s11], [sflag:$0x2] =	stream.indirect_vreg.gather [hbm4b:s5+s2], $0x80, v4, vm0, $0xb8;
	[tilespmem:$0x18600] =	vst v63  }
0x33c: {  	s12 =	simm.s32 $0x13600  }
0x33d: {  	[tilespmem:s12], [sflag:$0x2] =	stream.indirect_vreg.gather [hbm4b:s6+s2], $0x80, v4, vm0, $0xb8;
	[tilespmem:$0x18600] =	vst v63  }
0x33e: {  	s13 =	simm.s32 $0x13E00  }
0x33f: {  	[tilespmem:s13], [sflag:$0x2] =	stream.indirect_vreg.gather [hbm4b:s4+s2], $0x80, v3, vm0, $0xb8;
	[tilespmem:$0x18600] =	vst v63  }
0x340: {  	s15 =	simm.s32 $0x14600  }
0x341: {  	[tilespmem:s15], [sflag:$0x2] =	stream.indirect_vreg.gather [hbm4b:s5+s2], $0x80, v3, vm0, $0xb8;
	[tilespmem:$0x18600] =	vst v63  }
0x342: {  	s16 =	simm.s32 $0x14E00  }
0x343: {  	[tilespmem:s16], [sflag:$0x2] =	stream.indirect_vreg.gather [hbm4b:s6+s2], $0x80, v3, vm0, $0xb8;
	[tilespmem:$0x18600] =	vst v63  }
0x344: {  	v3 =	vld [tilespmem:$0x270];
	_ =	sdelay $0x4  }
0x345: {  	v12 =	vshrl.u32 v3, $0x3  }
0x346: {  	v4 =	vmul.u32 $0x30, v12  }
0x347: {  	v3 =	vand.u32 $0x7, v3  }
0x348: {  	v3 =	vor.u32 v3, v4  }
0x349: {  	v4 =	vperm.xlane v3, v0;
	_ =	sdelay $0x1  }
0x34a: {  	v4 =	vadd.s32 v1, v4;
	_ =	sdelay $0x3  }
0x34b: {  	s17 =	simm.s32 $0x15600;
	v3 =	vperm.xlane v3, v2  }
0x34c: {  	[tilespmem:s17], [sflag:$0x2] =	stream.indirect_vreg.gather [hbm4b:s4+s2], $0x80, v4, vm0, $0xb8;
	[tilespmem:$0x18600] =	vst v63  }
0x34d: {  	s18 =	simm.s32 $0x15E00;
	v3 =	vadd.s32 v1, v3  }
0x34e: {  	[tilespmem:s18], [sflag:$0x2] =	stream.indirect_vreg.gather [hbm4b:s5+s2], $0x80, v4, vm0, $0xb8;
	[tilespmem:$0x18600] =	vst v63  }
0x34f: {  	_ = 	snop  }
0x350: {  	[tilespmem:s3], [sflag:$0x2] =	stream.indirect_vreg.gather [hbm4b:s6+s2], $0x80, v4, vm0, $0xb8;
	[tilespmem:$0x18600] =	vst v63  }
0x351: {  	s19 =	simm.s32 $0x16E00  }
0x352: {  	[tilespmem:s19], [sflag:$0x2] =	stream.indirect_vreg.gather [hbm4b:s4+s2], $0x80, v3, vm0, $0xb8;
	[tilespmem:$0x18600] =	vst v63  }
0x353: {  	s20 =	simm.s32 $0x17600  }
0x354: {  	[tilespmem:s20], [sflag:$0x2] =	stream.indirect_vreg.gather [hbm4b:s5+s2], $0x80, v3, vm0, $0xb8;
	[tilespmem:$0x18600] =	vst v63  }
0x355: {  	_ = 	snop  }
0x356: {  	[tilespmem:s21], [sflag:$0x2] =	stream.indirect_vreg.gather [hbm4b:s6+s2], $0x80, v3, vm0, $0xb8;
	[tilespmem:$0x18600] =	vst v63  }
0x357: {  	_ =	swait.ge [sflag:s30], $0xC000  }
0x358: {  	[sflag:s30] =	ssyncset.done $0x0  }
0x359: {  	s26 =	simm.s32 $0x600;
	s24 =	rddreg [dreg:$0xb];
	[sflag:s30] =	ssyncadd.s32 $0xFFFF4000  }
0x35a: {  	[hbm4b:s24+s2] =	stream.linear.scatter [tilespmem:s26], [sflag:$0x3], $0xC000, $0x38;
	[tilespmem:$0x18600] =	vst v63  }
0x35b: {  	_ =	swait.ge [sflag:s8], $0xC000  }
0x35c: {  	[sflag:s8] =	ssyncset.done $0x0  }
0x35d: {  	[sflag:s8] =	ssyncadd.s32 $0xFFFF4000  }
0x35e: {  	v3 =	vld [tilespmem:$0x280];
	_ =	sdelay $0x4  }
0x35f: {  	v13 =	vshrl.u32 v3, $0x3  }
0x360: {  	v4 =	vmul.u32 $0x30, v13  }
0x361: {  	v3 =	vand.u32 $0x7, v3  }
0x362: {  	v3 =	vor.u32 v3, v4  }
0x363: {  	v4 =	vperm.xlane v3, v0;
	_ =	sdelay $0x1  }
0x364: {  	v4 =	vadd.s32 v1, v4;
	_ =	sdelay $0x3  }
0x365: {  	v3 =	vperm.xlane v3, v2  }
0x366: {  	[tilespmem:s26], [sflag:$0x1] =	stream.indirect_vreg.gather [hbm4b:s4+s2], $0x80, v4, vm0, $0xb8;
	[tilespmem:$0x18600] =	vst v63  }
0x367: {  	s11 =	simm.s32 $0xE00;
	v3 =	vadd.s32 v1, v3  }
0x368: {  	[tilespmem:s11], [sflag:$0x1] =	stream.indirect_vreg.gather [hbm4b:s5+s2], $0x80, v4, vm0, $0xb8;
	[tilespmem:$0x18600] =	vst v63  }
0x369: {  	s12 =	simm.s32 $0x1600  }
0x36a: {  	[tilespmem:s12], [sflag:$0x1] =	stream.indirect_vreg.gather [hbm4b:s6+s2], $0x80, v4, vm0, $0xb8;
	[tilespmem:$0x18600] =	vst v63  }
0x36b: {  	s10 =	simm.s32 $0x1E00  }
0x36c: {  	[tilespmem:s10], [sflag:$0x1] =	stream.indirect_vreg.gather [hbm4b:s4+s2], $0x80, v3, vm0, $0xb8;
	[tilespmem:$0x18600] =	vst v63  }
0x36d: {  	s13 =	simm.s32 $0x2600  }
0x36e: {  	[tilespmem:s13], [sflag:$0x1] =	stream.indirect_vreg.gather [hbm4b:s5+s2], $0x80, v3, vm0, $0xb8;
	[tilespmem:$0x18600] =	vst v63  }
0x36f: {  	s14 =	simm.s32 $0x2E00  }
0x370: {  	[tilespmem:s14], [sflag:$0x1] =	stream.indirect_vreg.gather [hbm4b:s6+s2], $0x80, v3, vm0, $0xb8;
	[tilespmem:$0x18600] =	vst v63  }
0x371: {  	v3 =	vld [tilespmem:$0x290];
	_ =	sdelay $0x4  }
0x372: {  	v14 =	vshrl.u32 v3, $0x3  }
0x373: {  	v4 =	vmul.u32 $0x30, v14  }
0x374: {  	v3 =	vand.u32 $0x7, v3  }
0x375: {  	v3 =	vor.u32 v3, v4  }
0x376: {  	v4 =	vperm.xlane v3, v0;
	_ =	sdelay $0x1  }
0x377: {  	v4 =	vadd.s32 v1, v4;
	_ =	sdelay $0x3  }
0x378: {  	s15 =	simm.s32 $0x3600;
	v3 =	vperm.xlane v3, v2  }
0x379: {  	[tilespmem:s15], [sflag:$0x1] =	stream.indirect_vreg.gather [hbm4b:s4+s2], $0x80, v4, vm0, $0xb8;
	[tilespmem:$0x18600] =	vst v63  }
0x37a: {  	s14 =	simm.s32 $0x3E00;
	v3 =	vadd.s32 v1, v3  }
0x37b: {  	[tilespmem:s14], [sflag:$0x1] =	stream.indirect_vreg.gather [hbm4b:s5+s2], $0x80, v4, vm0, $0xb8;
	[tilespmem:$0x18600] =	vst v63  }
0x37c: {  	s19 =	simm.s32 $0x4600  }
0x37d: {  	[tilespmem:s19], [sflag:$0x1] =	stream.indirect_vreg.gather [hbm4b:s6+s2], $0x80, v4, vm0, $0xb8;
	[tilespmem:$0x18600] =	vst v63  }
0x37e: {  	s18 =	simm.s32 $0x4E00  }
0x37f: {  	[tilespmem:s18], [sflag:$0x1] =	stream.indirect_vreg.gather [hbm4b:s4+s2], $0x80, v3, vm0, $0xb8;
	[tilespmem:$0x18600] =	vst v63  }
0x380: {  	s17 =	simm.s32 $0x5600  }
0x381: {  	[tilespmem:s17], [sflag:$0x1] =	stream.indirect_vreg.gather [hbm4b:s5+s2], $0x80, v3, vm0, $0xb8;
	[tilespmem:$0x18600] =	vst v63  }
0x382: {  	s16 =	simm.s32 $0x5E00  }
0x383: {  	[tilespmem:s16], [sflag:$0x1] =	stream.indirect_vreg.gather [hbm4b:s6+s2], $0x80, v3, vm0, $0xb8;
	[tilespmem:$0x18600] =	vst v63  }
0x384: {  	v3 =	vld [tilespmem:$0x2A0];
	_ =	sdelay $0x4  }
0x385: {  	v15 =	vshrl.u32 v3, $0x3  }
0x386: {  	v4 =	vmul.u32 $0x30, v15  }
0x387: {  	v3 =	vand.u32 $0x7, v3  }
0x388: {  	v3 =	vor.u32 v3, v4  }
0x389: {  	v4 =	vperm.xlane v3, v0;
	_ =	sdelay $0x1  }
0x38a: {  	v4 =	vadd.s32 v1, v4;
	_ =	sdelay $0x3  }
0x38b: {  	s26 =	simm.s32 $0x6600;
	v3 =	vperm.xlane v3, v2  }
0x38c: {  	[tilespmem:s26], [sflag:$0x1] =	stream.indirect_vreg.gather [hbm4b:s4+s2], $0x80, v4, vm0, $0xb8;
	[tilespmem:$0x18600] =	vst v63  }
0x38d: {  	s20 =	simm.s32 $0x6E00;
	v3 =	vadd.s32 v1, v3  }
0x38e: {  	[tilespmem:s20], [sflag:$0x1] =	stream.indirect_vreg.gather [hbm4b:s5+s2], $0x80, v4, vm0, $0xb8;
	[tilespmem:$0x18600] =	vst v63  }
0x38f: {  	s3 =	simm.s32 $0x7600  }
0x390: {  	[tilespmem:s3], [sflag:$0x1] =	stream.indirect_vreg.gather [hbm4b:s6+s2], $0x80, v4, vm0, $0xb8;
	[tilespmem:$0x18600] =	vst v63  }
0x391: {  	s3 =	simm.s32 $0x7E00  }
0x392: {  	[tilespmem:s3], [sflag:$0x1] =	stream.indirect_vreg.gather [hbm4b:s4+s2], $0x80, v3, vm0, $0xb8;
	[tilespmem:$0x18600] =	vst v63  }
0x393: {  	s9 =	simm.s32 $0x8600  }
0x394: {  	[tilespmem:s9], [sflag:$0x1] =	stream.indirect_vreg.gather [hbm4b:s5+s2], $0x80, v3, vm0, $0xb8;
	[tilespmem:$0x18600] =	vst v63  }
0x395: {  	s10 =	simm.s32 $0x8E00  }
0x396: {  	[tilespmem:s10], [sflag:$0x1] =	stream.indirect_vreg.gather [hbm4b:s6+s2], $0x80, v3, vm0, $0xb8;
	[tilespmem:$0x18600] =	vst v63  }
0x397: {  	v3 =	vld [tilespmem:$0x2B0];
	_ =	sdelay $0x4  }
0x398: {  	v16 =	vshrl.u32 v3, $0x3  }
0x399: {  	v4 =	vmul.u32 $0x30, v16  }
0x39a: {  	v3 =	vand.u32 $0x7, v3  }
0x39b: {  	v3 =	vor.u32 v3, v4  }
0x39c: {  	v4 =	vperm.xlane v3, v0;
	_ =	sdelay $0x1  }
0x39d: {  	v4 =	vadd.s32 v1, v4;
	_ =	sdelay $0x3  }
0x39e: {  	s29 =	simm.s32 $0x9600;
	v3 =	vperm.xlane v3, v2  }
0x39f: {  	[tilespmem:s29], [sflag:$0x1] =	stream.indirect_vreg.gather [hbm4b:s4+s2], $0x80, v4, vm0, $0xb8;
	[tilespmem:$0x18600] =	vst v63  }
0x3a0: {  	s7 =	simm.s32 $0x9E00;
	v3 =	vadd.s32 v1, v3  }
0x3a1: {  	[tilespmem:s7], [sflag:$0x1] =	stream.indirect_vreg.gather [hbm4b:s5+s2], $0x80, v4, vm0, $0xb8;
	[tilespmem:$0x18600] =	vst v63  }
0x3a2: {  	s9 =	simm.s32 $0xA600  }
0x3a3: {  	[tilespmem:s9], [sflag:$0x1] =	stream.indirect_vreg.gather [hbm4b:s6+s2], $0x80, v4, vm0, $0xb8;
	[tilespmem:$0x18600] =	vst v63  }
0x3a4: {  	s24 =	simm.s32 $0xAE00  }
0x3a5: {  	[tilespmem:s24], [sflag:$0x1] =	stream.indirect_vreg.gather [hbm4b:s4+s2], $0x80, v3, vm0, $0xb8;
	[tilespmem:$0x18600] =	vst v63  }
0x3a6: {  	s28 =	simm.s32 $0xB600  }
0x3a7: {  	[tilespmem:s28], [sflag:$0x1] =	stream.indirect_vreg.gather [hbm4b:s5+s2], $0x80, v3, vm0, $0xb8;
	[tilespmem:$0x18600] =	vst v63  }
0x3a8: {  	s21 =	simm.s32 $0xBE00  }
0x3a9: {  	[tilespmem:s21], [sflag:$0x1] =	stream.indirect_vreg.gather [hbm4b:s6+s2], $0x80, v3, vm0, $0xb8;
	[tilespmem:$0x18600] =	vst v63  }
0x3aa: {  	_ =	swait.ge [sflag:s31], $0xC000  }
0x3ab: {  	[sflag:s31] =	ssyncset.done $0x0  }
0x3ac: {  	s29 =	simm.s32 $0xC600;
	s28 =	rddreg [dreg:$0xc];
	[sflag:s31] =	ssyncadd.s32 $0xFFFF4000  }
0x3ad: {  	[hbm4b:s28+s2] =	stream.linear.scatter [tilespmem:s29], [sflag:$0x3], $0xC000, $0x38;
	[tilespmem:$0x18600] =	vst v63  }
0x3ae: {  	_ =	swait.ge [sflag:s8], $0xC000  }
0x3af: {  	[sflag:s8] =	ssyncset.done $0x0  }
0x3b0: {  	[sflag:s8] =	ssyncadd.s32 $0xFFFF4000  }
0x3b1: {  	v3 =	vld [tilespmem:$0x2C0];
	_ =	sdelay $0x4  }
0x3b2: {  	v17 =	vshrl.u32 v3, $0x3  }
0x3b3: {  	v4 =	vmul.u32 $0x30, v17  }
0x3b4: {  	v3 =	vand.u32 $0x7, v3  }
0x3b5: {  	v3 =	vor.u32 v3, v4  }
0x3b6: {  	v4 =	vperm.xlane v3, v0;
	_ =	sdelay $0x1  }
0x3b7: {  	v4 =	vadd.s32 v1, v4;
	_ =	sdelay $0x3  }
0x3b8: {  	v3 =	vperm.xlane v3, v2  }
0x3b9: {  	[tilespmem:s29], [sflag:$0x2] =	stream.indirect_vreg.gather [hbm4b:s4+s2], $0x80, v4, vm0, $0xb8;
	[tilespmem:$0x18600] =	vst v63  }
0x3ba: {  	v3 =	vadd.s32 v1, v3  }
0x3bb: {  	[tilespmem:s22], [sflag:$0x2] =	stream.indirect_vreg.gather [hbm4b:s5+s2], $0x80, v4, vm0, $0xb8;
	[tilespmem:$0x18600] =	vst v63  }
0x3bc: {  	s7 =	simm.s32 $0xD600  }
0x3bd: {  	[tilespmem:s7], [sflag:$0x2] =	stream.indirect_vreg.gather [hbm4b:s6+s2], $0x80, v4, vm0, $0xb8;
	[tilespmem:$0x18600] =	vst v63  }
0x3be: {  	s28 =	simm.s32 $0xDE00  }
0x3bf: {  	[tilespmem:s28], [sflag:$0x2] =	stream.indirect_vreg.gather [hbm4b:s4+s2], $0x80, v3, vm0, $0xb8;
	[tilespmem:$0x18600] =	vst v63  }
0x3c0: {  	s29 =	simm.s32 $0xE600  }
0x3c1: {  	[tilespmem:s29], [sflag:$0x2] =	stream.indirect_vreg.gather [hbm4b:s5+s2], $0x80, v3, vm0, $0xb8;
	[tilespmem:$0x18600] =	vst v63  }
0x3c2: {  	s25 =	simm.s32 $0xEE00  }
0x3c3: {  	[tilespmem:s25], [sflag:$0x2] =	stream.indirect_vreg.gather [hbm4b:s6+s2], $0x80, v3, vm0, $0xb8;
	[tilespmem:$0x18600] =	vst v63  }
0x3c4: {  	v3 =	vld [tilespmem:$0x2D0];
	_ =	sdelay $0x4  }
0x3c5: {  	v18 =	vshrl.u32 v3, $0x3  }
0x3c6: {  	v4 =	vmul.u32 $0x30, v18  }
0x3c7: {  	v3 =	vand.u32 $0x7, v3  }
0x3c8: {  	v3 =	vor.u32 v3, v4  }
0x3c9: {  	v4 =	vperm.xlane v3, v0;
	_ =	sdelay $0x1  }
0x3ca: {  	v4 =	vadd.s32 v1, v4;
	_ =	sdelay $0x3  }
0x3cb: {  	s23 =	simm.s32 $0xF600;
	v3 =	vperm.xlane v3, v2  }
0x3cc: {  	[tilespmem:s23], [sflag:$0x2] =	stream.indirect_vreg.gather [hbm4b:s4+s2], $0x80, v4, vm0, $0xb8;
	[tilespmem:$0x18600] =	vst v63  }
0x3cd: {  	s0 =	simm.s32 $0xFE00;
	v3 =	vadd.s32 v1, v3  }
0x3ce: {  	[tilespmem:s0], [sflag:$0x2] =	stream.indirect_vreg.gather [hbm4b:s5+s2], $0x80, v4, vm0, $0xb8;
	[tilespmem:$0x18600] =	vst v63  }
0x3cf: {  	s10 =	simm.s32 $0x10600  }
0x3d0: {  	[tilespmem:s10], [sflag:$0x2] =	stream.indirect_vreg.gather [hbm4b:s6+s2], $0x80, v4, vm0, $0xb8;
	[tilespmem:$0x18600] =	vst v63  }
0x3d1: {  	s21 =	simm.s32 $0x10E00  }
0x3d2: {  	[tilespmem:s21], [sflag:$0x2] =	stream.indirect_vreg.gather [hbm4b:s4+s2], $0x80, v3, vm0, $0xb8;
	[tilespmem:$0x18600] =	vst v63  }
0x3d3: {  	s22 =	simm.s32 $0x11600  }
0x3d4: {  	[tilespmem:s22], [sflag:$0x2] =	stream.indirect_vreg.gather [hbm4b:s5+s2], $0x80, v3, vm0, $0xb8;
	[tilespmem:$0x18600] =	vst v63  }
0x3d5: {  	s23 =	simm.s32 $0x11E00  }
0x3d6: {  	[tilespmem:s23], [sflag:$0x2] =	stream.indirect_vreg.gather [hbm4b:s6+s2], $0x80, v3, vm0, $0xb8;
	[tilespmem:$0x18600] =	vst v63  }
0x3d7: {  	v3 =	vld [tilespmem:$0x2E0];
	_ =	sdelay $0x4  }
0x3d8: {  	v19 =	vshrl.u32 v3, $0x3  }
0x3d9: {  	v4 =	vmul.u32 $0x30, v19  }
0x3da: {  	v3 =	vand.u32 $0x7, v3  }
0x3db: {  	v3 =	vor.u32 v3, v4  }
0x3dc: {  	v4 =	vperm.xlane v3, v0;
	_ =	sdelay $0x1  }
0x3dd: {  	v4 =	vadd.s32 v1, v4;
	_ =	sdelay $0x3  }
0x3de: {  	s21 =	simm.s32 $0x12600;
	v3 =	vperm.xlane v3, v2  }
0x3df: {  	[tilespmem:s21], [sflag:$0x2] =	stream.indirect_vreg.gather [hbm4b:s4+s2], $0x80, v4, vm0, $0xb8;
	[tilespmem:$0x18600] =	vst v63  }
0x3e0: {  	s25 =	simm.s32 $0x12E00;
	v3 =	vadd.s32 v1, v3  }
0x3e1: {  	[tilespmem:s25], [sflag:$0x2] =	stream.indirect_vreg.gather [hbm4b:s5+s2], $0x80, v4, vm0, $0xb8;
	[tilespmem:$0x18600] =	vst v63  }
0x3e2: {  	s1 =	simm.s32 $0x13600  }
0x3e3: {  	[tilespmem:s1], [sflag:$0x2] =	stream.indirect_vreg.gather [hbm4b:s6+s2], $0x80, v4, vm0, $0xb8;
	[tilespmem:$0x18600] =	vst v63  }
0x3e4: {  	s10 =	simm.s32 $0x13E00  }
0x3e5: {  	[tilespmem:s10], [sflag:$0x2] =	stream.indirect_vreg.gather [hbm4b:s4+s2], $0x80, v3, vm0, $0xb8;
	[tilespmem:$0x18600] =	vst v63  }
0x3e6: {  	s22 =	simm.s32 $0x14600  }
0x3e7: {  	[tilespmem:s22], [sflag:$0x2] =	stream.indirect_vreg.gather [hbm4b:s5+s2], $0x80, v3, vm0, $0xb8;
	[tilespmem:$0x18600] =	vst v63  }
0x3e8: {  	s25 =	simm.s32 $0x14E00  }
0x3e9: {  	[tilespmem:s25], [sflag:$0x2] =	stream.indirect_vreg.gather [hbm4b:s6+s2], $0x80, v3, vm0, $0xb8;
	[tilespmem:$0x18600] =	vst v63  }
0x3ea: {  	v3 =	vld [tilespmem:$0x2F0];
	_ =	sdelay $0x4  }
0x3eb: {  	v20 =	vshrl.u32 v3, $0x3  }
0x3ec: {  	v4 =	vmul.u32 $0x30, v20  }
0x3ed: {  	v3 =	vand.u32 $0x7, v3  }
0x3ee: {  	v3 =	vor.u32 v3, v4  }
0x3ef: {  	v4 =	vperm.xlane v3, v0;
	_ =	sdelay $0x1  }
0x3f0: {  	v4 =	vadd.s32 v1, v4;
	_ =	sdelay $0x3  }
0x3f1: {  	s23 =	simm.s32 $0x15600;
	v3 =	vperm.xlane v3, v2  }
0x3f2: {  	[tilespmem:s23], [sflag:$0x2] =	stream.indirect_vreg.gather [hbm4b:s4+s2], $0x80, v4, vm0, $0xb8;
	[tilespmem:$0x18600] =	vst v63  }
0x3f3: {  	v3 =	vadd.s32 v1, v3;
	s23 =	simm.s32 $0x15E00  }
0x3f4: {  	[tilespmem:s23], [sflag:$0x2] =	stream.indirect_vreg.gather [hbm4b:s5+s2], $0x80, v4, vm0, $0xb8;
	[tilespmem:$0x18600] =	vst v63  }
0x3f5: {  	s1 =	simm.s32 $0x16600  }
0x3f6: {  	[tilespmem:s1], [sflag:$0x2] =	stream.indirect_vreg.gather [hbm4b:s6+s2], $0x80, v4, vm0, $0xb8;
	[tilespmem:$0x18600] =	vst v63  }
0x3f7: {  	s10 =	simm.s32 $0x16E00  }
0x3f8: {  	[tilespmem:s10], [sflag:$0x2] =	stream.indirect_vreg.gather [hbm4b:s4+s2], $0x80, v3, vm0, $0xb8;
	[tilespmem:$0x18600] =	vst v63  }
0x3f9: {  	s22 =	simm.s32 $0x17600  }
0x3fa: {  	[tilespmem:s22], [sflag:$0x2] =	stream.indirect_vreg.gather [hbm4b:s5+s2], $0x80, v3, vm0, $0xb8;
	[tilespmem:$0x18600] =	vst v63  }
0x3fb: {  	s22 =	simm.s32 $0x17E00  }
0x3fc: {  	[tilespmem:s22], [sflag:$0x2] =	stream.indirect_vreg.gather [hbm4b:s6+s2], $0x80, v3, vm0, $0xb8;
	[tilespmem:$0x18600] =	vst v63  }
0x3fd: {  	_ =	swait.ge [sflag:s30], $0xC000  }
0x3fe: {  	[sflag:s30] =	ssyncset.done $0x0  }
0x3ff: {  	s10 =	simm.s32 $0x600;
	s0 =	rddreg [dreg:$0xd];
	[sflag:s30] =	ssyncadd.s32 $0xFFFF4000  }
0x400: {  	[hbm4b:s0+s2] =	stream.linear.scatter [tilespmem:s10], [sflag:$0x3], $0xC000, $0x38;
	[tilespmem:$0x18600] =	vst v63  }
0x401: {  	_ =	swait.ge [sflag:s8], $0xC000  }
0x402: {  	[sflag:s8] =	ssyncset.done $0x0  }
0x403: {  	[sflag:s8] =	ssyncadd.s32 $0xFFFF4000  }
0x404: {  	v3 =	vld [tilespmem:$0x300];
	_ =	sdelay $0x4  }
0x405: {  	v21 =	vshrl.u32 v3, $0x3  }
0x406: {  	v4 =	vmul.u32 $0x30, v21  }
0x407: {  	v3 =	vand.u32 $0x7, v3  }
0x408: {  	v3 =	vor.u32 v3, v4  }
0x409: {  	v4 =	vperm.xlane v3, v0;
	_ =	sdelay $0x1  }
0x40a: {  	v4 =	vadd.s32 v1, v4;
	_ =	sdelay $0x3  }
0x40b: {  	v3 =	vperm.xlane v3, v2  }
0x40c: {  	[tilespmem:s10], [sflag:$0x1] =	stream.indirect_vreg.gather [hbm4b:s4+s2], $0x80, v4, vm0, $0xb8;
	[tilespmem:$0x18600] =	vst v63  }
0x40d: {  	v3 =	vadd.s32 v1, v3  }
0x40e: {  	[tilespmem:s11], [sflag:$0x1] =	stream.indirect_vreg.gather [hbm4b:s5+s2], $0x80, v4, vm0, $0xb8;
	[tilespmem:$0x18600] =	vst v63  }
0x40f: {  	_ = 	snop  }
0x410: {  	[tilespmem:s12], [sflag:$0x1] =	stream.indirect_vreg.gather [hbm4b:s6+s2], $0x80, v4, vm0, $0xb8;
	[tilespmem:$0x18600] =	vst v63  }
0x411: {  	s0 =	simm.s32 $0x1E00  }
0x412: {  	[tilespmem:s0], [sflag:$0x1] =	stream.indirect_vreg.gather [hbm4b:s4+s2], $0x80, v3, vm0, $0xb8;
	[tilespmem:$0x18600] =	vst v63  }
0x413: {  	_ = 	snop  }
0x414: {  	[tilespmem:s13], [sflag:$0x1] =	stream.indirect_vreg.gather [hbm4b:s5+s2], $0x80, v3, vm0, $0xb8;
	[tilespmem:$0x18600] =	vst v63  }
0x415: {  	s10 =	simm.s32 $0x2E00  }
0x416: {  	[tilespmem:s10], [sflag:$0x1] =	stream.indirect_vreg.gather [hbm4b:s6+s2], $0x80, v3, vm0, $0xb8;
	[tilespmem:$0x18600] =	vst v63  }
0x417: {  	v3 =	vld [tilespmem:$0x310];
	_ =	sdelay $0x4  }
0x418: {  	v22 =	vshrl.u32 v3, $0x3  }
0x419: {  	v4 =	vmul.u32 $0x30, v22  }
0x41a: {  	v3 =	vand.u32 $0x7, v3  }
0x41b: {  	v3 =	vor.u32 v3, v4  }
0x41c: {  	v4 =	vperm.xlane v3, v0;
	_ =	sdelay $0x1  }
0x41d: {  	v4 =	vadd.s32 v1, v4;
	_ =	sdelay $0x3  }
0x41e: {  	v3 =	vperm.xlane v3, v2  }
0x41f: {  	[tilespmem:s15], [sflag:$0x1] =	stream.indirect_vreg.gather [hbm4b:s4+s2], $0x80, v4, vm0, $0xb8;
	[tilespmem:$0x18600] =	vst v63  }
0x420: {  	v3 =	vadd.s32 v1, v3  }
0x421: {  	[tilespmem:s14], [sflag:$0x1] =	stream.indirect_vreg.gather [hbm4b:s5+s2], $0x80, v4, vm0, $0xb8;
	[tilespmem:$0x18600] =	vst v63  }
0x422: {  	_ = 	snop  }
0x423: {  	[tilespmem:s19], [sflag:$0x1] =	stream.indirect_vreg.gather [hbm4b:s6+s2], $0x80, v4, vm0, $0xb8;
	[tilespmem:$0x18600] =	vst v63  }
0x424: {  	_ = 	snop  }
0x425: {  	[tilespmem:s18], [sflag:$0x1] =	stream.indirect_vreg.gather [hbm4b:s4+s2], $0x80, v3, vm0, $0xb8;
	[tilespmem:$0x18600] =	vst v63  }
0x426: {  	_ = 	snop  }
0x427: {  	[tilespmem:s17], [sflag:$0x1] =	stream.indirect_vreg.gather [hbm4b:s5+s2], $0x80, v3, vm0, $0xb8;
	[tilespmem:$0x18600] =	vst v63  }
0x428: {  	_ = 	snop  }
0x429: {  	[tilespmem:s16], [sflag:$0x1] =	stream.indirect_vreg.gather [hbm4b:s6+s2], $0x80, v3, vm0, $0xb8;
	[tilespmem:$0x18600] =	vst v63  }
0x42a: {  	v3 =	vld [tilespmem:$0x320];
	_ =	sdelay $0x4  }
0x42b: {  	v23 =	vshrl.u32 v3, $0x3  }
0x42c: {  	v4 =	vmul.u32 $0x30, v23  }
0x42d: {  	v3 =	vand.u32 $0x7, v3  }
0x42e: {  	v3 =	vor.u32 v3, v4  }
0x42f: {  	v4 =	vperm.xlane v3, v0;
	_ =	sdelay $0x1  }
0x430: {  	v4 =	vadd.s32 v1, v4;
	_ =	sdelay $0x3  }
0x431: {  	v3 =	vperm.xlane v3, v2  }
0x432: {  	[tilespmem:s26], [sflag:$0x1] =	stream.indirect_vreg.gather [hbm4b:s4+s2], $0x80, v4, vm0, $0xb8;
	[tilespmem:$0x18600] =	vst v63  }
0x433: {  	v3 =	vadd.s32 v1, v3  }
0x434: {  	[tilespmem:s20], [sflag:$0x1] =	stream.indirect_vreg.gather [hbm4b:s5+s2], $0x80, v4, vm0, $0xb8;
	[tilespmem:$0x18600] =	vst v63  }
0x435: {  	s11 =	simm.s32 $0x7600  }
0x436: {  	[tilespmem:s11], [sflag:$0x1] =	stream.indirect_vreg.gather [hbm4b:s6+s2], $0x80, v4, vm0, $0xb8;
	[tilespmem:$0x18600] =	vst v63  }
0x437: {  	_ = 	snop  }
0x438: {  	[tilespmem:s3], [sflag:$0x1] =	stream.indirect_vreg.gather [hbm4b:s4+s2], $0x80, v3, vm0, $0xb8;
	[tilespmem:$0x18600] =	vst v63  }
0x439: {  	s20 =	simm.s32 $0x8600  }
0x43a: {  	[tilespmem:s20], [sflag:$0x1] =	stream.indirect_vreg.gather [hbm4b:s5+s2], $0x80, v3, vm0, $0xb8;
	[tilespmem:$0x18600] =	vst v63  }
0x43b: {  	s26 =	simm.s32 $0x8E00  }
0x43c: {  	[tilespmem:s26], [sflag:$0x1] =	stream.indirect_vreg.gather [hbm4b:s6+s2], $0x80, v3, vm0, $0xb8;
	[tilespmem:$0x18600] =	vst v63  }
0x43d: {  	v3 =	vld [tilespmem:$0x330];
	_ =	sdelay $0x4  }
0x43e: {  	v24 =	vshrl.u32 v3, $0x3  }
0x43f: {  	v4 =	vmul.u32 $0x30, v24  }
0x440: {  	v3 =	vand.u32 $0x7, v3  }
0x441: {  	v3 =	vor.u32 v3, v4  }
0x442: {  	v4 =	vperm.xlane v3, v0;
	_ =	sdelay $0x1  }
0x443: {  	v4 =	vadd.s32 v1, v4;
	_ =	sdelay $0x3  }
0x444: {  	s3 =	simm.s32 $0x9600;
	v3 =	vperm.xlane v3, v2  }
0x445: {  	[tilespmem:s3], [sflag:$0x1] =	stream.indirect_vreg.gather [hbm4b:s4+s2], $0x80, v4, vm0, $0xb8;
	[tilespmem:$0x18600] =	vst v63  }
0x446: {  	s12 =	simm.s32 $0x9E00;
	v3 =	vadd.s32 v1, v3  }
0x447: {  	[tilespmem:s12], [sflag:$0x1] =	stream.indirect_vreg.gather [hbm4b:s5+s2], $0x80, v4, vm0, $0xb8;
	[tilespmem:$0x18600] =	vst v63  }
0x448: {  	_ = 	snop  }
0x449: {  	[tilespmem:s9], [sflag:$0x1] =	stream.indirect_vreg.gather [hbm4b:s6+s2], $0x80, v4, vm0, $0xb8;
	[tilespmem:$0x18600] =	vst v63  }
0x44a: {  	_ = 	snop  }
0x44b: {  	[tilespmem:s24], [sflag:$0x1] =	stream.indirect_vreg.gather [hbm4b:s4+s2], $0x80, v3, vm0, $0xb8;
	[tilespmem:$0x18600] =	vst v63  }
0x44c: {  	s14 =	simm.s32 $0xB600  }
0x44d: {  	[tilespmem:s14], [sflag:$0x1] =	stream.indirect_vreg.gather [hbm4b:s5+s2], $0x80, v3, vm0, $0xb8;
	[tilespmem:$0x18600] =	vst v63  }
0x44e: {  	s14 =	simm.s32 $0xBE00  }
0x44f: {  	[tilespmem:s14], [sflag:$0x1] =	stream.indirect_vreg.gather [hbm4b:s6+s2], $0x80, v3, vm0, $0xb8;
	[tilespmem:$0x18600] =	vst v63  }
0x450: {  	_ =	swait.ge [sflag:s31], $0xC000  }
0x451: {  	[sflag:s31] =	ssyncset.done $0x0  }
0x452: {  	s24 =	simm.s32 $0xC600;
	s18 =	rddreg [dreg:$0xe];
	[sflag:s31] =	ssyncadd.s32 $0xFFFF4000  }
0x453: {  	[hbm4b:s18+s2] =	stream.linear.scatter [tilespmem:s24], [sflag:$0x3], $0xC000, $0x38;
	[tilespmem:$0x18600] =	vst v63  }
0x454: {  	_ =	swait.ge [sflag:s8], $0xC000  }
0x455: {  	[sflag:s8] =	ssyncset.done $0x0  }
0x456: {  	[sflag:s8] =	ssyncadd.s32 $0xFFFF4000  }
0x457: {  	v3 =	vld [tilespmem:$0x340];
	_ =	sdelay $0x4  }
0x458: {  	v25 =	vshrl.u32 v3, $0x3  }
0x459: {  	v4 =	vmul.u32 $0x30, v25  }
0x45a: {  	v3 =	vand.u32 $0x7, v3  }
0x45b: {  	v3 =	vor.u32 v3, v4  }
0x45c: {  	v4 =	vperm.xlane v3, v0;
	_ =	sdelay $0x1  }
0x45d: {  	v4 =	vadd.s32 v1, v4;
	_ =	sdelay $0x3  }
0x45e: {  	v3 =	vperm.xlane v3, v2  }
0x45f: {  	[tilespmem:s24], [sflag:$0x2] =	stream.indirect_vreg.gather [hbm4b:s4+s2], $0x80, v4, vm0, $0xb8;
	[tilespmem:$0x18600] =	vst v63  }
0x460: {  	s26 =	simm.s32 $0xCE00;
	v3 =	vadd.s32 v1, v3  }
0x461: {  	[tilespmem:s26], [sflag:$0x2] =	stream.indirect_vreg.gather [hbm4b:s5+s2], $0x80, v4, vm0, $0xb8;
	[tilespmem:$0x18600] =	vst v63  }
0x462: {  	_ = 	snop  }
0x463: {  	[tilespmem:s7], [sflag:$0x2] =	stream.indirect_vreg.gather [hbm4b:s6+s2], $0x80, v4, vm0, $0xb8;
	[tilespmem:$0x18600] =	vst v63  }
0x464: {  	_ = 	snop  }
0x465: {  	[tilespmem:s28], [sflag:$0x2] =	stream.indirect_vreg.gather [hbm4b:s4+s2], $0x80, v3, vm0, $0xb8;
	[tilespmem:$0x18600] =	vst v63  }
0x466: {  	_ = 	snop  }
0x467: {  	[tilespmem:s29], [sflag:$0x2] =	stream.indirect_vreg.gather [hbm4b:s5+s2], $0x80, v3, vm0, $0xb8;
	[tilespmem:$0x18600] =	vst v63  }
0x468: {  	s29 =	simm.s32 $0xEE00  }
0x469: {  	[tilespmem:s29], [sflag:$0x2] =	stream.indirect_vreg.gather [hbm4b:s6+s2], $0x80, v3, vm0, $0xb8;
	[tilespmem:$0x18600] =	vst v63  }
0x46a: {  	v3 =	vld [tilespmem:$0x350];
	_ =	sdelay $0x4  }
0x46b: {  	v26 =	vshrl.u32 v3, $0x3  }
0x46c: {  	v4 =	vmul.u32 $0x30, v26  }
0x46d: {  	v3 =	vand.u32 $0x7, v3  }
0x46e: {  	v3 =	vor.u32 v3, v4  }
0x46f: {  	v4 =	vperm.xlane v3, v0;
	_ =	sdelay $0x1  }
0x470: {  	v4 =	vadd.s32 v1, v4;
	_ =	sdelay $0x3  }
0x471: {  	s3 =	simm.s32 $0xF600;
	v3 =	vperm.xlane v3, v2  }
0x472: {  	[tilespmem:s3], [sflag:$0x2] =	stream.indirect_vreg.gather [hbm4b:s4+s2], $0x80, v4, vm0, $0xb8;
	[tilespmem:$0x18600] =	vst v63  }
0x473: {  	s24 =	simm.s32 $0xFE00;
	v3 =	vadd.s32 v1, v3  }
0x474: {  	[tilespmem:s24], [sflag:$0x2] =	stream.indirect_vreg.gather [hbm4b:s5+s2], $0x80, v4, vm0, $0xb8;
	[tilespmem:$0x18600] =	vst v63  }
0x475: {  	s7 =	simm.s32 $0x10600  }
0x476: {  	[tilespmem:s7], [sflag:$0x2] =	stream.indirect_vreg.gather [hbm4b:s6+s2], $0x80, v4, vm0, $0xb8;
	[tilespmem:$0x18600] =	vst v63  }
0x477: {  	s9 =	simm.s32 $0x10E00  }
0x478: {  	[tilespmem:s9], [sflag:$0x2] =	stream.indirect_vreg.gather [hbm4b:s4+s2], $0x80, v3, vm0, $0xb8;
	[tilespmem:$0x18600] =	vst v63  }
0x479: {  	s12 =	simm.s32 $0x11600  }
0x47a: {  	[tilespmem:s12], [sflag:$0x2] =	stream.indirect_vreg.gather [hbm4b:s5+s2], $0x80, v3, vm0, $0xb8;
	[tilespmem:$0x18600] =	vst v63  }
0x47b: {  	s18 =	simm.s32 $0x11E00  }
0x47c: {  	[tilespmem:s18], [sflag:$0x2] =	stream.indirect_vreg.gather [hbm4b:s6+s2], $0x80, v3, vm0, $0xb8;
	[tilespmem:$0x18600] =	vst v63  }
0x47d: {  	v3 =	vld [tilespmem:$0x360];
	_ =	sdelay $0x4  }
0x47e: {  	v27 =	vshrl.u32 v3, $0x3  }
0x47f: {  	v4 =	vmul.u32 $0x30, v27  }
0x480: {  	v3 =	vand.u32 $0x7, v3  }
0x481: {  	v3 =	vor.u32 v3, v4  }
0x482: {  	v4 =	vperm.xlane v3, v0;
	_ =	sdelay $0x1  }
0x483: {  	v4 =	vadd.s32 v1, v4;
	_ =	sdelay $0x3  }
0x484: {  	v3 =	vperm.xlane v3, v2  }
0x485: {  	[tilespmem:s21], [sflag:$0x2] =	stream.indirect_vreg.gather [hbm4b:s4+s2], $0x80, v4, vm0, $0xb8;
	[tilespmem:$0x18600] =	vst v63  }
0x486: {  	s26 =	simm.s32 $0x12E00;
	v3 =	vadd.s32 v1, v3  }
0x487: {  	[tilespmem:s26], [sflag:$0x2] =	stream.indirect_vreg.gather [hbm4b:s5+s2], $0x80, v4, vm0, $0xb8;
	[tilespmem:$0x18600] =	vst v63  }
0x488: {  	s28 =	simm.s32 $0x13600  }
0x489: {  	[tilespmem:s28], [sflag:$0x2] =	stream.indirect_vreg.gather [hbm4b:s6+s2], $0x80, v4, vm0, $0xb8;
	[tilespmem:$0x18600] =	vst v63  }
0x48a: {  	s29 =	simm.s32 $0x13E00  }
0x48b: {  	[tilespmem:s29], [sflag:$0x2] =	stream.indirect_vreg.gather [hbm4b:s4+s2], $0x80, v3, vm0, $0xb8;
	[tilespmem:$0x18600] =	vst v63  }
0x48c: {  	s3 =	simm.s32 $0x14600  }
0x48d: {  	[tilespmem:s3], [sflag:$0x2] =	stream.indirect_vreg.gather [hbm4b:s5+s2], $0x80, v3, vm0, $0xb8;
	[tilespmem:$0x18600] =	vst v63  }
0x48e: {  	_ = 	snop  }
0x48f: {  	[tilespmem:s25], [sflag:$0x2] =	stream.indirect_vreg.gather [hbm4b:s6+s2], $0x80, v3, vm0, $0xb8;
	[tilespmem:$0x18600] =	vst v63  }
0x490: {  	v3 =	vld [tilespmem:$0x370];
	_ =	sdelay $0x4  }
0x491: {  	v28 =	vshrl.u32 v3, $0x3  }
0x492: {  	v4 =	vmul.u32 $0x30, v28  }
0x493: {  	v3 =	vand.u32 $0x7, v3  }
0x494: {  	v3 =	vor.u32 v3, v4  }
0x495: {  	v4 =	vperm.xlane v3, v0;
	_ =	sdelay $0x1  }
0x496: {  	v4 =	vadd.s32 v1, v4;
	_ =	sdelay $0x3  }
0x497: {  	s7 =	simm.s32 $0x15600;
	v3 =	vperm.xlane v3, v2  }
0x498: {  	[tilespmem:s7], [sflag:$0x2] =	stream.indirect_vreg.gather [hbm4b:s4+s2], $0x80, v4, vm0, $0xb8;
	[tilespmem:$0x18600] =	vst v63  }
0x499: {  	v3 =	vadd.s32 v1, v3  }
0x49a: {  	[tilespmem:s23], [sflag:$0x2] =	stream.indirect_vreg.gather [hbm4b:s5+s2], $0x80, v4, vm0, $0xb8;
	[tilespmem:$0x18600] =	vst v63  }
0x49b: {  	s9 =	simm.s32 $0x16600  }
0x49c: {  	[tilespmem:s9], [sflag:$0x2] =	stream.indirect_vreg.gather [hbm4b:s6+s2], $0x80, v4, vm0, $0xb8;
	[tilespmem:$0x18600] =	vst v63  }
0x49d: {  	s12 =	simm.s32 $0x16E00  }
0x49e: {  	[tilespmem:s12], [sflag:$0x2] =	stream.indirect_vreg.gather [hbm4b:s4+s2], $0x80, v3, vm0, $0xb8;
	[tilespmem:$0x18600] =	vst v63  }
0x49f: {  	s18 =	simm.s32 $0x17600  }
0x4a0: {  	[tilespmem:s18], [sflag:$0x2] =	stream.indirect_vreg.gather [hbm4b:s5+s2], $0x80, v3, vm0, $0xb8;
	[tilespmem:$0x18600] =	vst v63  }
0x4a1: {  	_ = 	snop  }
0x4a2: {  	[tilespmem:s22], [sflag:$0x2] =	stream.indirect_vreg.gather [hbm4b:s6+s2], $0x80, v3, vm0, $0xb8;
	[tilespmem:$0x18600] =	vst v63  }
0x4a3: {  	_ =	swait.ge [sflag:s30], $0xC000  }
0x4a4: {  	[sflag:s30] =	ssyncset.done $0x0  }
0x4a5: {  	s25 =	simm.s32 $0x600;
	s23 =	rddreg [dreg:$0xf];
	[sflag:s30] =	ssyncadd.s32 $0xFFFF4000  }
0x4a6: {  	[hbm4b:s23+s2] =	stream.linear.scatter [tilespmem:s25], [sflag:$0x3], $0xC000, $0x38;
	[tilespmem:$0x18600] =	vst v63  }
0x4a7: {  	_ =	swait.ge [sflag:s8], $0xC000  }
0x4a8: {  	[sflag:s8] =	ssyncset.done $0x0  }
0x4a9: {  	[sflag:s8] =	ssyncadd.s32 $0xFFFF4000  }
0x4aa: {  	v3 =	vld [tilespmem:$0x380];
	_ =	sdelay $0x4  }
0x4ab: {  	v29 =	vshrl.u32 v3, $0x3  }
0x4ac: {  	v4 =	vmul.u32 $0x30, v29  }
0x4ad: {  	v3 =	vand.u32 $0x7, v3  }
0x4ae: {  	v3 =	vor.u32 v3, v4  }
0x4af: {  	v4 =	vperm.xlane v3, v0;
	_ =	sdelay $0x1  }
0x4b0: {  	v4 =	vadd.s32 v1, v4;
	_ =	sdelay $0x3  }
0x4b1: {  	v3 =	vperm.xlane v3, v2  }
0x4b2: {  	[tilespmem:s25], [sflag:$0x1] =	stream.indirect_vreg.gather [hbm4b:s4+s2], $0x80, v4, vm0, $0xb8;
	[tilespmem:$0x18600] =	vst v63  }
0x4b3: {  	s23 =	simm.s32 $0xE00;
	v3 =	vadd.s32 v1, v3  }
0x4b4: {  	[tilespmem:s23], [sflag:$0x1] =	stream.indirect_vreg.gather [hbm4b:s5+s2], $0x80, v4, vm0, $0xb8;
	[tilespmem:$0x18600] =	vst v63  }
0x4b5: {  	s12 =	simm.s32 $0x1600  }
0x4b6: {  	[tilespmem:s12], [sflag:$0x1] =	stream.indirect_vreg.gather [hbm4b:s6+s2], $0x80, v4, vm0, $0xb8;
	[tilespmem:$0x18600] =	vst v63  }
0x4b7: {  	_ = 	snop  }
0x4b8: {  	[tilespmem:s0], [sflag:$0x1] =	stream.indirect_vreg.gather [hbm4b:s4+s2], $0x80, v3, vm0, $0xb8;
	[tilespmem:$0x18600] =	vst v63  }
0x4b9: {  	s0 =	simm.s32 $0x2600  }
0x4ba: {  	[tilespmem:s0], [sflag:$0x1] =	stream.indirect_vreg.gather [hbm4b:s5+s2], $0x80, v3, vm0, $0xb8;
	[tilespmem:$0x18600] =	vst v63  }
0x4bb: {  	_ = 	snop  }
0x4bc: {  	[tilespmem:s10], [sflag:$0x1] =	stream.indirect_vreg.gather [hbm4b:s6+s2], $0x80, v3, vm0, $0xb8;
	[tilespmem:$0x18600] =	vst v63  }
0x4bd: {  	v3 =	vld [tilespmem:$0x390];
	_ =	sdelay $0x4  }
0x4be: {  	v30 =	vshrl.u32 v3, $0x3  }
0x4bf: {  	v4 =	vmul.u32 $0x30, v30  }
0x4c0: {  	v3 =	vand.u32 $0x7, v3  }
0x4c1: {  	v3 =	vor.u32 v3, v4  }
0x4c2: {  	v4 =	vperm.xlane v3, v0;
	_ =	sdelay $0x1  }
0x4c3: {  	v4 =	vadd.s32 v1, v4;
	_ =	sdelay $0x3  }
0x4c4: {  	s29 =	simm.s32 $0x3600;
	v3 =	vperm.xlane v3, v2  }
0x4c5: {  	[tilespmem:s29], [sflag:$0x1] =	stream.indirect_vreg.gather [hbm4b:s4+s2], $0x80, v4, vm0, $0xb8;
	[tilespmem:$0x18600] =	vst v63  }
0x4c6: {  	s13 =	simm.s32 $0x3E00;
	v3 =	vadd.s32 v1, v3  }
0x4c7: {  	[tilespmem:s13], [sflag:$0x1] =	stream.indirect_vreg.gather [hbm4b:s5+s2], $0x80, v4, vm0, $0xb8;
	[tilespmem:$0x18600] =	vst v63  }
0x4c8: {  	s18 =	simm.s32 $0x4600  }
0x4c9: {  	[tilespmem:s18], [sflag:$0x1] =	stream.indirect_vreg.gather [hbm4b:s6+s2], $0x80, v4, vm0, $0xb8;
	[tilespmem:$0x18600] =	vst v63  }
0x4ca: {  	s13 =	simm.s32 $0x4E00  }
0x4cb: {  	[tilespmem:s13], [sflag:$0x1] =	stream.indirect_vreg.gather [hbm4b:s4+s2], $0x80, v3, vm0, $0xb8;
	[tilespmem:$0x18600] =	vst v63  }
0x4cc: {  	s15 =	simm.s32 $0x5600  }
0x4cd: {  	[tilespmem:s15], [sflag:$0x1] =	stream.indirect_vreg.gather [hbm4b:s5+s2], $0x80, v3, vm0, $0xb8;
	[tilespmem:$0x18600] =	vst v63  }
0x4ce: {  	s26 =	simm.s32 $0x5E00  }
0x4cf: {  	[tilespmem:s26], [sflag:$0x1] =	stream.indirect_vreg.gather [hbm4b:s6+s2], $0x80, v3, vm0, $0xb8;
	[tilespmem:$0x18600] =	vst v63  }
0x4d0: {  	v3 =	vld [tilespmem:$0x3A0];
	_ =	sdelay $0x4  }
0x4d1: {  	v31 =	vshrl.u32 v3, $0x3  }
0x4d2: {  	v4 =	vmul.u32 $0x30, v31  }
0x4d3: {  	v3 =	vand.u32 $0x7, v3  }
0x4d4: {  	v3 =	vor.u32 v3, v4  }
0x4d5: {  	v4 =	vperm.xlane v3, v0;
	_ =	sdelay $0x1  }
0x4d6: {  	v4 =	vadd.s32 v1, v4;
	_ =	sdelay $0x3  }
0x4d7: {  	s16 =	simm.s32 $0x6600;
	v3 =	vperm.xlane v3, v2  }
0x4d8: {  	[tilespmem:s16], [sflag:$0x1] =	stream.indirect_vreg.gather [hbm4b:s4+s2], $0x80, v4, vm0, $0xb8;
	[tilespmem:$0x18600] =	vst v63  }
0x4d9: {  	s17 =	simm.s32 $0x6E00;
	v3 =	vadd.s32 v1, v3  }
0x4da: {  	[tilespmem:s17], [sflag:$0x1] =	stream.indirect_vreg.gather [hbm4b:s5+s2], $0x80, v4, vm0, $0xb8;
	[tilespmem:$0x18600] =	vst v63  }
0x4db: {  	_ = 	snop  }
0x4dc: {  	[tilespmem:s11], [sflag:$0x1] =	stream.indirect_vreg.gather [hbm4b:s6+s2], $0x80, v4, vm0, $0xb8;
	[tilespmem:$0x18600] =	vst v63  }
0x4dd: {  	s9 =	simm.s32 $0x7E00  }
0x4de: {  	[tilespmem:s9], [sflag:$0x1] =	stream.indirect_vreg.gather [hbm4b:s4+s2], $0x80, v3, vm0, $0xb8;
	[tilespmem:$0x18600] =	vst v63  }
0x4df: {  	s19 =	simm.s32 $0x8600  }
0x4e0: {  	[tilespmem:s19], [sflag:$0x1] =	stream.indirect_vreg.gather [hbm4b:s5+s2], $0x80, v3, vm0, $0xb8;
	[tilespmem:$0x18600] =	vst v63  }
0x4e1: {  	s3 =	simm.s32 $0x8E00  }
0x4e2: {  	[tilespmem:s3], [sflag:$0x1] =	stream.indirect_vreg.gather [hbm4b:s6+s2], $0x80, v3, vm0, $0xb8;
	[tilespmem:$0x18600] =	vst v63  }
0x4e3: {  	v3 =	vld [tilespmem:$0x3B0];
	_ =	sdelay $0x4  }
0x4e4: {  	v32 =	vshrl.u32 v3, $0x3  }
0x4e5: {  	v4 =	vmul.u32 $0x30, v32  }
0x4e6: {  	v3 =	vand.u32 $0x7, v3  }
0x4e7: {  	v3 =	vor.u32 v3, v4  }
0x4e8: {  	v4 =	vperm.xlane v3, v0;
	_ =	sdelay $0x1  }
0x4e9: {  	v4 =	vadd.s32 v1, v4;
	_ =	sdelay $0x3  }
0x4ea: {  	s17 =	simm.s32 $0x9600;
	v3 =	vperm.xlane v3, v2  }
0x4eb: {  	[tilespmem:s17], [sflag:$0x1] =	stream.indirect_vreg.gather [hbm4b:s4+s2], $0x80, v4, vm0, $0xb8;
	[tilespmem:$0x18600] =	vst v63  }
0x4ec: {  	s15 =	simm.s32 $0x9E00;
	v3 =	vadd.s32 v1, v3  }
0x4ed: {  	[tilespmem:s15], [sflag:$0x1] =	stream.indirect_vreg.gather [hbm4b:s5+s2], $0x80, v4, vm0, $0xb8;
	[tilespmem:$0x18600] =	vst v63  }
0x4ee: {  	s20 =	simm.s32 $0xA600  }
0x4ef: {  	[tilespmem:s20], [sflag:$0x1] =	stream.indirect_vreg.gather [hbm4b:s6+s2], $0x80, v4, vm0, $0xb8;
	[tilespmem:$0x18600] =	vst v63  }
0x4f0: {  	s7 =	simm.s32 $0xAE00  }
0x4f1: {  	[tilespmem:s7], [sflag:$0x1] =	stream.indirect_vreg.gather [hbm4b:s4+s2], $0x80, v3, vm0, $0xb8;
	[tilespmem:$0x18600] =	vst v63  }
0x4f2: {  	s16 =	simm.s32 $0xB600  }
0x4f3: {  	[tilespmem:s16], [sflag:$0x1] =	stream.indirect_vreg.gather [hbm4b:s5+s2], $0x80, v3, vm0, $0xb8;
	[tilespmem:$0x18600] =	vst v63  }
0x4f4: {  	_ = 	snop  }
0x4f5: {  	[tilespmem:s14], [sflag:$0x1] =	stream.indirect_vreg.gather [hbm4b:s6+s2], $0x80, v3, vm0, $0xb8;
	[tilespmem:$0x18600] =	vst v63  }
0x4f6: {  	_ =	swait.ge [sflag:s31], $0xC000  }
0x4f7: {  	[sflag:s31] =	ssyncset.done $0x0  }
0x4f8: {  	s10 =	simm.s32 $0xC600;
	s28 =	rddreg [dreg:$0x10];
	[sflag:s31] =	ssyncadd.s32 $0xFFFF4000  }
0x4f9: {  	[hbm4b:s28+s2] =	stream.linear.scatter [tilespmem:s10], [sflag:$0x3], $0xC000, $0x38;
	[tilespmem:$0x18600] =	vst v63  }
0x4fa: {  	_ =	swait.ge [sflag:s8], $0xC000  }
0x4fb: {  	[sflag:s8] =	ssyncset.done $0x0  }
0x4fc: {  	[sflag:s8] =	ssyncadd.s32 $0xFFFF4000  }
0x4fd: {  	v3 =	vld [tilespmem:$0x3C0];
	_ =	sdelay $0x4  }
0x4fe: {  	v33 =	vshrl.u32 v3, $0x3  }
0x4ff: {  	v4 =	vmul.u32 $0x30, v33  }
0x500: {  	v3 =	vand.u32 $0x7, v3  }
0x501: {  	v3 =	vor.u32 v3, v4  }
0x502: {  	v4 =	vperm.xlane v3, v0;
	_ =	sdelay $0x1  }
0x503: {  	v4 =	vadd.s32 v1, v4;
	_ =	sdelay $0x3  }
0x504: {  	v3 =	vperm.xlane v3, v2  }
0x505: {  	[tilespmem:s10], [sflag:$0x2] =	stream.indirect_vreg.gather [hbm4b:s4+s2], $0x80, v4, vm0, $0xb8;
	[tilespmem:$0x18600] =	vst v63  }
0x506: {  	s22 =	simm.s32 $0xCE00;
	v3 =	vadd.s32 v1, v3  }
0x507: {  	[tilespmem:s22], [sflag:$0x2] =	stream.indirect_vreg.gather [hbm4b:s5+s2], $0x80, v4, vm0, $0xb8;
	[tilespmem:$0x18600] =	vst v63  }
0x508: {  	s25 =	simm.s32 $0xD600  }
0x509: {  	[tilespmem:s25], [sflag:$0x2] =	stream.indirect_vreg.gather [hbm4b:s6+s2], $0x80, v4, vm0, $0xb8;
	[tilespmem:$0x18600] =	vst v63  }
0x50a: {  	s26 =	simm.s32 $0xDE00  }
0x50b: {  	[tilespmem:s26], [sflag:$0x2] =	stream.indirect_vreg.gather [hbm4b:s4+s2], $0x80, v3, vm0, $0xb8;
	[tilespmem:$0x18600] =	vst v63  }
0x50c: {  	s28 =	simm.s32 $0xE600  }
0x50d: {  	[tilespmem:s28], [sflag:$0x2] =	stream.indirect_vreg.gather [hbm4b:s5+s2], $0x80, v3, vm0, $0xb8;
	[tilespmem:$0x18600] =	vst v63  }
0x50e: {  	s14 =	simm.s32 $0xEE00  }
0x50f: {  	[tilespmem:s14], [sflag:$0x2] =	stream.indirect_vreg.gather [hbm4b:s6+s2], $0x80, v3, vm0, $0xb8;
	[tilespmem:$0x18600] =	vst v63  }
0x510: {  	v3 =	vld [tilespmem:$0x3D0];
	_ =	sdelay $0x4  }
0x511: {  	v34 =	vshrl.u32 v3, $0x3  }
0x512: {  	v4 =	vmul.u32 $0x30, v34  }
0x513: {  	v3 =	vand.u32 $0x7, v3  }
0x514: {  	v3 =	vor.u32 v3, v4  }
0x515: {  	v4 =	vperm.xlane v3, v0;
	_ =	sdelay $0x1  }
0x516: {  	v4 =	vadd.s32 v1, v4;
	_ =	sdelay $0x3  }
0x517: {  	s14 =	simm.s32 $0xF600;
	v3 =	vperm.xlane v3, v2  }
0x518: {  	[tilespmem:s14], [sflag:$0x2] =	stream.indirect_vreg.gather [hbm4b:s4+s2], $0x80, v4, vm0, $0xb8;
	[tilespmem:$0x18600] =	vst v63  }
0x519: {  	v3 =	vadd.s32 v1, v3  }
0x51a: {  	[tilespmem:s24], [sflag:$0x2] =	stream.indirect_vreg.gather [hbm4b:s5+s2], $0x80, v4, vm0, $0xb8;
	[tilespmem:$0x18600] =	vst v63  }
0x51b: {  	s10 =	simm.s32 $0x10600  }
0x51c: {  	[tilespmem:s10], [sflag:$0x2] =	stream.indirect_vreg.gather [hbm4b:s6+s2], $0x80, v4, vm0, $0xb8;
	[tilespmem:$0x18600] =	vst v63  }
0x51d: {  	s19 =	simm.s32 $0x10E00  }
0x51e: {  	[tilespmem:s19], [sflag:$0x2] =	stream.indirect_vreg.gather [hbm4b:s4+s2], $0x80, v3, vm0, $0xb8;
	[tilespmem:$0x18600] =	vst v63  }
0x51f: {  	s20 =	simm.s32 $0x11600  }
0x520: {  	[tilespmem:s20], [sflag:$0x2] =	stream.indirect_vreg.gather [hbm4b:s5+s2], $0x80, v3, vm0, $0xb8;
	[tilespmem:$0x18600] =	vst v63  }
0x521: {  	s19 =	simm.s32 $0x11E00  }
0x522: {  	[tilespmem:s19], [sflag:$0x2] =	stream.indirect_vreg.gather [hbm4b:s6+s2], $0x80, v3, vm0, $0xb8;
	[tilespmem:$0x18600] =	vst v63  }
0x523: {  	v3 =	vld [tilespmem:$0x3E0];
	_ =	sdelay $0x4  }
0x524: {  	v35 =	vshrl.u32 v3, $0x3  }
0x525: {  	v4 =	vmul.u32 $0x30, v35  }
0x526: {  	v3 =	vand.u32 $0x7, v3  }
0x527: {  	v3 =	vor.u32 v3, v4  }
0x528: {  	v4 =	vperm.xlane v3, v0;
	_ =	sdelay $0x1  }
0x529: {  	v4 =	vadd.s32 v1, v4;
	_ =	sdelay $0x3  }
0x52a: {  	s20 =	simm.s32 $0x12600;
	v3 =	vperm.xlane v3, v2  }
0x52b: {  	[tilespmem:s20], [sflag:$0x2] =	stream.indirect_vreg.gather [hbm4b:s4+s2], $0x80, v4, vm0, $0xb8;
	[tilespmem:$0x18600] =	vst v63  }
0x52c: {  	s24 =	simm.s32 $0x12E00;
	v3 =	vadd.s32 v1, v3  }
0x52d: {  	[tilespmem:s24], [sflag:$0x2] =	stream.indirect_vreg.gather [hbm4b:s5+s2], $0x80, v4, vm0, $0xb8;
	[tilespmem:$0x18600] =	vst v63  }
0x52e: {  	s11 =	simm.s32 $0x13600  }
0x52f: {  	[tilespmem:s11], [sflag:$0x2] =	stream.indirect_vreg.gather [hbm4b:s6+s2], $0x80, v4, vm0, $0xb8;
	[tilespmem:$0x18600] =	vst v63  }
0x530: {  	s24 =	simm.s32 $0x13E00  }
0x531: {  	[tilespmem:s24], [sflag:$0x2] =	stream.indirect_vreg.gather [hbm4b:s4+s2], $0x80, v3, vm0, $0xb8;
	[tilespmem:$0x18600] =	vst v63  }
0x532: {  	s11 =	simm.s32 $0x14600  }
0x533: {  	[tilespmem:s11], [sflag:$0x2] =	stream.indirect_vreg.gather [hbm4b:s5+s2], $0x80, v3, vm0, $0xb8;
	[tilespmem:$0x18600] =	vst v63  }
0x534: {  	s24 =	simm.s32 $0x14E00  }
0x535: {  	[tilespmem:s24], [sflag:$0x2] =	stream.indirect_vreg.gather [hbm4b:s6+s2], $0x80, v3, vm0, $0xb8;
	[tilespmem:$0x18600] =	vst v63  }
0x536: {  	v3 =	vld [tilespmem:$0x3F0];
	_ =	sdelay $0x4  }
0x537: {  	v36 =	vshrl.u32 v3, $0x3  }
0x538: {  	v4 =	vmul.u32 $0x30, v36  }
0x539: {  	v3 =	vand.u32 $0x7, v3  }
0x53a: {  	v3 =	vor.u32 v3, v4  }
0x53b: {  	v4 =	vperm.xlane v3, v0;
	_ =	sdelay $0x1  }
0x53c: {  	v4 =	vadd.s32 v1, v4;
	_ =	sdelay $0x3  }
0x53d: {  	s11 =	simm.s32 $0x15600;
	v3 =	vperm.xlane v3, v2  }
0x53e: {  	[tilespmem:s11], [sflag:$0x2] =	stream.indirect_vreg.gather [hbm4b:s4+s2], $0x80, v4, vm0, $0xb8;
	[tilespmem:$0x18600] =	vst v63  }
0x53f: {  	s21 =	simm.s32 $0x15E00;
	v3 =	vadd.s32 v1, v3  }
0x540: {  	[tilespmem:s21], [sflag:$0x2] =	stream.indirect_vreg.gather [hbm4b:s5+s2], $0x80, v4, vm0, $0xb8;
	[tilespmem:$0x18600] =	vst v63  }
0x541: {  	s24 =	simm.s32 $0x16600  }
0x542: {  	[tilespmem:s24], [sflag:$0x2] =	stream.indirect_vreg.gather [hbm4b:s6+s2], $0x80, v4, vm0, $0xb8;
	[tilespmem:$0x18600] =	vst v63  }
0x543: {  	s11 =	simm.s32 $0x16E00  }
0x544: {  	[tilespmem:s11], [sflag:$0x2] =	stream.indirect_vreg.gather [hbm4b:s4+s2], $0x80, v3, vm0, $0xb8;
	[tilespmem:$0x18600] =	vst v63  }
0x545: {  	s21 =	simm.s32 $0x17600  }
0x546: {  	[tilespmem:s21], [sflag:$0x2] =	stream.indirect_vreg.gather [hbm4b:s5+s2], $0x80, v3, vm0, $0xb8;
	[tilespmem:$0x18600] =	vst v63  }
0x547: {  	s21 =	simm.s32 $0x17E00  }
0x548: {  	[tilespmem:s21], [sflag:$0x2] =	stream.indirect_vreg.gather [hbm4b:s6+s2], $0x80, v3, vm0, $0xb8;
	[tilespmem:$0x18600] =	vst v63  }
0x549: {  	_ =	swait.ge [sflag:s30], $0xC000  }
0x54a: {  	[sflag:s30] =	ssyncset.done $0x0  }
0x54b: {  	s11 =	simm.s32 $0x600;
	s24 =	rddreg [dreg:$0x11];
	[sflag:s30] =	ssyncadd.s32 $0xFFFF4000  }
0x54c: {  	[hbm4b:s24+s2] =	stream.linear.scatter [tilespmem:s11], [sflag:$0x3], $0xC000, $0x38;
	[tilespmem:$0x18600] =	vst v63  }
0x54d: {  	_ =	swait.ge [sflag:s8], $0xC000  }
0x54e: {  	[sflag:s8] =	ssyncset.done $0x0  }
0x54f: {  	[sflag:s8] =	ssyncadd.s32 $0xFFFF4000  }
0x550: {  	v3 =	vld [tilespmem:$0x400];
	_ =	sdelay $0x4  }
0x551: {  	v37 =	vshrl.u32 v3, $0x3  }
0x552: {  	v4 =	vmul.u32 $0x30, v37  }
0x553: {  	v3 =	vand.u32 $0x7, v3  }
0x554: {  	v3 =	vor.u32 v3, v4  }
0x555: {  	v4 =	vperm.xlane v3, v0;
	_ =	sdelay $0x1  }
0x556: {  	v4 =	vadd.s32 v1, v4;
	_ =	sdelay $0x3  }
0x557: {  	v3 =	vperm.xlane v3, v2  }
0x558: {  	[tilespmem:s11], [sflag:$0x1] =	stream.indirect_vreg.gather [hbm4b:s4+s2], $0x80, v4, vm0, $0xb8;
	[tilespmem:$0x18600] =	vst v63  }
0x559: {  	v3 =	vadd.s32 v1, v3  }
0x55a: {  	[tilespmem:s23], [sflag:$0x1] =	stream.indirect_vreg.gather [hbm4b:s5+s2], $0x80, v4, vm0, $0xb8;
	[tilespmem:$0x18600] =	vst v63  }
0x55b: {  	_ = 	snop  }
0x55c: {  	[tilespmem:s12], [sflag:$0x1] =	stream.indirect_vreg.gather [hbm4b:s6+s2], $0x80, v4, vm0, $0xb8;
	[tilespmem:$0x18600] =	vst v63  }
0x55d: {  	s11 =	simm.s32 $0x1E00  }
0x55e: {  	[tilespmem:s11], [sflag:$0x1] =	stream.indirect_vreg.gather [hbm4b:s4+s2], $0x80, v3, vm0, $0xb8;
	[tilespmem:$0x18600] =	vst v63  }
0x55f: {  	_ = 	snop  }
0x560: {  	[tilespmem:s0], [sflag:$0x1] =	stream.indirect_vreg.gather [hbm4b:s5+s2], $0x80, v3, vm0, $0xb8;
	[tilespmem:$0x18600] =	vst v63  }
0x561: {  	s0 =	simm.s32 $0x2E00  }
0x562: {  	[tilespmem:s0], [sflag:$0x1] =	stream.indirect_vreg.gather [hbm4b:s6+s2], $0x80, v3, vm0, $0xb8;
	[tilespmem:$0x18600] =	vst v63  }
0x563: {  	v3 =	vld [tilespmem:$0x410];
	_ =	sdelay $0x4  }
0x564: {  	v38 =	vshrl.u32 v3, $0x3  }
0x565: {  	v4 =	vmul.u32 $0x30, v38  }
0x566: {  	v3 =	vand.u32 $0x7, v3  }
0x567: {  	v3 =	vor.u32 v3, v4  }
0x568: {  	v4 =	vperm.xlane v3, v0;
	_ =	sdelay $0x1  }
0x569: {  	v4 =	vadd.s32 v1, v4;
	_ =	sdelay $0x3  }
0x56a: {  	v3 =	vperm.xlane v3, v2  }
0x56b: {  	[tilespmem:s29], [sflag:$0x1] =	stream.indirect_vreg.gather [hbm4b:s4+s2], $0x80, v4, vm0, $0xb8;
	[tilespmem:$0x18600] =	vst v63  }
0x56c: {  	s23 =	simm.s32 $0x3E00;
	v3 =	vadd.s32 v1, v3  }
0x56d: {  	[tilespmem:s23], [sflag:$0x1] =	stream.indirect_vreg.gather [hbm4b:s5+s2], $0x80, v4, vm0, $0xb8;
	[tilespmem:$0x18600] =	vst v63  }
0x56e: {  	_ = 	snop  }
0x56f: {  	[tilespmem:s18], [sflag:$0x1] =	stream.indirect_vreg.gather [hbm4b:s6+s2], $0x80, v4, vm0, $0xb8;
	[tilespmem:$0x18600] =	vst v63  }
0x570: {  	_ = 	snop  }
0x571: {  	[tilespmem:s13], [sflag:$0x1] =	stream.indirect_vreg.gather [hbm4b:s4+s2], $0x80, v3, vm0, $0xb8;
	[tilespmem:$0x18600] =	vst v63  }
0x572: {  	s12 =	simm.s32 $0x5600  }
0x573: {  	[tilespmem:s12], [sflag:$0x1] =	stream.indirect_vreg.gather [hbm4b:s5+s2], $0x80, v3, vm0, $0xb8;
	[tilespmem:$0x18600] =	vst v63  }
0x574: {  	s18 =	simm.s32 $0x5E00  }
0x575: {  	[tilespmem:s18], [sflag:$0x1] =	stream.indirect_vreg.gather [hbm4b:s6+s2], $0x80, v3, vm0, $0xb8;
	[tilespmem:$0x18600] =	vst v63  }
0x576: {  	v3 =	vld [tilespmem:$0x420];
	_ =	sdelay $0x4  }
0x577: {  	v39 =	vshrl.u32 v3, $0x3  }
0x578: {  	v4 =	vmul.u32 $0x30, v39  }
0x579: {  	v3 =	vand.u32 $0x7, v3  }
0x57a: {  	v3 =	vor.u32 v3, v4  }
0x57b: {  	v4 =	vperm.xlane v3, v0;
	_ =	sdelay $0x1  }
0x57c: {  	v4 =	vadd.s32 v1, v4;
	_ =	sdelay $0x3  }
0x57d: {  	s24 =	simm.s32 $0x6600;
	v3 =	vperm.xlane v3, v2  }
0x57e: {  	[tilespmem:s24], [sflag:$0x1] =	stream.indirect_vreg.gather [hbm4b:s4+s2], $0x80, v4, vm0, $0xb8;
	[tilespmem:$0x18600] =	vst v63  }
0x57f: {  	s13 =	simm.s32 $0x6E00;
	v3 =	vadd.s32 v1, v3  }
0x580: {  	[tilespmem:s13], [sflag:$0x1] =	stream.indirect_vreg.gather [hbm4b:s5+s2], $0x80, v4, vm0, $0xb8;
	[tilespmem:$0x18600] =	vst v63  }
0x581: {  	s29 =	simm.s32 $0x7600  }
0x582: {  	[tilespmem:s29], [sflag:$0x1] =	stream.indirect_vreg.gather [hbm4b:s6+s2], $0x80, v4, vm0, $0xb8;
	[tilespmem:$0x18600] =	vst v63  }
0x583: {  	_ = 	snop  }
0x584: {  	[tilespmem:s9], [sflag:$0x1] =	stream.indirect_vreg.gather [hbm4b:s4+s2], $0x80, v3, vm0, $0xb8;
	[tilespmem:$0x18600] =	vst v63  }
0x585: {  	s9 =	simm.s32 $0x8600  }
0x586: {  	[tilespmem:s9], [sflag:$0x1] =	stream.indirect_vreg.gather [hbm4b:s5+s2], $0x80, v3, vm0, $0xb8;
	[tilespmem:$0x18600] =	vst v63  }
0x587: {  	_ = 	snop  }
0x588: {  	[tilespmem:s3], [sflag:$0x1] =	stream.indirect_vreg.gather [hbm4b:s6+s2], $0x80, v3, vm0, $0xb8;
	[tilespmem:$0x18600] =	vst v63  }
0x589: {  	v3 =	vld [tilespmem:$0x430];
	_ =	sdelay $0x4  }
0x58a: {  	v40 =	vshrl.u32 v3, $0x3  }
0x58b: {  	v4 =	vmul.u32 $0x30, v40  }
0x58c: {  	v3 =	vand.u32 $0x7, v3  }
0x58d: {  	v3 =	vor.u32 v3, v4  }
0x58e: {  	v4 =	vperm.xlane v3, v0;
	_ =	sdelay $0x1  }
0x58f: {  	v4 =	vadd.s32 v1, v4;
	_ =	sdelay $0x3  }
0x590: {  	v3 =	vperm.xlane v3, v2  }
0x591: {  	[tilespmem:s17], [sflag:$0x1] =	stream.indirect_vreg.gather [hbm4b:s4+s2], $0x80, v4, vm0, $0xb8;
	[tilespmem:$0x18600] =	vst v63  }
0x592: {  	v3 =	vadd.s32 v1, v3  }
0x593: {  	[tilespmem:s15], [sflag:$0x1] =	stream.indirect_vreg.gather [hbm4b:s5+s2], $0x80, v4, vm0, $0xb8;
	[tilespmem:$0x18600] =	vst v63  }
0x594: {  	s13 =	simm.s32 $0xA600  }
0x595: {  	[tilespmem:s13], [sflag:$0x1] =	stream.indirect_vreg.gather [hbm4b:s6+s2], $0x80, v4, vm0, $0xb8;
	[tilespmem:$0x18600] =	vst v63  }
0x596: {  	_ = 	snop  }
0x597: {  	[tilespmem:s7], [sflag:$0x1] =	stream.indirect_vreg.gather [hbm4b:s4+s2], $0x80, v3, vm0, $0xb8;
	[tilespmem:$0x18600] =	vst v63  }
0x598: {  	_ = 	snop  }
0x599: {  	[tilespmem:s16], [sflag:$0x1] =	stream.indirect_vreg.gather [hbm4b:s5+s2], $0x80, v3, vm0, $0xb8;
	[tilespmem:$0x18600] =	vst v63  }
0x59a: {  	s7 =	simm.s32 $0xBE00  }
0x59b: {  	[tilespmem:s7], [sflag:$0x1] =	stream.indirect_vreg.gather [hbm4b:s6+s2], $0x80, v3, vm0, $0xb8;
	[tilespmem:$0x18600] =	vst v63  }
0x59c: {  	_ =	swait.ge [sflag:s31], $0xC000  }
0x59d: {  	[sflag:s31] =	ssyncset.done $0x0  }
0x59e: {  	s17 =	simm.s32 $0xC600;
	s16 =	rddreg [dreg:$0x12];
	[sflag:s31] =	ssyncadd.s32 $0xFFFF4000  }
0x59f: {  	[hbm4b:s16+s2] =	stream.linear.scatter [tilespmem:s17], [sflag:$0x3], $0xC000, $0x38;
	[tilespmem:$0x18600] =	vst v63  }
0x5a0: {  	_ =	swait.ge [sflag:s8], $0xC000  }
0x5a1: {  	[sflag:s8] =	ssyncset.done $0x0  }
0x5a2: {  	[sflag:s8] =	ssyncadd.s32 $0xFFFF4000  }
0x5a3: {  	v3 =	vld [tilespmem:$0x440];
	_ =	sdelay $0x4  }
0x5a4: {  	v41 =	vshrl.u32 v3, $0x3  }
0x5a5: {  	v4 =	vmul.u32 $0x30, v41  }
0x5a6: {  	v3 =	vand.u32 $0x7, v3  }
0x5a7: {  	v3 =	vor.u32 v3, v4  }
0x5a8: {  	v4 =	vperm.xlane v3, v0;
	_ =	sdelay $0x1  }
0x5a9: {  	v4 =	vadd.s32 v1, v4;
	_ =	sdelay $0x3  }
0x5aa: {  	v3 =	vperm.xlane v3, v2  }
0x5ab: {  	[tilespmem:s17], [sflag:$0x2] =	stream.indirect_vreg.gather [hbm4b:s4+s2], $0x80, v4, vm0, $0xb8;
	[tilespmem:$0x18600] =	vst v63  }
0x5ac: {  	v3 =	vadd.s32 v1, v3  }
0x5ad: {  	[tilespmem:s22], [sflag:$0x2] =	stream.indirect_vreg.gather [hbm4b:s5+s2], $0x80, v4, vm0, $0xb8;
	[tilespmem:$0x18600] =	vst v63  }
0x5ae: {  	_ = 	snop  }
0x5af: {  	[tilespmem:s25], [sflag:$0x2] =	stream.indirect_vreg.gather [hbm4b:s6+s2], $0x80, v4, vm0, $0xb8;
	[tilespmem:$0x18600] =	vst v63  }
0x5b0: {  	_ = 	snop  }
0x5b1: {  	[tilespmem:s26], [sflag:$0x2] =	stream.indirect_vreg.gather [hbm4b:s4+s2], $0x80, v3, vm0, $0xb8;
	[tilespmem:$0x18600] =	vst v63  }
0x5b2: {  	_ = 	snop  }
0x5b3: {  	[tilespmem:s28], [sflag:$0x2] =	stream.indirect_vreg.gather [hbm4b:s5+s2], $0x80, v3, vm0, $0xb8;
	[tilespmem:$0x18600] =	vst v63  }
0x5b4: {  	s25 =	simm.s32 $0xEE00  }
0x5b5: {  	[tilespmem:s25], [sflag:$0x2] =	stream.indirect_vreg.gather [hbm4b:s6+s2], $0x80, v3, vm0, $0xb8;
	[tilespmem:$0x18600] =	vst v63  }
0x5b6: {  	v3 =	vld [tilespmem:$0x450];
	_ =	sdelay $0x4  }
0x5b7: {  	v42 =	vshrl.u32 v3, $0x3  }
0x5b8: {  	v4 =	vmul.u32 $0x30, v42  }
0x5b9: {  	v3 =	vand.u32 $0x7, v3  }
0x5ba: {  	v3 =	vor.u32 v3, v4  }
0x5bb: {  	v4 =	vperm.xlane v3, v0;
	_ =	sdelay $0x1  }
0x5bc: {  	v4 =	vadd.s32 v1, v4;
	_ =	sdelay $0x3  }
0x5bd: {  	v3 =	vperm.xlane v3, v2  }
0x5be: {  	[tilespmem:s14], [sflag:$0x2] =	stream.indirect_vreg.gather [hbm4b:s4+s2], $0x80, v4, vm0, $0xb8;
	[tilespmem:$0x18600] =	vst v63  }
0x5bf: {  	s17 =	simm.s32 $0xFE00;
	v3 =	vadd.s32 v1, v3  }
0x5c0: {  	[tilespmem:s17], [sflag:$0x2] =	stream.indirect_vreg.gather [hbm4b:s5+s2], $0x80, v4, vm0, $0xb8;
	[tilespmem:$0x18600] =	vst v63  }
0x5c1: {  	_ = 	snop  }
0x5c2: {  	[tilespmem:s10], [sflag:$0x2] =	stream.indirect_vreg.gather [hbm4b:s6+s2], $0x80, v4, vm0, $0xb8;
	[tilespmem:$0x18600] =	vst v63  }
0x5c3: {  	s10 =	simm.s32 $0x10E00  }
0x5c4: {  	[tilespmem:s10], [sflag:$0x2] =	stream.indirect_vreg.gather [hbm4b:s4+s2], $0x80, v3, vm0, $0xb8;
	[tilespmem:$0x18600] =	vst v63  }
0x5c5: {  	s28 =	simm.s32 $0x11600  }
0x5c6: {  	[tilespmem:s28], [sflag:$0x2] =	stream.indirect_vreg.gather [hbm4b:s5+s2], $0x80, v3, vm0, $0xb8;
	[tilespmem:$0x18600] =	vst v63  }
0x5c7: {  	_ = 	snop  }
0x5c8: {  	[tilespmem:s19], [sflag:$0x2] =	stream.indirect_vreg.gather [hbm4b:s6+s2], $0x80, v3, vm0, $0xb8;
	[tilespmem:$0x18600] =	vst v63  }
0x5c9: {  	v3 =	vld [tilespmem:$0x460];
	_ =	sdelay $0x4  }
0x5ca: {  	v43 =	vshrl.u32 v3, $0x3  }
0x5cb: {  	v4 =	vmul.u32 $0x30, v43  }
0x5cc: {  	v3 =	vand.u32 $0x7, v3  }
0x5cd: {  	v3 =	vor.u32 v3, v4  }
0x5ce: {  	v4 =	vperm.xlane v3, v0;
	_ =	sdelay $0x1  }
0x5cf: {  	v4 =	vadd.s32 v1, v4;
	_ =	sdelay $0x3  }
0x5d0: {  	v3 =	vperm.xlane v3, v2  }
0x5d1: {  	[tilespmem:s20], [sflag:$0x2] =	stream.indirect_vreg.gather [hbm4b:s4+s2], $0x80, v4, vm0, $0xb8;
	[tilespmem:$0x18600] =	vst v63  }
0x5d2: {  	v3 =	vadd.s32 v1, v3;
	s20 =	simm.s32 $0x12E00  }
0x5d3: {  	[tilespmem:s20], [sflag:$0x2] =	stream.indirect_vreg.gather [hbm4b:s5+s2], $0x80, v4, vm0, $0xb8;
	[tilespmem:$0x18600] =	vst v63  }
0x5d4: {  	s15 =	simm.s32 $0x13600  }
0x5d5: {  	[tilespmem:s15], [sflag:$0x2] =	stream.indirect_vreg.gather [hbm4b:s6+s2], $0x80, v4, vm0, $0xb8;
	[tilespmem:$0x18600] =	vst v63  }
0x5d6: {  	s3 =	simm.s32 $0x13E00  }
0x5d7: {  	[tilespmem:s3], [sflag:$0x2] =	stream.indirect_vreg.gather [hbm4b:s4+s2], $0x80, v3, vm0, $0xb8;
	[tilespmem:$0x18600] =	vst v63  }
0x5d8: {  	s22 =	simm.s32 $0x14600  }
0x5d9: {  	[tilespmem:s22], [sflag:$0x2] =	stream.indirect_vreg.gather [hbm4b:s5+s2], $0x80, v3, vm0, $0xb8;
	[tilespmem:$0x18600] =	vst v63  }
0x5da: {  	s26 =	simm.s32 $0x14E00  }
0x5db: {  	[tilespmem:s26], [sflag:$0x2] =	stream.indirect_vreg.gather [hbm4b:s6+s2], $0x80, v3, vm0, $0xb8;
	[tilespmem:$0x18600] =	vst v63  }
0x5dc: {  	v3 =	vld [tilespmem:$0x470];
	_ =	sdelay $0x4  }
0x5dd: {  	v44 =	vshrl.u32 v3, $0x3  }
0x5de: {  	v4 =	vmul.u32 $0x30, v44  }
0x5df: {  	v3 =	vand.u32 $0x7, v3  }
0x5e0: {  	v3 =	vor.u32 v3, v4  }
0x5e1: {  	v4 =	vperm.xlane v3, v0;
	_ =	sdelay $0x1  }
0x5e2: {  	v4 =	vadd.s32 v1, v4;
	_ =	sdelay $0x3  }
0x5e3: {  	s14 =	simm.s32 $0x15600;
	v3 =	vperm.xlane v3, v2  }
0x5e4: {  	[tilespmem:s14], [sflag:$0x2] =	stream.indirect_vreg.gather [hbm4b:s4+s2], $0x80, v4, vm0, $0xb8;
	[tilespmem:$0x18600] =	vst v63  }
0x5e5: {  	s16 =	simm.s32 $0x15E00;
	v3 =	vadd.s32 v1, v3  }
0x5e6: {  	[tilespmem:s16], [sflag:$0x2] =	stream.indirect_vreg.gather [hbm4b:s5+s2], $0x80, v4, vm0, $0xb8;
	[tilespmem:$0x18600] =	vst v63  }
0x5e7: {  	s26 =	simm.s32 $0x16600  }
0x5e8: {  	[tilespmem:s26], [sflag:$0x2] =	stream.indirect_vreg.gather [hbm4b:s6+s2], $0x80, v4, vm0, $0xb8;
	[tilespmem:$0x18600] =	vst v63  }
0x5e9: {  	s14 =	simm.s32 $0x16E00  }
0x5ea: {  	[tilespmem:s14], [sflag:$0x2] =	stream.indirect_vreg.gather [hbm4b:s4+s2], $0x80, v3, vm0, $0xb8;
	[tilespmem:$0x18600] =	vst v63  }
0x5eb: {  	s16 =	simm.s32 $0x17600  }
0x5ec: {  	[tilespmem:s16], [sflag:$0x2] =	stream.indirect_vreg.gather [hbm4b:s5+s2], $0x80, v3, vm0, $0xb8;
	[tilespmem:$0x18600] =	vst v63  }
0x5ed: {  	_ = 	snop  }
0x5ee: {  	[tilespmem:s21], [sflag:$0x2] =	stream.indirect_vreg.gather [hbm4b:s6+s2], $0x80, v3, vm0, $0xb8;
	[tilespmem:$0x18600] =	vst v63  }
0x5ef: {  	_ =	swait.ge [sflag:s30], $0xC000  }
0x5f0: {  	[sflag:s30] =	ssyncset.done $0x0  }
0x5f1: {  	s21 =	simm.s32 $0x600;
	s19 =	rddreg [dreg:$0x13];
	[sflag:s30] =	ssyncadd.s32 $0xFFFF4000  }
0x5f2: {  	[hbm4b:s19+s2] =	stream.linear.scatter [tilespmem:s21], [sflag:$0x3], $0xC000, $0x38;
	[tilespmem:$0x18600] =	vst v63  }
0x5f3: {  	_ =	swait.ge [sflag:s8], $0xC000  }
0x5f4: {  	[sflag:s8] =	ssyncset.done $0x0  }
0x5f5: {  	[sflag:s8] =	ssyncadd.s32 $0xFFFF4000  }
0x5f6: {  	v3 =	vld [tilespmem:$0x480];
	_ =	sdelay $0x4  }
0x5f7: {  	v45 =	vshrl.u32 v3, $0x3  }
0x5f8: {  	v4 =	vmul.u32 $0x30, v45  }
0x5f9: {  	v3 =	vand.u32 $0x7, v3  }
0x5fa: {  	v3 =	vor.u32 v3, v4  }
0x5fb: {  	v4 =	vperm.xlane v3, v0;
	_ =	sdelay $0x1  }
0x5fc: {  	v4 =	vadd.s32 v1, v4;
	_ =	sdelay $0x3  }
0x5fd: {  	v3 =	vperm.xlane v3, v2  }
0x5fe: {  	[tilespmem:s21], [sflag:$0x1] =	stream.indirect_vreg.gather [hbm4b:s4+s2], $0x80, v4, vm0, $0xb8;
	[tilespmem:$0x18600] =	vst v63  }
0x5ff: {  	v3 =	vadd.s32 v1, v3;
	s21 =	simm.s32 $0xE00  }
0x600: {  	[tilespmem:s21], [sflag:$0x1] =	stream.indirect_vreg.gather [hbm4b:s5+s2], $0x80, v4, vm0, $0xb8;
	[tilespmem:$0x18600] =	vst v63  }
0x601: {  	s19 =	simm.s32 $0x1600  }
0x602: {  	[tilespmem:s19], [sflag:$0x1] =	stream.indirect_vreg.gather [hbm4b:s6+s2], $0x80, v4, vm0, $0xb8;
	[tilespmem:$0x18600] =	vst v63  }
0x603: {  	_ = 	snop  }
0x604: {  	[tilespmem:s11], [sflag:$0x1] =	stream.indirect_vreg.gather [hbm4b:s4+s2], $0x80, v3, vm0, $0xb8;
	[tilespmem:$0x18600] =	vst v63  }
0x605: {  	s11 =	simm.s32 $0x2600  }
0x606: {  	[tilespmem:s11], [sflag:$0x1] =	stream.indirect_vreg.gather [hbm4b:s5+s2], $0x80, v3, vm0, $0xb8;
	[tilespmem:$0x18600] =	vst v63  }
0x607: {  	_ = 	snop  }
0x608: {  	[tilespmem:s0], [sflag:$0x1] =	stream.indirect_vreg.gather [hbm4b:s6+s2], $0x80, v3, vm0, $0xb8;
	[tilespmem:$0x18600] =	vst v63  }
0x609: {  	v3 =	vld [tilespmem:$0x490];
	_ =	sdelay $0x4  }
0x60a: {  	v46 =	vshrl.u32 v3, $0x3  }
0x60b: {  	v4 =	vmul.u32 $0x30, v46  }
0x60c: {  	v3 =	vand.u32 $0x7, v3  }
0x60d: {  	v3 =	vor.u32 v3, v4  }
0x60e: {  	v4 =	vperm.xlane v3, v0;
	_ =	sdelay $0x1  }
0x60f: {  	v4 =	vadd.s32 v1, v4;
	_ =	sdelay $0x3  }
0x610: {  	s25 =	simm.s32 $0x3600;
	v3 =	vperm.xlane v3, v2  }
0x611: {  	[tilespmem:s25], [sflag:$0x1] =	stream.indirect_vreg.gather [hbm4b:s4+s2], $0x80, v4, vm0, $0xb8;
	[tilespmem:$0x18600] =	vst v63  }
0x612: {  	v3 =	vadd.s32 v1, v3  }
0x613: {  	[tilespmem:s23], [sflag:$0x1] =	stream.indirect_vreg.gather [hbm4b:s5+s2], $0x80, v4, vm0, $0xb8;
	[tilespmem:$0x18600] =	vst v63  }
0x614: {  	s0 =	simm.s32 $0x4600  }
0x615: {  	[tilespmem:s0], [sflag:$0x1] =	stream.indirect_vreg.gather [hbm4b:s6+s2], $0x80, v4, vm0, $0xb8;
	[tilespmem:$0x18600] =	vst v63  }
0x616: {  	s23 =	simm.s32 $0x4E00  }
0x617: {  	[tilespmem:s23], [sflag:$0x1] =	stream.indirect_vreg.gather [hbm4b:s4+s2], $0x80, v3, vm0, $0xb8;
	[tilespmem:$0x18600] =	vst v63  }
0x618: {  	_ = 	snop  }
0x619: {  	[tilespmem:s12], [sflag:$0x1] =	stream.indirect_vreg.gather [hbm4b:s5+s2], $0x80, v3, vm0, $0xb8;
	[tilespmem:$0x18600] =	vst v63  }
0x61a: {  	_ = 	snop  }
0x61b: {  	[tilespmem:s18], [sflag:$0x1] =	stream.indirect_vreg.gather [hbm4b:s6+s2], $0x80, v3, vm0, $0xb8;
	[tilespmem:$0x18600] =	vst v63  }
0x61c: {  	v3 =	vld [tilespmem:$0x4A0];
	_ =	sdelay $0x4  }
0x61d: {  	v47 =	vshrl.u32 v3, $0x3  }
0x61e: {  	v4 =	vmul.u32 $0x30, v47  }
0x61f: {  	v3 =	vand.u32 $0x7, v3  }
0x620: {  	v3 =	vor.u32 v3, v4  }
0x621: {  	v4 =	vperm.xlane v3, v0;
	_ =	sdelay $0x1  }
0x622: {  	v4 =	vadd.s32 v1, v4;
	_ =	sdelay $0x3  }
0x623: {  	v3 =	vperm.xlane v3, v2  }
0x624: {  	[tilespmem:s24], [sflag:$0x1] =	stream.indirect_vreg.gather [hbm4b:s4+s2], $0x80, v4, vm0, $0xb8;
	[tilespmem:$0x18600] =	vst v63  }
0x625: {  	v3 =	vadd.s32 v1, v3;
	s24 =	simm.s32 $0x6E00  }
0x626: {  	[tilespmem:s24], [sflag:$0x1] =	stream.indirect_vreg.gather [hbm4b:s5+s2], $0x80, v4, vm0, $0xb8;
	[tilespmem:$0x18600] =	vst v63  }
0x627: {  	_ = 	snop  }
0x628: {  	[tilespmem:s29], [sflag:$0x1] =	stream.indirect_vreg.gather [hbm4b:s6+s2], $0x80, v4, vm0, $0xb8;
	[tilespmem:$0x18600] =	vst v63  }
0x629: {  	s29 =	simm.s32 $0x7E00  }
0x62a: {  	[tilespmem:s29], [sflag:$0x1] =	stream.indirect_vreg.gather [hbm4b:s4+s2], $0x80, v3, vm0, $0xb8;
	[tilespmem:$0x18600] =	vst v63  }
0x62b: {  	_ = 	snop  }
0x62c: {  	[tilespmem:s9], [sflag:$0x1] =	stream.indirect_vreg.gather [hbm4b:s5+s2], $0x80, v3, vm0, $0xb8;
	[tilespmem:$0x18600] =	vst v63  }
0x62d: {  	s12 =	simm.s32 $0x8E00  }
0x62e: {  	[tilespmem:s12], [sflag:$0x1] =	stream.indirect_vreg.gather [hbm4b:s6+s2], $0x80, v3, vm0, $0xb8;
	[tilespmem:$0x18600] =	vst v63  }
0x62f: {  	v3 =	vld [tilespmem:$0x4B0];
	_ =	sdelay $0x4  }
0x630: {  	v48 =	vshrl.u32 v3, $0x3  }
0x631: {  	v4 =	vmul.u32 $0x30, v48  }
0x632: {  	v3 =	vand.u32 $0x7, v3  }
0x633: {  	v3 =	vor.u32 v3, v4  }
0x634: {  	v4 =	vperm.xlane v3, v0;
	_ =	sdelay $0x1  }
0x635: {  	v4 =	vadd.s32 v1, v4;
	_ =	sdelay $0x3  }
0x636: {  	s24 =	simm.s32 $0x9600;
	v3 =	vperm.xlane v3, v2  }
0x637: {  	[tilespmem:s24], [sflag:$0x1] =	stream.indirect_vreg.gather [hbm4b:s4+s2], $0x80, v4, vm0, $0xb8;
	[tilespmem:$0x18600] =	vst v63  }
0x638: {  	s29 =	simm.s32 $0x9E00;
	v3 =	vadd.s32 v1, v3  }
0x639: {  	[tilespmem:s29], [sflag:$0x1] =	stream.indirect_vreg.gather [hbm4b:s5+s2], $0x80, v4, vm0, $0xb8;
	[tilespmem:$0x18600] =	vst v63  }
0x63a: {  	_ = 	snop  }
0x63b: {  	[tilespmem:s13], [sflag:$0x1] =	stream.indirect_vreg.gather [hbm4b:s6+s2], $0x80, v4, vm0, $0xb8;
	[tilespmem:$0x18600] =	vst v63  }
0x63c: {  	s9 =	simm.s32 $0xAE00  }
0x63d: {  	[tilespmem:s9], [sflag:$0x1] =	stream.indirect_vreg.gather [hbm4b:s4+s2], $0x80, v3, vm0, $0xb8;
	[tilespmem:$0x18600] =	vst v63  }
0x63e: {  	s12 =	simm.s32 $0xB600  }
0x63f: {  	[tilespmem:s12], [sflag:$0x1] =	stream.indirect_vreg.gather [hbm4b:s5+s2], $0x80, v3, vm0, $0xb8;
	[tilespmem:$0x18600] =	vst v63  }
0x640: {  	_ = 	snop  }
0x641: {  	[tilespmem:s7], [sflag:$0x1] =	stream.indirect_vreg.gather [hbm4b:s6+s2], $0x80, v3, vm0, $0xb8;
	[tilespmem:$0x18600] =	vst v63  }
0x642: {  	_ =	swait.ge [sflag:s31], $0xC000  }
0x643: {  	[sflag:s31] =	ssyncset.done $0x0  }
0x644: {  	s24 =	simm.s32 $0xC600;
	s13 =	rddreg [dreg:$0x14];
	[sflag:s31] =	ssyncadd.s32 $0xFFFF4000  }
0x645: {  	[hbm4b:s13+s2] =	stream.linear.scatter [tilespmem:s24], [sflag:$0x3], $0xC000, $0x38;
	[tilespmem:$0x18600] =	vst v63  }
0x646: {  	_ =	swait.ge [sflag:s8], $0xC000  }
0x647: {  	[sflag:s8] =	ssyncset.done $0x0  }
0x648: {  	[sflag:s8] =	ssyncadd.s32 $0xFFFF4000  }
0x649: {  	v3 =	vld [tilespmem:$0x4C0];
	_ =	sdelay $0x4  }
0x64a: {  	v49 =	vshrl.u32 v3, $0x3  }
0x64b: {  	v4 =	vmul.u32 $0x30, v49  }
0x64c: {  	v3 =	vand.u32 $0x7, v3  }
0x64d: {  	v3 =	vor.u32 v3, v4  }
0x64e: {  	v4 =	vperm.xlane v3, v0;
	_ =	sdelay $0x1  }
0x64f: {  	v4 =	vadd.s32 v1, v4;
	_ =	sdelay $0x3  }
0x650: {  	v3 =	vperm.xlane v3, v2  }
0x651: {  	[tilespmem:s24], [sflag:$0x2] =	stream.indirect_vreg.gather [hbm4b:s4+s2], $0x80, v4, vm0, $0xb8;
	[tilespmem:$0x18600] =	vst v63  }
0x652: {  	s12 =	simm.s32 $0xCE00;
	v3 =	vadd.s32 v1, v3  }
0x653: {  	[tilespmem:s12], [sflag:$0x2] =	stream.indirect_vreg.gather [hbm4b:s5+s2], $0x80, v4, vm0, $0xb8;
	[tilespmem:$0x18600] =	vst v63  }
0x654: {  	s9 =	simm.s32 $0xD600  }
0x655: {  	[tilespmem:s9], [sflag:$0x2] =	stream.indirect_vreg.gather [hbm4b:s6+s2], $0x80, v4, vm0, $0xb8;
	[tilespmem:$0x18600] =	vst v63  }
0x656: {  	s24 =	simm.s32 $0xDE00  }
0x657: {  	[tilespmem:s24], [sflag:$0x2] =	stream.indirect_vreg.gather [hbm4b:s4+s2], $0x80, v3, vm0, $0xb8;
	[tilespmem:$0x18600] =	vst v63  }
0x658: {  	s7 =	simm.s32 $0xE600  }
0x659: {  	[tilespmem:s7], [sflag:$0x2] =	stream.indirect_vreg.gather [hbm4b:s5+s2], $0x80, v3, vm0, $0xb8;
	[tilespmem:$0x18600] =	vst v63  }
0x65a: {  	s9 =	simm.s32 $0xEE00  }
0x65b: {  	[tilespmem:s9], [sflag:$0x2] =	stream.indirect_vreg.gather [hbm4b:s6+s2], $0x80, v3, vm0, $0xb8;
	[tilespmem:$0x18600] =	vst v63  }
0x65c: {  	v3 =	vld [tilespmem:$0x4D0];
	_ =	sdelay $0x4  }
0x65d: {  	v50 =	vshrl.u32 v3, $0x3  }
0x65e: {  	v4 =	vmul.u32 $0x30, v50  }
0x65f: {  	v3 =	vand.u32 $0x7, v3  }
0x660: {  	v3 =	vor.u32 v3, v4  }
0x661: {  	v4 =	vperm.xlane v3, v0;
	_ =	sdelay $0x1  }
0x662: {  	v4 =	vadd.s32 v1, v4;
	_ =	sdelay $0x3  }
0x663: {  	s24 =	simm.s32 $0xF600;
	v3 =	vperm.xlane v3, v2  }
0x664: {  	[tilespmem:s24], [sflag:$0x2] =	stream.indirect_vreg.gather [hbm4b:s4+s2], $0x80, v4, vm0, $0xb8;
	[tilespmem:$0x18600] =	vst v63  }
0x665: {  	v3 =	vadd.s32 v1, v3  }
0x666: {  	[tilespmem:s17], [sflag:$0x2] =	stream.indirect_vreg.gather [hbm4b:s5+s2], $0x80, v4, vm0, $0xb8;
	[tilespmem:$0x18600] =	vst v63  }
0x667: {  	s7 =	simm.s32 $0x10600  }
0x668: {  	[tilespmem:s7], [sflag:$0x2] =	stream.indirect_vreg.gather [hbm4b:s6+s2], $0x80, v4, vm0, $0xb8;
	[tilespmem:$0x18600] =	vst v63  }
0x669: {  	_ = 	snop  }
0x66a: {  	[tilespmem:s10], [sflag:$0x2] =	stream.indirect_vreg.gather [hbm4b:s4+s2], $0x80, v3, vm0, $0xb8;
	[tilespmem:$0x18600] =	vst v63  }
0x66b: {  	_ = 	snop  }
0x66c: {  	[tilespmem:s28], [sflag:$0x2] =	stream.indirect_vreg.gather [hbm4b:s5+s2], $0x80, v3, vm0, $0xb8;
	[tilespmem:$0x18600] =	vst v63  }
0x66d: {  	s9 =	simm.s32 $0x11E00  }
0x66e: {  	[tilespmem:s9], [sflag:$0x2] =	stream.indirect_vreg.gather [hbm4b:s6+s2], $0x80, v3, vm0, $0xb8;
	[tilespmem:$0x18600] =	vst v63  }
0x66f: {  	v3 =	vld [tilespmem:$0x4E0];
	_ =	sdelay $0x4  }
0x670: {  	v51 =	vshrl.u32 v3, $0x3  }
0x671: {  	v4 =	vmul.u32 $0x30, v51  }
0x672: {  	v3 =	vand.u32 $0x7, v3  }
0x673: {  	v3 =	vor.u32 v3, v4  }
0x674: {  	v4 =	vperm.xlane v3, v0;
	_ =	sdelay $0x1  }
0x675: {  	v4 =	vadd.s32 v1, v4;
	_ =	sdelay $0x3  }
0x676: {  	s10 =	simm.s32 $0x12600;
	v3 =	vperm.xlane v3, v2  }
0x677: {  	[tilespmem:s10], [sflag:$0x2] =	stream.indirect_vreg.gather [hbm4b:s4+s2], $0x80, v4, vm0, $0xb8;
	[tilespmem:$0x18600] =	vst v63  }
0x678: {  	v3 =	vadd.s32 v1, v3  }
0x679: {  	[tilespmem:s20], [sflag:$0x2] =	stream.indirect_vreg.gather [hbm4b:s5+s2], $0x80, v4, vm0, $0xb8;
	[tilespmem:$0x18600] =	vst v63  }
0x67a: {  	_ = 	snop  }
0x67b: {  	[tilespmem:s15], [sflag:$0x2] =	stream.indirect_vreg.gather [hbm4b:s6+s2], $0x80, v4, vm0, $0xb8;
	[tilespmem:$0x18600] =	vst v63  }
0x67c: {  	_ = 	snop  }
0x67d: {  	[tilespmem:s3], [sflag:$0x2] =	stream.indirect_vreg.gather [hbm4b:s4+s2], $0x80, v3, vm0, $0xb8;
	[tilespmem:$0x18600] =	vst v63  }
0x67e: {  	_ = 	snop  }
0x67f: {  	[tilespmem:s22], [sflag:$0x2] =	stream.indirect_vreg.gather [hbm4b:s5+s2], $0x80, v3, vm0, $0xb8;
	[tilespmem:$0x18600] =	vst v63  }
0x680: {  	s22 =	simm.s32 $0x14E00  }
0x681: {  	[tilespmem:s22], [sflag:$0x2] =	stream.indirect_vreg.gather [hbm4b:s6+s2], $0x80, v3, vm0, $0xb8;
	[tilespmem:$0x18600] =	vst v63  }
0x682: {  	v3 =	vld [tilespmem:$0x4F0];
	_ =	sdelay $0x4  }
0x683: {  	v52 =	vshrl.u32 v3, $0x3  }
0x684: {  	v4 =	vmul.u32 $0x30, v52  }
0x685: {  	v3 =	vand.u32 $0x7, v3  }
0x686: {  	v3 =	vor.u32 v3, v4  }
0x687: {  	v4 =	vperm.xlane v3, v0;
	_ =	sdelay $0x1  }
0x688: {  	v4 =	vadd.s32 v1, v4;
	_ =	sdelay $0x3  }
0x689: {  	s24 =	simm.s32 $0x15600;
	v3 =	vperm.xlane v3, v2  }
0x68a: {  	[tilespmem:s24], [sflag:$0x2] =	stream.indirect_vreg.gather [hbm4b:s4+s2], $0x80, v4, vm0, $0xb8;
	[tilespmem:$0x18600] =	vst v63  }
0x68b: {  	s3 =	simm.s32 $0x15E00;
	v3 =	vadd.s32 v1, v3  }
0x68c: {  	[tilespmem:s3], [sflag:$0x2] =	stream.indirect_vreg.gather [hbm4b:s5+s2], $0x80, v4, vm0, $0xb8;
	[tilespmem:$0x18600] =	vst v63  }
0x68d: {  	_ = 	snop  }
0x68e: {  	[tilespmem:s26], [sflag:$0x2] =	stream.indirect_vreg.gather [hbm4b:s6+s2], $0x80, v4, vm0, $0xb8;
	[tilespmem:$0x18600] =	vst v63  }
0x68f: {  	_ = 	snop  }
0x690: {  	[tilespmem:s14], [sflag:$0x2] =	stream.indirect_vreg.gather [hbm4b:s4+s2], $0x80, v3, vm0, $0xb8;
	[tilespmem:$0x18600] =	vst v63  }
0x691: {  	_ = 	snop  }
0x692: {  	[tilespmem:s16], [sflag:$0x2] =	stream.indirect_vreg.gather [hbm4b:s5+s2], $0x80, v3, vm0, $0xb8;
	[tilespmem:$0x18600] =	vst v63  }
0x693: {  	s7 =	simm.s32 $0x17E00  }
0x694: {  	[tilespmem:s7], [sflag:$0x2] =	stream.indirect_vreg.gather [hbm4b:s6+s2], $0x80, v3, vm0, $0xb8;
	[tilespmem:$0x18600] =	vst v63  }
0x695: {  	_ =	swait.ge [sflag:s30], $0xC000  }
0x696: {  	[sflag:s30] =	ssyncset.done $0x0  }
0x697: {  	s10 =	simm.s32 $0x600;
	s9 =	rddreg [dreg:$0x15];
	[sflag:s30] =	ssyncadd.s32 $0xFFFF4000  }
0x698: {  	[hbm4b:s9+s2] =	stream.linear.scatter [tilespmem:s10], [sflag:$0x3], $0xC000, $0x38;
	[tilespmem:$0x18600] =	vst v63  }
0x699: {  	_ =	swait.ge [sflag:s8], $0xC000  }
0x69a: {  	[sflag:s8] =	ssyncset.done $0x0  }
0x69b: {  	[sflag:s8] =	ssyncadd.s32 $0xFFFF4000  }
0x69c: {  	v3 =	vld [tilespmem:$0x500];
	_ =	sdelay $0x4  }
0x69d: {  	v53 =	vshrl.u32 v3, $0x3  }
0x69e: {  	v4 =	vmul.u32 $0x30, v53  }
0x69f: {  	v3 =	vand.u32 $0x7, v3  }
0x6a0: {  	v3 =	vor.u32 v3, v4  }
0x6a1: {  	v4 =	vperm.xlane v3, v0;
	_ =	sdelay $0x1  }
0x6a2: {  	v4 =	vadd.s32 v1, v4;
	_ =	sdelay $0x3  }
0x6a3: {  	v3 =	vperm.xlane v3, v2  }
0x6a4: {  	[tilespmem:s10], [sflag:$0x1] =	stream.indirect_vreg.gather [hbm4b:s4+s2], $0x80, v4, vm0, $0xb8;
	[tilespmem:$0x18600] =	vst v63  }
0x6a5: {  	v3 =	vadd.s32 v1, v3  }
0x6a6: {  	[tilespmem:s21], [sflag:$0x1] =	stream.indirect_vreg.gather [hbm4b:s5+s2], $0x80, v4, vm0, $0xb8;
	[tilespmem:$0x18600] =	vst v63  }
0x6a7: {  	_ = 	snop  }
0x6a8: {  	[tilespmem:s19], [sflag:$0x1] =	stream.indirect_vreg.gather [hbm4b:s6+s2], $0x80, v4, vm0, $0xb8;
	[tilespmem:$0x18600] =	vst v63  }
0x6a9: {  	s3 =	simm.s32 $0x1E00  }
0x6aa: {  	[tilespmem:s3], [sflag:$0x1] =	stream.indirect_vreg.gather [hbm4b:s4+s2], $0x80, v3, vm0, $0xb8;
	[tilespmem:$0x18600] =	vst v63  }
0x6ab: {  	_ = 	snop  }
0x6ac: {  	[tilespmem:s11], [sflag:$0x1] =	stream.indirect_vreg.gather [hbm4b:s5+s2], $0x80, v3, vm0, $0xb8;
	[tilespmem:$0x18600] =	vst v63  }
0x6ad: {  	s21 =	simm.s32 $0x2E00  }
0x6ae: {  	[tilespmem:s21], [sflag:$0x1] =	stream.indirect_vreg.gather [hbm4b:s6+s2], $0x80, v3, vm0, $0xb8;
	[tilespmem:$0x18600] =	vst v63  }
0x6af: {  	v3 =	vld [tilespmem:$0x510];
	_ =	sdelay $0x4  }
0x6b0: {  	v54 =	vshrl.u32 v3, $0x3  }
0x6b1: {  	v4 =	vmul.u32 $0x30, v54  }
0x6b2: {  	v3 =	vand.u32 $0x7, v3  }
0x6b3: {  	v3 =	vor.u32 v3, v4  }
0x6b4: {  	v4 =	vperm.xlane v3, v0;
	_ =	sdelay $0x1  }
0x6b5: {  	v4 =	vadd.s32 v1, v4;
	_ =	sdelay $0x3  }
0x6b6: {  	v3 =	vperm.xlane v3, v2  }
0x6b7: {  	[tilespmem:s25], [sflag:$0x1] =	stream.indirect_vreg.gather [hbm4b:s4+s2], $0x80, v4, vm0, $0xb8;
	[tilespmem:$0x18600] =	vst v63  }
0x6b8: {  	s9 =	simm.s32 $0x3E00;
	v3 =	vadd.s32 v1, v3  }
0x6b9: {  	[tilespmem:s9], [sflag:$0x1] =	stream.indirect_vreg.gather [hbm4b:s5+s2], $0x80, v4, vm0, $0xb8;
	[tilespmem:$0x18600] =	vst v63  }
0x6ba: {  	_ = 	snop  }
0x6bb: {  	[tilespmem:s0], [sflag:$0x1] =	stream.indirect_vreg.gather [hbm4b:s6+s2], $0x80, v4, vm0, $0xb8;
	[tilespmem:$0x18600] =	vst v63  }
0x6bc: {  	_ = 	snop  }
0x6bd: {  	[tilespmem:s23], [sflag:$0x1] =	stream.indirect_vreg.gather [hbm4b:s4+s2], $0x80, v3, vm0, $0xb8;
	[tilespmem:$0x18600] =	vst v63  }
0x6be: {  	s7 =	simm.s32 $0x5600  }
0x6bf: {  	[tilespmem:s7], [sflag:$0x1] =	stream.indirect_vreg.gather [hbm4b:s5+s2], $0x80, v3, vm0, $0xb8;
	[tilespmem:$0x18600] =	vst v63  }
0x6c0: {  	s11 =	simm.s32 $0x5E00  }
0x6c1: {  	[tilespmem:s11], [sflag:$0x1] =	stream.indirect_vreg.gather [hbm4b:s6+s2], $0x80, v3, vm0, $0xb8;
	[tilespmem:$0x18600] =	vst v63  }
0x6c2: {  	v3 =	vld [tilespmem:$0x520];
	_ =	sdelay $0x4  }
0x6c3: {  	v55 =	vshrl.u32 v3, $0x3  }
0x6c4: {  	v4 =	vmul.u32 $0x30, v55  }
0x6c5: {  	v3 =	vand.u32 $0x7, v3  }
0x6c6: {  	v3 =	vor.u32 v3, v4  }
0x6c7: {  	v4 =	vperm.xlane v3, v0;
	_ =	sdelay $0x1  }
0x6c8: {  	v4 =	vadd.s32 v1, v4;
	_ =	sdelay $0x3  }
0x6c9: {  	s14 =	simm.s32 $0x6600;
	v3 =	vperm.xlane v3, v2  }
0x6ca: {  	[tilespmem:s14], [sflag:$0x1] =	stream.indirect_vreg.gather [hbm4b:s4+s2], $0x80, v4, vm0, $0xb8;
	[tilespmem:$0x18600] =	vst v63  }
0x6cb: {  	s1 =	simm.s32 $0x6E00;
	v3 =	vadd.s32 v1, v3  }
0x6cc: {  	[tilespmem:s1], [sflag:$0x1] =	stream.indirect_vreg.gather [hbm4b:s5+s2], $0x80, v4, vm0, $0xb8;
	[tilespmem:$0x18600] =	vst v63  }
0x6cd: {  	s10 =	simm.s32 $0x7600  }
0x6ce: {  	[tilespmem:s10], [sflag:$0x1] =	stream.indirect_vreg.gather [hbm4b:s6+s2], $0x80, v4, vm0, $0xb8;
	[tilespmem:$0x18600] =	vst v63  }
0x6cf: {  	s1 =	simm.s32 $0x7E00  }
0x6d0: {  	[tilespmem:s1], [sflag:$0x1] =	stream.indirect_vreg.gather [hbm4b:s4+s2], $0x80, v3, vm0, $0xb8;
	[tilespmem:$0x18600] =	vst v63  }
0x6d1: {  	s18 =	simm.s32 $0x8600  }
0x6d2: {  	[tilespmem:s18], [sflag:$0x1] =	stream.indirect_vreg.gather [hbm4b:s5+s2], $0x80, v3, vm0, $0xb8;
	[tilespmem:$0x18600] =	vst v63  }
0x6d3: {  	s18 =	simm.s32 $0x8E00  }
0x6d4: {  	[tilespmem:s18], [sflag:$0x1] =	stream.indirect_vreg.gather [hbm4b:s6+s2], $0x80, v3, vm0, $0xb8;
	[tilespmem:$0x18600] =	vst v63  }
0x6d5: {  	v3 =	vld [tilespmem:$0x530];
	_ =	sdelay $0x4  }
0x6d6: {  	v56 =	vshrl.u32 v3, $0x3  }
0x6d7: {  	v4 =	vmul.u32 $0x30, v56  }
0x6d8: {  	v3 =	vand.u32 $0x7, v3  }
0x6d9: {  	v3 =	vor.u32 v3, v4  }
0x6da: {  	v4 =	vperm.xlane v3, v0;
	_ =	sdelay $0x1  }
0x6db: {  	v4 =	vadd.s32 v1, v4;
	_ =	sdelay $0x3  }
0x6dc: {  	s18 =	simm.s32 $0x9600;
	v3 =	vperm.xlane v3, v2  }
0x6dd: {  	[tilespmem:s18], [sflag:$0x1] =	stream.indirect_vreg.gather [hbm4b:s4+s2], $0x80, v4, vm0, $0xb8;
	[tilespmem:$0x18600] =	vst v63  }
0x6de: {  	v3 =	vadd.s32 v1, v3;
	s18 =	simm.s32 $0x9E00  }
0x6df: {  	[tilespmem:s18], [sflag:$0x1] =	stream.indirect_vreg.gather [hbm4b:s5+s2], $0x80, v4, vm0, $0xb8;
	[tilespmem:$0x18600] =	vst v63  }
0x6e0: {  	s18 =	simm.s32 $0xA600  }
0x6e1: {  	[tilespmem:s18], [sflag:$0x1] =	stream.indirect_vreg.gather [hbm4b:s6+s2], $0x80, v4, vm0, $0xb8;
	[tilespmem:$0x18600] =	vst v63  }
0x6e2: {  	s18 =	simm.s32 $0xAE00  }
0x6e3: {  	[tilespmem:s18], [sflag:$0x1] =	stream.indirect_vreg.gather [hbm4b:s4+s2], $0x80, v3, vm0, $0xb8;
	[tilespmem:$0x18600] =	vst v63  }
0x6e4: {  	s18 =	simm.s32 $0xB600  }
0x6e5: {  	[tilespmem:s18], [sflag:$0x1] =	stream.indirect_vreg.gather [hbm4b:s5+s2], $0x80, v3, vm0, $0xb8;
	[tilespmem:$0x18600] =	vst v63  }
0x6e6: {  	s29 =	simm.s32 $0xBE00  }
0x6e7: {  	[tilespmem:s29], [sflag:$0x1] =	stream.indirect_vreg.gather [hbm4b:s6+s2], $0x80, v3, vm0, $0xb8;
	[tilespmem:$0x18600] =	vst v63  }
0x6e8: {  	s0 =	rddreg [dreg:$0x1b];
	_ =	swait.ge [sflag:s31], $0xC000  }
0x6e9: {  	[sflag:s31] =	ssyncset.done $0x0  }
0x6ea: {  	s13 =	simm.s32 $0xC600;
	s29 =	rddreg [dreg:$0x16];
	[sflag:s31] =	ssyncadd.s32 $0xFFFF4000  }
0x6eb: {  	[hbm4b:s29+s2] =	stream.linear.scatter [tilespmem:s13], [sflag:$0x3], $0xC000, $0x38;
	[tilespmem:$0x18600] =	vst v63  }
0x6ec: {  	_ =	swait.ge [sflag:s8], $0xC000  }
0x6ed: {  	[sflag:s8] =	ssyncset.done $0x0  }
0x6ee: {  	[sflag:s8] =	ssyncadd.s32 $0xFFFF4000  }
0x6ef: {  	v3 =	vld [tilespmem:$0x540];
	_ =	sdelay $0x4  }
0x6f0: {  	v57 =	vshrl.u32 v3, $0x3  }
0x6f1: {  	v4 =	vmul.u32 $0x30, v57  }
0x6f2: {  	v3 =	vand.u32 $0x7, v3  }
0x6f3: {  	v3 =	vor.u32 v3, v4  }
0x6f4: {  	v4 =	vperm.xlane v3, v0;
	_ =	sdelay $0x1  }
0x6f5: {  	v4 =	vadd.s32 v1, v4;
	_ =	sdelay $0x3  }
0x6f6: {  	v3 =	vperm.xlane v3, v2  }
0x6f7: {  	[tilespmem:s13], [sflag:$0x2] =	stream.indirect_vreg.gather [hbm4b:s4+s2], $0x80, v4, vm0, $0xb8;
	[tilespmem:$0x18600] =	vst v63  }
0x6f8: {  	v3 =	vadd.s32 v1, v3  }
0x6f9: {  	[tilespmem:s12], [sflag:$0x2] =	stream.indirect_vreg.gather [hbm4b:s5+s2], $0x80, v4, vm0, $0xb8;
	[tilespmem:$0x18600] =	vst v63  }
0x6fa: {  	s12 =	simm.s32 $0xD600  }
0x6fb: {  	[tilespmem:s12], [sflag:$0x2] =	stream.indirect_vreg.gather [hbm4b:s6+s2], $0x80, v4, vm0, $0xb8;
	[tilespmem:$0x18600] =	vst v63  }
0x6fc: {  	s18 =	simm.s32 $0xDE00  }
0x6fd: {  	[tilespmem:s18], [sflag:$0x2] =	stream.indirect_vreg.gather [hbm4b:s4+s2], $0x80, v3, vm0, $0xb8;
	[tilespmem:$0x18600] =	vst v63  }
0x6fe: {  	s29 =	simm.s32 $0xE600  }
0x6ff: {  	[tilespmem:s29], [sflag:$0x2] =	stream.indirect_vreg.gather [hbm4b:s5+s2], $0x80, v3, vm0, $0xb8;
	[tilespmem:$0x18600] =	vst v63  }
0x700: {  	s12 =	simm.s32 $0xEE00  }
0x701: {  	[tilespmem:s12], [sflag:$0x2] =	stream.indirect_vreg.gather [hbm4b:s6+s2], $0x80, v3, vm0, $0xb8;
	[tilespmem:$0x18600] =	vst v63  }
0x702: {  	v3 =	vld [tilespmem:$0x550];
	_ =	sdelay $0x4  }
0x703: {  	v58 =	vshrl.u32 v3, $0x3  }
0x704: {  	v4 =	vmul.u32 $0x30, v58  }
0x705: {  	v3 =	vand.u32 $0x7, v3  }
0x706: {  	v3 =	vor.u32 v3, v4  }
0x707: {  	v4 =	vperm.xlane v3, v0;
	_ =	sdelay $0x1  }
0x708: {  	v4 =	vadd.s32 v1, v4;
	_ =	sdelay $0x3  }
0x709: {  	s18 =	simm.s32 $0xF600;
	v3 =	vperm.xlane v3, v2  }
0x70a: {  	[tilespmem:s18], [sflag:$0x2] =	stream.indirect_vreg.gather [hbm4b:s4+s2], $0x80, v4, vm0, $0xb8;
	[tilespmem:$0x18600] =	vst v63  }
0x70b: {  	s17 =	simm.s32 $0xFE00;
	v3 =	vadd.s32 v1, v3  }
0x70c: {  	[tilespmem:s17], [sflag:$0x2] =	stream.indirect_vreg.gather [hbm4b:s5+s2], $0x80, v4, vm0, $0xb8;
	[tilespmem:$0x18600] =	vst v63  }
0x70d: {  	s29 =	simm.s32 $0x10600  }
0x70e: {  	[tilespmem:s29], [sflag:$0x2] =	stream.indirect_vreg.gather [hbm4b:s6+s2], $0x80, v4, vm0, $0xb8;
	[tilespmem:$0x18600] =	vst v63  }
0x70f: {  	s12 =	simm.s32 $0x10E00  }
0x710: {  	[tilespmem:s12], [sflag:$0x2] =	stream.indirect_vreg.gather [hbm4b:s4+s2], $0x80, v3, vm0, $0xb8;
	[tilespmem:$0x18600] =	vst v63  }
0x711: {  	s28 =	simm.s32 $0x11600  }
0x712: {  	[tilespmem:s28], [sflag:$0x2] =	stream.indirect_vreg.gather [hbm4b:s5+s2], $0x80, v3, vm0, $0xb8;
	[tilespmem:$0x18600] =	vst v63  }
0x713: {  	s17 =	simm.s32 $0x11E00  }
0x714: {  	[tilespmem:s17], [sflag:$0x2] =	stream.indirect_vreg.gather [hbm4b:s6+s2], $0x80, v3, vm0, $0xb8;
	[tilespmem:$0x18600] =	vst v63  }
0x715: {  	v3 =	vld [tilespmem:$0x560];
	_ =	sdelay $0x4  }
0x716: {  	v59 =	vshrl.u32 v3, $0x3  }
0x717: {  	v4 =	vmul.u32 $0x30, v59  }
0x718: {  	v3 =	vand.u32 $0x7, v3  }
0x719: {  	v3 =	vor.u32 v3, v4  }
0x71a: {  	v4 =	vperm.xlane v3, v0;
	_ =	sdelay $0x1  }
0x71b: {  	v4 =	vadd.s32 v1, v4;
	_ =	sdelay $0x3  }
0x71c: {  	s18 =	simm.s32 $0x12600;
	v3 =	vperm.xlane v3, v2  }
0x71d: {  	[tilespmem:s18], [sflag:$0x2] =	stream.indirect_vreg.gather [hbm4b:s4+s2], $0x80, v4, vm0, $0xb8;
	[tilespmem:$0x18600] =	vst v63  }
0x71e: {  	s20 =	simm.s32 $0x12E00;
	v3 =	vadd.s32 v1, v3  }
0x71f: {  	[tilespmem:s20], [sflag:$0x2] =	stream.indirect_vreg.gather [hbm4b:s5+s2], $0x80, v4, vm0, $0xb8;
	[tilespmem:$0x18600] =	vst v63  }
0x720: {  	s15 =	simm.s32 $0x13600  }
0x721: {  	[tilespmem:s15], [sflag:$0x2] =	stream.indirect_vreg.gather [hbm4b:s6+s2], $0x80, v4, vm0, $0xb8;
	[tilespmem:$0x18600] =	vst v63  }
0x722: {  	s20 =	simm.s32 $0x13E00  }
0x723: {  	[tilespmem:s20], [sflag:$0x2] =	stream.indirect_vreg.gather [hbm4b:s4+s2], $0x80, v3, vm0, $0xb8;
	[tilespmem:$0x18600] =	vst v63  }
0x724: {  	s28 =	simm.s32 $0x14600  }
0x725: {  	[tilespmem:s28], [sflag:$0x2] =	stream.indirect_vreg.gather [hbm4b:s5+s2], $0x80, v3, vm0, $0xb8;
	[tilespmem:$0x18600] =	vst v63  }
0x726: {  	s29 =	simm.s32 $0x14E00  }
0x727: {  	[tilespmem:s29], [sflag:$0x2] =	stream.indirect_vreg.gather [hbm4b:s6+s2], $0x80, v3, vm0, $0xb8;
	[tilespmem:$0x18600] =	vst v63  }
0x728: {  	v3 =	vld [tilespmem:$0x570];
	_ =	sdelay $0x4  }
0x729: {  	v60 =	vshrl.u32 v3, $0x3  }
0x72a: {  	v4 =	vmul.u32 $0x30, v60  }
0x72b: {  	v3 =	vand.u32 $0x7, v3  }
0x72c: {  	v3 =	vor.u32 v3, v4  }
0x72d: {  	v4 =	vperm.xlane v3, v0;
	_ =	sdelay $0x1  }
0x72e: {  	v4 =	vadd.s32 v1, v4;
	_ =	sdelay $0x3  }
0x72f: {  	s12 =	simm.s32 $0x15600;
	v3 =	vperm.xlane v3, v2  }
0x730: {  	[tilespmem:s12], [sflag:$0x2] =	stream.indirect_vreg.gather [hbm4b:s4+s2], $0x80, v4, vm0, $0xb8;
	[tilespmem:$0x18600] =	vst v63  }
0x731: {  	s24 =	simm.s32 $0x15E00;
	v3 =	vadd.s32 v1, v3  }
0x732: {  	[tilespmem:s24], [sflag:$0x2] =	stream.indirect_vreg.gather [hbm4b:s5+s2], $0x80, v4, vm0, $0xb8;
	[tilespmem:$0x18600] =	vst v63  }
0x733: {  	s15 =	simm.s32 $0x16600  }
0x734: {  	[tilespmem:s15], [sflag:$0x2] =	stream.indirect_vreg.gather [hbm4b:s6+s2], $0x80, v4, vm0, $0xb8;
	[tilespmem:$0x18600] =	vst v63  }
0x735: {  	s22 =	simm.s32 $0x16E00  }
0x736: {  	[tilespmem:s22], [sflag:$0x2] =	stream.indirect_vreg.gather [hbm4b:s4+s2], $0x80, v3, vm0, $0xb8;
	[tilespmem:$0x18600] =	vst v63  }
0x737: {  	s17 =	simm.s32 $0x17600  }
0x738: {  	[tilespmem:s17], [sflag:$0x2] =	stream.indirect_vreg.gather [hbm4b:s5+s2], $0x80, v3, vm0, $0xb8;
	[tilespmem:$0x18600] =	vst v63  }
0x739: {  	s18 =	simm.s32 $0x17E00  }
0x73a: {  	[tilespmem:s18], [sflag:$0x2] =	stream.indirect_vreg.gather [hbm4b:s6+s2], $0x80, v3, vm0, $0xb8;
	[tilespmem:$0x18600] =	vst v63  }
0x73b: {  	_ =	swait.ge [sflag:s30], $0xC000  }
0x73c: {  	[sflag:s30] =	ssyncset.done $0x0  }
0x73d: {  	s26 =	simm.s32 $0x600;
	s20 =	rddreg [dreg:$0x17];
	[sflag:s30] =	ssyncadd.s32 $0xFFFF4000  }
0x73e: {  	[hbm4b:s20+s2] =	stream.linear.scatter [tilespmem:s26], [sflag:$0x3], $0xC000, $0x38;
	[tilespmem:$0x18600] =	vst v63  }
0x73f: {  	_ =	swait.ge [sflag:s8], $0xC000  }
0x740: {  	[sflag:s8] =	ssyncset.done $0x0  }
0x741: {  	[sflag:s8] =	ssyncadd.s32 $0xFFFF4000  }
0x742: {  	v3 =	vld [tilespmem:$0x580];
	_ =	sdelay $0x4  }
0x743: {  	v61 =	vshrl.u32 v3, $0x3  }
0x744: {  	v4 =	vmul.u32 $0x30, v61  }
0x745: {  	v3 =	vand.u32 $0x7, v3  }
0x746: {  	v3 =	vor.u32 v3, v4  }
0x747: {  	v4 =	vperm.xlane v3, v0;
	_ =	sdelay $0x1  }
0x748: {  	v4 =	vadd.s32 v1, v4;
	_ =	sdelay $0x3  }
0x749: {  	v3 =	vperm.xlane v3, v2  }
0x74a: {  	[tilespmem:s26], [sflag:$0x1] =	stream.indirect_vreg.gather [hbm4b:s4+s2], $0x80, v4, vm0, $0xb8;
	[tilespmem:$0x18600] =	vst v63  }
0x74b: {  	s22 =	simm.s32 $0xE00;
	v3 =	vadd.s32 v1, v3  }
0x74c: {  	[tilespmem:s22], [sflag:$0x1] =	stream.indirect_vreg.gather [hbm4b:s5+s2], $0x80, v4, vm0, $0xb8;
	[tilespmem:$0x18600] =	vst v63  }
0x74d: {  	s16 =	simm.s32 $0x1600  }
0x74e: {  	[tilespmem:s16], [sflag:$0x1] =	stream.indirect_vreg.gather [hbm4b:s6+s2], $0x80, v4, vm0, $0xb8;
	[tilespmem:$0x18600] =	vst v63  }
0x74f: {  	_ = 	snop  }
0x750: {  	[tilespmem:s3], [sflag:$0x1] =	stream.indirect_vreg.gather [hbm4b:s4+s2], $0x80, v3, vm0, $0xb8;
	[tilespmem:$0x18600] =	vst v63  }
0x751: {  	s24 =	simm.s32 $0x2600  }
0x752: {  	[tilespmem:s24], [sflag:$0x1] =	stream.indirect_vreg.gather [hbm4b:s5+s2], $0x80, v3, vm0, $0xb8;
	[tilespmem:$0x18600] =	vst v63  }
0x753: {  	_ = 	snop  }
0x754: {  	[tilespmem:s21], [sflag:$0x1] =	stream.indirect_vreg.gather [hbm4b:s6+s2], $0x80, v3, vm0, $0xb8;
	[tilespmem:$0x18600] =	vst v63  }
0x755: {  	v3 =	vld [tilespmem:$0x590];
	_ =	sdelay $0x4  }
0x756: {  	v62 =	vshrl.u32 v3, $0x3  }
0x757: {  	v4 =	vmul.u32 $0x30, v62  }
0x758: {  	v3 =	vand.u32 $0x7, v3  }
0x759: {  	v3 =	vor.u32 v3, v4  }
0x75a: {  	v4 =	vperm.xlane v3, v0;
	_ =	sdelay $0x1  }
0x75b: {  	v4 =	vadd.s32 v1, v4;
	_ =	sdelay $0x3  }
0x75c: {  	s19 =	simm.s32 $0x3600;
	v3 =	vperm.xlane v3, v2  }
0x75d: {  	[tilespmem:s19], [sflag:$0x1] =	stream.indirect_vreg.gather [hbm4b:s4+s2], $0x80, v4, vm0, $0xb8;
	[tilespmem:$0x18600] =	vst v63  }
0x75e: {  	v3 =	vadd.s32 v1, v3  }
0x75f: {  	[tilespmem:s9], [sflag:$0x1] =	stream.indirect_vreg.gather [hbm4b:s5+s2], $0x80, v4, vm0, $0xb8;
	[tilespmem:$0x18600] =	vst v63  }
0x760: {  	s25 =	simm.s32 $0x4600  }
0x761: {  	[tilespmem:s25], [sflag:$0x1] =	stream.indirect_vreg.gather [hbm4b:s6+s2], $0x80, v4, vm0, $0xb8;
	[tilespmem:$0x18600] =	vst v63  }
0x762: {  	s23 =	simm.s32 $0x4E00  }
0x763: {  	[tilespmem:s23], [sflag:$0x1] =	stream.indirect_vreg.gather [hbm4b:s4+s2], $0x80, v3, vm0, $0xb8;
	[tilespmem:$0x18600] =	vst v63  }
0x764: {  	_ = 	snop  }
0x765: {  	[tilespmem:s7], [sflag:$0x1] =	stream.indirect_vreg.gather [hbm4b:s5+s2], $0x80, v3, vm0, $0xb8;
	[tilespmem:$0x18600] =	vst v63  }
0x766: {  	s25 =	simm.s32 $0x5E00  }
0x767: {  	[tilespmem:s25], [sflag:$0x1] =	stream.indirect_vreg.gather [hbm4b:s6+s2], $0x80, v3, vm0, $0xb8;
	[tilespmem:$0x18600] =	vst v63  }
0x768: {  	v3 =	vld.msk [tilespmem:$0x5A0], $0xff;
	_ =	sdelay $0x4  }
0x769: {  	v63 =	vshrl.u32 v3, $0x3  }
0x76a: {  	v4 =	vmul.u32 $0x30, v63  }
0x76b: {  	v3 =	vand.u32 $0x7, v3  }
0x76c: {  	v3 =	vor.u32 v3, v4  }
0x76d: {  	v3 =	vperm.xlane v3, v0;
	_ =	sdelay $0x1  }
0x76e: {  	v3 =	vadd.s32 v1, v3;
	_ =	sdelay $0x3  }
0x76f: {  	s14 =	simm.s32 $0x6600  }
0x770: {  	[tilespmem:s14], [sflag:$0x1] =	stream.indirect_vreg.gather [hbm4b:s4+s2], $0x80, v3, vm0, $0xb8;
	[tilespmem:$0x18600] =	vst v63  }
0x771: {  	s11 =	simm.s32 $0x6E00  }
0x772: {  	[tilespmem:s11], [sflag:$0x1] =	stream.indirect_vreg.gather [hbm4b:s5+s2], $0x80, v3, vm0, $0xb8;
	[tilespmem:$0x18600] =	vst v63  }
0x773: {  	s10 =	simm.s32 $0x7600  }
0x774: {  	[tilespmem:s10], [sflag:$0x1] =	stream.indirect_vreg.gather [hbm4b:s6+s2], $0x80, v3, vm0, $0xb8;
	[tilespmem:$0x18600] =	vst v63  }
0x775: {  	_ =	swait.ge [sflag:s31], $0xC000  }
0x776: {  	[sflag:s31] =	ssyncset.done $0x0  }
0x777: {  	s28 =	rddreg [dreg:$0x18];
	[sflag:s31] =	ssyncadd.s32 $0xFFFF4000  }
0x778: {  	[hbm4b:s28+s2] =	stream.linear.scatter [tilespmem:s13], [sflag:$0x3], $0xC000, $0x38;
	[tilespmem:$0x18600] =	vst v63  }
0x779: {  	_ =	swait.ge [sflag:s8], $0xC000  }
0x77a: {  	[sflag:s8] =	ssyncset.done $0x0  }
0x77b: {  	[sflag:s8] =	ssyncadd.s32 $0xFFFF4000  }
0x77c: {  	_ =	swait.ge [sflag:s30], $0x7800  }
0x77d: {  	p0 =	sne.s32 s0, $0x1;
	[sflag:s30] =	ssyncset.done $0x0  }
.Ltmp0:
0x77e: {  	s29 =	rddreg [dreg:$0x19];
	[sflag:s30] =	ssyncadd.s32 $0xFFFF8800;
	(pc) =	sbr.rel @p0 .LBB2_1-.Ltmp0, $4  }
0x77f: {  	[hbm4b:s29+s2] =	stream.linear.scatter [tilespmem:s26], [sflag:$0x3], $0x7800, $0x38;
	[tilespmem:$0x18600] =	vst v63  }
0x780: {  	_ =	swait.ge [sflag:s8], $0x7800  }
0x781: {  	[sflag:s8] =	ssyncset.done $0x0  }
0x782: {  	s0 =	sadd.s32 $0xFFFFFFFF, s0;
	[sflag:s8] =	ssyncadd.s32 $0xFFFF8800  }
0x783: {  	_ =	sfence.sel $0x180000  }
0x784: {  	[bflag:$0x0] =	sbarrier.arrive $0xFFFF  }
0x785: {  	_ =	strace $0x90000047  }
0x786: {  	s0 =	stileid.u32;
	[bflag:$0x2] =	sbarrier.arrive $0xFFFF  }
0x787: {  	p0 =	sne.s32 s0, $0x0;
	s0 =	rddreg [dreg:$0x2]  }
0x788: {  	s0 =	sadd.s32 @!p0 $0x100000, s0  }
0x789: {  	[sflag:s0] =	ssyncadd.tile.s32 @!p0 $0x1;
	_ =	shalt  }
.Lfunc_end2:
_tile_overlayer_lowered:
.L_overlay_start_2:
0x78a: {  	(tag) =	ssettag $0x2  }
0x78b: {  	s0 =	rddreg [dreg:$0x0];
	s2 =	stileid.u32  }
0x78c: {  	s1 =	rddreg [dreg:$0x1];
	p0 =	sne.s32 s2, $0x0  }
0x78d: {  	s3 =	rddreg [dreg:$0x2];
	[bflag:$0x3] =	sbarrier.arrive $0xFFFF;
	s2 =	simm.s32 @!p0 $0x1C03  }
0x78e: {  	[timem:s3], [sflag:s2] =	dma.local @!p0 [hbm:s0], s1  }
0x78f: {  	s0 =	simm.s32 @!p0 $0x3  }
0x790: {  	_ =	swait.ge @!p0 [sflag:s0], s1  }
0x791: {  	s1 =	ssub.s32 @!p0 $0x0, s1;
	[sflag:s0] =	ssyncset.done @!p0 $0x0  }
0x792: {  	[sflag:s0] =	ssyncadd.s32 @!p0 s1  }
0x793: {  	[bflag:$0x3] =	sbarrier.arrive $0xFFFF  }
0x794: {  	_ =	shalt  }

// kernel: sparse-core-data-format-call.cloned.1.call-start
scs
called_computation_lowered:
.L_overlay_start_0:
0x0: {  	s2 =	sld [smem:$0x3FD9]  }
0x1: {  	s3 =	sld [smem:$0x3FFE];
	_ =	sdelay $0x1  }
0x2: {  	s1 =	srdreg.scid  }
0x3: {  	s0 =	sand.u32 $0x1, s1  }
0x4: {  	s15 =	sshll.u32 s0, $0xA;
	s2 =	sadd.s32 s3, s2  }
0x5: {  	s2 =	sadd.s32 s2, s15  }
0x6: {  	[smem:$0x3FC7] =	sst s2  }
0x7: {  	_ = 	snop  }
0x8: {  	s2 =	sld [smem:$0x3FD0];
	_ =	sdelay $0x2  }
0x9: {  	s16 =	simm.s32 $0xA;
	s4 =	simm.s32 $0x10  }
0xa: {  	[smem:s4], [sflag:s16] =	dma.local [hbm:s2], $0x1  }
0xb: {  	_ =	swait.eq [sflag:s16], $0x1  }
0xc: {  	[sflag:s16] =	ssyncset.done $0x0  }
0xd: {  	[sflag:s16] =	ssyncadd.s32 $0xFFFFFFFF  }
0xe: {  	s17 =	sld [smem:$0x10];
	(tm) =	ssettm $0x1  }
0xf: {  	s18 =	sld [smem:$0x3FFB];
	_ =	sdelay $0x3  }
0x10: {  	_ =	strace s18  }
0x11: {  	s3 =	sld [smem:$0x3FFC];
	_ =	sdelay $0x3  }
0x12: {  	_ =	strace s3  }
0x13: {  	s3 =	sld [smem:$0x3FFD];
	_ =	sdelay $0x3  }
0x14: {  	_ =	strace s3  }
0x15: {  	_ =	strace $0x8FFFFFFF  }
0x16: {  	s19 =	sld [smem:$0x3FDB];
	_ =	sdelay $0x1  }
0x17: {  	s20 =	simm.s32 $_scs_section_size  }
0x18: {  	s5 =	simm.s32 $_size__tile_overlayer_lowered;
	s6 =	simm.s32 $_tile_overlayer_lowered  }
0x19: {  	s23 =	simm.s32 $0x1BFF;
	s22 =	sshll.u32 s6, $0x1;
	s3 =	sadd.s32 s20, s19  }
0x1a: {  	s7 =	simm.s32 $0x0;
	s21 =	sshll.u32 s5, $0x1;
	s5 =	sadd.s32 s22, s3  }
0x1b: {  	[timem:s7], [sflag:s23] =	dma.local [hbm:s5], s21  }
0x1c: {  	_ =	swait.ge [sflag:s23], s21  }
0x1d: {  	s4 =	ssub.s32 $0x0, s21;
	[sflag:s23] =	ssyncset.done $0x0  }
0x1e: {  	[sflag:s23] =	ssyncadd.s32 s4;
	_ =	sdelay $0x1  }
0x1f: {  	s24 =	simm.s32 $0x1B8B  }
0x20: {  	_ =	swait.ge [sflag:s24], $0x1  }
0x21: {  	[sflag:s24] =	ssyncset.done $0x0  }
0x22: {  	s26 =	simm.s32 $0x1B8E;
	s25 =	sld [smem:$0x3FFE];
	[sflag:s24] =	ssyncadd.s32 $0xFFFFFFFF  }
0x23: {  	s27 =	simm.s32 $execute0_lowered;
	[smem:$0x3FD2] =	sst s26  }
0x24: {  	s5 =	sshll.u32 s27, $0x1;
	_ =	strace $0x80000049;
	[dreg:$0x1] =	wrdreg $0xFFFFFFFF  }
0x25: {  	s28 =	simm.s32 $_size_execute0_lowered;
	s3 =	sadd.s32 s3, s5;
	[dreg:$0x0] =	wrdreg $0x0  }
0x26: {  	s5 =	sshll.u32 s28, $0x1;
	[dreg:$0x2] =	wrdreg s3  }
0x27: {  	[dreg:$0x3] =	wrdreg s5  }
0x28: {  	[dreg:$0x4] =	wrdreg $0xC0  }
0x29: {  	_ =	task [dreg:s7], $0x5FFFF  }
0x2a: {  	[dreg:$0x1] =	wrdreg $0xFFFFFFFF  }
0x2b: {  	[dreg:$0x0] =	wrdreg $0x60  }
0x2c: {  	[dreg:$0x2] =	wrdreg s25  }
0x2d: {  	[dreg:$0x3] =	wrdreg s17  }
0x2e: {  	[dreg:$0x4] =	wrdreg $0x9  }
0x2f: {  	_ =	task.clear_ibuf [dreg:s7], $0x5FFFF;
	_ =	strace $0x90000049  }
0x30: {  	s29 =	simm.s32 $0x9;
	_ =	strace $0x8000004B  }
0x31: {  	_ =	swait.ge [sflag:s29], $0x1  }
0x32: {  	[sflag:s29] =	ssyncadd.s32 $0xFFFFFFFF  }
0x33: {  	_ =	strace $0x9000004B  }
0x34: {  	_ =	sfence  }
0x35: {  	s30 =	sld [smem:$0x0];
	_ =	sdelay $0x2  }
0x36: {  	s31 =	sshll.u32 s1, $0xD;
	s1 =	sshrl.u32 s1, $0x2  }
0x37: {  	s3 =	sand.u32 $0x4000, s31;
	s1 =	sadd.s32 s1, s30  }
0x38: {  	s0 =	sor.u32 s3, s0;
	s1 =	sshll.u32 s1, $0x11  }
0x39: {  	s0 =	sor.u32 s1, s0  }
0x3a: {  	s0 =	sadd.s32 $0x8F2B, s0  }
0x3b: {  	[sflag:s0] =	ssyncadd.remote.s32 $0x1  }
0x3c: {  	_ =	sfence.sel $0xFFFF  }
0x3d: {  	[dreg:$0x0] =	wrdreg $0xFFFFFFFF;
	(pc) =	sbr.abs _section_cstart, $3  }
0x3e: {  	[dreg:$0x1] =	wrdreg $0xFFFFFFFF  }
0x3f: {  	_ =	task.clear_ibuf [dreg:s7], $0x2FFFF;
	_ =	strace $0x9FFFFFFF  }
0x40: {  	(tm) =	ssettm $0x7FFFFFFF  }
0x41: {  	_ =	shalt  }
tec
execute0_lowered:
.L_overlay_start_1:
0x0: {  	(tag) =	ssettag $0x1  }
0x1: {  	s0 =	srdreg.scid  }
0x2: {  	s1 =	sshll.u32 s0, $0x4  }
0x3: {  	s0 =	stileid.u32;
	s1 =	sand.u32 $0x10, s1  }
0x4: {  	s6 =	rddreg [dreg:$0x0];
	s1 =	sor.u32 s0, s1  }
0x5: {  	s4 =	simm.s32 $0x1;
	s7 =	simm.s32 $0x2;
	s2 =	sshll.u32 s1, $0x1  }
0x6: {  	s14 =	simm.s32 $0x0;
	s8 =	simm.s32 $0x1800;
	s1 =	ssub.s32 $0x2D4, s2  }
0x7: {  	s13 =	simm.s32 $0x0;
	s15 =	simm.s32 $0x0;
	s3 =	sand.u32 $0x3E, s1  }
0x8: {  	s9 =	simm.s32 $0x0;
	s5 =	sshrl.u32 s1, $0x6;
	p0 =	sne.s32 s3, $0x0  }
.Ltmp0:
0x9: {  	s1 =	rddreg [dreg:$0x2];
	s4 =	simm.s32 @!p0 $0x0;
	(pc) =	sbr.rel .LBB1_1-.Ltmp0, $4  }
0xa: {  	s11 =	simm.s32 $0x0;
	s3 =	rddreg [dreg:$0x1];
	s5 =	sadd.s32 s4, s5  }
0xb: {  	_ =	strace $0x8000004A;
	s4 =	simm.s32 $0x1;
	s5 =	smul.u32 $0x6, s5  }
0xc: {  	s12 =	simm.s32 $0x0;
	s6 =	sadd.s32 $0xC00, s6;
	[sflag:s4] =	ssyncpa.u1 $0x0  }
0xd: {  	s10 =	smov.u32 s2;
	[sflag:s7] =	ssyncpa.u1 $0x0;
	s7 =	sor.u32 $0x1, s5  }
.LBB1_7:
0xe: {  	s16 =	sadd.s32 $0x80, s9  }
0xf: {  	s13 =	sadd.s32 $0x40, s10;
	s17 =	smov.u32 s10;
	p1 =	sgt.s32 s16, $0x2FF  }
0x10: {  	s17 =	smov.u32 @p1 s13  }
0x11: {  	s19 =	smov.u32 s11;
	s13 =	sadd.s32 $0x40, s11;
	p2 =	sgt.s32 s17, $0x2D3  }
0x12: {  	s19 =	smov.u32 @p2 s13  }
0x13: {  	s16 =	simm.s32 @p1 $0x0;
	p1 =	sgt.s32 s19, $0x3F  }
0x14: {  	p0 =	slt.u32 s12, $0x2;
	s19 =	simm.s32 @p1 $0x0;
	p1 =	sne.s32 s12, s7  }
.Ltmp1:
0x15: {  	s18 =	simm.s32 @!p0 $0x2;
	(pc) =	sbr.rel @!p1 .LBB1_8-.Ltmp1, $4  }
0x16: {  	s14 =	smov.u32 s9;
	_ =	swait.ge @!p0 [sflag:s18], $0x4000  }
0x17: {  	s15 =	smov.u32 s11;
	[sflag:s18] =	ssyncset.done @!p0 $0x0;
	s9 =	smov.u32 s16  }
0x18: {  	s17 =	smov.u32 @p2 s2;
	s13 =	smov.u32 s10;
	[sflag:s18] =	ssyncadd.s32 @!p0 $0xFFFFC000  }
0x19: {  	s10 =	smov.u32 s17;
	s12 =	sadd.s32 $0x1, s12;
	s11 =	smov.u32 s19  }
.LBB1_1:
0x1a: {  	p0 =	sge.u32 s12, s5  }
0x1b: {  	s16 =	sshrl.u32 @!p0 s10, $0x3  }
0x1c: {  	s17 =	sshll.u32 @!p0 s9, $0x3;
	s16 =	smul.u32 @!p0 $0x1800, s16  }
0x1d: {  	s18 =	sshll.u32 @!p0 s10, $0x7;
	s17 =	sand.u32 @!p0 $0xFFFFFC00, s17  }
0x1e: {  	s16 =	sadd.s32 @!p0 s16, s17;
	s17 =	sand.u32 @!p0 $0x380, s18  }
0x1f: {  	s16 =	sor.u32 @!p0 s17, s16  }
0x20: {  	s17 =	sand.u32 @!p0 $0x7F, s9;
	s18 =	smulhi.u32 @!p0 $0xAAAAAAAB, s16  }
0x21: {  	s16 =	sor.u32 @!p0 s17, s16  }
0x22: {  	s17 =	smulhi.u32 @!p0 $0xAAAAAAAB, s16;
	s18 =	sshrl.u32 @!p0 s18, $0x9  }
0x23: {  	s19 =	smulhi.u32 @!p0 $0x5A05A1, s18;
	_ =	sdelay $0x1  }
0x24: {  	s17 =	sshrl.u32 @!p0 s17, $0x9;
	s19 =	smul.u32 @!p0 $0x2D8, s19  }
0x25: {  	s31 =	sadd.s32 $0xFFFFFFFF, s12;
	s17 =	smul.u32 @!p0 $0x300, s17  }
0x26: {  	s20 =	sxor.u32 @!p0 $0xFFFFFFFF, s12;
	s18 =	ssub.s32 @!p0 s18, s19;
	s19 =	smul.u32 @!p0 $0x11100, s11  }
0x27: {  	s20 =	sshll.u32 @!p0 s20, $0xE;
	s16 =	ssub.s32 @!p0 s16, s17;
	s17 =	smul.u32 @!p0 $0x60, s18  }
0x28: {  	s18 =	sand.u32 @!p0 $0x4000, s20;
	s20 =	sand.u32 @!p0 $0x7, s16;
	s19 =	sadd.s32 @!p0 s6, s19  }
0x29: {  	s16 =	sshrl.u32 @!p0 s16, $0x3;
	s17 =	sadd.s32 @!p0 s17, s19;
	s19 =	sshll.u32 @!p0 s20, $0x12  }
0x2a: {  	s16 =	sadd.s32 @!p0 s16, s17;
	s17 =	sor.u32 @!p0 $0x100, s19;
	s19 =	simm.s32 @!p0 $0x88800  }
0x2b: {  	[tilespmem:s18], [sflag:$0x1] =	stream.strided.gather @!p0 [hbm4b:s16+s17], $0x4000, s19, s17, $0x38;
	[tilespmem:$0x10000] =	vst v63  }
0x2c: {  	p0 =	sge.u32 s31, s5  }
.Ltmp2:
0x2d: {  	_ = 	snop;
	(pc) =	sbr.rel @p0 .LBB1_7-.Ltmp2, $1  }
0x2e: {  	_ =	sdelay $0x3  }
0x2f: {  	_ =	swait.ge [sflag:s4], $0x4000;
	s16 =	sshll.u32 s12, $0xE  }
0x30: {  	[sflag:s4] =	ssyncset.done $0x0;
	s17 =	sand.u32 $0x4000, s16  }
0x31: {  	s18 =	simm.s32 $0x0;
	[sflag:s4] =	ssyncadd.s32 $0xFFFFC000;
	s16 =	sor.u32 $0x8000, s17  }
.LBB1_3:
0x32: {  	s19 =	sshll.u32 s18, $0x8  }
0x33: {  	s19 =	sand.u32 $0x3FFFFF00, s19  }
0x34: {  	s20 =	sshll.u32 s18, $0x7;
	s19 =	sadd.s32 s19, s17  }
0x35: {  	s20 =	sand.u32 $0x3FFFFF80, s20;
	v0 =	vmov s19  }
0x36: {  	s20 =	sadd.s32 s20, s16  }
0x37: {  	p0 =	por $0x1, $0x1;
	v1 =	vmov s20;
	s19 =	simm.s32 $0x0  }
.LBB1_4:
0x38: {  	s20 =	sshll.u32 s19, $0x7  }
0x39: {  	s20 =	sand.u32 $0x3FFFFF80, s20  }
0x3a: {  	v2 =	vld.idx.msk [tilespmem:v0+s20+$0x0 ss:$0x1], $0xffff  }
0x3b: {  	v3 =	vld.idx.msk [tilespmem:v0+s20+$0x10 ss:$0x1], $0xffff  }
0x3c: {  	v4 =	vld.idx.msk [tilespmem:v0+s20+$0x20 ss:$0x1], $0xffff  }
0x3d: {  	s31 =	sshll.u32 s19, $0xD;
	v5 =	vld.idx.msk [tilespmem:v0+s20+$0x30 ss:$0x1], $0xffff  }
0x3e: {  	s19 =	sand.u32 $0x3FFFE000, s31;
	v6 =	vld.idx.msk [tilespmem:v0+s20+$0x40 ss:$0x1], $0xffff  }
0x3f: {  	v63 =	vld.idx.msk [tilespmem:v0+s20+$0x70 ss:$0x1], $0xffff;
	[tilespmem:v1+s19+$0x0 ss:$0x1] =	vst.idx.msk $0xffff, v2  }
0x40: {  	v2 =	vld.idx.msk [tilespmem:v0+s20+$0x50 ss:$0x1], $0xffff;
	[tilespmem:v1+s19+$0x10 ss:$0x1] =	vst.idx.msk $0xffff, v3  }
0x41: {  	p1 =	por p0, p0;
	v3 =	vld.idx.msk [tilespmem:v0+s20+$0x60 ss:$0x1], $0xffff;
	[tilespmem:v1+s19+$0x20 ss:$0x1] =	vst.idx.msk $0xffff, v4  }
.Ltmp3:
0x42: {  	[tilespmem:v1+s19+$0x30 ss:$0x1] =	vst.idx.msk $0xffff, v5;
	(pc) =	sbr.rel @p1 .LBB1_4-.Ltmp3, $4  }
0x43: {  	[tilespmem:v1+s19+$0x40 ss:$0x1] =	vst.idx.msk $0xffff, v6  }
0x44: {  	[tilespmem:v1+s19+$0x70 ss:$0x1] =	vst.idx.msk $0xffff, v63  }
0x45: {  	[tilespmem:v1+s19+$0x50 ss:$0x1] =	vst.idx.msk $0xffff, v2  }
0x46: {  	p0 =	por $0x0, $0x0;
	[tilespmem:v1+s19+$0x60 ss:$0x1] =	vst.idx.msk $0xffff, v3;
	s19 =	simm.s32 $0x1  }
0x47: {  	s18 =	sadd.s32 $0x1, s18  }
0x48: {  	p0 =	sne.s32 s18, $0x40  }
.Ltmp4:
0x49: {  	_ = 	snop;
	(pc) =	sbr.rel @p0 .LBB1_3-.Ltmp4, $1  }
0x4a: {  	_ =	sdelay $0x3  }
0x4b: {  	s17 =	sshrl.u32 s15, $0x3  }
0x4c: {  	s18 =	sshll.u32 s14, $0x3;
	s17 =	smul.u32 $0x1800, s17  }
0x4d: {  	s27 =	sshll.u32 s15, $0x7;
	s18 =	sand.u32 $0xFFFFFC00, s18  }
0x4e: {  	s15 =	sand.u32 $0x380, s27;
	s17 =	sadd.s32 s17, s18  }
0x4f: {  	s28 =	sand.u32 $0x7F, s14;
	s15 =	sor.u32 s15, s17  }
0x50: {  	s14 =	sor.u32 s28, s15;
	s15 =	smulhi.u32 $0xAAAAAAAB, s15  }
0x51: {  	s29 =	smulhi.u32 $0xAAAAAAAB, s14;
	_ =	sdelay $0x1  }
0x52: {  	s13 =	smul.u32 $0x1800, s13;
	s15 =	sshrl.u32 s15, $0x9;
	s17 =	sshrl.u32 s29, $0x9  }
0x53: {  	s15 =	sand.u32 $0x3F, s15;
	s17 =	smul.u32 $0x300, s17  }
0x54: {  	s15 =	smul.u32 $0x60, s15  }
.Ltmp5:
0x55: {  	s14 =	ssub.s32 s14, s17;
	(pc) =	sbr.rel .LBB1_7-.Ltmp5, $4  }
0x56: {  	s13 =	sadd.s32 s3, s13;
	s17 =	sand.u32 $0x7, s14  }
0x57: {  	s13 =	sadd.s32 s15, s13;
	s14 =	sshrl.u32 s14, $0x3;
	s30 =	sshll.u32 s17, $0x12  }
0x58: {  	s13 =	sadd.s32 s14, s13;
	s31 =	sor.u32 $0x400, s30  }
0x59: {  	[hbm4b:s13+s31] =	stream.strided.scatter [tilespmem:s16], [sflag:$0x2], $0x4000, s8, s31, $0x38;
	[tilespmem:$0x10000] =	vst v63  }
.LBB1_8:
0x5a: {  	_ =	sfence.sel $0x180000  }
0x5b: {  	s2 =	simm.s32 $0x1;
	[bflag:$0x0] =	sbarrier.arrive $0xFFFF  }
0x5c: {  	s31 =	simm.s32 $0x2;
	[sflag:s2] =	ssyncpa.u1 $0x1  }
0x5d: {  	[sflag:s31] =	ssyncpa.u1 $0x1  }
0x5e: {  	p0 =	sne.s32 s0, $0x0;
	_ =	strace $0x9000004A  }
0x5f: {  	s0 =	sadd.s32 @!p0 $0x100000, s1;
	[bflag:$0x2] =	sbarrier.arrive $0xFFFF  }
0x60: {  	[sflag:s0] =	ssyncadd.tile.s32 @!p0 $0x1;
	_ =	shalt  }
.Lfunc_end1:
_tile_overlayer_lowered:
.L_overlay_start_2:
0x61: {  	(tag) =	ssettag $0x2  }
0x62: {  	s0 =	rddreg [dreg:$0x0];
	s2 =	stileid.u32  }
0x63: {  	s1 =	rddreg [dreg:$0x1];
	p0 =	sne.s32 s2, $0x0  }
0x64: {  	s3 =	rddreg [dreg:$0x2];
	[bflag:$0x3] =	sbarrier.arrive $0xFFFF;
	s2 =	simm.s32 @!p0 $0x1C01  }
0x65: {  	[timem:s3], [sflag:s2] =	dma.local @!p0 [hbm:s0], s1  }
0x66: {  	s0 =	simm.s32 @!p0 $0x1  }
0x67: {  	_ =	swait.ge @!p0 [sflag:s0], s1  }
0x68: {  	s1 =	ssub.s32 @!p0 $0x0, s1;
	[sflag:s0] =	ssyncset.done @!p0 $0x0  }
0x69: {  	[sflag:s0] =	ssyncadd.s32 @!p0 s1  }
0x6a: {  	[bflag:$0x3] =	sbarrier.arrive $0xFFFF  }
0x6b: {  	_ =	shalt  }

</sc_bundles>
